<compile_context>
chip_gen: v7x
topology: tpu7x:2x2x1
jax: 0.10.2.dev20260603
libtpu: 0.0.44.dev20260713+nightly
codegen_flags: <defaults>
</compile_context>

<pallas_src>
import functools

import jax
import jax.numpy as jnp
from jax import lax
from jax.experimental import pallas as pl
from jax.experimental.pallas import tpu as pltpu
from jax.experimental.pallas import tpu_sc as plsc

_N = 10000
_NP = 10240
_E = 320000
_S = 8
_DK = 16
_DM = 128
_TAU = 1.0

_NB = 1024
_CH = 1280
_CH2 = 2000


def _tc1_body(x_ref, w1_ref, b1_ref, w2_ref, b2_ref, o_ref):
    h = jnp.maximum(
        jnp.dot(x_ref[...], w1_ref[...], preferred_element_type=jnp.float32)
        + b1_ref[...], 0.0)
    o_ref[...] = (jnp.dot(h, w2_ref[...], preferred_element_type=jnp.float32)
                  + b2_ref[...])


def _tc1(x, W1, b1, W2, b2):
    nb = 1000
    grid = (_N // nb,)
    return pl.pallas_call(
        _tc1_body,
        grid=grid,
        in_specs=[
            pl.BlockSpec((nb, 256), lambda i: (i, 0)),
            pl.BlockSpec((256, 256), lambda i: (0, 0)),
            pl.BlockSpec((1, 256), lambda i: (0, 0)),
            pl.BlockSpec((256, 1), lambda i: (0, 0)),
            pl.BlockSpec((1, 1), lambda i: (0, 0)),
        ],
        out_specs=pl.BlockSpec((nb, 1), lambda i: (i, 0)),
        out_shape=jax.ShapeDtypeStruct((_N, 1), jnp.float32),
    )(x, W1, b1, W2, b2)


def _sc_mesh():
    return plsc.VectorSubcoreMesh(
        core_axis_name="c", subcore_axis_name="s", num_cores=2, num_subcores=16)


@functools.partial(
    pl.kernel,
    out_type=(jax.ShapeDtypeStruct((2, _DM, _NP), jnp.float32),
              jax.ShapeDtypeStruct((32, _NP), jnp.float32)),
    mesh=_sc_mesh(),
    compiler_params=pltpu.CompilerParams(needs_layout_passes=False),
    scratch_types=[
        pltpu.VMEM((_NP,), jnp.float32),
        pltpu.VMEM((32,), jnp.float32),
        [pltpu.VMEM((_NP,), jnp.float32)] * 8,
        pltpu.VMEM((_NP,), jnp.float32),
        pltpu.VMEM((2, _CH), jnp.int32),
        pltpu.VMEM((2, _CH), jnp.int32),
        pltpu.VMEM((2, 4, _CH), jnp.float32),
        pltpu.VMEM((_CH2,), jnp.int32),
        pltpu.SemaphoreType.DMA,
        pltpu.SemaphoreType.DMA,
    ],
)
def _sc1(ml_hbm, src_hbm, dst_hbm, ea4_hbm, cs_hbm, p_hbm, degp_hbm,
         ml_v, cs_v, acc, deg_v, src_v, dst_v, ea_v, dstd_v, sem0, sem1):
    cid = lax.axis_index("c")
    sid = lax.axis_index("s")
    wid = sid * 2 + cid
    g = wid // 2
    hh = wid % 2
    sp = g // 4
    q = g % 4

    pltpu.sync_copy(ml_hbm, ml_v.at[pl.ds(0, _N)])
    pltpu.sync_copy(cs_hbm.at[wid], cs_v)

    zf = jnp.zeros((16,), jnp.float32)

    def zbody(i, c):
        for k in range(8):
            acc[k][pl.ds(i * 16, 16)] = zf
        deg_v[pl.ds(i * 16, 16)] = zf
        return c
    lax.fori_loop(0, _NP // 16, zbody, 0)

    K0 = cs_v[pl.ds(0, 16)]
    K1 = cs_v[pl.ds(16, 16)]

    E2 = _E // 2
    NCHUNK = E2 // _CH
    base_e = hh * E2
    sems = (sem0, sem1)

    def _issue(chunk, b):
        off = base_e + chunk * _CH
        pltpu.async_copy(src_hbm.at[pl.ds(off, _CH)], src_v.at[b], sems[b])
        pltpu.async_copy(dst_hbm.at[pl.ds(off, _CH)], dst_v.at[b], sems[b])
        pltpu.async_copy(ea4_hbm.at[q, :, pl.ds(off, _CH)],
                         ea_v.at[b], sems[b])

    def _drain(b):
        pltpu.make_async_copy(src_hbm.at[pl.ds(0, _CH)], src_v.at[b],
                              sems[b]).wait()
        pltpu.make_async_copy(dst_hbm.at[pl.ds(0, _CH)], dst_v.at[b],
                              sems[b]).wait()
        pltpu.make_async_copy(ea4_hbm.at[0, :, pl.ds(0, _CH)],
                              ea_v.at[b], sems[b]).wait()

    def _process(b):
        @plsc.parallel_loop(0, _CH // 16, unroll=4)
        def _grp(j):
            s16 = src_v[b, pl.ds(j * 16, 16)]
            d16 = dst_v[b, pl.ds(j * 16, 16)]
            a = plsc.load_gather(ml_v, [s16])
            bb = plsc.load_gather(ml_v, [d16])
            t = jnp.exp(-jnp.maximum(a, bb))
            m0 = 1.0 / (1.0 + t * K0)
            m1 = 1.0 / (1.0 + t * K1)
            for k in range(4):
                eak = ea_v[b, k, pl.ds(j * 16, 16)]
                plsc.addupdate_scatter(acc[k], [d16], m0 * eak)
                plsc.addupdate_scatter(acc[4 + k], [d16], m1 * eak)

    _issue(0, 0)
    _issue(1, 1)

    def chunk_body(ci2, carry):
        ci = ci2 * 2
        for b in range(2):
            chunk = ci + b
            _drain(b)
            _process(b)

            @pl.when(chunk + 2 < NCHUNK)
            def _():
                _issue(chunk + 2, b)
        return carry
    lax.fori_loop(0, NCHUNK // 2, chunk_body, 0)
    if NCHUNK % 2:
        _drain(0)
        _process(0)

    ones16 = jnp.ones((16,), jnp.float32)
    EP = _E // 32

    def dchunk(ci, carry):
        off = wid * EP + ci * _CH2
        pltpu.sync_copy(dst_hbm.at[pl.ds(off, _CH2)], dstd_v)

        @plsc.parallel_loop(0, _CH2 // 16, unroll=4)
        def _dgrp(j):
            d16 = dstd_v[pl.ds(j * 16, 16)]
            plsc.addupdate_scatter(deg_v, [d16], ones16)
        return carry
    lax.fori_loop(0, EP // _CH2, dchunk, 0)

    descs = [pltpu.async_copy(
        acc[i * 4 + k], p_hbm.at[hh, (2 * sp + i) * 16 + q * 4 + k], sem0)
        for i in range(2) for k in range(4)]
    descs.append(pltpu.async_copy(deg_v, degp_hbm.at[wid], sem0))
    for d in descs:
        d.wait()


def _tc2_body(p_ref, degp_ref, wmT_ref, wuv_ref, o_ref):
    a = p_ref[0] + p_ref[1]
    deg = jnp.sum(degp_ref[...], axis=0)
    dinv = 1.0 / jnp.maximum(deg, 1.0)
    a = a * dinv[None, :]
    acc = jnp.zeros((_DM, a.shape[1]), jnp.float32)
    for s in range(_S):
        a_s = a[s * 16:(s + 1) * 16, :]
        acc = acc + jnp.maximum(
            jnp.dot(wmT_ref[...], a_s, preferred_element_type=jnp.float32), 0.0)
    o_ref[...] = jnp.dot(wuv_ref[...], acc * (1.0 / _S),
                         preferred_element_type=jnp.float32)


def _tc2(P, degP, WmT, Wuv):
    grid = (_NP // _NB,)
    return pl.pallas_call(
        _tc2_body,
        grid=grid,
        in_specs=[
            pl.BlockSpec((2, _DM, _NB), lambda i: (0, 0, i)),
            pl.BlockSpec((32, _NB), lambda i: (0, i)),
            pl.BlockSpec((_DM, _DK), lambda i: (0, 0)),
            pl.BlockSpec((2, _DM), lambda i: (0, 0)),
        ],
        out_specs=pl.BlockSpec((2, _NB), lambda i: (0, i)),
        out_shape=jax.ShapeDtypeStruct((2, _NP), jnp.float32),
    )(P, degP, WmT, Wuv)


@functools.partial(
    pl.kernel,
    out_type=jax.ShapeDtypeStruct((_E,), jnp.float32),
    mesh=_sc_mesh(),
    compiler_params=pltpu.CompilerParams(needs_layout_passes=False),
    scratch_types=[
        pltpu.VMEM((_NP,), jnp.float32),
        pltpu.VMEM((_NP,), jnp.float32),
        [pltpu.VMEM((_CH2,), jnp.int32)] * 2,
        [pltpu.VMEM((_CH2,), jnp.int32)] * 2,
        [pltpu.VMEM((_CH2,), jnp.float32)] * 2,
        pltpu.SemaphoreType.DMA,
        pltpu.SemaphoreType.DMA,
        pltpu.SemaphoreType.DMA,
        pltpu.SemaphoreType.DMA,
    ],
)
def _sc2(uvT_hbm, src_hbm, dst_hbm, out_hbm, u_v, v_v, src_v, dst_v, out_v,
         sem_i0, sem_i1, sem_o0, sem_o1):
    cid = lax.axis_index("c")
    sid = lax.axis_index("s")
    wid = sid * 2 + cid
    EP = _E // 32
    NCH = EP // _CH2
    sems_i = (sem_i0, sem_i1)
    sems_o = (sem_o0, sem_o1)
    base = wid * EP

    def _issue_in(ci, b):
        off = base + ci * _CH2
        pltpu.async_copy(src_hbm.at[pl.ds(off, _CH2)], src_v[b], sems_i[b])
        pltpu.async_copy(dst_hbm.at[pl.ds(off, _CH2)], dst_v[b], sems_i[b])

    def _drain_in(b):
        pltpu.make_async_copy(src_hbm.at[pl.ds(0, _CH2)], src_v[b],
                              sems_i[b]).wait()
        pltpu.make_async_copy(dst_hbm.at[pl.ds(0, _CH2)], dst_v[b],
                              sems_i[b]).wait()

    tdesc_u = pltpu.async_copy(uvT_hbm.at[0], u_v, sems_o[0])
    tdesc_v = pltpu.async_copy(uvT_hbm.at[1], v_v, sems_o[1])
    _issue_in(0, 0)
    _issue_in(1, 1)
    tdesc_u.wait()
    tdesc_v.wait()

    for ci in range(NCH):
        b = ci % 2
        _drain_in(b)
        if ci >= 2:
            pltpu.make_async_copy(out_v[b], out_hbm.at[pl.ds(0, _CH2)],
                                  sems_o[b]).wait()

        @plsc.parallel_loop(0, _CH2 // 16, unroll=4)
        def _grp(j):
            s16 = src_v[b][pl.ds(j * 16, 16)]
            d16 = dst_v[b][pl.ds(j * 16, 16)]
            out_v[b][pl.ds(j * 16, 16)] = (plsc.load_gather(u_v, [s16])
                                           + plsc.load_gather(v_v, [d16]))

        off = base + ci * _CH2
        pltpu.async_copy(out_v[b], out_hbm.at[pl.ds(off, _CH2)], sems_o[b])
        if ci + 2 < NCH:
            _issue_in(ci + 2, b)

    for b in range(2):
        pltpu.make_async_copy(out_v[b], out_hbm.at[pl.ds(0, _CH2)],
                              sems_o[b]).wait()


def kernel(node_embeddings, edge_attr, W1, b1, W2, b2, W_msg, W_pred, edge_index):
    cs = []
    for s in range(_S):
        eps = jax.random.uniform(jax.random.fold_in(jax.random.key(1), s), ())
        eps = jnp.clip(eps, 1e-6, 1.0 - 1e-6)
        cs.append((jnp.log2(eps) - jnp.log2(1.0 - eps)) / _TAU)
    cs8 = jnp.stack(cs).astype(jnp.float32)
    K8 = jnp.exp(-cs8)
    rows = jnp.repeat(K8.reshape(4, 2), 16, axis=1)
    cvec = jnp.repeat(rows, 8, axis=0)

    src = edge_index[0].astype(jnp.int32)
    dst = edge_index[1].astype(jnp.int32)
    ea4 = edge_attr.T.reshape(4, 4, _E)

    ml = _tc1(node_embeddings, W1, b1.reshape(1, -1), W2, b2.reshape(1, 1))
    P, degP = _sc1(ml.reshape(_N), src, dst, ea4, cvec)
    uvT = _tc2(P, degP, W_msg.T, W_pred.reshape(2, _DM))
    return _sc2(uvT, src, dst)

# --- scband reference (transcript-rebuilt; emitter-appended) ---
"""Pipeline reference for scband-n-pgexplainer-8229157339897 (READ-ONLY COPY).

The authoritative reference and input builder live on the scoring server;
editing this copy changes nothing except your own understanding.
"""

import jax, jax.numpy as jnp
import numpy as np

N_NODES = 10000
N_EDGES = 320000
D_EDGE = 16
D_EMB = 256
HIDDEN = 256
D_MSG = 128
SAMPLES = 8
TAU = 1.0
BCD_BIAS = 1e-6


def setup_inputs(seed: int = 0) -> dict:
    key = jax.random.key(seed)
    ks = jax.random.split(key, 8)
    node_embeddings = jax.random.normal(ks[0], (N_NODES, D_EMB), dtype=jnp.float32)
    edge_attr = jax.random.normal(ks[1], (N_EDGES, D_EDGE), dtype=jnp.float32)
    edge_index = jax.random.randint(ks[2], (2, N_EDGES), 0, N_NODES)
    # explainer MLP params (Linear(D_EMB->HIDDEN), ReLU, Linear(HIDDEN->1))
    W1 = jax.random.normal(ks[3], (D_EMB, HIDDEN), dtype=jnp.float32) * 0.02
    b1 = jnp.zeros((HIDDEN,), dtype=jnp.float32)
    W2 = jax.random.normal(ks[4], (HIDDEN, 1), dtype=jnp.float32) * 0.02
    b2 = jnp.zeros((1,), dtype=jnp.float32)
    # frozen EGraphSAGE-style link-prediction model params
    W_msg = jax.random.normal(ks[5], (D_EDGE, D_MSG), dtype=jnp.float32) * 0.05
    W_pred = jax.random.normal(ks[6], (2 * D_MSG, 1), dtype=jnp.float32) * 0.05
    return {"node_embeddings": node_embeddings, "edge_attr": edge_attr,
            "W1": W1, "b1": b1, "W2": W2, "b2": b2,
            "W_msg": W_msg, "W_pred": W_pred, "edge_index": edge_index}


def _model_forward(edge_attr, edge_index, W_msg, W_pred):
    # EGraphSAGE-like: aggregate edge messages to dst nodes (mean), then score each edge
    src = edge_index[0]
    dst = edge_index[1]
    msg = edge_attr @ W_msg
    agg = jax.ops.segment_sum(msg, dst, num_segments=N_NODES)
    deg = jax.ops.segment_sum(jnp.ones((edge_attr.shape[0],), dtype=jnp.float32), dst, num_segments=N_NODES)
    h = jax.nn.relu(agg / jnp.maximum(deg, 1.0)[:, None])
    edge_emb = jnp.concatenate([h[src], h[dst]], axis=1)
    logits = (edge_emb @ W_pred)[:, 0]
    return logits


def reference(node_embeddings, edge_attr, W1, b1, W2, b2, W_msg, W_pred, edge_index):
    # explainer MLP -> node mask logits
    mask_logits = (jax.nn.relu(node_embeddings @ W1 + b1) @ W2 + b2)[:, 0]
    src = edge_index[0]
    dst = edge_index[1]
    preds = []
    for s in range(SAMPLES):
        # _sample_BCD_direct_weight: scalar epsilon per MC sample
        eps = jax.random.uniform(jax.random.fold_in(jax.random.key(1), s), ())
        eps = jnp.clip(eps, BCD_BIAS, 1.0 - BCD_BIAS)
        logit = (jnp.log2(eps) - jnp.log2(1.0 - eps) + mask_logits) / TAU
        near_binary_mask = jax.nn.sigmoid(logit)
        # edge mask = max of incident node masks (approximate_subgraph_BCD_with_prior_masking)
        corresponding_edge_mask = jnp.maximum(near_binary_mask[src], near_binary_mask[dst])
        masked_y_pred = _model_forward(edge_attr * corresponding_edge_mask[:, None], edge_index, W_msg, W_pred)
        preds.append(masked_y_pred)
    masked_y_pred_mean_logits = jnp.mean(jnp.stack(preds, axis=0), axis=0)
    return masked_y_pred_mean_logits

if __name__ == "__main__":
    import jax
    _d = setup_inputs()
    print(jax.jit(kernel)(*tuple(_d.values())))

</pallas_src>

<mosaic_0001>
#map = affine_map<(d0, d1) -> (0, 0)>
#map1 = affine_map<(d0, d1) -> (0)>
module attributes {stable_mosaic.version = 14 : i64} {
  func.func @_sc2(%arg0: i32, %arg1: i32, %arg2: memref<2x10240xf32, #tpu.memory_space<hbm>>, %arg3: memref<320000xi32, #tpu.memory_space<hbm>>, %arg4: memref<320000xi32, #tpu.memory_space<hbm>>, %arg5: memref<320000xf32, #tpu.memory_space<hbm>>, %arg6: memref<10240xf32, #tpu.memory_space<vmem>>, %arg7: memref<10240xf32, #tpu.memory_space<vmem>>, %arg8: memref<2000xi32, #tpu.memory_space<vmem>>, %arg9: memref<2000xi32, #tpu.memory_space<vmem>>, %arg10: memref<2000xi32, #tpu.memory_space<vmem>>, %arg11: memref<2000xi32, #tpu.memory_space<vmem>>, %arg12: memref<2000xf32, #tpu.memory_space<vmem>>, %arg13: memref<2000xf32, #tpu.memory_space<vmem>>, %arg14: memref<!tpu.dma_semaphore, #tpu.memory_space<semaphore_mem>>, %arg15: memref<!tpu.dma_semaphore, #tpu.memory_space<semaphore_mem>>, %arg16: memref<!tpu.dma_semaphore, #tpu.memory_space<semaphore_mem>>, %arg17: memref<!tpu.dma_semaphore, #tpu.memory_space<semaphore_mem>>) attributes {dimension_semantics = [#tpu.dimension_semantics<core_parallel>, #tpu.dimension_semantics<subcore_parallel>], iteration_bounds = array<i64: 2, 16>, scalar_prefetch = 0 : i64, scratch_operands = 12 : i64, tpu.core_type = #tpu.core_type<sc_vector_subcore>, window_params = [{transform_indices = #map}, {transform_indices = #map1}, {transform_indices = #map1}, {transform_indices = #map1}]} {
    %mul3A = arith.constant 2 : i32
    %mul3A_0 = arith.muli %arg1, %mul3A : i32
    %add3A = arith.addi %mul3A_0, %arg0 : i32
    %mul3A_1 = arith.constant 10000 : i32
    %mul3A_2 = arith.muli %add3A, %mul3A_1 : i32
    %dma_start3A = arith.constant 0 : i32
    %dma_start3A_3 = arith.constant 0 : i32
    %dma_start3A_4 = tpu.memref_slice %arg2[%dma_start3A, %dma_start3A_3] : memref<2x10240xf32, #tpu.memory_space<hbm>> -> memref<1x10240xf32, #tpu.memory_space<hbm>>
    %dma_start3A_5 = tpu.memref_squeeze %dma_start3A_4 : memref<1x10240xf32, #tpu.memory_space<hbm>> -> memref<10240xf32, #tpu.memory_space<hbm>>
    %dma_start3A_6 = arith.constant 0 : i32
    %dma_start3A_7 = tpu.memref_slice %arg2[%dma_start3A, %dma_start3A_6] : memref<2x10240xf32, #tpu.memory_space<hbm>> -> memref<1x10240xf32, #tpu.memory_space<hbm>>
    %dma_start3A_8 = tpu.memref_squeeze %dma_start3A_7 : memref<1x10240xf32, #tpu.memory_space<hbm>> -> memref<10240xf32, #tpu.memory_space<hbm>>
    tpu.enqueue_dma source(%dma_start3A_8 : memref<10240xf32, #tpu.memory_space<hbm>>) target(%arg6 : memref<10240xf32, #tpu.memory_space<vmem>>) target_semaphore(%arg16 : memref<!tpu.dma_semaphore, #tpu.memory_space<semaphore_mem>>)
    %dma_start3A_9 = arith.constant 1 : i32
    %dma_start3A_10 = arith.constant 0 : i32
    %dma_start3A_11 = tpu.memref_slice %arg2[%dma_start3A_9, %dma_start3A_10] : memref<2x10240xf32, #tpu.memory_space<hbm>> -> memref<1x10240xf32, #tpu.memory_space<hbm>>
    %dma_start3A_12 = tpu.memref_squeeze %dma_start3A_11 : memref<1x10240xf32, #tpu.memory_space<hbm>> -> memref<10240xf32, #tpu.memory_space<hbm>>
    %dma_start3A_13 = arith.constant 0 : i32
    %dma_start3A_14 = tpu.memref_slice %arg2[%dma_start3A_9, %dma_start3A_13] : memref<2x10240xf32, #tpu.memory_space<hbm>> -> memref<1x10240xf32, #tpu.memory_space<hbm>>
    %dma_start3A_15 = tpu.memref_squeeze %dma_start3A_14 : memref<1x10240xf32, #tpu.memory_space<hbm>> -> memref<10240xf32, #tpu.memory_space<hbm>>
    tpu.enqueue_dma source(%dma_start3A_15 : memref<10240xf32, #tpu.memory_space<hbm>>) target(%arg7 : memref<10240xf32, #tpu.memory_space<vmem>>) target_semaphore(%arg17 : memref<!tpu.dma_semaphore, #tpu.memory_space<semaphore_mem>>)
    %add3A_16 = arith.constant 0 : i32
    %add3A_17 = arith.addi %mul3A_2, %add3A_16 : i32
    %dma_start3A_18 = tpu.memref_slice %arg3[%add3A_17] : memref<320000xi32, #tpu.memory_space<hbm>> -> memref<2000xi32, #tpu.memory_space<hbm>>
    %dma_start3A_19 = tpu.memref_slice %arg3[%add3A_17] : memref<320000xi32, #tpu.memory_space<hbm>> -> memref<2000xi32, #tpu.memory_space<hbm>>
    tpu.enqueue_dma source(%dma_start3A_19 : memref<2000xi32, #tpu.memory_space<hbm>>) target(%arg8 : memref<2000xi32, #tpu.memory_space<vmem>>) target_semaphore(%arg14 : memref<!tpu.dma_semaphore, #tpu.memory_space<semaphore_mem>>)
    %dma_start3A_20 = tpu.memref_slice %arg4[%add3A_17] : memref<320000xi32, #tpu.memory_space<hbm>> -> memref<2000xi32, #tpu.memory_space<hbm>>
    %dma_start3A_21 = tpu.memref_slice %arg4[%add3A_17] : memref<320000xi32, #tpu.memory_space<hbm>> -> memref<2000xi32, #tpu.memory_space<hbm>>
    tpu.enqueue_dma source(%dma_start3A_21 : memref<2000xi32, #tpu.memory_space<hbm>>) target(%arg10 : memref<2000xi32, #tpu.memory_space<vmem>>) target_semaphore(%arg14 : memref<!tpu.dma_semaphore, #tpu.memory_space<semaphore_mem>>)
    %add3A_22 = arith.constant 2000 : i32
    %add3A_23 = arith.addi %mul3A_2, %add3A_22 : i32
    %dma_start3A_24 = tpu.memref_slice %arg3[%add3A_23] : memref<320000xi32, #tpu.memory_space<hbm>> -> memref<2000xi32, #tpu.memory_space<hbm>>
    %dma_start3A_25 = tpu.memref_slice %arg3[%add3A_23] : memref<320000xi32, #tpu.memory_space<hbm>> -> memref<2000xi32, #tpu.memory_space<hbm>>
    tpu.enqueue_dma source(%dma_start3A_25 : memref<2000xi32, #tpu.memory_space<hbm>>) target(%arg9 : memref<2000xi32, #tpu.memory_space<vmem>>) target_semaphore(%arg15 : memref<!tpu.dma_semaphore, #tpu.memory_space<semaphore_mem>>)
    %dma_start3A_26 = tpu.memref_slice %arg4[%add3A_23] : memref<320000xi32, #tpu.memory_space<hbm>> -> memref<2000xi32, #tpu.memory_space<hbm>>
    %dma_start3A_27 = tpu.memref_slice %arg4[%add3A_23] : memref<320000xi32, #tpu.memory_space<hbm>> -> memref<2000xi32, #tpu.memory_space<hbm>>
    tpu.enqueue_dma source(%dma_start3A_27 : memref<2000xi32, #tpu.memory_space<hbm>>) target(%arg11 : memref<2000xi32, #tpu.memory_space<vmem>>) target_semaphore(%arg15 : memref<!tpu.dma_semaphore, #tpu.memory_space<semaphore_mem>>)
    %dma_wait3A = arith.constant 0 : i32
    %dma_wait3A_28 = arith.constant 0 : i32
    %dma_wait3A_29 = tpu.memref_slice %arg2[%dma_wait3A, %dma_wait3A_28] : memref<2x10240xf32, #tpu.memory_space<hbm>> -> memref<1x10240xf32, #tpu.memory_space<hbm>>
    %dma_wait3A_30 = tpu.memref_squeeze %dma_wait3A_29 : memref<1x10240xf32, #tpu.memory_space<hbm>> -> memref<10240xf32, #tpu.memory_space<hbm>>
    %dma_wait3A_31 = arith.constant 0 : i32
    %dma_wait3A_32 = tpu.memref_slice %arg2[%dma_wait3A, %dma_wait3A_31] : memref<2x10240xf32, #tpu.memory_space<hbm>> -> memref<1x10240xf32, #tpu.memory_space<hbm>>
    %dma_wait3A_33 = tpu.memref_squeeze %dma_wait3A_32 : memref<1x10240xf32, #tpu.memory_space<hbm>> -> memref<10240xf32, #tpu.memory_space<hbm>>
    tpu.wait_dma2 semaphore(%arg16 : memref<!tpu.dma_semaphore, #tpu.memory_space<semaphore_mem>>) src(%dma_wait3A_33 : memref<10240xf32, #tpu.memory_space<hbm>>) dst(%arg6 : memref<10240xf32, #tpu.memory_space<vmem>>)
    %dma_wait3A_34 = arith.constant 1 : i32
    %dma_wait3A_35 = arith.constant 0 : i32
    %dma_wait3A_36 = tpu.memref_slice %arg2[%dma_wait3A_34, %dma_wait3A_35] : memref<2x10240xf32, #tpu.memory_space<hbm>> -> memref<1x10240xf32, #tpu.memory_space<hbm>>
    %dma_wait3A_37 = tpu.memref_squeeze %dma_wait3A_36 : memref<1x10240xf32, #tpu.memory_space<hbm>> -> memref<10240xf32, #tpu.memory_space<hbm>>
    %dma_wait3A_38 = arith.constant 0 : i32
    %dma_wait3A_39 = tpu.memref_slice %arg2[%dma_wait3A_34, %dma_wait3A_38] : memref<2x10240xf32, #tpu.memory_space<hbm>> -> memref<1x10240xf32, #tpu.memory_space<hbm>>
    %dma_wait3A_40 = tpu.memref_squeeze %dma_wait3A_39 : memref<1x10240xf32, #tpu.memory_space<hbm>> -> memref<10240xf32, #tpu.memory_space<hbm>>
    tpu.wait_dma2 semaphore(%arg17 : memref<!tpu.dma_semaphore, #tpu.memory_space<semaphore_mem>>) src(%dma_wait3A_40 : memref<10240xf32, #tpu.memory_space<hbm>>) dst(%arg7 : memref<10240xf32, #tpu.memory_space<vmem>>)
    %dma_wait3A_41 = arith.constant 0 : i32
    %dma_wait3A_42 = tpu.memref_slice %arg3[%dma_wait3A_41] : memref<320000xi32, #tpu.memory_space<hbm>> -> memref<2000xi32, #tpu.memory_space<hbm>>
    %dma_wait3A_43 = arith.constant 0 : i32
    %dma_wait3A_44 = tpu.memref_slice %arg3[%dma_wait3A_43] : memref<320000xi32, #tpu.memory_space<hbm>> -> memref<2000xi32, #tpu.memory_space<hbm>>
    tpu.wait_dma2 semaphore(%arg14 : memref<!tpu.dma_semaphore, #tpu.memory_space<semaphore_mem>>) src(%dma_wait3A_44 : memref<2000xi32, #tpu.memory_space<hbm>>) dst(%arg8 : memref<2000xi32, #tpu.memory_space<vmem>>)
    %dma_wait3A_45 = arith.constant 0 : i32
    %dma_wait3A_46 = tpu.memref_slice %arg4[%dma_wait3A_45] : memref<320000xi32, #tpu.memory_space<hbm>> -> memref<2000xi32, #tpu.memory_space<hbm>>
    %dma_wait3A_47 = arith.constant 0 : i32
    %dma_wait3A_48 = tpu.memref_slice %arg4[%dma_wait3A_47] : memref<320000xi32, #tpu.memory_space<hbm>> -> memref<2000xi32, #tpu.memory_space<hbm>>
    tpu.wait_dma2 semaphore(%arg14 : memref<!tpu.dma_semaphore, #tpu.memory_space<semaphore_mem>>) src(%dma_wait3A_48 : memref<2000xi32, #tpu.memory_space<hbm>>) dst(%arg10 : memref<2000xi32, #tpu.memory_space<vmem>>)
    %parallel_loop3A = arith.constant 0 : i32
    %parallel_loop3A_49 = arith.constant 125 : i32
    %parallel_loop3A_50 = arith.constant 1 : i32
    scf.for %parallel_loop3A_153 = %parallel_loop3A to %parallel_loop3A_49 step %parallel_loop3A_50  : i32 {
      %parallel_loop3A_154 = arith.constant 16 : i32
      %parallel_loop3A_155 = arith.muli %parallel_loop3A_153, %parallel_loop3A_154 : i32
      %parallel_loop3A_156 = arith.index_cast %parallel_loop3A_155 : i32 to index
      %parallel_loop3A_157 = tpu.vector_load %arg8[%parallel_loop3A_156] {strides = array<i32>} : memref<2000xi32, #tpu.memory_space<vmem>>, vector<16xi32>,
      %parallel_loop3A_158 = arith.constant 16 : i32
      %parallel_loop3A_159 = arith.muli %parallel_loop3A_153, %parallel_loop3A_158 : i32
      %parallel_loop3A_160 = arith.index_cast %parallel_loop3A_159 : i32 to index
      %parallel_loop3A_161 = tpu.vector_load %arg10[%parallel_loop3A_160] {strides = array<i32>} : memref<2000xi32, #tpu.memory_space<vmem>>, vector<16xi32>,
      %parallel_loop3A_162 = tpu.vector_load_idx %arg6[%parallel_loop3A_157] : memref<10240xf32, #tpu.memory_space<vmem>>[vector<16xi32>], vector<16xf32>,
      %parallel_loop3A_163 = tpu.vector_load_idx %arg7[%parallel_loop3A_161] : memref<10240xf32, #tpu.memory_space<vmem>>[vector<16xi32>], vector<16xf32>,
      %parallel_loop3A_164 = arith.addf %parallel_loop3A_162, %parallel_loop3A_163 : vector<16xf32>
      %parallel_loop3A_165 = arith.constant 16 : i32
      %parallel_loop3A_166 = arith.muli %parallel_loop3A_153, %parallel_loop3A_165 : i32
      %parallel_loop3A_167 = arith.index_cast %parallel_loop3A_166 : i32 to index
      %parallel_loop3A_168 = tpu.vector_load %arg12[%parallel_loop3A_167] {strides = array<i32>} : memref<2000xf32, #tpu.memory_space<vmem>>, vector<16xf32>,
      tpu.vector_store %arg12[%parallel_loop3A_167], %parallel_loop3A_164 {strides = array<i32>} : memref<2000xf32, #tpu.memory_space<vmem>>, vector<16xf32>,
    } {sc.loop_unroll_factor = 4 : i64, sc.parallel_access}
    %add3A_51 = arith.constant 0 : i32
    %add3A_52 = arith.addi %mul3A_2, %add3A_51 : i32
    %dma_start3A_53 = tpu.memref_slice %arg5[%add3A_52] : memref<320000xf32, #tpu.memory_space<hbm>> -> memref<2000xf32, #tpu.memory_space<hbm>>
    %dma_start3A_54 = tpu.memref_slice %arg5[%add3A_52] : memref<320000xf32, #tpu.memory_space<hbm>> -> memref<2000xf32, #tpu.memory_space<hbm>>
    tpu.enqueue_dma source(%arg12 : memref<2000xf32, #tpu.memory_space<vmem>>) target(%dma_start3A_54 : memref<2000xf32, #tpu.memory_space<hbm>>) target_semaphore(%arg16 : memref<!tpu.dma_semaphore, #tpu.memory_space<semaphore_mem>>)
    %add3A_55 = arith.constant 4000 : i32
    %add3A_56 = arith.addi %mul3A_2, %add3A_55 : i32
    %dma_start3A_57 = tpu.memref_slice %arg3[%add3A_56] : memref<320000xi32, #tpu.memory_space<hbm>> -> memref<2000xi32, #tpu.memory_space<hbm>>
    %dma_start3A_58 = tpu.memref_slice %arg3[%add3A_56] : memref<320000xi32, #tpu.memory_space<hbm>> -> memref<2000xi32, #tpu.memory_space<hbm>>
    tpu.enqueue_dma source(%dma_start3A_58 : memref<2000xi32, #tpu.memory_space<hbm>>) target(%arg8 : memref<2000xi32, #tpu.memory_space<vmem>>) target_semaphore(%arg14 : memref<!tpu.dma_semaphore, #tpu.memory_space<semaphore_mem>>)
    %dma_start3A_59 = tpu.memref_slice %arg4[%add3A_56] : memref<320000xi32, #tpu.memory_space<hbm>> -> memref<2000xi32, #tpu.memory_space<hbm>>
    %dma_start3A_60 = tpu.memref_slice %arg4[%add3A_56] : memref<320000xi32, #tpu.memory_space<hbm>> -> memref<2000xi32, #tpu.memory_space<hbm>>
    tpu.enqueue_dma source(%dma_start3A_60 : memref<2000xi32, #tpu.memory_space<hbm>>) target(%arg10 : memref<2000xi32, #tpu.memory_space<vmem>>) target_semaphore(%arg14 : memref<!tpu.dma_semaphore, #tpu.memory_space<semaphore_mem>>)
    %dma_wait3A_61 = arith.constant 0 : i32
    %dma_wait3A_62 = tpu.memref_slice %arg3[%dma_wait3A_61] : memref<320000xi32, #tpu.memory_space<hbm>> -> memref<2000xi32, #tpu.memory_space<hbm>>
    %dma_wait3A_63 = arith.constant 0 : i32
    %dma_wait3A_64 = tpu.memref_slice %arg3[%dma_wait3A_63] : memref<320000xi32, #tpu.memory_space<hbm>> -> memref<2000xi32, #tpu.memory_space<hbm>>
    tpu.wait_dma2 semaphore(%arg15 : memref<!tpu.dma_semaphore, #tpu.memory_space<semaphore_mem>>) src(%dma_wait3A_64 : memref<2000xi32, #tpu.memory_space<hbm>>) dst(%arg9 : memref<2000xi32, #tpu.memory_space<vmem>>)
    %dma_wait3A_65 = arith.constant 0 : i32
    %dma_wait3A_66 = tpu.memref_slice %arg4[%dma_wait3A_65] : memref<320000xi32, #tpu.memory_space<hbm>> -> memref<2000xi32, #tpu.memory_space<hbm>>
    %dma_wait3A_67 = arith.constant 0 : i32
    %dma_wait3A_68 = tpu.memref_slice %arg4[%dma_wait3A_67] : memref<320000xi32, #tpu.memory_space<hbm>> -> memref<2000xi32, #tpu.memory_space<hbm>>
    tpu.wait_dma2 semaphore(%arg15 : memref<!tpu.dma_semaphore, #tpu.memory_space<semaphore_mem>>) src(%dma_wait3A_68 : memref<2000xi32, #tpu.memory_space<hbm>>) dst(%arg11 : memref<2000xi32, #tpu.memory_space<vmem>>)
    %parallel_loop3A_69 = arith.constant 0 : i32
    %parallel_loop3A_70 = arith.constant 125 : i32
    %parallel_loop3A_71 = arith.constant 1 : i32
    scf.for %parallel_loop3A_153 = %parallel_loop3A_69 to %parallel_loop3A_70 step %parallel_loop3A_71  : i32 {
      %parallel_loop3A_154 = arith.constant 16 : i32
      %parallel_loop3A_155 = arith.muli %parallel_loop3A_153, %parallel_loop3A_154 : i32
      %parallel_loop3A_156 = arith.index_cast %parallel_loop3A_155 : i32 to index
      %parallel_loop3A_157 = tpu.vector_load %arg9[%parallel_loop3A_156] {strides = array<i32>} : memref<2000xi32, #tpu.memory_space<vmem>>, vector<16xi32>,
      %parallel_loop3A_158 = arith.constant 16 : i32
      %parallel_loop3A_159 = arith.muli %parallel_loop3A_153, %parallel_loop3A_158 : i32
      %parallel_loop3A_160 = arith.index_cast %parallel_loop3A_159 : i32 to index
      %parallel_loop3A_161 = tpu.vector_load %arg11[%parallel_loop3A_160] {strides = array<i32>} : memref<2000xi32, #tpu.memory_space<vmem>>, vector<16xi32>,
      %parallel_loop3A_162 = tpu.vector_load_idx %arg6[%parallel_loop3A_157] : memref<10240xf32, #tpu.memory_space<vmem>>[vector<16xi32>], vector<16xf32>,
      %parallel_loop3A_163 = tpu.vector_load_idx %arg7[%parallel_loop3A_161] : memref<10240xf32, #tpu.memory_space<vmem>>[vector<16xi32>], vector<16xf32>,
      %parallel_loop3A_164 = arith.addf %parallel_loop3A_162, %parallel_loop3A_163 : vector<16xf32>
      %parallel_loop3A_165 = arith.constant 16 : i32
      %parallel_loop3A_166 = arith.muli %parallel_loop3A_153, %parallel_loop3A_165 : i32
      %parallel_loop3A_167 = arith.index_cast %parallel_loop3A_166 : i32 to index
      %parallel_loop3A_168 = tpu.vector_load %arg13[%parallel_loop3A_167] {strides = array<i32>} : memref<2000xf32, #tpu.memory_space<vmem>>, vector<16xf32>,
      tpu.vector_store %arg13[%parallel_loop3A_167], %parallel_loop3A_164 {strides = array<i32>} : memref<2000xf32, #tpu.memory_space<vmem>>, vector<16xf32>,
    } {sc.loop_unroll_factor = 4 : i64, sc.parallel_access}
    %add3A_72 = arith.constant 2000 : i32
    %add3A_73 = arith.addi %mul3A_2, %add3A_72 : i32
    %dma_start3A_74 = tpu.memref_slice %arg5[%add3A_73] : memref<320000xf32, #tpu.memory_space<hbm>> -> memref<2000xf32, #tpu.memory_space<hbm>>
    %dma_start3A_75 = tpu.memref_slice %arg5[%add3A_73] : memref<320000xf32, #tpu.memory_space<hbm>> -> memref<2000xf32, #tpu.memory_space<hbm>>
    tpu.enqueue_dma source(%arg13 : memref<2000xf32, #tpu.memory_space<vmem>>) target(%dma_start3A_75 : memref<2000xf32, #tpu.memory_space<hbm>>) target_semaphore(%arg17 : memref<!tpu.dma_semaphore, #tpu.memory_space<semaphore_mem>>)
    %add3A_76 = arith.constant 6000 : i32
    %add3A_77 = arith.addi %mul3A_2, %add3A_76 : i32
    %dma_start3A_78 = tpu.memref_slice %arg3[%add3A_77] : memref<320000xi32, #tpu.memory_space<hbm>> -> memref<2000xi32, #tpu.memory_space<hbm>>
    %dma_start3A_79 = tpu.memref_slice %arg3[%add3A_77] : memref<320000xi32, #tpu.memory_space<hbm>> -> memref<2000xi32, #tpu.memory_space<hbm>>
    tpu.enqueue_dma source(%dma_start3A_79 : memref<2000xi32, #tpu.memory_space<hbm>>) target(%arg9 : memref<2000xi32, #tpu.memory_space<vmem>>) target_semaphore(%arg15 : memref<!tpu.dma_semaphore, #tpu.memory_space<semaphore_mem>>)
    %dma_start3A_80 = tpu.memref_slice %arg4[%add3A_77] : memref<320000xi32, #tpu.memory_space<hbm>> -> memref<2000xi32, #tpu.memory_space<hbm>>
    %dma_start3A_81 = tpu.memref_slice %arg4[%add3A_77] : memref<320000xi32, #tpu.memory_space<hbm>> -> memref<2000xi32, #tpu.memory_space<hbm>>
    tpu.enqueue_dma source(%dma_start3A_81 : memref<2000xi32, #tpu.memory_space<hbm>>) target(%arg11 : memref<2000xi32, #tpu.memory_space<vmem>>) target_semaphore(%arg15 : memref<!tpu.dma_semaphore, #tpu.memory_space<semaphore_mem>>)
    %dma_wait3A_82 = arith.constant 0 : i32
    %dma_wait3A_83 = tpu.memref_slice %arg3[%dma_wait3A_82] : memref<320000xi32, #tpu.memory_space<hbm>> -> memref<2000xi32, #tpu.memory_space<hbm>>
    %dma_wait3A_84 = arith.constant 0 : i32
    %dma_wait3A_85 = tpu.memref_slice %arg3[%dma_wait3A_84] : memref<320000xi32, #tpu.memory_space<hbm>> -> memref<2000xi32, #tpu.memory_space<hbm>>
    tpu.wait_dma2 semaphore(%arg14 : memref<!tpu.dma_semaphore, #tpu.memory_space<semaphore_mem>>) src(%dma_wait3A_85 : memref<2000xi32, #tpu.memory_space<hbm>>) dst(%arg8 : memref<2000xi32, #tpu.memory_space<vmem>>)
    %dma_wait3A_86 = arith.constant 0 : i32
    %dma_wait3A_87 = tpu.memref_slice %arg4[%dma_wait3A_86] : memref<320000xi32, #tpu.memory_space<hbm>> -> memref<2000xi32, #tpu.memory_space<hbm>>
    %dma_wait3A_88 = arith.constant 0 : i32
    %dma_wait3A_89 = tpu.memref_slice %arg4[%dma_wait3A_88] : memref<320000xi32, #tpu.memory_space<hbm>> -> memref<2000xi32, #tpu.memory_space<hbm>>
    tpu.wait_dma2 semaphore(%arg14 : memref<!tpu.dma_semaphore, #tpu.memory_space<semaphore_mem>>) src(%dma_wait3A_89 : memref<2000xi32, #tpu.memory_space<hbm>>) dst(%arg10 : memref<2000xi32, #tpu.memory_space<vmem>>)
    %dma_wait3A_90 = arith.constant 0 : i32
    %dma_wait3A_91 = tpu.memref_slice %arg5[%dma_wait3A_90] : memref<320000xf32, #tpu.memory_space<hbm>> -> memref<2000xf32, #tpu.memory_space<hbm>>
    %dma_wait3A_92 = arith.constant 0 : i32
    %dma_wait3A_93 = tpu.memref_slice %arg5[%dma_wait3A_92] : memref<320000xf32, #tpu.memory_space<hbm>> -> memref<2000xf32, #tpu.memory_space<hbm>>
    tpu.wait_dma2 semaphore(%arg16 : memref<!tpu.dma_semaphore, #tpu.memory_space<semaphore_mem>>) src(%arg12 : memref<2000xf32, #tpu.memory_space<vmem>>) dst(%dma_wait3A_93 : memref<2000xf32, #tpu.memory_space<hbm>>)
    %parallel_loop3A_94 = arith.constant 0 : i32
    %parallel_loop3A_95 = arith.constant 125 : i32
    %parallel_loop3A_96 = arith.constant 1 : i32
    scf.for %parallel_loop3A_153 = %parallel_loop3A_94 to %parallel_loop3A_95 step %parallel_loop3A_96  : i32 {
      %parallel_loop3A_154 = arith.constant 16 : i32
      %parallel_loop3A_155 = arith.muli %parallel_loop3A_153, %parallel_loop3A_154 : i32
      %parallel_loop3A_156 = arith.index_cast %parallel_loop3A_155 : i32 to index
      %parallel_loop3A_157 = tpu.vector_load %arg8[%parallel_loop3A_156] {strides = array<i32>} : memref<2000xi32, #tpu.memory_space<vmem>>, vector<16xi32>,
      %parallel_loop3A_158 = arith.constant 16 : i32
      %parallel_loop3A_159 = arith.muli %parallel_loop3A_153, %parallel_loop3A_158 : i32
      %parallel_loop3A_160 = arith.index_cast %parallel_loop3A_159 : i32 to index
      %parallel_loop3A_161 = tpu.vector_load %arg10[%parallel_loop3A_160] {strides = array<i32>} : memref<2000xi32, #tpu.memory_space<vmem>>, vector<16xi32>,
      %parallel_loop3A_162 = tpu.vector_load_idx %arg6[%parallel_loop3A_157] : memref<10240xf32, #tpu.memory_space<vmem>>[vector<16xi32>], vector<16xf32>,
      %parallel_loop3A_163 = tpu.vector_load_idx %arg7[%parallel_loop3A_161] : memref<10240xf32, #tpu.memory_space<vmem>>[vector<16xi32>], vector<16xf32>,
      %parallel_loop3A_164 = arith.addf %parallel_loop3A_162, %parallel_loop3A_163 : vector<16xf32>
      %parallel_loop3A_165 = arith.constant 16 : i32
      %parallel_loop3A_166 = arith.muli %parallel_loop3A_153, %parallel_loop3A_165 : i32
      %parallel_loop3A_167 = arith.index_cast %parallel_loop3A_166 : i32 to index
      %parallel_loop3A_168 = tpu.vector_load %arg12[%parallel_loop3A_167] {strides = array<i32>} : memref<2000xf32, #tpu.memory_space<vmem>>, vector<16xf32>,
      tpu.vector_store %arg12[%parallel_loop3A_167], %parallel_loop3A_164 {strides = array<i32>} : memref<2000xf32, #tpu.memory_space<vmem>>, vector<16xf32>,
    } {sc.loop_unroll_factor = 4 : i64, sc.parallel_access}
    %add3A_97 = arith.constant 4000 : i32
    %add3A_98 = arith.addi %mul3A_2, %add3A_97 : i32
    %dma_start3A_99 = tpu.memref_slice %arg5[%add3A_98] : memref<320000xf32, #tpu.memory_space<hbm>> -> memref<2000xf32, #tpu.memory_space<hbm>>
    %dma_start3A_100 = tpu.memref_slice %arg5[%add3A_98] : memref<320000xf32, #tpu.memory_space<hbm>> -> memref<2000xf32, #tpu.memory_space<hbm>>
    tpu.enqueue_dma source(%arg12 : memref<2000xf32, #tpu.memory_space<vmem>>) target(%dma_start3A_100 : memref<2000xf32, #tpu.memory_space<hbm>>) target_semaphore(%arg16 : memref<!tpu.dma_semaphore, #tpu.memory_space<semaphore_mem>>)
    %add3A_101 = arith.constant 8000 : i32
    %add3A_102 = arith.addi %mul3A_2, %add3A_101 : i32
    %dma_start3A_103 = tpu.memref_slice %arg3[%add3A_102] : memref<320000xi32, #tpu.memory_space<hbm>> -> memref<2000xi32, #tpu.memory_space<hbm>>
    %dma_start3A_104 = tpu.memref_slice %arg3[%add3A_102] : memref<320000xi32, #tpu.memory_space<hbm>> -> memref<2000xi32, #tpu.memory_space<hbm>>
    tpu.enqueue_dma source(%dma_start3A_104 : memref<2000xi32, #tpu.memory_space<hbm>>) target(%arg8 : memref<2000xi32, #tpu.memory_space<vmem>>) target_semaphore(%arg14 : memref<!tpu.dma_semaphore, #tpu.memory_space<semaphore_mem>>)
    %dma_start3A_105 = tpu.memref_slice %arg4[%add3A_102] : memref<320000xi32, #tpu.memory_space<hbm>> -> memref<2000xi32, #tpu.memory_space<hbm>>
    %dma_start3A_106 = tpu.memref_slice %arg4[%add3A_102] : memref<320000xi32, #tpu.memory_space<hbm>> -> memref<2000xi32, #tpu.memory_space<hbm>>
    tpu.enqueue_dma source(%dma_start3A_106 : memref<2000xi32, #tpu.memory_space<hbm>>) target(%arg10 : memref<2000xi32, #tpu.memory_space<vmem>>) target_semaphore(%arg14 : memref<!tpu.dma_semaphore, #tpu.memory_space<semaphore_mem>>)
    %dma_wait3A_107 = arith.constant 0 : i32
    %dma_wait3A_108 = tpu.memref_slice %arg3[%dma_wait3A_107] : memref<320000xi32, #tpu.memory_space<hbm>> -> memref<2000xi32, #tpu.memory_space<hbm>>
    %dma_wait3A_109 = arith.constant 0 : i32
    %dma_wait3A_110 = tpu.memref_slice %arg3[%dma_wait3A_109] : memref<320000xi32, #tpu.memory_space<hbm>> -> memref<2000xi32, #tpu.memory_space<hbm>>
    tpu.wait_dma2 semaphore(%arg15 : memref<!tpu.dma_semaphore, #tpu.memory_space<semaphore_mem>>) src(%dma_wait3A_110 : memref<2000xi32, #tpu.memory_space<hbm>>) dst(%arg9 : memref<2000xi32, #tpu.memory_space<vmem>>)
    %dma_wait3A_111 = arith.constant 0 : i32
    %dma_wait3A_112 = tpu.memref_slice %arg4[%dma_wait3A_111] : memref<320000xi32, #tpu.memory_space<hbm>> -> memref<2000xi32, #tpu.memory_space<hbm>>
    %dma_wait3A_113 = arith.constant 0 : i32
    %dma_wait3A_114 = tpu.memref_slice %arg4[%dma_wait3A_113] : memref<320000xi32, #tpu.memory_space<hbm>> -> memref<2000xi32, #tpu.memory_space<hbm>>
    tpu.wait_dma2 semaphore(%arg15 : memref<!tpu.dma_semaphore, #tpu.memory_space<semaphore_mem>>) src(%dma_wait3A_114 : memref<2000xi32, #tpu.memory_space<hbm>>) dst(%arg11 : memref<2000xi32, #tpu.memory_space<vmem>>)
    %dma_wait3A_115 = arith.constant 0 : i32
    %dma_wait3A_116 = tpu.memref_slice %arg5[%dma_wait3A_115] : memref<320000xf32, #tpu.memory_space<hbm>> -> memref<2000xf32, #tpu.memory_space<hbm>>
    %dma_wait3A_117 = arith.constant 0 : i32
    %dma_wait3A_118 = tpu.memref_slice %arg5[%dma_wait3A_117] : memref<320000xf32, #tpu.memory_space<hbm>> -> memref<2000xf32, #tpu.memory_space<hbm>>
    tpu.wait_dma2 semaphore(%arg17 : memref<!tpu.dma_semaphore, #tpu.memory_space<semaphore_mem>>) src(%arg13 : memref<2000xf32, #tpu.memory_space<vmem>>) dst(%dma_wait3A_118 : memref<2000xf32, #tpu.memory_space<hbm>>)
    %parallel_loop3A_119 = arith.constant 0 : i32
    %parallel_loop3A_120 = arith.constant 125 : i32
    %parallel_loop3A_121 = arith.constant 1 : i32
    scf.for %parallel_loop3A_153 = %parallel_loop3A_119 to %parallel_loop3A_120 step %parallel_loop3A_121  : i32 {
      %parallel_loop3A_154 = arith.constant 16 : i32
      %parallel_loop3A_155 = arith.muli %parallel_loop3A_153, %parallel_loop3A_154 : i32
      %parallel_loop3A_156 = arith.index_cast %parallel_loop3A_155 : i32 to index
      %parallel_loop3A_157 = tpu.vector_load %arg9[%parallel_loop3A_156] {strides = array<i32>} : memref<2000xi32, #tpu.memory_space<vmem>>, vector<16xi32>,
      %parallel_loop3A_158 = arith.constant 16 : i32
      %parallel_loop3A_159 = arith.muli %parallel_loop3A_153, %parallel_loop3A_158 : i32
      %parallel_loop3A_160 = arith.index_cast %parallel_loop3A_159 : i32 to index
      %parallel_loop3A_161 = tpu.vector_load %arg11[%parallel_loop3A_160] {strides = array<i32>} : memref<2000xi32, #tpu.memory_space<vmem>>, vector<16xi32>,
      %parallel_loop3A_162 = tpu.vector_load_idx %arg6[%parallel_loop3A_157] : memref<10240xf32, #tpu.memory_space<vmem>>[vector<16xi32>], vector<16xf32>,
      %parallel_loop3A_163 = tpu.vector_load_idx %arg7[%parallel_loop3A_161] : memref<10240xf32, #tpu.memory_space<vmem>>[vector<16xi32>], vector<16xf32>,
      %parallel_loop3A_164 = arith.addf %parallel_loop3A_162, %parallel_loop3A_163 : vector<16xf32>
      %parallel_loop3A_165 = arith.constant 16 : i32
      %parallel_loop3A_166 = arith.muli %parallel_loop3A_153, %parallel_loop3A_165 : i32
      %parallel_loop3A_167 = arith.index_cast %parallel_loop3A_166 : i32 to index
      %parallel_loop3A_168 = tpu.vector_load %arg13[%parallel_loop3A_167] {strides = array<i32>} : memref<2000xf32, #tpu.memory_space<vmem>>, vector<16xf32>,
      tpu.vector_store %arg13[%parallel_loop3A_167], %parallel_loop3A_164 {strides = array<i32>} : memref<2000xf32, #tpu.memory_space<vmem>>, vector<16xf32>,
    } {sc.loop_unroll_factor = 4 : i64, sc.parallel_access}
    %add3A_122 = arith.constant 6000 : i32
    %add3A_123 = arith.addi %mul3A_2, %add3A_122 : i32
    %dma_start3A_124 = tpu.memref_slice %arg5[%add3A_123] : memref<320000xf32, #tpu.memory_space<hbm>> -> memref<2000xf32, #tpu.memory_space<hbm>>
    %dma_start3A_125 = tpu.memref_slice %arg5[%add3A_123] : memref<320000xf32, #tpu.memory_space<hbm>> -> memref<2000xf32, #tpu.memory_space<hbm>>
    tpu.enqueue_dma source(%arg13 : memref<2000xf32, #tpu.memory_space<vmem>>) target(%dma_start3A_125 : memref<2000xf32, #tpu.memory_space<hbm>>) target_semaphore(%arg17 : memref<!tpu.dma_semaphore, #tpu.memory_space<semaphore_mem>>)
    %dma_wait3A_126 = arith.constant 0 : i32
    %dma_wait3A_127 = tpu.memref_slice %arg3[%dma_wait3A_126] : memref<320000xi32, #tpu.memory_space<hbm>> -> memref<2000xi32, #tpu.memory_space<hbm>>
    %dma_wait3A_128 = arith.constant 0 : i32
    %dma_wait3A_129 = tpu.memref_slice %arg3[%dma_wait3A_128] : memref<320000xi32, #tpu.memory_space<hbm>> -> memref<2000xi32, #tpu.memory_space<hbm>>
    tpu.wait_dma2 semaphore(%arg14 : memref<!tpu.dma_semaphore, #tpu.memory_space<semaphore_mem>>) src(%dma_wait3A_129 : memref<2000xi32, #tpu.memory_space<hbm>>) dst(%arg8 : memref<2000xi32, #tpu.memory_space<vmem>>)
    %dma_wait3A_130 = arith.constant 0 : i32
    %dma_wait3A_131 = tpu.memref_slice %arg4[%dma_wait3A_130] : memref<320000xi32, #tpu.memory_space<hbm>> -> memref<2000xi32, #tpu.memory_space<hbm>>
    %dma_wait3A_132 = arith.constant 0 : i32
    %dma_wait3A_133 = tpu.memref_slice %arg4[%dma_wait3A_132] : memref<320000xi32, #tpu.memory_space<hbm>> -> memref<2000xi32, #tpu.memory_space<hbm>>
    tpu.wait_dma2 semaphore(%arg14 : memref<!tpu.dma_semaphore, #tpu.memory_space<semaphore_mem>>) src(%dma_wait3A_133 : memref<2000xi32, #tpu.memory_space<hbm>>) dst(%arg10 : memref<2000xi32, #tpu.memory_space<vmem>>)
    %dma_wait3A_134 = arith.constant 0 : i32
    %dma_wait3A_135 = tpu.memref_slice %arg5[%dma_wait3A_134] : memref<320000xf32, #tpu.memory_space<hbm>> -> memref<2000xf32, #tpu.memory_space<hbm>>
    %dma_wait3A_136 = arith.constant 0 : i32
    %dma_wait3A_137 = tpu.memref_slice %arg5[%dma_wait3A_136] : memref<320000xf32, #tpu.memory_space<hbm>> -> memref<2000xf32, #tpu.memory_space<hbm>>
    tpu.wait_dma2 semaphore(%arg16 : memref<!tpu.dma_semaphore, #tpu.memory_space<semaphore_mem>>) src(%arg12 : memref<2000xf32, #tpu.memory_space<vmem>>) dst(%dma_wait3A_137 : memref<2000xf32, #tpu.memory_space<hbm>>)
    %parallel_loop3A_138 = arith.constant 0 : i32
    %parallel_loop3A_139 = arith.constant 125 : i32
    %parallel_loop3A_140 = arith.constant 1 : i32
    scf.for %parallel_loop3A_153 = %parallel_loop3A_138 to %parallel_loop3A_139 step %parallel_loop3A_140  : i32 {
      %parallel_loop3A_154 = arith.constant 16 : i32
      %parallel_loop3A_155 = arith.muli %parallel_loop3A_153, %parallel_loop3A_154 : i32
      %parallel_loop3A_156 = arith.index_cast %parallel_loop3A_155 : i32 to index
      %parallel_loop3A_157 = tpu.vector_load %arg8[%parallel_loop3A_156] {strides = array<i32>} : memref<2000xi32, #tpu.memory_space<vmem>>, vector<16xi32>,
      %parallel_loop3A_158 = arith.constant 16 : i32
      %parallel_loop3A_159 = arith.muli %parallel_loop3A_153, %parallel_loop3A_158 : i32
      %parallel_loop3A_160 = arith.index_cast %parallel_loop3A_159 : i32 to index
      %parallel_loop3A_161 = tpu.vector_load %arg10[%parallel_loop3A_160] {strides = array<i32>} : memref<2000xi32, #tpu.memory_space<vmem>>, vector<16xi32>,
      %parallel_loop3A_162 = tpu.vector_load_idx %arg6[%parallel_loop3A_157] : memref<10240xf32, #tpu.memory_space<vmem>>[vector<16xi32>], vector<16xf32>,
      %parallel_loop3A_163 = tpu.vector_load_idx %arg7[%parallel_loop3A_161] : memref<10240xf32, #tpu.memory_space<vmem>>[vector<16xi32>], vector<16xf32>,
      %parallel_loop3A_164 = arith.addf %parallel_loop3A_162, %parallel_loop3A_163 : vector<16xf32>
      %parallel_loop3A_165 = arith.constant 16 : i32
      %parallel_loop3A_166 = arith.muli %parallel_loop3A_153, %parallel_loop3A_165 : i32
      %parallel_loop3A_167 = arith.index_cast %parallel_loop3A_166 : i32 to index
      %parallel_loop3A_168 = tpu.vector_load %arg12[%parallel_loop3A_167] {strides = array<i32>} : memref<2000xf32, #tpu.memory_space<vmem>>, vector<16xf32>,
      tpu.vector_store %arg12[%parallel_loop3A_167], %parallel_loop3A_164 {strides = array<i32>} : memref<2000xf32, #tpu.memory_space<vmem>>, vector<16xf32>,
    } {sc.loop_unroll_factor = 4 : i64, sc.parallel_access}
    %add3A_141 = arith.constant 8000 : i32
    %add3A_142 = arith.addi %mul3A_2, %add3A_141 : i32
    %dma_start3A_143 = tpu.memref_slice %arg5[%add3A_142] : memref<320000xf32, #tpu.memory_space<hbm>> -> memref<2000xf32, #tpu.memory_space<hbm>>
    %dma_start3A_144 = tpu.memref_slice %arg5[%add3A_142] : memref<320000xf32, #tpu.memory_space<hbm>> -> memref<2000xf32, #tpu.memory_space<hbm>>
    tpu.enqueue_dma source(%arg12 : memref<2000xf32, #tpu.memory_space<vmem>>) target(%dma_start3A_144 : memref<2000xf32, #tpu.memory_space<hbm>>) target_semaphore(%arg16 : memref<!tpu.dma_semaphore, #tpu.memory_space<semaphore_mem>>)
    %dma_wait3A_145 = arith.constant 0 : i32
    %dma_wait3A_146 = tpu.memref_slice %arg5[%dma_wait3A_145] : memref<320000xf32, #tpu.memory_space<hbm>> -> memref<2000xf32, #tpu.memory_space<hbm>>
    %dma_wait3A_147 = arith.constant 0 : i32
    %dma_wait3A_148 = tpu.memref_slice %arg5[%dma_wait3A_147] : memref<320000xf32, #tpu.memory_space<hbm>> -> memref<2000xf32, #tpu.memory_space<hbm>>
    tpu.wait_dma2 semaphore(%arg16 : memref<!tpu.dma_semaphore, #tpu.memory_space<semaphore_mem>>) src(%arg12 : memref<2000xf32, #tpu.memory_space<vmem>>) dst(%dma_wait3A_148 : memref<2000xf32, #tpu.memory_space<hbm>>)
    %dma_wait3A_149 = arith.constant 0 : i32
    %dma_wait3A_150 = tpu.memref_slice %arg5[%dma_wait3A_149] : memref<320000xf32, #tpu.memory_space<hbm>> -> memref<2000xf32, #tpu.memory_space<hbm>>
    %dma_wait3A_151 = arith.constant 0 : i32
    %dma_wait3A_152 = tpu.memref_slice %arg5[%dma_wait3A_151] : memref<320000xf32, #tpu.memory_space<hbm>> -> memref<2000xf32, #tpu.memory_space<hbm>>
    tpu.wait_dma2 semaphore(%arg17 : memref<!tpu.dma_semaphore, #tpu.memory_space<semaphore_mem>>) src(%arg13 : memref<2000xf32, #tpu.memory_space<vmem>>) dst(%dma_wait3A_152 : memref<2000xf32, #tpu.memory_space<hbm>>)
    return
  }
}

#map = affine_map<(d0, d1) -> (0)>
#map1 = affine_map<(d0, d1) -> (0, 0, 0)>
#map2 = affine_map<(d0, d1) -> (0, 0)>
module attributes {stable_mosaic.version = 14 : i64} {
  func.func @_sc1(%arg0: i32, %arg1: i32, %arg2: memref<10000xf32, #tpu.memory_space<hbm>>, %arg3: memref<320000xi32, #tpu.memory_space<hbm>>, %arg4: memref<320000xi32, #tpu.memory_space<hbm>>, %arg5: memref<4x4x320000xf32, #tpu.memory_space<hbm>>, %arg6: memref<32x32xf32, #tpu.memory_space<hbm>>, %arg7: memref<2x128x10240xf32, #tpu.memory_space<hbm>>, %arg8: memref<32x10240xf32, #tpu.memory_space<hbm>>, %arg9: memref<10240xf32, #tpu.memory_space<vmem>>, %arg10: memref<32xf32, #tpu.memory_space<vmem>>, %arg11: memref<10240xf32, #tpu.memory_space<vmem>>, %arg12: memref<10240xf32, #tpu.memory_space<vmem>>, %arg13: memref<10240xf32, #tpu.memory_space<vmem>>, %arg14: memref<10240xf32, #tpu.memory_space<vmem>>, %arg15: memref<10240xf32, #tpu.memory_space<vmem>>, %arg16: memref<10240xf32, #tpu.memory_space<vmem>>, %arg17: memref<10240xf32, #tpu.memory_space<vmem>>, %arg18: memref<10240xf32, #tpu.memory_space<vmem>>, %arg19: memref<10240xf32, #tpu.memory_space<vmem>>, %arg20: memref<2x1280xi32, #tpu.memory_space<vmem>>, %arg21: memref<2x1280xi32, #tpu.memory_space<vmem>>, %arg22: memref<2x4x1280xf32, #tpu.memory_space<vmem>>, %arg23: memref<2000xi32, #tpu.memory_space<vmem>>, %arg24: memref<!tpu.dma_semaphore, #tpu.memory_space<semaphore_mem>>, %arg25: memref<!tpu.dma_semaphore, #tpu.memory_space<semaphore_mem>>) attributes {dimension_semantics = [#tpu.dimension_semantics<core_parallel>, #tpu.dimension_semantics<subcore_parallel>], iteration_bounds = array<i64: 2, 16>, scalar_prefetch = 0 : i64, scratch_operands = 17 : i64, tpu.core_type = #tpu.core_type<sc_vector_subcore>, window_params = [{transform_indices = #map}, {transform_indices = #map}, {transform_indices = #map}, {transform_indices = #map1}, {transform_indices = #map2}, {transform_indices = #map1}, {transform_indices = #map2}]} {
    %mul3A = arith.constant 2 : i32
    %mul3A_0 = arith.muli %arg1, %mul3A : i32
    %add3A = arith.addi %mul3A_0, %arg0 : i32
    %jit3A = arith.constant 2 : i32
    %div3A = arith.divsi %add3A, %jit3A : i32
    %sign3A = arith.constant 0 : i32
    %sign3A_1 = arith.cmpi sgt, %add3A, %sign3A : i32
    %sign3A_2 = arith.extui %sign3A_1 : i1 to i32
    %sign3A_3 = arith.constant 0 : i32
    %sign3A_4 = arith.cmpi slt, %add3A, %sign3A_3 : i32
    %sign3A_5 = arith.extui %sign3A_4 : i1 to i32
    %sign3A_6 = arith.subi %sign3A_2, %sign3A_5 : i32
    %sign3A_7 = arith.constant 0 : i32
    %sign3A_8 = arith.cmpi sgt, %jit3A, %sign3A_7 : i32
    %sign3A_9 = arith.extui %sign3A_8 : i1 to i32
    %sign3A_10 = arith.constant 0 : i32
    %sign3A_11 = arith.cmpi slt, %jit3A, %sign3A_10 : i32
    %sign3A_12 = arith.extui %sign3A_11 : i1 to i32
    %sign3A_13 = arith.subi %sign3A_9, %sign3A_12 : i32
    %ne3A = arith.cmpi ne, %sign3A_6, %sign3A_13 : i32
    %rem3A = arith.remsi %add3A, %jit3A : i32
    %ne3A_14 = arith.constant 0 : i32
    %ne3A_15 = arith.cmpi ne, %rem3A, %ne3A_14 : i32
    %and3A = arith.andi %ne3A, %ne3A_15 : i1
    %sub3A = arith.constant 1 : i32
    %sub3A_16 = arith.subi %div3A, %sub3A : i32
    %select_n3A = arith.select %and3A, %sub3A_16, %div3A : i32
    %jit3A_17 = arith.constant 2 : i32
    %eq3A = arith.constant 0 : i32
    %eq3A_18 = arith.cmpi eq, %jit3A_17, %eq3A : i32
    %jit3A_19 = arith.constant 1 : i32
    %select_n3A_20 = arith.select %eq3A_18, %jit3A_19, %jit3A_17 : i32
    %rem3A_21 = arith.remsi %add3A, %select_n3A_20 : i32
    %ne3A_22 = arith.constant 0 : i32
    %ne3A_23 = arith.cmpi ne, %rem3A_21, %ne3A_22 : i32
    %lt3A = arith.constant 0 : i32
    %lt3A_24 = arith.cmpi slt, %rem3A_21, %lt3A : i32
    %lt3A_25 = arith.constant 0 : i32
    %lt3A_26 = arith.cmpi slt, %select_n3A_20, %lt3A_25 : i32
    %ne3A_27 = arith.xori %lt3A_24, %lt3A_26 : i1
    %and3A_28 = arith.andi %ne3A_27, %ne3A_23 : i1
    %add3A_29 = arith.addi %rem3A_21, %select_n3A_20 : i32
    %select_n3A_30 = arith.select %and3A_28, %add3A_29, %rem3A_21 : i32
    %jit3A_31 = arith.constant 4 : i32
    %div3A_32 = arith.divsi %select_n3A, %jit3A_31 : i32
    %sign3A_33 = arith.constant 0 : i32
    %sign3A_34 = arith.cmpi sgt, %select_n3A, %sign3A_33 : i32
    %sign3A_35 = arith.extui %sign3A_34 : i1 to i32
    %sign3A_36 = arith.constant 0 : i32
    %sign3A_37 = arith.cmpi slt, %select_n3A, %sign3A_36 : i32
    %sign3A_38 = arith.extui %sign3A_37 : i1 to i32
    %sign3A_39 = arith.subi %sign3A_35, %sign3A_38 : i32
    %sign3A_40 = arith.constant 0 : i32
    %sign3A_41 = arith.cmpi sgt, %jit3A_31, %sign3A_40 : i32
    %sign3A_42 = arith.extui %sign3A_41 : i1 to i32
    %sign3A_43 = arith.constant 0 : i32
    %sign3A_44 = arith.cmpi slt, %jit3A_31, %sign3A_43 : i32
    %sign3A_45 = arith.extui %sign3A_44 : i1 to i32
    %sign3A_46 = arith.subi %sign3A_42, %sign3A_45 : i32
    %ne3A_47 = arith.cmpi ne, %sign3A_39, %sign3A_46 : i32
    %rem3A_48 = arith.remsi %select_n3A, %jit3A_31 : i32
    %ne3A_49 = arith.constant 0 : i32
    %ne3A_50 = arith.cmpi ne, %rem3A_48, %ne3A_49 : i32
    %and3A_51 = arith.andi %ne3A_47, %ne3A_50 : i1
    %sub3A_52 = arith.constant 1 : i32
    %sub3A_53 = arith.subi %div3A_32, %sub3A_52 : i32
    %select_n3A_54 = arith.select %and3A_51, %sub3A_53, %div3A_32 : i32
    %jit3A_55 = arith.constant 4 : i32
    %eq3A_56 = arith.constant 0 : i32
    %eq3A_57 = arith.cmpi eq, %jit3A_55, %eq3A_56 : i32
    %jit3A_58 = arith.constant 1 : i32
    %select_n3A_59 = arith.select %eq3A_57, %jit3A_58, %jit3A_55 : i32
    %rem3A_60 = arith.remsi %select_n3A, %select_n3A_59 : i32
    %ne3A_61 = arith.constant 0 : i32
    %ne3A_62 = arith.cmpi ne, %rem3A_60, %ne3A_61 : i32
    %lt3A_63 = arith.constant 0 : i32
    %lt3A_64 = arith.cmpi slt, %rem3A_60, %lt3A_63 : i32
    %lt3A_65 = arith.constant 0 : i32
    %lt3A_66 = arith.cmpi slt, %select_n3A_59, %lt3A_65 : i32
    %ne3A_67 = arith.xori %lt3A_64, %lt3A_66 : i1
    %and3A_68 = arith.andi %ne3A_67, %ne3A_62 : i1
    %add3A_69 = arith.addi %rem3A_60, %select_n3A_59 : i32
    %select_n3A_70 = arith.select %and3A_68, %add3A_69, %rem3A_60 : i32
    "tpu.region"() ({
      %run_scoped3A = tpu.sem_alloc : memref<!tpu.dma_semaphore, #tpu.memory_space<semaphore_mem>>
      %dma_start3A_402 = arith.constant 0 : i32
      %dma_start3A_403 = tpu.memref_slice %arg9[%dma_start3A_402] : memref<10240xf32, #tpu.memory_space<vmem>> -> memref<10000xf32, #tpu.memory_space<vmem>>
      %dma_start3A_404 = arith.constant 0 : i32
      %dma_start3A_405 = tpu.memref_slice %arg9[%dma_start3A_404] : memref<10240xf32, #tpu.memory_space<vmem>> -> memref<10000xf32, #tpu.memory_space<vmem>>
      tpu.enqueue_dma source(%arg2 : memref<10000xf32, #tpu.memory_space<hbm>>) target(%dma_start3A_405 : memref<10000xf32, #tpu.memory_space<vmem>>) target_semaphore(%run_scoped3A : memref<!tpu.dma_semaphore, #tpu.memory_space<semaphore_mem>>)
      %dma_wait3A_406 = arith.constant 0 : i32
      %dma_wait3A_407 = tpu.memref_slice %arg9[%dma_wait3A_406] : memref<10240xf32, #tpu.memory_space<vmem>> -> memref<10000xf32, #tpu.memory_space<vmem>>
      %dma_wait3A_408 = arith.constant 0 : i32
      %dma_wait3A_409 = tpu.memref_slice %arg9[%dma_wait3A_408] : memref<10240xf32, #tpu.memory_space<vmem>> -> memref<10000xf32, #tpu.memory_space<vmem>>
      tpu.wait_dma2 semaphore(%run_scoped3A : memref<!tpu.dma_semaphore, #tpu.memory_space<semaphore_mem>>) src(%arg2 : memref<10000xf32, #tpu.memory_space<hbm>>) dst(%dma_wait3A_409 : memref<10000xf32, #tpu.memory_space<vmem>>)
      tpu.yield
    }) : () -> ()
    "tpu.region"() ({
      %run_scoped3A = tpu.sem_alloc : memref<!tpu.dma_semaphore, #tpu.memory_space<semaphore_mem>>
      %dma_start3A_402 = arith.constant 0 : i32
      %dma_start3A_403 = tpu.memref_slice %arg6[%add3A, %dma_start3A_402] : memref<32x32xf32, #tpu.memory_space<hbm>> -> memref<1x32xf32, #tpu.memory_space<hbm>>
      %dma_start3A_404 = tpu.memref_squeeze %dma_start3A_403 : memref<1x32xf32, #tpu.memory_space<hbm>> -> memref<32xf32, #tpu.memory_space<hbm>>
      %dma_start3A_405 = arith.constant 0 : i32
      %dma_start3A_406 = tpu.memref_slice %arg6[%add3A, %dma_start3A_405] : memref<32x32xf32, #tpu.memory_space<hbm>> -> memref<1x32xf32, #tpu.memory_space<hbm>>
      %dma_start3A_407 = tpu.memref_squeeze %dma_start3A_406 : memref<1x32xf32, #tpu.memory_space<hbm>> -> memref<32xf32, #tpu.memory_space<hbm>>
      tpu.enqueue_dma source(%dma_start3A_407 : memref<32xf32, #tpu.memory_space<hbm>>) target(%arg10 : memref<32xf32, #tpu.memory_space<vmem>>) target_semaphore(%run_scoped3A : memref<!tpu.dma_semaphore, #tpu.memory_space<semaphore_mem>>)
      %dma_wait3A_408 = arith.constant 0 : i32
      %dma_wait3A_409 = tpu.memref_slice %arg6[%add3A, %dma_wait3A_408] : memref<32x32xf32, #tpu.memory_space<hbm>> -> memref<1x32xf32, #tpu.memory_space<hbm>>
      %dma_wait3A_410 = tpu.memref_squeeze %dma_wait3A_409 : memref<1x32xf32, #tpu.memory_space<hbm>> -> memref<32xf32, #tpu.memory_space<hbm>>
      %dma_wait3A_411 = arith.constant 0 : i32
      %dma_wait3A_412 = tpu.memref_slice %arg6[%add3A, %dma_wait3A_411] : memref<32x32xf32, #tpu.memory_space<hbm>> -> memref<1x32xf32, #tpu.memory_space<hbm>>
      %dma_wait3A_413 = tpu.memref_squeeze %dma_wait3A_412 : memref<1x32xf32, #tpu.memory_space<hbm>> -> memref<32xf32, #tpu.memory_space<hbm>>
      tpu.wait_dma2 semaphore(%run_scoped3A : memref<!tpu.dma_semaphore, #tpu.memory_space<semaphore_mem>>) src(%dma_wait3A_413 : memref<32xf32, #tpu.memory_space<hbm>>) dst(%arg10 : memref<32xf32, #tpu.memory_space<vmem>>)
      tpu.yield
    }) : () -> ()
    %broadcast_in_dim3A = arith.constant 0.000000e+00 : f32
    %broadcast_in_dim3A_71 = vector.broadcast %broadcast_in_dim3A : f32 to vector<16xf32>
    %scan3A = arith.constant 0 : i32
    %scan3A_72 = arith.constant 0 : i32
    %scan3A_73 = arith.constant 640 : i32
    %scan3A_74 = arith.addi %scan3A_72, %scan3A_73 : i32
    %scan3A_75 = arith.constant 1 : i32
    scf.for %scan3A_402 = %scan3A_72 to %scan3A_74 step %scan3A_75  : i32 {
      %mul3A_403 = arith.constant 16 : i32
      %mul3A_404 = arith.muli %scan3A_402, %mul3A_403 : i32
      %swap3A = arith.index_cast %mul3A_404 : i32 to index
      %swap3A_405 = tpu.vector_load %arg11[%swap3A] {strides = array<i32>} : memref<10240xf32, #tpu.memory_space<vmem>>, vector<16xf32>,
      tpu.vector_store %arg11[%swap3A], %broadcast_in_dim3A_71 {strides = array<i32>} : memref<10240xf32, #tpu.memory_space<vmem>>, vector<16xf32>,
      %mul3A_406 = arith.constant 16 : i32
      %mul3A_407 = arith.muli %scan3A_402, %mul3A_406 : i32
      %swap3A_408 = arith.index_cast %mul3A_407 : i32 to index
      %swap3A_409 = tpu.vector_load %arg12[%swap3A_408] {strides = array<i32>} : memref<10240xf32, #tpu.memory_space<vmem>>, vector<16xf32>,
      tpu.vector_store %arg12[%swap3A_408], %broadcast_in_dim3A_71 {strides = array<i32>} : memref<10240xf32, #tpu.memory_space<vmem>>, vector<16xf32>,
      %mul3A_410 = arith.constant 16 : i32
      %mul3A_411 = arith.muli %scan3A_402, %mul3A_410 : i32
      %swap3A_412 = arith.index_cast %mul3A_411 : i32 to index
      %swap3A_413 = tpu.vector_load %arg13[%swap3A_412] {strides = array<i32>} : memref<10240xf32, #tpu.memory_space<vmem>>, vector<16xf32>,
      tpu.vector_store %arg13[%swap3A_412], %broadcast_in_dim3A_71 {strides = array<i32>} : memref<10240xf32, #tpu.memory_space<vmem>>, vector<16xf32>,
      %mul3A_414 = arith.constant 16 : i32
      %mul3A_415 = arith.muli %scan3A_402, %mul3A_414 : i32
      %swap3A_416 = arith.index_cast %mul3A_415 : i32 to index
      %swap3A_417 = tpu.vector_load %arg14[%swap3A_416] {strides = array<i32>} : memref<10240xf32, #tpu.memory_space<vmem>>, vector<16xf32>,
      tpu.vector_store %arg14[%swap3A_416], %broadcast_in_dim3A_71 {strides = array<i32>} : memref<10240xf32, #tpu.memory_space<vmem>>, vector<16xf32>,
      %mul3A_418 = arith.constant 16 : i32
      %mul3A_419 = arith.muli %scan3A_402, %mul3A_418 : i32
      %swap3A_420 = arith.index_cast %mul3A_419 : i32 to index
      %swap3A_421 = tpu.vector_load %arg15[%swap3A_420] {strides = array<i32>} : memref<10240xf32, #tpu.memory_space<vmem>>, vector<16xf32>,
      tpu.vector_store %arg15[%swap3A_420], %broadcast_in_dim3A_71 {strides = array<i32>} : memref<10240xf32, #tpu.memory_space<vmem>>, vector<16xf32>,
      %mul3A_422 = arith.constant 16 : i32
      %mul3A_423 = arith.muli %scan3A_402, %mul3A_422 : i32
      %swap3A_424 = arith.index_cast %mul3A_423 : i32 to index
      %swap3A_425 = tpu.vector_load %arg16[%swap3A_424] {strides = array<i32>} : memref<10240xf32, #tpu.memory_space<vmem>>, vector<16xf32>,
      tpu.vector_store %arg16[%swap3A_424], %broadcast_in_dim3A_71 {strides = array<i32>} : memref<10240xf32, #tpu.memory_space<vmem>>, vector<16xf32>,
      %mul3A_426 = arith.constant 16 : i32
      %mul3A_427 = arith.muli %scan3A_402, %mul3A_426 : i32
      %swap3A_428 = arith.index_cast %mul3A_427 : i32 to index
      %swap3A_429 = tpu.vector_load %arg17[%swap3A_428] {strides = array<i32>} : memref<10240xf32, #tpu.memory_space<vmem>>, vector<16xf32>,
      tpu.vector_store %arg17[%swap3A_428], %broadcast_in_dim3A_71 {strides = array<i32>} : memref<10240xf32, #tpu.memory_space<vmem>>, vector<16xf32>,
      %mul3A_430 = arith.constant 16 : i32
      %mul3A_431 = arith.muli %scan3A_402, %mul3A_430 : i32
      %swap3A_432 = arith.index_cast %mul3A_431 : i32 to index
      %swap3A_433 = tpu.vector_load %arg18[%swap3A_432] {strides = array<i32>} : memref<10240xf32, #tpu.memory_space<vmem>>, vector<16xf32>,
      tpu.vector_store %arg18[%swap3A_432], %broadcast_in_dim3A_71 {strides = array<i32>} : memref<10240xf32, #tpu.memory_space<vmem>>, vector<16xf32>,
      %mul3A_434 = arith.constant 16 : i32
      %mul3A_435 = arith.muli %scan3A_402, %mul3A_434 : i32
      %swap3A_436 = arith.index_cast %mul3A_435 : i32 to index
      %swap3A_437 = tpu.vector_load %arg19[%swap3A_436] {strides = array<i32>} : memref<10240xf32, #tpu.memory_space<vmem>>, vector<16xf32>,
      tpu.vector_store %arg19[%swap3A_436], %broadcast_in_dim3A_71 {strides = array<i32>} : memref<10240xf32, #tpu.memory_space<vmem>>, vector<16xf32>,
    }
    %scan3A_76 = arith.constant 640 : i32
    %get3A = arith.constant 0 : index
    %get3A_77 = tpu.vector_load %arg10[%get3A] {strides = array<i32>} : memref<32xf32, #tpu.memory_space<vmem>>, vector<16xf32>,
    %get3A_78 = arith.constant 16 : index
    %get3A_79 = tpu.vector_load %arg10[%get3A_78] {strides = array<i32>} : memref<32xf32, #tpu.memory_space<vmem>>, vector<16xf32>,
    %mul3A_80 = arith.constant 160000 : i32
    %mul3A_81 = arith.muli %select_n3A_30, %mul3A_80 : i32
    %add3A_82 = arith.constant 0 : i32
    %add3A_83 = arith.addi %mul3A_81, %add3A_82 : i32
    %dma_start3A = arith.constant 0 : i32
    %dma_start3A_84 = arith.constant 0 : i32
    %dma_start3A_85 = tpu.memref_slice %arg20[%dma_start3A, %dma_start3A_84] : memref<2x1280xi32, #tpu.memory_space<vmem>> -> memref<1x1280xi32, #tpu.memory_space<vmem>>
    %dma_start3A_86 = tpu.memref_squeeze %dma_start3A_85 : memref<1x1280xi32, #tpu.memory_space<vmem>> -> memref<1280xi32, #tpu.memory_space<vmem>>
    %dma_start3A_87 = tpu.memref_slice %arg3[%add3A_83] : memref<320000xi32, #tpu.memory_space<hbm>> -> memref<1280xi32, #tpu.memory_space<hbm>>
    %dma_start3A_88 = arith.constant 0 : i32
    %dma_start3A_89 = tpu.memref_slice %arg20[%dma_start3A, %dma_start3A_88] : memref<2x1280xi32, #tpu.memory_space<vmem>> -> memref<1x1280xi32, #tpu.memory_space<vmem>>
    %dma_start3A_90 = tpu.memref_squeeze %dma_start3A_89 : memref<1x1280xi32, #tpu.memory_space<vmem>> -> memref<1280xi32, #tpu.memory_space<vmem>>
    %dma_start3A_91 = tpu.memref_slice %arg3[%add3A_83] : memref<320000xi32, #tpu.memory_space<hbm>> -> memref<1280xi32, #tpu.memory_space<hbm>>
    tpu.enqueue_dma source(%dma_start3A_91 : memref<1280xi32, #tpu.memory_space<hbm>>) target(%dma_start3A_90 : memref<1280xi32, #tpu.memory_space<vmem>>) target_semaphore(%arg24 : memref<!tpu.dma_semaphore, #tpu.memory_space<semaphore_mem>>)
    %dma_start3A_92 = arith.constant 0 : i32
    %dma_start3A_93 = arith.constant 0 : i32
    %dma_start3A_94 = tpu.memref_slice %arg21[%dma_start3A_92, %dma_start3A_93] : memref<2x1280xi32, #tpu.memory_space<vmem>> -> memref<1x1280xi32, #tpu.memory_space<vmem>>
    %dma_start3A_95 = tpu.memref_squeeze %dma_start3A_94 : memref<1x1280xi32, #tpu.memory_space<vmem>> -> memref<1280xi32, #tpu.memory_space<vmem>>
    %dma_start3A_96 = tpu.memref_slice %arg4[%add3A_83] : memref<320000xi32, #tpu.memory_space<hbm>> -> memref<1280xi32, #tpu.memory_space<hbm>>
    %dma_start3A_97 = arith.constant 0 : i32
    %dma_start3A_98 = tpu.memref_slice %arg21[%dma_start3A_92, %dma_start3A_97] : memref<2x1280xi32, #tpu.memory_space<vmem>> -> memref<1x1280xi32, #tpu.memory_space<vmem>>
    %dma_start3A_99 = tpu.memref_squeeze %dma_start3A_98 : memref<1x1280xi32, #tpu.memory_space<vmem>> -> memref<1280xi32, #tpu.memory_space<vmem>>
    %dma_start3A_100 = tpu.memref_slice %arg4[%add3A_83] : memref<320000xi32, #tpu.memory_space<hbm>> -> memref<1280xi32, #tpu.memory_space<hbm>>
    tpu.enqueue_dma source(%dma_start3A_100 : memref<1280xi32, #tpu.memory_space<hbm>>) target(%dma_start3A_99 : memref<1280xi32, #tpu.memory_space<vmem>>) target_semaphore(%arg24 : memref<!tpu.dma_semaphore, #tpu.memory_space<semaphore_mem>>)
    %dma_start3A_101 = arith.constant 0 : i32
    %dma_start3A_102 = arith.constant 0 : i32
    %dma_start3A_103 = arith.constant 0 : i32
    %dma_start3A_104 = tpu.memref_slice %arg22[%dma_start3A_101, %dma_start3A_102, %dma_start3A_103] : memref<2x4x1280xf32, #tpu.memory_space<vmem>> -> memref<1x4x1280xf32, #tpu.memory_space<vmem>>
    %dma_start3A_105 = tpu.memref_squeeze %dma_start3A_104 : memref<1x4x1280xf32, #tpu.memory_space<vmem>> -> memref<4x1280xf32, #tpu.memory_space<vmem>>
    %dma_start3A_106 = arith.constant 0 : i32
    %dma_start3A_107 = tpu.memref_slice %arg5[%select_n3A_70, %dma_start3A_106, %add3A_83] : memref<4x4x320000xf32, #tpu.memory_space<hbm>> -> memref<1x4x1280xf32, #tpu.memory_space<hbm>>
    %dma_start3A_108 = tpu.memref_squeeze %dma_start3A_107 : memref<1x4x1280xf32, #tpu.memory_space<hbm>> -> memref<4x1280xf32, #tpu.memory_space<hbm>>
    %dma_start3A_109 = arith.constant 0 : i32
    %dma_start3A_110 = arith.constant 0 : i32
    %dma_start3A_111 = tpu.memref_slice %arg22[%dma_start3A_101, %dma_start3A_109, %dma_start3A_110] : memref<2x4x1280xf32, #tpu.memory_space<vmem>> -> memref<1x4x1280xf32, #tpu.memory_space<vmem>>
    %dma_start3A_112 = tpu.memref_squeeze %dma_start3A_111 : memref<1x4x1280xf32, #tpu.memory_space<vmem>> -> memref<4x1280xf32, #tpu.memory_space<vmem>>
    %dma_start3A_113 = arith.constant 0 : i32
    %dma_start3A_114 = tpu.memref_slice %arg5[%select_n3A_70, %dma_start3A_113, %add3A_83] : memref<4x4x320000xf32, #tpu.memory_space<hbm>> -> memref<1x4x1280xf32, #tpu.memory_space<hbm>>
    %dma_start3A_115 = tpu.memref_squeeze %dma_start3A_114 : memref<1x4x1280xf32, #tpu.memory_space<hbm>> -> memref<4x1280xf32, #tpu.memory_space<hbm>>
    tpu.enqueue_dma source(%dma_start3A_115 : memref<4x1280xf32, #tpu.memory_space<hbm>>) target(%dma_start3A_112 : memref<4x1280xf32, #tpu.memory_space<vmem>>) target_semaphore(%arg24 : memref<!tpu.dma_semaphore, #tpu.memory_space<semaphore_mem>>)
    %add3A_116 = arith.constant 1280 : i32
    %add3A_117 = arith.addi %mul3A_81, %add3A_116 : i32
    %dma_start3A_118 = arith.constant 1 : i32
    %dma_start3A_119 = arith.constant 0 : i32
    %dma_start3A_120 = tpu.memref_slice %arg20[%dma_start3A_118, %dma_start3A_119] : memref<2x1280xi32, #tpu.memory_space<vmem>> -> memref<1x1280xi32, #tpu.memory_space<vmem>>
    %dma_start3A_121 = tpu.memref_squeeze %dma_start3A_120 : memref<1x1280xi32, #tpu.memory_space<vmem>> -> memref<1280xi32, #tpu.memory_space<vmem>>
    %dma_start3A_122 = tpu.memref_slice %arg3[%add3A_117] : memref<320000xi32, #tpu.memory_space<hbm>> -> memref<1280xi32, #tpu.memory_space<hbm>>
    %dma_start3A_123 = arith.constant 0 : i32
    %dma_start3A_124 = tpu.memref_slice %arg20[%dma_start3A_118, %dma_start3A_123] : memref<2x1280xi32, #tpu.memory_space<vmem>> -> memref<1x1280xi32, #tpu.memory_space<vmem>>
    %dma_start3A_125 = tpu.memref_squeeze %dma_start3A_124 : memref<1x1280xi32, #tpu.memory_space<vmem>> -> memref<1280xi32, #tpu.memory_space<vmem>>
    %dma_start3A_126 = tpu.memref_slice %arg3[%add3A_117] : memref<320000xi32, #tpu.memory_space<hbm>> -> memref<1280xi32, #tpu.memory_space<hbm>>
    tpu.enqueue_dma source(%dma_start3A_126 : memref<1280xi32, #tpu.memory_space<hbm>>) target(%dma_start3A_125 : memref<1280xi32, #tpu.memory_space<vmem>>) target_semaphore(%arg25 : memref<!tpu.dma_semaphore, #tpu.memory_space<semaphore_mem>>)
    %dma_start3A_127 = arith.constant 1 : i32
    %dma_start3A_128 = arith.constant 0 : i32
    %dma_start3A_129 = tpu.memref_slice %arg21[%dma_start3A_127, %dma_start3A_128] : memref<2x1280xi32, #tpu.memory_space<vmem>> -> memref<1x1280xi32, #tpu.memory_space<vmem>>
    %dma_start3A_130 = tpu.memref_squeeze %dma_start3A_129 : memref<1x1280xi32, #tpu.memory_space<vmem>> -> memref<1280xi32, #tpu.memory_space<vmem>>
    %dma_start3A_131 = tpu.memref_slice %arg4[%add3A_117] : memref<320000xi32, #tpu.memory_space<hbm>> -> memref<1280xi32, #tpu.memory_space<hbm>>
    %dma_start3A_132 = arith.constant 0 : i32
    %dma_start3A_133 = tpu.memref_slice %arg21[%dma_start3A_127, %dma_start3A_132] : memref<2x1280xi32, #tpu.memory_space<vmem>> -> memref<1x1280xi32, #tpu.memory_space<vmem>>
    %dma_start3A_134 = tpu.memref_squeeze %dma_start3A_133 : memref<1x1280xi32, #tpu.memory_space<vmem>> -> memref<1280xi32, #tpu.memory_space<vmem>>
    %dma_start3A_135 = tpu.memref_slice %arg4[%add3A_117] : memref<320000xi32, #tpu.memory_space<hbm>> -> memref<1280xi32, #tpu.memory_space<hbm>>
    tpu.enqueue_dma source(%dma_start3A_135 : memref<1280xi32, #tpu.memory_space<hbm>>) target(%dma_start3A_134 : memref<1280xi32, #tpu.memory_space<vmem>>) target_semaphore(%arg25 : memref<!tpu.dma_semaphore, #tpu.memory_space<semaphore_mem>>)
    %dma_start3A_136 = arith.constant 1 : i32
    %dma_start3A_137 = arith.constant 0 : i32
    %dma_start3A_138 = arith.constant 0 : i32
    %dma_start3A_139 = tpu.memref_slice %arg22[%dma_start3A_136, %dma_start3A_137, %dma_start3A_138] : memref<2x4x1280xf32, #tpu.memory_space<vmem>> -> memref<1x4x1280xf32, #tpu.memory_space<vmem>>
    %dma_start3A_140 = tpu.memref_squeeze %dma_start3A_139 : memref<1x4x1280xf32, #tpu.memory_space<vmem>> -> memref<4x1280xf32, #tpu.memory_space<vmem>>
    %dma_start3A_141 = arith.constant 0 : i32
    %dma_start3A_142 = tpu.memref_slice %arg5[%select_n3A_70, %dma_start3A_141, %add3A_117] : memref<4x4x320000xf32, #tpu.memory_space<hbm>> -> memref<1x4x1280xf32, #tpu.memory_space<hbm>>
    %dma_start3A_143 = tpu.memref_squeeze %dma_start3A_142 : memref<1x4x1280xf32, #tpu.memory_space<hbm>> -> memref<4x1280xf32, #tpu.memory_space<hbm>>
    %dma_start3A_144 = arith.constant 0 : i32
    %dma_start3A_145 = arith.constant 0 : i32
    %dma_start3A_146 = tpu.memref_slice %arg22[%dma_start3A_136, %dma_start3A_144, %dma_start3A_145] : memref<2x4x1280xf32, #tpu.memory_space<vmem>> -> memref<1x4x1280xf32, #tpu.memory_space<vmem>>
    %dma_start3A_147 = tpu.memref_squeeze %dma_start3A_146 : memref<1x4x1280xf32, #tpu.memory_space<vmem>> -> memref<4x1280xf32, #tpu.memory_space<vmem>>
    %dma_start3A_148 = arith.constant 0 : i32
    %dma_start3A_149 = tpu.memref_slice %arg5[%select_n3A_70, %dma_start3A_148, %add3A_117] : memref<4x4x320000xf32, #tpu.memory_space<hbm>> -> memref<1x4x1280xf32, #tpu.memory_space<hbm>>
    %dma_start3A_150 = tpu.memref_squeeze %dma_start3A_149 : memref<1x4x1280xf32, #tpu.memory_space<hbm>> -> memref<4x1280xf32, #tpu.memory_space<hbm>>
    tpu.enqueue_dma source(%dma_start3A_150 : memref<4x1280xf32, #tpu.memory_space<hbm>>) target(%dma_start3A_147 : memref<4x1280xf32, #tpu.memory_space<vmem>>) target_semaphore(%arg25 : memref<!tpu.dma_semaphore, #tpu.memory_space<semaphore_mem>>)
    %scan3A_151 = arith.constant 0 : i32
    %scan3A_152 = arith.constant 0 : i32
    %scan3A_153 = arith.constant 62 : i32
    %scan3A_154 = arith.addi %scan3A_152, %scan3A_153 : i32
    %scan3A_155 = arith.constant 1 : i32
    scf.for %scan3A_402 = %scan3A_152 to %scan3A_154 step %scan3A_155  : i32 {
      %mul3A_403 = arith.constant 2 : i32
      %mul3A_404 = arith.muli %scan3A_402, %mul3A_403 : i32
      %add3A_405 = arith.constant 0 : i32
      %add3A_406 = arith.addi %mul3A_404, %add3A_405 : i32
      %dma_wait3A_407 = arith.constant 0 : i32
      %dma_wait3A_408 = arith.constant 0 : i32
      %dma_wait3A_409 = tpu.memref_slice %arg20[%dma_wait3A_407, %dma_wait3A_408] : memref<2x1280xi32, #tpu.memory_space<vmem>> -> memref<1x1280xi32, #tpu.memory_space<vmem>>
      %dma_wait3A_410 = tpu.memref_squeeze %dma_wait3A_409 : memref<1x1280xi32, #tpu.memory_space<vmem>> -> memref<1280xi32, #tpu.memory_space<vmem>>
      %dma_wait3A_411 = arith.constant 0 : i32
      %dma_wait3A_412 = tpu.memref_slice %arg3[%dma_wait3A_411] : memref<320000xi32, #tpu.memory_space<hbm>> -> memref<1280xi32, #tpu.memory_space<hbm>>
      %dma_wait3A_413 = arith.constant 0 : i32
      %dma_wait3A_414 = tpu.memref_slice %arg20[%dma_wait3A_407, %dma_wait3A_413] : memref<2x1280xi32, #tpu.memory_space<vmem>> -> memref<1x1280xi32, #tpu.memory_space<vmem>>
      %dma_wait3A_415 = tpu.memref_squeeze %dma_wait3A_414 : memref<1x1280xi32, #tpu.memory_space<vmem>> -> memref<1280xi32, #tpu.memory_space<vmem>>
      %dma_wait3A_416 = arith.constant 0 : i32
      %dma_wait3A_417 = tpu.memref_slice %arg3[%dma_wait3A_416] : memref<320000xi32, #tpu.memory_space<hbm>> -> memref<1280xi32, #tpu.memory_space<hbm>>
      tpu.wait_dma2 semaphore(%arg24 : memref<!tpu.dma_semaphore, #tpu.memory_space<semaphore_mem>>) src(%dma_wait3A_417 : memref<1280xi32, #tpu.memory_space<hbm>>) dst(%dma_wait3A_415 : memref<1280xi32, #tpu.memory_space<vmem>>)
      %dma_wait3A_418 = arith.constant 0 : i32
      %dma_wait3A_419 = arith.constant 0 : i32
      %dma_wait3A_420 = tpu.memref_slice %arg21[%dma_wait3A_418, %dma_wait3A_419] : memref<2x1280xi32, #tpu.memory_space<vmem>> -> memref<1x1280xi32, #tpu.memory_space<vmem>>
      %dma_wait3A_421 = tpu.memref_squeeze %dma_wait3A_420 : memref<1x1280xi32, #tpu.memory_space<vmem>> -> memref<1280xi32, #tpu.memory_space<vmem>>
      %dma_wait3A_422 = arith.constant 0 : i32
      %dma_wait3A_423 = tpu.memref_slice %arg4[%dma_wait3A_422] : memref<320000xi32, #tpu.memory_space<hbm>> -> memref<1280xi32, #tpu.memory_space<hbm>>
      %dma_wait3A_424 = arith.constant 0 : i32
      %dma_wait3A_425 = tpu.memref_slice %arg21[%dma_wait3A_418, %dma_wait3A_424] : memref<2x1280xi32, #tpu.memory_space<vmem>> -> memref<1x1280xi32, #tpu.memory_space<vmem>>
      %dma_wait3A_426 = tpu.memref_squeeze %dma_wait3A_425 : memref<1x1280xi32, #tpu.memory_space<vmem>> -> memref<1280xi32, #tpu.memory_space<vmem>>
      %dma_wait3A_427 = arith.constant 0 : i32
      %dma_wait3A_428 = tpu.memref_slice %arg4[%dma_wait3A_427] : memref<320000xi32, #tpu.memory_space<hbm>> -> memref<1280xi32, #tpu.memory_space<hbm>>
      tpu.wait_dma2 semaphore(%arg24 : memref<!tpu.dma_semaphore, #tpu.memory_space<semaphore_mem>>) src(%dma_wait3A_428 : memref<1280xi32, #tpu.memory_space<hbm>>) dst(%dma_wait3A_426 : memref<1280xi32, #tpu.memory_space<vmem>>)
      %dma_wait3A_429 = arith.constant 0 : i32
      %dma_wait3A_430 = arith.constant 0 : i32
      %dma_wait3A_431 = arith.constant 0 : i32
      %dma_wait3A_432 = arith.constant 0 : i32
      %dma_wait3A_433 = tpu.memref_slice %arg22[%dma_wait3A_430, %dma_wait3A_431, %dma_wait3A_432] : memref<2x4x1280xf32, #tpu.memory_space<vmem>> -> memref<1x4x1280xf32, #tpu.memory_space<vmem>>
      %dma_wait3A_434 = tpu.memref_squeeze %dma_wait3A_433 : memref<1x4x1280xf32, #tpu.memory_space<vmem>> -> memref<4x1280xf32, #tpu.memory_space<vmem>>
      %dma_wait3A_435 = arith.constant 0 : i32
      %dma_wait3A_436 = arith.constant 0 : i32
      %dma_wait3A_437 = tpu.memref_slice %arg5[%dma_wait3A_429, %dma_wait3A_435, %dma_wait3A_436] : memref<4x4x320000xf32, #tpu.memory_space<hbm>> -> memref<1x4x1280xf32, #tpu.memory_space<hbm>>
      %dma_wait3A_438 = tpu.memref_squeeze %dma_wait3A_437 : memref<1x4x1280xf32, #tpu.memory_space<hbm>> -> memref<4x1280xf32, #tpu.memory_space<hbm>>
      %dma_wait3A_439 = arith.constant 0 : i32
      %dma_wait3A_440 = arith.constant 0 : i32
      %dma_wait3A_441 = tpu.memref_slice %arg22[%dma_wait3A_430, %dma_wait3A_439, %dma_wait3A_440] : memref<2x4x1280xf32, #tpu.memory_space<vmem>> -> memref<1x4x1280xf32, #tpu.memory_space<vmem>>
      %dma_wait3A_442 = tpu.memref_squeeze %dma_wait3A_441 : memref<1x4x1280xf32, #tpu.memory_space<vmem>> -> memref<4x1280xf32, #tpu.memory_space<vmem>>
      %dma_wait3A_443 = arith.constant 0 : i32
      %dma_wait3A_444 = arith.constant 0 : i32
      %dma_wait3A_445 = tpu.memref_slice %arg5[%dma_wait3A_429, %dma_wait3A_443, %dma_wait3A_444] : memref<4x4x320000xf32, #tpu.memory_space<hbm>> -> memref<1x4x1280xf32, #tpu.memory_space<hbm>>
      %dma_wait3A_446 = tpu.memref_squeeze %dma_wait3A_445 : memref<1x4x1280xf32, #tpu.memory_space<hbm>> -> memref<4x1280xf32, #tpu.memory_space<hbm>>
      tpu.wait_dma2 semaphore(%arg24 : memref<!tpu.dma_semaphore, #tpu.memory_space<semaphore_mem>>) src(%dma_wait3A_446 : memref<4x1280xf32, #tpu.memory_space<hbm>>) dst(%dma_wait3A_442 : memref<4x1280xf32, #tpu.memory_space<vmem>>)
      %parallel_loop3A_447 = arith.constant 0 : i32
      %parallel_loop3A_448 = arith.constant 80 : i32
      %parallel_loop3A_449 = arith.constant 1 : i32
      scf.for %parallel_loop3A_507 = %parallel_loop3A_447 to %parallel_loop3A_448 step %parallel_loop3A_449  : i32 {
        %parallel_loop3A_508 = arith.constant 16 : i32
        %parallel_loop3A_509 = arith.muli %parallel_loop3A_507, %parallel_loop3A_508 : i32
        %parallel_loop3A_510 = arith.constant 0 : i32
        %parallel_loop3A_511 = arith.index_cast %parallel_loop3A_510 : i32 to index
        %parallel_loop3A_512 = arith.index_cast %parallel_loop3A_509 : i32 to index
        %parallel_loop3A_513 = tpu.vector_load %arg20[%parallel_loop3A_511, %parallel_loop3A_512] {strides = array<i32>} : memref<2x1280xi32, #tpu.memory_space<vmem>>, vector<16xi32>,
        %parallel_loop3A_514 = arith.constant 16 : i32
        %parallel_loop3A_515 = arith.muli %parallel_loop3A_507, %parallel_loop3A_514 : i32
        %parallel_loop3A_516 = arith.constant 0 : i32
        %parallel_loop3A_517 = arith.index_cast %parallel_loop3A_516 : i32 to index
        %parallel_loop3A_518 = arith.index_cast %parallel_loop3A_515 : i32 to index
        %parallel_loop3A_519 = tpu.vector_load %arg21[%parallel_loop3A_517, %parallel_loop3A_518] {strides = array<i32>} : memref<2x1280xi32, #tpu.memory_space<vmem>>, vector<16xi32>,
        %parallel_loop3A_520 = tpu.vector_load_idx %arg9[%parallel_loop3A_513] : memref<10240xf32, #tpu.memory_space<vmem>>[vector<16xi32>], vector<16xf32>,
        %parallel_loop3A_521 = tpu.vector_load_idx %arg9[%parallel_loop3A_519] : memref<10240xf32, #tpu.memory_space<vmem>>[vector<16xi32>], vector<16xf32>,
        %parallel_loop3A_522 = arith.maximumf %parallel_loop3A_520, %parallel_loop3A_521 : vector<16xf32>
        %parallel_loop3A_523 = arith.constant 0.000000e+00 : f32
        %parallel_loop3A_524 = vector.broadcast %parallel_loop3A_523 : f32 to vector<16xf32>
        %parallel_loop3A_525 = arith.subf %parallel_loop3A_524, %parallel_loop3A_522 : vector<16xf32>
        %parallel_loop3A_526 = math.exp %parallel_loop3A_525 : vector<16xf32>
        %parallel_loop3A_527 = arith.mulf %parallel_loop3A_526, %get3A_77 : vector<16xf32>
        %parallel_loop3A_528 = arith.constant 1.000000e+00 : f32
        %parallel_loop3A_529 = vector.broadcast %parallel_loop3A_528 : f32 to vector<16xf32>
        %parallel_loop3A_530 = arith.addf %parallel_loop3A_529, %parallel_loop3A_527 : vector<16xf32>
        %parallel_loop3A_531 = arith.constant 1.000000e+00 : f32
        %parallel_loop3A_532 = vector.broadcast %parallel_loop3A_531 : f32 to vector<16xf32>
        %parallel_loop3A_533 = arith.divf %parallel_loop3A_532, %parallel_loop3A_530 : vector<16xf32>
        %parallel_loop3A_534 = arith.mulf %parallel_loop3A_526, %get3A_79 : vector<16xf32>
        %parallel_loop3A_535 = arith.constant 1.000000e+00 : f32
        %parallel_loop3A_536 = vector.broadcast %parallel_loop3A_535 : f32 to vector<16xf32>
        %parallel_loop3A_537 = arith.addf %parallel_loop3A_536, %parallel_loop3A_534 : vector<16xf32>
        %parallel_loop3A_538 = arith.constant 1.000000e+00 : f32
        %parallel_loop3A_539 = vector.broadcast %parallel_loop3A_538 : f32 to vector<16xf32>
        %parallel_loop3A_540 = arith.divf %parallel_loop3A_539, %parallel_loop3A_537 : vector<16xf32>
        %parallel_loop3A_541 = arith.constant 16 : i32
        %parallel_loop3A_542 = arith.muli %parallel_loop3A_507, %parallel_loop3A_541 : i32
        %parallel_loop3A_543 = arith.constant 0 : i32
        %parallel_loop3A_544 = arith.constant 0 : i32
        %parallel_loop3A_545 = arith.index_cast %parallel_loop3A_543 : i32 to index
        %parallel_loop3A_546 = arith.index_cast %parallel_loop3A_544 : i32 to index
        %parallel_loop3A_547 = arith.index_cast %parallel_loop3A_542 : i32 to index
        %parallel_loop3A_548 = tpu.vector_load %arg22[%parallel_loop3A_545, %parallel_loop3A_546, %parallel_loop3A_547] {strides = array<i32>} : memref<2x4x1280xf32, #tpu.memory_space<vmem>>, vector<16xf32>,
        %parallel_loop3A_549 = arith.mulf %parallel_loop3A_533, %parallel_loop3A_548 : vector<16xf32>
        tpu.vector_store_idx %arg11[%parallel_loop3A_519], %parallel_loop3A_549 {add = true} : memref<10240xf32, #tpu.memory_space<vmem>>[vector<16xi32>], vector<16xf32>,
        %parallel_loop3A_550 = arith.mulf %parallel_loop3A_540, %parallel_loop3A_548 : vector<16xf32>
        tpu.vector_store_idx %arg15[%parallel_loop3A_519], %parallel_loop3A_550 {add = true} : memref<10240xf32, #tpu.memory_space<vmem>>[vector<16xi32>], vector<16xf32>,
        %parallel_loop3A_551 = arith.constant 16 : i32
        %parallel_loop3A_552 = arith.muli %parallel_loop3A_507, %parallel_loop3A_551 : i32
        %parallel_loop3A_553 = arith.constant 0 : i32
        %parallel_loop3A_554 = arith.constant 1 : i32
        %parallel_loop3A_555 = arith.index_cast %parallel_loop3A_553 : i32 to index
        %parallel_loop3A_556 = arith.index_cast %parallel_loop3A_554 : i32 to index
        %parallel_loop3A_557 = arith.index_cast %parallel_loop3A_552 : i32 to index
        %parallel_loop3A_558 = tpu.vector_load %arg22[%parallel_loop3A_555, %parallel_loop3A_556, %parallel_loop3A_557] {strides = array<i32>} : memref<2x4x1280xf32, #tpu.memory_space<vmem>>, vector<16xf32>,
        %parallel_loop3A_559 = arith.mulf %parallel_loop3A_533, %parallel_loop3A_558 : vector<16xf32>
        tpu.vector_store_idx %arg12[%parallel_loop3A_519], %parallel_loop3A_559 {add = true} : memref<10240xf32, #tpu.memory_space<vmem>>[vector<16xi32>], vector<16xf32>,
        %parallel_loop3A_560 = arith.mulf %parallel_loop3A_540, %parallel_loop3A_558 : vector<16xf32>
        tpu.vector_store_idx %arg16[%parallel_loop3A_519], %parallel_loop3A_560 {add = true} : memref<10240xf32, #tpu.memory_space<vmem>>[vector<16xi32>], vector<16xf32>,
        %parallel_loop3A_561 = arith.constant 16 : i32
        %parallel_loop3A_562 = arith.muli %parallel_loop3A_507, %parallel_loop3A_561 : i32
        %parallel_loop3A_563 = arith.constant 0 : i32
        %parallel_loop3A_564 = arith.constant 2 : i32
        %parallel_loop3A_565 = arith.index_cast %parallel_loop3A_563 : i32 to index
        %parallel_loop3A_566 = arith.index_cast %parallel_loop3A_564 : i32 to index
        %parallel_loop3A_567 = arith.index_cast %parallel_loop3A_562 : i32 to index
        %parallel_loop3A_568 = tpu.vector_load %arg22[%parallel_loop3A_565, %parallel_loop3A_566, %parallel_loop3A_567] {strides = array<i32>} : memref<2x4x1280xf32, #tpu.memory_space<vmem>>, vector<16xf32>,
        %parallel_loop3A_569 = arith.mulf %parallel_loop3A_533, %parallel_loop3A_568 : vector<16xf32>
        tpu.vector_store_idx %arg13[%parallel_loop3A_519], %parallel_loop3A_569 {add = true} : memref<10240xf32, #tpu.memory_space<vmem>>[vector<16xi32>], vector<16xf32>,
        %parallel_loop3A_570 = arith.mulf %parallel_loop3A_540, %parallel_loop3A_568 : vector<16xf32>
        tpu.vector_store_idx %arg17[%parallel_loop3A_519], %parallel_loop3A_570 {add = true} : memref<10240xf32, #tpu.memory_space<vmem>>[vector<16xi32>], vector<16xf32>,
        %parallel_loop3A_571 = arith.constant 16 : i32
        %parallel_loop3A_572 = arith.muli %parallel_loop3A_507, %parallel_loop3A_571 : i32
        %parallel_loop3A_573 = arith.constant 0 : i32
        %parallel_loop3A_574 = arith.constant 3 : i32
        %parallel_loop3A_575 = arith.index_cast %parallel_loop3A_573 : i32 to index
        %parallel_loop3A_576 = arith.index_cast %parallel_loop3A_574 : i32 to index
        %parallel_loop3A_577 = arith.index_cast %parallel_loop3A_572 : i32 to index
        %parallel_loop3A_578 = tpu.vector_load %arg22[%parallel_loop3A_575, %parallel_loop3A_576, %parallel_loop3A_577] {strides = array<i32>} : memref<2x4x1280xf32, #tpu.memory_space<vmem>>, vector<16xf32>,
        %parallel_loop3A_579 = arith.mulf %parallel_loop3A_533, %parallel_loop3A_578 : vector<16xf32>
        tpu.vector_store_idx %arg14[%parallel_loop3A_519], %parallel_loop3A_579 {add = true} : memref<10240xf32, #tpu.memory_space<vmem>>[vector<16xi32>], vector<16xf32>,
        %parallel_loop3A_580 = arith.mulf %parallel_loop3A_540, %parallel_loop3A_578 : vector<16xf32>
        tpu.vector_store_idx %arg18[%parallel_loop3A_519], %parallel_loop3A_580 {add = true} : memref<10240xf32, #tpu.memory_space<vmem>>[vector<16xi32>], vector<16xf32>,
      } {sc.loop_unroll_factor = 4 : i64, sc.parallel_access}
      %add3A_450 = arith.constant 2 : i32
      %add3A_451 = arith.addi %add3A_406, %add3A_450 : i32
      %lt3A_452 = arith.constant 125 : i32
      %lt3A_453 = arith.cmpi slt, %add3A_451, %lt3A_452 : i32
      %convert_element_type3A = arith.extui %lt3A_453 : i1 to i32
      %cond3A = arith.constant 0 : i32
      %cond3A_454 = arith.cmpi ne, %convert_element_type3A, %cond3A : i32
      scf.if %cond3A_454 {
        %add3A_507 = arith.constant 2 : i32
        %add3A_508 = arith.addi %add3A_406, %add3A_507 : i32
        %mul3A_509 = arith.constant 1280 : i32
        %mul3A_510 = arith.muli %add3A_508, %mul3A_509 : i32
        %add3A_511 = arith.addi %mul3A_81, %mul3A_510 : i32
        %dma_start3A_512 = arith.constant 0 : i32
        %dma_start3A_513 = arith.constant 0 : i32
        %dma_start3A_514 = tpu.memref_slice %arg20[%dma_start3A_512, %dma_start3A_513] : memref<2x1280xi32, #tpu.memory_space<vmem>> -> memref<1x1280xi32, #tpu.memory_space<vmem>>
        %dma_start3A_515 = tpu.memref_squeeze %dma_start3A_514 : memref<1x1280xi32, #tpu.memory_space<vmem>> -> memref<1280xi32, #tpu.memory_space<vmem>>
        %dma_start3A_516 = tpu.memref_slice %arg3[%add3A_511] : memref<320000xi32, #tpu.memory_space<hbm>> -> memref<1280xi32, #tpu.memory_space<hbm>>
        %dma_start3A_517 = arith.constant 0 : i32
        %dma_start3A_518 = tpu.memref_slice %arg20[%dma_start3A_512, %dma_start3A_517] : memref<2x1280xi32, #tpu.memory_space<vmem>> -> memref<1x1280xi32, #tpu.memory_space<vmem>>
        %dma_start3A_519 = tpu.memref_squeeze %dma_start3A_518 : memref<1x1280xi32, #tpu.memory_space<vmem>> -> memref<1280xi32, #tpu.memory_space<vmem>>
        %dma_start3A_520 = tpu.memref_slice %arg3[%add3A_511] : memref<320000xi32, #tpu.memory_space<hbm>> -> memref<1280xi32, #tpu.memory_space<hbm>>
        tpu.enqueue_dma source(%dma_start3A_520 : memref<1280xi32, #tpu.memory_space<hbm>>) target(%dma_start3A_519 : memref<1280xi32, #tpu.memory_space<vmem>>) target_semaphore(%arg24 : memref<!tpu.dma_semaphore, #tpu.memory_space<semaphore_mem>>)
        %dma_start3A_521 = arith.constant 0 : i32
        %dma_start3A_522 = arith.constant 0 : i32
        %dma_start3A_523 = tpu.memref_slice %arg21[%dma_start3A_521, %dma_start3A_522] : memref<2x1280xi32, #tpu.memory_space<vmem>> -> memref<1x1280xi32, #tpu.memory_space<vmem>>
        %dma_start3A_524 = tpu.memref_squeeze %dma_start3A_523 : memref<1x1280xi32, #tpu.memory_space<vmem>> -> memref<1280xi32, #tpu.memory_space<vmem>>
        %dma_start3A_525 = tpu.memref_slice %arg4[%add3A_511] : memref<320000xi32, #tpu.memory_space<hbm>> -> memref<1280xi32, #tpu.memory_space<hbm>>
        %dma_start3A_526 = arith.constant 0 : i32
        %dma_start3A_527 = tpu.memref_slice %arg21[%dma_start3A_521, %dma_start3A_526] : memref<2x1280xi32, #tpu.memory_space<vmem>> -> memref<1x1280xi32, #tpu.memory_space<vmem>>
        %dma_start3A_528 = tpu.memref_squeeze %dma_start3A_527 : memref<1x1280xi32, #tpu.memory_space<vmem>> -> memref<1280xi32, #tpu.memory_space<vmem>>
        %dma_start3A_529 = tpu.memref_slice %arg4[%add3A_511] : memref<320000xi32, #tpu.memory_space<hbm>> -> memref<1280xi32, #tpu.memory_space<hbm>>
        tpu.enqueue_dma source(%dma_start3A_529 : memref<1280xi32, #tpu.memory_space<hbm>>) target(%dma_start3A_528 : memref<1280xi32, #tpu.memory_space<vmem>>) target_semaphore(%arg24 : memref<!tpu.dma_semaphore, #tpu.memory_space<semaphore_mem>>)
        %dma_start3A_530 = arith.constant 0 : i32
        %dma_start3A_531 = arith.constant 0 : i32
        %dma_start3A_532 = arith.constant 0 : i32
        %dma_start3A_533 = tpu.memref_slice %arg22[%dma_start3A_530, %dma_start3A_531, %dma_start3A_532] : memref<2x4x1280xf32, #tpu.memory_space<vmem>> -> memref<1x4x1280xf32, #tpu.memory_space<vmem>>
        %dma_start3A_534 = tpu.memref_squeeze %dma_start3A_533 : memref<1x4x1280xf32, #tpu.memory_space<vmem>> -> memref<4x1280xf32, #tpu.memory_space<vmem>>
        %dma_start3A_535 = arith.constant 0 : i32
        %dma_start3A_536 = tpu.memref_slice %arg5[%select_n3A_70, %dma_start3A_535, %add3A_511] : memref<4x4x320000xf32, #tpu.memory_space<hbm>> -> memref<1x4x1280xf32, #tpu.memory_space<hbm>>
        %dma_start3A_537 = tpu.memref_squeeze %dma_start3A_536 : memref<1x4x1280xf32, #tpu.memory_space<hbm>> -> memref<4x1280xf32, #tpu.memory_space<hbm>>
        %dma_start3A_538 = arith.constant 0 : i32
        %dma_start3A_539 = arith.constant 0 : i32
        %dma_start3A_540 = tpu.memref_slice %arg22[%dma_start3A_530, %dma_start3A_538, %dma_start3A_539] : memref<2x4x1280xf32, #tpu.memory_space<vmem>> -> memref<1x4x1280xf32, #tpu.memory_space<vmem>>
        %dma_start3A_541 = tpu.memref_squeeze %dma_start3A_540 : memref<1x4x1280xf32, #tpu.memory_space<vmem>> -> memref<4x1280xf32, #tpu.memory_space<vmem>>
        %dma_start3A_542 = arith.constant 0 : i32
        %dma_start3A_543 = tpu.memref_slice %arg5[%select_n3A_70, %dma_start3A_542, %add3A_511] : memref<4x4x320000xf32, #tpu.memory_space<hbm>> -> memref<1x4x1280xf32, #tpu.memory_space<hbm>>
        %dma_start3A_544 = tpu.memref_squeeze %dma_start3A_543 : memref<1x4x1280xf32, #tpu.memory_space<hbm>> -> memref<4x1280xf32, #tpu.memory_space<hbm>>
        tpu.enqueue_dma source(%dma_start3A_544 : memref<4x1280xf32, #tpu.memory_space<hbm>>) target(%dma_start3A_541 : memref<4x1280xf32, #tpu.memory_space<vmem>>) target_semaphore(%arg24 : memref<!tpu.dma_semaphore, #tpu.memory_space<semaphore_mem>>)
      } else {
      }
      %add3A_455 = arith.constant 1 : i32
      %add3A_456 = arith.addi %mul3A_404, %add3A_455 : i32
      %dma_wait3A_457 = arith.constant 1 : i32
      %dma_wait3A_458 = arith.constant 0 : i32
      %dma_wait3A_459 = tpu.memref_slice %arg20[%dma_wait3A_457, %dma_wait3A_458] : memref<2x1280xi32, #tpu.memory_space<vmem>> -> memref<1x1280xi32, #tpu.memory_space<vmem>>
      %dma_wait3A_460 = tpu.memref_squeeze %dma_wait3A_459 : memref<1x1280xi32, #tpu.memory_space<vmem>> -> memref<1280xi32, #tpu.memory_space<vmem>>
      %dma_wait3A_461 = arith.constant 0 : i32
      %dma_wait3A_462 = tpu.memref_slice %arg3[%dma_wait3A_461] : memref<320000xi32, #tpu.memory_space<hbm>> -> memref<1280xi32, #tpu.memory_space<hbm>>
      %dma_wait3A_463 = arith.constant 0 : i32
      %dma_wait3A_464 = tpu.memref_slice %arg20[%dma_wait3A_457, %dma_wait3A_463] : memref<2x1280xi32, #tpu.memory_space<vmem>> -> memref<1x1280xi32, #tpu.memory_space<vmem>>
      %dma_wait3A_465 = tpu.memref_squeeze %dma_wait3A_464 : memref<1x1280xi32, #tpu.memory_space<vmem>> -> memref<1280xi32, #tpu.memory_space<vmem>>
      %dma_wait3A_466 = arith.constant 0 : i32
      %dma_wait3A_467 = tpu.memref_slice %arg3[%dma_wait3A_466] : memref<320000xi32, #tpu.memory_space<hbm>> -> memref<1280xi32, #tpu.memory_space<hbm>>
      tpu.wait_dma2 semaphore(%arg25 : memref<!tpu.dma_semaphore, #tpu.memory_space<semaphore_mem>>) src(%dma_wait3A_467 : memref<1280xi32, #tpu.memory_space<hbm>>) dst(%dma_wait3A_465 : memref<1280xi32, #tpu.memory_space<vmem>>)
      %dma_wait3A_468 = arith.constant 1 : i32
      %dma_wait3A_469 = arith.constant 0 : i32
      %dma_wait3A_470 = tpu.memref_slice %arg21[%dma_wait3A_468, %dma_wait3A_469] : memref<2x1280xi32, #tpu.memory_space<vmem>> -> memref<1x1280xi32, #tpu.memory_space<vmem>>
      %dma_wait3A_471 = tpu.memref_squeeze %dma_wait3A_470 : memref<1x1280xi32, #tpu.memory_space<vmem>> -> memref<1280xi32, #tpu.memory_space<vmem>>
      %dma_wait3A_472 = arith.constant 0 : i32
      %dma_wait3A_473 = tpu.memref_slice %arg4[%dma_wait3A_472] : memref<320000xi32, #tpu.memory_space<hbm>> -> memref<1280xi32, #tpu.memory_space<hbm>>
      %dma_wait3A_474 = arith.constant 0 : i32
      %dma_wait3A_475 = tpu.memref_slice %arg21[%dma_wait3A_468, %dma_wait3A_474] : memref<2x1280xi32, #tpu.memory_space<vmem>> -> memref<1x1280xi32, #tpu.memory_space<vmem>>
      %dma_wait3A_476 = tpu.memref_squeeze %dma_wait3A_475 : memref<1x1280xi32, #tpu.memory_space<vmem>> -> memref<1280xi32, #tpu.memory_space<vmem>>
      %dma_wait3A_477 = arith.constant 0 : i32
      %dma_wait3A_478 = tpu.memref_slice %arg4[%dma_wait3A_477] : memref<320000xi32, #tpu.memory_space<hbm>> -> memref<1280xi32, #tpu.memory_space<hbm>>
      tpu.wait_dma2 semaphore(%arg25 : memref<!tpu.dma_semaphore, #tpu.memory_space<semaphore_mem>>) src(%dma_wait3A_478 : memref<1280xi32, #tpu.memory_space<hbm>>) dst(%dma_wait3A_476 : memref<1280xi32, #tpu.memory_space<vmem>>)
      %dma_wait3A_479 = arith.constant 0 : i32
      %dma_wait3A_480 = arith.constant 1 : i32
      %dma_wait3A_481 = arith.constant 0 : i32
      %dma_wait3A_482 = arith.constant 0 : i32
      %dma_wait3A_483 = tpu.memref_slice %arg22[%dma_wait3A_480, %dma_wait3A_481, %dma_wait3A_482] : memref<2x4x1280xf32, #tpu.memory_space<vmem>> -> memref<1x4x1280xf32, #tpu.memory_space<vmem>>
      %dma_wait3A_484 = tpu.memref_squeeze %dma_wait3A_483 : memref<1x4x1280xf32, #tpu.memory_space<vmem>> -> memref<4x1280xf32, #tpu.memory_space<vmem>>
      %dma_wait3A_485 = arith.constant 0 : i32
      %dma_wait3A_486 = arith.constant 0 : i32
      %dma_wait3A_487 = tpu.memref_slice %arg5[%dma_wait3A_479, %dma_wait3A_485, %dma_wait3A_486] : memref<4x4x320000xf32, #tpu.memory_space<hbm>> -> memref<1x4x1280xf32, #tpu.memory_space<hbm>>
      %dma_wait3A_488 = tpu.memref_squeeze %dma_wait3A_487 : memref<1x4x1280xf32, #tpu.memory_space<hbm>> -> memref<4x1280xf32, #tpu.memory_space<hbm>>
      %dma_wait3A_489 = arith.constant 0 : i32
      %dma_wait3A_490 = arith.constant 0 : i32
      %dma_wait3A_491 = tpu.memref_slice %arg22[%dma_wait3A_480, %dma_wait3A_489, %dma_wait3A_490] : memref<2x4x1280xf32, #tpu.memory_space<vmem>> -> memref<1x4x1280xf32, #tpu.memory_space<vmem>>
      %dma_wait3A_492 = tpu.memref_squeeze %dma_wait3A_491 : memref<1x4x1280xf32, #tpu.memory_space<vmem>> -> memref<4x1280xf32, #tpu.memory_space<vmem>>
      %dma_wait3A_493 = arith.constant 0 : i32
      %dma_wait3A_494 = arith.constant 0 : i32
      %dma_wait3A_495 = tpu.memref_slice %arg5[%dma_wait3A_479, %dma_wait3A_493, %dma_wait3A_494] : memref<4x4x320000xf32, #tpu.memory_space<hbm>> -> memref<1x4x1280xf32, #tpu.memory_space<hbm>>
      %dma_wait3A_496 = tpu.memref_squeeze %dma_wait3A_495 : memref<1x4x1280xf32, #tpu.memory_space<hbm>> -> memref<4x1280xf32, #tpu.memory_space<hbm>>
      tpu.wait_dma2 semaphore(%arg25 : memref<!tpu.dma_semaphore, #tpu.memory_space<semaphore_mem>>) src(%dma_wait3A_496 : memref<4x1280xf32, #tpu.memory_space<hbm>>) dst(%dma_wait3A_492 : memref<4x1280xf32, #tpu.memory_space<vmem>>)
      %parallel_loop3A_497 = arith.constant 0 : i32
      %parallel_loop3A_498 = arith.constant 80 : i32
      %parallel_loop3A_499 = arith.constant 1 : i32
      scf.for %parallel_loop3A_507 = %parallel_loop3A_497 to %parallel_loop3A_498 step %parallel_loop3A_499  : i32 {
        %parallel_loop3A_508 = arith.constant 16 : i32
        %parallel_loop3A_509 = arith.muli %parallel_loop3A_507, %parallel_loop3A_508 : i32
        %parallel_loop3A_510 = arith.constant 1 : i32
        %parallel_loop3A_511 = arith.index_cast %parallel_loop3A_510 : i32 to index
        %parallel_loop3A_512 = arith.index_cast %parallel_loop3A_509 : i32 to index
        %parallel_loop3A_513 = tpu.vector_load %arg20[%parallel_loop3A_511, %parallel_loop3A_512] {strides = array<i32>} : memref<2x1280xi32, #tpu.memory_space<vmem>>, vector<16xi32>,
        %parallel_loop3A_514 = arith.constant 16 : i32
        %parallel_loop3A_515 = arith.muli %parallel_loop3A_507, %parallel_loop3A_514 : i32
        %parallel_loop3A_516 = arith.constant 1 : i32
        %parallel_loop3A_517 = arith.index_cast %parallel_loop3A_516 : i32 to index
        %parallel_loop3A_518 = arith.index_cast %parallel_loop3A_515 : i32 to index
        %parallel_loop3A_519 = tpu.vector_load %arg21[%parallel_loop3A_517, %parallel_loop3A_518] {strides = array<i32>} : memref<2x1280xi32, #tpu.memory_space<vmem>>, vector<16xi32>,
        %parallel_loop3A_520 = tpu.vector_load_idx %arg9[%parallel_loop3A_513] : memref<10240xf32, #tpu.memory_space<vmem>>[vector<16xi32>], vector<16xf32>,
        %parallel_loop3A_521 = tpu.vector_load_idx %arg9[%parallel_loop3A_519] : memref<10240xf32, #tpu.memory_space<vmem>>[vector<16xi32>], vector<16xf32>,
        %parallel_loop3A_522 = arith.maximumf %parallel_loop3A_520, %parallel_loop3A_521 : vector<16xf32>
        %parallel_loop3A_523 = arith.constant 0.000000e+00 : f32
        %parallel_loop3A_524 = vector.broadcast %parallel_loop3A_523 : f32 to vector<16xf32>
        %parallel_loop3A_525 = arith.subf %parallel_loop3A_524, %parallel_loop3A_522 : vector<16xf32>
        %parallel_loop3A_526 = math.exp %parallel_loop3A_525 : vector<16xf32>
        %parallel_loop3A_527 = arith.mulf %parallel_loop3A_526, %get3A_77 : vector<16xf32>
        %parallel_loop3A_528 = arith.constant 1.000000e+00 : f32
        %parallel_loop3A_529 = vector.broadcast %parallel_loop3A_528 : f32 to vector<16xf32>
        %parallel_loop3A_530 = arith.addf %parallel_loop3A_529, %parallel_loop3A_527 : vector<16xf32>
        %parallel_loop3A_531 = arith.constant 1.000000e+00 : f32
        %parallel_loop3A_532 = vector.broadcast %parallel_loop3A_531 : f32 to vector<16xf32>
        %parallel_loop3A_533 = arith.divf %parallel_loop3A_532, %parallel_loop3A_530 : vector<16xf32>
        %parallel_loop3A_534 = arith.mulf %parallel_loop3A_526, %get3A_79 : vector<16xf32>
        %parallel_loop3A_535 = arith.constant 1.000000e+00 : f32
        %parallel_loop3A_536 = vector.broadcast %parallel_loop3A_535 : f32 to vector<16xf32>
        %parallel_loop3A_537 = arith.addf %parallel_loop3A_536, %parallel_loop3A_534 : vector<16xf32>
        %parallel_loop3A_538 = arith.constant 1.000000e+00 : f32
        %parallel_loop3A_539 = vector.broadcast %parallel_loop3A_538 : f32 to vector<16xf32>
        %parallel_loop3A_540 = arith.divf %parallel_loop3A_539, %parallel_loop3A_537 : vector<16xf32>
        %parallel_loop3A_541 = arith.constant 16 : i32
        %parallel_loop3A_542 = arith.muli %parallel_loop3A_507, %parallel_loop3A_541 : i32
        %parallel_loop3A_543 = arith.constant 1 : i32
        %parallel_loop3A_544 = arith.constant 0 : i32
        %parallel_loop3A_545 = arith.index_cast %parallel_loop3A_543 : i32 to index
        %parallel_loop3A_546 = arith.index_cast %parallel_loop3A_544 : i32 to index
        %parallel_loop3A_547 = arith.index_cast %parallel_loop3A_542 : i32 to index
        %parallel_loop3A_548 = tpu.vector_load %arg22[%parallel_loop3A_545, %parallel_loop3A_546, %parallel_loop3A_547] {strides = array<i32>} : memref<2x4x1280xf32, #tpu.memory_space<vmem>>, vector<16xf32>,
        %parallel_loop3A_549 = arith.mulf %parallel_loop3A_533, %parallel_loop3A_548 : vector<16xf32>
        tpu.vector_store_idx %arg11[%parallel_loop3A_519], %parallel_loop3A_549 {add = true} : memref<10240xf32, #tpu.memory_space<vmem>>[vector<16xi32>], vector<16xf32>,
        %parallel_loop3A_550 = arith.mulf %parallel_loop3A_540, %parallel_loop3A_548 : vector<16xf32>
        tpu.vector_store_idx %arg15[%parallel_loop3A_519], %parallel_loop3A_550 {add = true} : memref<10240xf32, #tpu.memory_space<vmem>>[vector<16xi32>], vector<16xf32>,
        %parallel_loop3A_551 = arith.constant 16 : i32
        %parallel_loop3A_552 = arith.muli %parallel_loop3A_507, %parallel_loop3A_551 : i32
        %parallel_loop3A_553 = arith.constant 1 : i32
        %parallel_loop3A_554 = arith.constant 1 : i32
        %parallel_loop3A_555 = arith.index_cast %parallel_loop3A_553 : i32 to index
        %parallel_loop3A_556 = arith.index_cast %parallel_loop3A_554 : i32 to index
        %parallel_loop3A_557 = arith.index_cast %parallel_loop3A_552 : i32 to index
        %parallel_loop3A_558 = tpu.vector_load %arg22[%parallel_loop3A_555, %parallel_loop3A_556, %parallel_loop3A_557] {strides = array<i32>} : memref<2x4x1280xf32, #tpu.memory_space<vmem>>, vector<16xf32>,
        %parallel_loop3A_559 = arith.mulf %parallel_loop3A_533, %parallel_loop3A_558 : vector<16xf32>
        tpu.vector_store_idx %arg12[%parallel_loop3A_519], %parallel_loop3A_559 {add = true} : memref<10240xf32, #tpu.memory_space<vmem>>[vector<16xi32>], vector<16xf32>,
        %parallel_loop3A_560 = arith.mulf %parallel_loop3A_540, %parallel_loop3A_558 : vector<16xf32>
        tpu.vector_store_idx %arg16[%parallel_loop3A_519], %parallel_loop3A_560 {add = true} : memref<10240xf32, #tpu.memory_space<vmem>>[vector<16xi32>], vector<16xf32>,
        %parallel_loop3A_561 = arith.constant 16 : i32
        %parallel_loop3A_562 = arith.muli %parallel_loop3A_507, %parallel_loop3A_561 : i32
        %parallel_loop3A_563 = arith.constant 1 : i32
        %parallel_loop3A_564 = arith.constant 2 : i32
        %parallel_loop3A_565 = arith.index_cast %parallel_loop3A_563 : i32 to index
        %parallel_loop3A_566 = arith.index_cast %parallel_loop3A_564 : i32 to index
        %parallel_loop3A_567 = arith.index_cast %parallel_loop3A_562 : i32 to index
        %parallel_loop3A_568 = tpu.vector_load %arg22[%parallel_loop3A_565, %parallel_loop3A_566, %parallel_loop3A_567] {strides = array<i32>} : memref<2x4x1280xf32, #tpu.memory_space<vmem>>, vector<16xf32>,
        %parallel_loop3A_569 = arith.mulf %parallel_loop3A_533, %parallel_loop3A_568 : vector<16xf32>
        tpu.vector_store_idx %arg13[%parallel_loop3A_519], %parallel_loop3A_569 {add = true} : memref<10240xf32, #tpu.memory_space<vmem>>[vector<16xi32>], vector<16xf32>,
        %parallel_loop3A_570 = arith.mulf %parallel_loop3A_540, %parallel_loop3A_568 : vector<16xf32>
        tpu.vector_store_idx %arg17[%parallel_loop3A_519], %parallel_loop3A_570 {add = true} : memref<10240xf32, #tpu.memory_space<vmem>>[vector<16xi32>], vector<16xf32>,
        %parallel_loop3A_571 = arith.constant 16 : i32
        %parallel_loop3A_572 = arith.muli %parallel_loop3A_507, %parallel_loop3A_571 : i32
        %parallel_loop3A_573 = arith.constant 1 : i32
        %parallel_loop3A_574 = arith.constant 3 : i32
        %parallel_loop3A_575 = arith.index_cast %parallel_loop3A_573 : i32 to index
        %parallel_loop3A_576 = arith.index_cast %parallel_loop3A_574 : i32 to index
        %parallel_loop3A_577 = arith.index_cast %parallel_loop3A_572 : i32 to index
        %parallel_loop3A_578 = tpu.vector_load %arg22[%parallel_loop3A_575, %parallel_loop3A_576, %parallel_loop3A_577] {strides = array<i32>} : memref<2x4x1280xf32, #tpu.memory_space<vmem>>, vector<16xf32>,
        %parallel_loop3A_579 = arith.mulf %parallel_loop3A_533, %parallel_loop3A_578 : vector<16xf32>
        tpu.vector_store_idx %arg14[%parallel_loop3A_519], %parallel_loop3A_579 {add = true} : memref<10240xf32, #tpu.memory_space<vmem>>[vector<16xi32>], vector<16xf32>,
        %parallel_loop3A_580 = arith.mulf %parallel_loop3A_540, %parallel_loop3A_578 : vector<16xf32>
        tpu.vector_store_idx %arg18[%parallel_loop3A_519], %parallel_loop3A_580 {add = true} : memref<10240xf32, #tpu.memory_space<vmem>>[vector<16xi32>], vector<16xf32>,
      } {sc.loop_unroll_factor = 4 : i64, sc.parallel_access}
      %add3A_500 = arith.constant 2 : i32
      %add3A_501 = arith.addi %add3A_456, %add3A_500 : i32
      %lt3A_502 = arith.constant 125 : i32
      %lt3A_503 = arith.cmpi slt, %add3A_501, %lt3A_502 : i32
      %convert_element_type3A_504 = arith.extui %lt3A_503 : i1 to i32
      %cond3A_505 = arith.constant 0 : i32
      %cond3A_506 = arith.cmpi ne, %convert_element_type3A_504, %cond3A_505 : i32
      scf.if %cond3A_506 {
        %add3A_507 = arith.constant 2 : i32
        %add3A_508 = arith.addi %add3A_456, %add3A_507 : i32
        %mul3A_509 = arith.constant 1280 : i32
        %mul3A_510 = arith.muli %add3A_508, %mul3A_509 : i32
        %add3A_511 = arith.addi %mul3A_81, %mul3A_510 : i32
        %dma_start3A_512 = arith.constant 1 : i32
        %dma_start3A_513 = arith.constant 0 : i32
        %dma_start3A_514 = tpu.memref_slice %arg20[%dma_start3A_512, %dma_start3A_513] : memref<2x1280xi32, #tpu.memory_space<vmem>> -> memref<1x1280xi32, #tpu.memory_space<vmem>>
        %dma_start3A_515 = tpu.memref_squeeze %dma_start3A_514 : memref<1x1280xi32, #tpu.memory_space<vmem>> -> memref<1280xi32, #tpu.memory_space<vmem>>
        %dma_start3A_516 = tpu.memref_slice %arg3[%add3A_511] : memref<320000xi32, #tpu.memory_space<hbm>> -> memref<1280xi32, #tpu.memory_space<hbm>>
        %dma_start3A_517 = arith.constant 0 : i32
        %dma_start3A_518 = tpu.memref_slice %arg20[%dma_start3A_512, %dma_start3A_517] : memref<2x1280xi32, #tpu.memory_space<vmem>> -> memref<1x1280xi32, #tpu.memory_space<vmem>>
        %dma_start3A_519 = tpu.memref_squeeze %dma_start3A_518 : memref<1x1280xi32, #tpu.memory_space<vmem>> -> memref<1280xi32, #tpu.memory_space<vmem>>
        %dma_start3A_520 = tpu.memref_slice %arg3[%add3A_511] : memref<320000xi32, #tpu.memory_space<hbm>> -> memref<1280xi32, #tpu.memory_space<hbm>>
        tpu.enqueue_dma source(%dma_start3A_520 : memref<1280xi32, #tpu.memory_space<hbm>>) target(%dma_start3A_519 : memref<1280xi32, #tpu.memory_space<vmem>>) target_semaphore(%arg25 : memref<!tpu.dma_semaphore, #tpu.memory_space<semaphore_mem>>)
        %dma_start3A_521 = arith.constant 1 : i32
        %dma_start3A_522 = arith.constant 0 : i32
        %dma_start3A_523 = tpu.memref_slice %arg21[%dma_start3A_521, %dma_start3A_522] : memref<2x1280xi32, #tpu.memory_space<vmem>> -> memref<1x1280xi32, #tpu.memory_space<vmem>>
        %dma_start3A_524 = tpu.memref_squeeze %dma_start3A_523 : memref<1x1280xi32, #tpu.memory_space<vmem>> -> memref<1280xi32, #tpu.memory_space<vmem>>
        %dma_start3A_525 = tpu.memref_slice %arg4[%add3A_511] : memref<320000xi32, #tpu.memory_space<hbm>> -> memref<1280xi32, #tpu.memory_space<hbm>>
        %dma_start3A_526 = arith.constant 0 : i32
        %dma_start3A_527 = tpu.memref_slice %arg21[%dma_start3A_521, %dma_start3A_526] : memref<2x1280xi32, #tpu.memory_space<vmem>> -> memref<1x1280xi32, #tpu.memory_space<vmem>>
        %dma_start3A_528 = tpu.memref_squeeze %dma_start3A_527 : memref<1x1280xi32, #tpu.memory_space<vmem>> -> memref<1280xi32, #tpu.memory_space<vmem>>
        %dma_start3A_529 = tpu.memref_slice %arg4[%add3A_511] : memref<320000xi32, #tpu.memory_space<hbm>> -> memref<1280xi32, #tpu.memory_space<hbm>>
        tpu.enqueue_dma source(%dma_start3A_529 : memref<1280xi32, #tpu.memory_space<hbm>>) target(%dma_start3A_528 : memref<1280xi32, #tpu.memory_space<vmem>>) target_semaphore(%arg25 : memref<!tpu.dma_semaphore, #tpu.memory_space<semaphore_mem>>)
        %dma_start3A_530 = arith.constant 1 : i32
        %dma_start3A_531 = arith.constant 0 : i32
        %dma_start3A_532 = arith.constant 0 : i32
        %dma_start3A_533 = tpu.memref_slice %arg22[%dma_start3A_530, %dma_start3A_531, %dma_start3A_532] : memref<2x4x1280xf32, #tpu.memory_space<vmem>> -> memref<1x4x1280xf32, #tpu.memory_space<vmem>>
        %dma_start3A_534 = tpu.memref_squeeze %dma_start3A_533 : memref<1x4x1280xf32, #tpu.memory_space<vmem>> -> memref<4x1280xf32, #tpu.memory_space<vmem>>
        %dma_start3A_535 = arith.constant 0 : i32
        %dma_start3A_536 = tpu.memref_slice %arg5[%select_n3A_70, %dma_start3A_535, %add3A_511] : memref<4x4x320000xf32, #tpu.memory_space<hbm>> -> memref<1x4x1280xf32, #tpu.memory_space<hbm>>
        %dma_start3A_537 = tpu.memref_squeeze %dma_start3A_536 : memref<1x4x1280xf32, #tpu.memory_space<hbm>> -> memref<4x1280xf32, #tpu.memory_space<hbm>>
        %dma_start3A_538 = arith.constant 0 : i32
        %dma_start3A_539 = arith.constant 0 : i32
        %dma_start3A_540 = tpu.memref_slice %arg22[%dma_start3A_530, %dma_start3A_538, %dma_start3A_539] : memref<2x4x1280xf32, #tpu.memory_space<vmem>> -> memref<1x4x1280xf32, #tpu.memory_space<vmem>>
        %dma_start3A_541 = tpu.memref_squeeze %dma_start3A_540 : memref<1x4x1280xf32, #tpu.memory_space<vmem>> -> memref<4x1280xf32, #tpu.memory_space<vmem>>
        %dma_start3A_542 = arith.constant 0 : i32
        %dma_start3A_543 = tpu.memref_slice %arg5[%select_n3A_70, %dma_start3A_542, %add3A_511] : memref<4x4x320000xf32, #tpu.memory_space<hbm>> -> memref<1x4x1280xf32, #tpu.memory_space<hbm>>
        %dma_start3A_544 = tpu.memref_squeeze %dma_start3A_543 : memref<1x4x1280xf32, #tpu.memory_space<hbm>> -> memref<4x1280xf32, #tpu.memory_space<hbm>>
        tpu.enqueue_dma source(%dma_start3A_544 : memref<4x1280xf32, #tpu.memory_space<hbm>>) target(%dma_start3A_541 : memref<4x1280xf32, #tpu.memory_space<vmem>>) target_semaphore(%arg25 : memref<!tpu.dma_semaphore, #tpu.memory_space<semaphore_mem>>)
      } else {
      }
    }
    %scan3A_156 = arith.constant 62 : i32
    %dma_wait3A = arith.constant 0 : i32
    %dma_wait3A_157 = arith.constant 0 : i32
    %dma_wait3A_158 = tpu.memref_slice %arg20[%dma_wait3A, %dma_wait3A_157] : memref<2x1280xi32, #tpu.memory_space<vmem>> -> memref<1x1280xi32, #tpu.memory_space<vmem>>
    %dma_wait3A_159 = tpu.memref_squeeze %dma_wait3A_158 : memref<1x1280xi32, #tpu.memory_space<vmem>> -> memref<1280xi32, #tpu.memory_space<vmem>>
    %dma_wait3A_160 = arith.constant 0 : i32
    %dma_wait3A_161 = tpu.memref_slice %arg3[%dma_wait3A_160] : memref<320000xi32, #tpu.memory_space<hbm>> -> memref<1280xi32, #tpu.memory_space<hbm>>
    %dma_wait3A_162 = arith.constant 0 : i32
    %dma_wait3A_163 = tpu.memref_slice %arg20[%dma_wait3A, %dma_wait3A_162] : memref<2x1280xi32, #tpu.memory_space<vmem>> -> memref<1x1280xi32, #tpu.memory_space<vmem>>
    %dma_wait3A_164 = tpu.memref_squeeze %dma_wait3A_163 : memref<1x1280xi32, #tpu.memory_space<vmem>> -> memref<1280xi32, #tpu.memory_space<vmem>>
    %dma_wait3A_165 = arith.constant 0 : i32
    %dma_wait3A_166 = tpu.memref_slice %arg3[%dma_wait3A_165] : memref<320000xi32, #tpu.memory_space<hbm>> -> memref<1280xi32, #tpu.memory_space<hbm>>
    tpu.wait_dma2 semaphore(%arg24 : memref<!tpu.dma_semaphore, #tpu.memory_space<semaphore_mem>>) src(%dma_wait3A_166 : memref<1280xi32, #tpu.memory_space<hbm>>) dst(%dma_wait3A_164 : memref<1280xi32, #tpu.memory_space<vmem>>)
    %dma_wait3A_167 = arith.constant 0 : i32
    %dma_wait3A_168 = arith.constant 0 : i32
    %dma_wait3A_169 = tpu.memref_slice %arg21[%dma_wait3A_167, %dma_wait3A_168] : memref<2x1280xi32, #tpu.memory_space<vmem>> -> memref<1x1280xi32, #tpu.memory_space<vmem>>
    %dma_wait3A_170 = tpu.memref_squeeze %dma_wait3A_169 : memref<1x1280xi32, #tpu.memory_space<vmem>> -> memref<1280xi32, #tpu.memory_space<vmem>>
    %dma_wait3A_171 = arith.constant 0 : i32
    %dma_wait3A_172 = tpu.memref_slice %arg4[%dma_wait3A_171] : memref<320000xi32, #tpu.memory_space<hbm>> -> memref<1280xi32, #tpu.memory_space<hbm>>
    %dma_wait3A_173 = arith.constant 0 : i32
    %dma_wait3A_174 = tpu.memref_slice %arg21[%dma_wait3A_167, %dma_wait3A_173] : memref<2x1280xi32, #tpu.memory_space<vmem>> -> memref<1x1280xi32, #tpu.memory_space<vmem>>
    %dma_wait3A_175 = tpu.memref_squeeze %dma_wait3A_174 : memref<1x1280xi32, #tpu.memory_space<vmem>> -> memref<1280xi32, #tpu.memory_space<vmem>>
    %dma_wait3A_176 = arith.constant 0 : i32
    %dma_wait3A_177 = tpu.memref_slice %arg4[%dma_wait3A_176] : memref<320000xi32, #tpu.memory_space<hbm>> -> memref<1280xi32, #tpu.memory_space<hbm>>
    tpu.wait_dma2 semaphore(%arg24 : memref<!tpu.dma_semaphore, #tpu.memory_space<semaphore_mem>>) src(%dma_wait3A_177 : memref<1280xi32, #tpu.memory_space<hbm>>) dst(%dma_wait3A_175 : memref<1280xi32, #tpu.memory_space<vmem>>)
    %dma_wait3A_178 = arith.constant 0 : i32
    %dma_wait3A_179 = arith.constant 0 : i32
    %dma_wait3A_180 = arith.constant 0 : i32
    %dma_wait3A_181 = arith.constant 0 : i32
    %dma_wait3A_182 = tpu.memref_slice %arg22[%dma_wait3A_179, %dma_wait3A_180, %dma_wait3A_181] : memref<2x4x1280xf32, #tpu.memory_space<vmem>> -> memref<1x4x1280xf32, #tpu.memory_space<vmem>>
    %dma_wait3A_183 = tpu.memref_squeeze %dma_wait3A_182 : memref<1x4x1280xf32, #tpu.memory_space<vmem>> -> memref<4x1280xf32, #tpu.memory_space<vmem>>
    %dma_wait3A_184 = arith.constant 0 : i32
    %dma_wait3A_185 = arith.constant 0 : i32
    %dma_wait3A_186 = tpu.memref_slice %arg5[%dma_wait3A_178, %dma_wait3A_184, %dma_wait3A_185] : memref<4x4x320000xf32, #tpu.memory_space<hbm>> -> memref<1x4x1280xf32, #tpu.memory_space<hbm>>
    %dma_wait3A_187 = tpu.memref_squeeze %dma_wait3A_186 : memref<1x4x1280xf32, #tpu.memory_space<hbm>> -> memref<4x1280xf32, #tpu.memory_space<hbm>>
    %dma_wait3A_188 = arith.constant 0 : i32
    %dma_wait3A_189 = arith.constant 0 : i32
    %dma_wait3A_190 = tpu.memref_slice %arg22[%dma_wait3A_179, %dma_wait3A_188, %dma_wait3A_189] : memref<2x4x1280xf32, #tpu.memory_space<vmem>> -> memref<1x4x1280xf32, #tpu.memory_space<vmem>>
    %dma_wait3A_191 = tpu.memref_squeeze %dma_wait3A_190 : memref<1x4x1280xf32, #tpu.memory_space<vmem>> -> memref<4x1280xf32, #tpu.memory_space<vmem>>
    %dma_wait3A_192 = arith.constant 0 : i32
    %dma_wait3A_193 = arith.constant 0 : i32
    %dma_wait3A_194 = tpu.memref_slice %arg5[%dma_wait3A_178, %dma_wait3A_192, %dma_wait3A_193] : memref<4x4x320000xf32, #tpu.memory_space<hbm>> -> memref<1x4x1280xf32, #tpu.memory_space<hbm>>
    %dma_wait3A_195 = tpu.memref_squeeze %dma_wait3A_194 : memref<1x4x1280xf32, #tpu.memory_space<hbm>> -> memref<4x1280xf32, #tpu.memory_space<hbm>>
    tpu.wait_dma2 semaphore(%arg24 : memref<!tpu.dma_semaphore, #tpu.memory_space<semaphore_mem>>) src(%dma_wait3A_195 : memref<4x1280xf32, #tpu.memory_space<hbm>>) dst(%dma_wait3A_191 : memref<4x1280xf32, #tpu.memory_space<vmem>>)
    %parallel_loop3A = arith.constant 0 : i32
    %parallel_loop3A_196 = arith.constant 80 : i32
    %parallel_loop3A_197 = arith.constant 1 : i32
    scf.for %parallel_loop3A_402 = %parallel_loop3A to %parallel_loop3A_196 step %parallel_loop3A_197  : i32 {
      %parallel_loop3A_403 = arith.constant 16 : i32
      %parallel_loop3A_404 = arith.muli %parallel_loop3A_402, %parallel_loop3A_403 : i32
      %parallel_loop3A_405 = arith.constant 0 : i32
      %parallel_loop3A_406 = arith.index_cast %parallel_loop3A_405 : i32 to index
      %parallel_loop3A_407 = arith.index_cast %parallel_loop3A_404 : i32 to index
      %parallel_loop3A_408 = tpu.vector_load %arg20[%parallel_loop3A_406, %parallel_loop3A_407] {strides = array<i32>} : memref<2x1280xi32, #tpu.memory_space<vmem>>, vector<16xi32>,
      %parallel_loop3A_409 = arith.constant 16 : i32
      %parallel_loop3A_410 = arith.muli %parallel_loop3A_402, %parallel_loop3A_409 : i32
      %parallel_loop3A_411 = arith.constant 0 : i32
      %parallel_loop3A_412 = arith.index_cast %parallel_loop3A_411 : i32 to index
      %parallel_loop3A_413 = arith.index_cast %parallel_loop3A_410 : i32 to index
      %parallel_loop3A_414 = tpu.vector_load %arg21[%parallel_loop3A_412, %parallel_loop3A_413] {strides = array<i32>} : memref<2x1280xi32, #tpu.memory_space<vmem>>, vector<16xi32>,
      %parallel_loop3A_415 = tpu.vector_load_idx %arg9[%parallel_loop3A_408] : memref<10240xf32, #tpu.memory_space<vmem>>[vector<16xi32>], vector<16xf32>,
      %parallel_loop3A_416 = tpu.vector_load_idx %arg9[%parallel_loop3A_414] : memref<10240xf32, #tpu.memory_space<vmem>>[vector<16xi32>], vector<16xf32>,
      %parallel_loop3A_417 = arith.maximumf %parallel_loop3A_415, %parallel_loop3A_416 : vector<16xf32>
      %parallel_loop3A_418 = arith.constant 0.000000e+00 : f32
      %parallel_loop3A_419 = vector.broadcast %parallel_loop3A_418 : f32 to vector<16xf32>
      %parallel_loop3A_420 = arith.subf %parallel_loop3A_419, %parallel_loop3A_417 : vector<16xf32>
      %parallel_loop3A_421 = math.exp %parallel_loop3A_420 : vector<16xf32>
      %parallel_loop3A_422 = arith.mulf %parallel_loop3A_421, %get3A_77 : vector<16xf32>
      %parallel_loop3A_423 = arith.constant 1.000000e+00 : f32
      %parallel_loop3A_424 = vector.broadcast %parallel_loop3A_423 : f32 to vector<16xf32>
      %parallel_loop3A_425 = arith.addf %parallel_loop3A_424, %parallel_loop3A_422 : vector<16xf32>
      %parallel_loop3A_426 = arith.constant 1.000000e+00 : f32
      %parallel_loop3A_427 = vector.broadcast %parallel_loop3A_426 : f32 to vector<16xf32>
      %parallel_loop3A_428 = arith.divf %parallel_loop3A_427, %parallel_loop3A_425 : vector<16xf32>
      %parallel_loop3A_429 = arith.mulf %parallel_loop3A_421, %get3A_79 : vector<16xf32>
      %parallel_loop3A_430 = arith.constant 1.000000e+00 : f32
      %parallel_loop3A_431 = vector.broadcast %parallel_loop3A_430 : f32 to vector<16xf32>
      %parallel_loop3A_432 = arith.addf %parallel_loop3A_431, %parallel_loop3A_429 : vector<16xf32>
      %parallel_loop3A_433 = arith.constant 1.000000e+00 : f32
      %parallel_loop3A_434 = vector.broadcast %parallel_loop3A_433 : f32 to vector<16xf32>
      %parallel_loop3A_435 = arith.divf %parallel_loop3A_434, %parallel_loop3A_432 : vector<16xf32>
      %parallel_loop3A_436 = arith.constant 16 : i32
      %parallel_loop3A_437 = arith.muli %parallel_loop3A_402, %parallel_loop3A_436 : i32
      %parallel_loop3A_438 = arith.constant 0 : i32
      %parallel_loop3A_439 = arith.constant 0 : i32
      %parallel_loop3A_440 = arith.index_cast %parallel_loop3A_438 : i32 to index
      %parallel_loop3A_441 = arith.index_cast %parallel_loop3A_439 : i32 to index
      %parallel_loop3A_442 = arith.index_cast %parallel_loop3A_437 : i32 to index
      %parallel_loop3A_443 = tpu.vector_load %arg22[%parallel_loop3A_440, %parallel_loop3A_441, %parallel_loop3A_442] {strides = array<i32>} : memref<2x4x1280xf32, #tpu.memory_space<vmem>>, vector<16xf32>,
      %parallel_loop3A_444 = arith.mulf %parallel_loop3A_428, %parallel_loop3A_443 : vector<16xf32>
      tpu.vector_store_idx %arg11[%parallel_loop3A_414], %parallel_loop3A_444 {add = true} : memref<10240xf32, #tpu.memory_space<vmem>>[vector<16xi32>], vector<16xf32>,
      %parallel_loop3A_445 = arith.mulf %parallel_loop3A_435, %parallel_loop3A_443 : vector<16xf32>
      tpu.vector_store_idx %arg15[%parallel_loop3A_414], %parallel_loop3A_445 {add = true} : memref<10240xf32, #tpu.memory_space<vmem>>[vector<16xi32>], vector<16xf32>,
      %parallel_loop3A_446 = arith.constant 16 : i32
      %parallel_loop3A_447 = arith.muli %parallel_loop3A_402, %parallel_loop3A_446 : i32
      %parallel_loop3A_448 = arith.constant 0 : i32
      %parallel_loop3A_449 = arith.constant 1 : i32
      %parallel_loop3A_450 = arith.index_cast %parallel_loop3A_448 : i32 to index
      %parallel_loop3A_451 = arith.index_cast %parallel_loop3A_449 : i32 to index
      %parallel_loop3A_452 = arith.index_cast %parallel_loop3A_447 : i32 to index
      %parallel_loop3A_453 = tpu.vector_load %arg22[%parallel_loop3A_450, %parallel_loop3A_451, %parallel_loop3A_452] {strides = array<i32>} : memref<2x4x1280xf32, #tpu.memory_space<vmem>>, vector<16xf32>,
      %parallel_loop3A_454 = arith.mulf %parallel_loop3A_428, %parallel_loop3A_453 : vector<16xf32>
      tpu.vector_store_idx %arg12[%parallel_loop3A_414], %parallel_loop3A_454 {add = true} : memref<10240xf32, #tpu.memory_space<vmem>>[vector<16xi32>], vector<16xf32>,
      %parallel_loop3A_455 = arith.mulf %parallel_loop3A_435, %parallel_loop3A_453 : vector<16xf32>
      tpu.vector_store_idx %arg16[%parallel_loop3A_414], %parallel_loop3A_455 {add = true} : memref<10240xf32, #tpu.memory_space<vmem>>[vector<16xi32>], vector<16xf32>,
      %parallel_loop3A_456 = arith.constant 16 : i32
      %parallel_loop3A_457 = arith.muli %parallel_loop3A_402, %parallel_loop3A_456 : i32
      %parallel_loop3A_458 = arith.constant 0 : i32
      %parallel_loop3A_459 = arith.constant 2 : i32
      %parallel_loop3A_460 = arith.index_cast %parallel_loop3A_458 : i32 to index
      %parallel_loop3A_461 = arith.index_cast %parallel_loop3A_459 : i32 to index
      %parallel_loop3A_462 = arith.index_cast %parallel_loop3A_457 : i32 to index
      %parallel_loop3A_463 = tpu.vector_load %arg22[%parallel_loop3A_460, %parallel_loop3A_461, %parallel_loop3A_462] {strides = array<i32>} : memref<2x4x1280xf32, #tpu.memory_space<vmem>>, vector<16xf32>,
      %parallel_loop3A_464 = arith.mulf %parallel_loop3A_428, %parallel_loop3A_463 : vector<16xf32>
      tpu.vector_store_idx %arg13[%parallel_loop3A_414], %parallel_loop3A_464 {add = true} : memref<10240xf32, #tpu.memory_space<vmem>>[vector<16xi32>], vector<16xf32>,
      %parallel_loop3A_465 = arith.mulf %parallel_loop3A_435, %parallel_loop3A_463 : vector<16xf32>
      tpu.vector_store_idx %arg17[%parallel_loop3A_414], %parallel_loop3A_465 {add = true} : memref<10240xf32, #tpu.memory_space<vmem>>[vector<16xi32>], vector<16xf32>,
      %parallel_loop3A_466 = arith.constant 16 : i32
      %parallel_loop3A_467 = arith.muli %parallel_loop3A_402, %parallel_loop3A_466 : i32
      %parallel_loop3A_468 = arith.constant 0 : i32
      %parallel_loop3A_469 = arith.constant 3 : i32
      %parallel_loop3A_470 = arith.index_cast %parallel_loop3A_468 : i32 to index
      %parallel_loop3A_471 = arith.index_cast %parallel_loop3A_469 : i32 to index
      %parallel_loop3A_472 = arith.index_cast %parallel_loop3A_467 : i32 to index
      %parallel_loop3A_473 = tpu.vector_load %arg22[%parallel_loop3A_470, %parallel_loop3A_471, %parallel_loop3A_472] {strides = array<i32>} : memref<2x4x1280xf32, #tpu.memory_space<vmem>>, vector<16xf32>,
      %parallel_loop3A_474 = arith.mulf %parallel_loop3A_428, %parallel_loop3A_473 : vector<16xf32>
      tpu.vector_store_idx %arg14[%parallel_loop3A_414], %parallel_loop3A_474 {add = true} : memref<10240xf32, #tpu.memory_space<vmem>>[vector<16xi32>], vector<16xf32>,
      %parallel_loop3A_475 = arith.mulf %parallel_loop3A_435, %parallel_loop3A_473 : vector<16xf32>
      tpu.vector_store_idx %arg18[%parallel_loop3A_414], %parallel_loop3A_475 {add = true} : memref<10240xf32, #tpu.memory_space<vmem>>[vector<16xi32>], vector<16xf32>,
    } {sc.loop_unroll_factor = 4 : i64, sc.parallel_access}
    %broadcast_in_dim3A_198 = arith.constant 1.000000e+00 : f32
    %broadcast_in_dim3A_199 = vector.broadcast %broadcast_in_dim3A_198 : f32 to vector<16xf32>
    %scan3A_200 = arith.constant 0 : i32
    %scan3A_201 = arith.constant 0 : i32
    %scan3A_202 = arith.constant 5 : i32
    %scan3A_203 = arith.addi %scan3A_201, %scan3A_202 : i32
    %scan3A_204 = arith.constant 1 : i32
    scf.for %scan3A_402 = %scan3A_201 to %scan3A_203 step %scan3A_204  : i32 {
      %mul3A_403 = arith.constant 10000 : i32
      %mul3A_404 = arith.muli %add3A, %mul3A_403 : i32
      %mul3A_405 = arith.constant 2000 : i32
      %mul3A_406 = arith.muli %scan3A_402, %mul3A_405 : i32
      %add3A_407 = arith.addi %mul3A_404, %mul3A_406 : i32
      "tpu.region"() ({
        %run_scoped3A = tpu.sem_alloc : memref<!tpu.dma_semaphore, #tpu.memory_space<semaphore_mem>>
        %dma_start3A_411 = tpu.memref_slice %arg4[%add3A_407] : memref<320000xi32, #tpu.memory_space<hbm>> -> memref<2000xi32, #tpu.memory_space<hbm>>
        %dma_start3A_412 = tpu.memref_slice %arg4[%add3A_407] : memref<320000xi32, #tpu.memory_space<hbm>> -> memref<2000xi32, #tpu.memory_space<hbm>>
        tpu.enqueue_dma source(%dma_start3A_412 : memref<2000xi32, #tpu.memory_space<hbm>>) target(%arg23 : memref<2000xi32, #tpu.memory_space<vmem>>) target_semaphore(%run_scoped3A : memref<!tpu.dma_semaphore, #tpu.memory_space<semaphore_mem>>)
        %dma_wait3A_413 = tpu.memref_slice %arg4[%add3A_407] : memref<320000xi32, #tpu.memory_space<hbm>> -> memref<2000xi32, #tpu.memory_space<hbm>>
        %dma_wait3A_414 = tpu.memref_slice %arg4[%add3A_407] : memref<320000xi32, #tpu.memory_space<hbm>> -> memref<2000xi32, #tpu.memory_space<hbm>>
        tpu.wait_dma2 semaphore(%run_scoped3A : memref<!tpu.dma_semaphore, #tpu.memory_space<semaphore_mem>>) src(%dma_wait3A_414 : memref<2000xi32, #tpu.memory_space<hbm>>) dst(%arg23 : memref<2000xi32, #tpu.memory_space<vmem>>)
        tpu.yield
      }) : () -> ()
      %parallel_loop3A_408 = arith.constant 0 : i32
      %parallel_loop3A_409 = arith.constant 125 : i32
      %parallel_loop3A_410 = arith.constant 1 : i32
      scf.for %parallel_loop3A_411 = %parallel_loop3A_408 to %parallel_loop3A_409 step %parallel_loop3A_410  : i32 {
        %parallel_loop3A_412 = arith.constant 16 : i32
        %parallel_loop3A_413 = arith.muli %parallel_loop3A_411, %parallel_loop3A_412 : i32
        %parallel_loop3A_414 = arith.index_cast %parallel_loop3A_413 : i32 to index
        %parallel_loop3A_415 = tpu.vector_load %arg23[%parallel_loop3A_414] {strides = array<i32>} : memref<2000xi32, #tpu.memory_space<vmem>>, vector<16xi32>,
        tpu.vector_store_idx %arg19[%parallel_loop3A_415], %broadcast_in_dim3A_199 {add = true} : memref<10240xf32, #tpu.memory_space<vmem>>[vector<16xi32>], vector<16xf32>,
      } {sc.loop_unroll_factor = 4 : i64, sc.parallel_access}
    }
    %scan3A_205 = arith.constant 5 : i32
    %mul3A_206 = arith.constant 2 : i32
    %mul3A_207 = arith.muli %mul3A_206, %select_n3A_54 : i32
    %add3A_208 = arith.constant 0 : i32
    %add3A_209 = arith.addi %mul3A_207, %add3A_208 : i32
    %mul3A_210 = arith.constant 16 : i32
    %mul3A_211 = arith.muli %add3A_209, %mul3A_210 : i32
    %mul3A_212 = arith.constant 4 : i32
    %mul3A_213 = arith.muli %select_n3A_70, %mul3A_212 : i32
    %add3A_214 = arith.addi %mul3A_211, %mul3A_213 : i32
    %add3A_215 = arith.constant 0 : i32
    %add3A_216 = arith.addi %add3A_214, %add3A_215 : i32
    %dma_start3A_217 = arith.constant 0 : i32
    %dma_start3A_218 = tpu.memref_slice %arg7[%select_n3A_30, %add3A_216, %dma_start3A_217] : memref<2x128x10240xf32, #tpu.memory_space<hbm>> -> memref<1x1x10240xf32, #tpu.memory_space<hbm>>
    %dma_start3A_219 = tpu.memref_squeeze %dma_start3A_218 : memref<1x1x10240xf32, #tpu.memory_space<hbm>> -> memref<10240xf32, #tpu.memory_space<hbm>>
    %dma_start3A_220 = arith.constant 0 : i32
    %dma_start3A_221 = tpu.memref_slice %arg7[%select_n3A_30, %add3A_216, %dma_start3A_220] : memref<2x128x10240xf32, #tpu.memory_space<hbm>> -> memref<1x1x10240xf32, #tpu.memory_space<hbm>>
    %dma_start3A_222 = tpu.memref_squeeze %dma_start3A_221 : memref<1x1x10240xf32, #tpu.memory_space<hbm>> -> memref<10240xf32, #tpu.memory_space<hbm>>
    tpu.enqueue_dma source(%arg11 : memref<10240xf32, #tpu.memory_space<vmem>>) target(%dma_start3A_222 : memref<10240xf32, #tpu.memory_space<hbm>>) target_semaphore(%arg24 : memref<!tpu.dma_semaphore, #tpu.memory_space<semaphore_mem>>)
    %mul3A_223 = arith.constant 2 : i32
    %mul3A_224 = arith.muli %mul3A_223, %select_n3A_54 : i32
    %add3A_225 = arith.constant 0 : i32
    %add3A_226 = arith.addi %mul3A_224, %add3A_225 : i32
    %mul3A_227 = arith.constant 16 : i32
    %mul3A_228 = arith.muli %add3A_226, %mul3A_227 : i32
    %mul3A_229 = arith.constant 4 : i32
    %mul3A_230 = arith.muli %select_n3A_70, %mul3A_229 : i32
    %add3A_231 = arith.addi %mul3A_228, %mul3A_230 : i32
    %add3A_232 = arith.constant 1 : i32
    %add3A_233 = arith.addi %add3A_231, %add3A_232 : i32
    %dma_start3A_234 = arith.constant 0 : i32
    %dma_start3A_235 = tpu.memref_slice %arg7[%select_n3A_30, %add3A_233, %dma_start3A_234] : memref<2x128x10240xf32, #tpu.memory_space<hbm>> -> memref<1x1x10240xf32, #tpu.memory_space<hbm>>
    %dma_start3A_236 = tpu.memref_squeeze %dma_start3A_235 : memref<1x1x10240xf32, #tpu.memory_space<hbm>> -> memref<10240xf32, #tpu.memory_space<hbm>>
    %dma_start3A_237 = arith.constant 0 : i32
    %dma_start3A_238 = tpu.memref_slice %arg7[%select_n3A_30, %add3A_233, %dma_start3A_237] : memref<2x128x10240xf32, #tpu.memory_space<hbm>> -> memref<1x1x10240xf32, #tpu.memory_space<hbm>>
    %dma_start3A_239 = tpu.memref_squeeze %dma_start3A_238 : memref<1x1x10240xf32, #tpu.memory_space<hbm>> -> memref<10240xf32, #tpu.memory_space<hbm>>
    tpu.enqueue_dma source(%arg12 : memref<10240xf32, #tpu.memory_space<vmem>>) target(%dma_start3A_239 : memref<10240xf32, #tpu.memory_space<hbm>>) target_semaphore(%arg24 : memref<!tpu.dma_semaphore, #tpu.memory_space<semaphore_mem>>)
    %mul3A_240 = arith.constant 2 : i32
    %mul3A_241 = arith.muli %mul3A_240, %select_n3A_54 : i32
    %add3A_242 = arith.constant 0 : i32
    %add3A_243 = arith.addi %mul3A_241, %add3A_242 : i32
    %mul3A_244 = arith.constant 16 : i32
    %mul3A_245 = arith.muli %add3A_243, %mul3A_244 : i32
    %mul3A_246 = arith.constant 4 : i32
    %mul3A_247 = arith.muli %select_n3A_70, %mul3A_246 : i32
    %add3A_248 = arith.addi %mul3A_245, %mul3A_247 : i32
    %add3A_249 = arith.constant 2 : i32
    %add3A_250 = arith.addi %add3A_248, %add3A_249 : i32
    %dma_start3A_251 = arith.constant 0 : i32
    %dma_start3A_252 = tpu.memref_slice %arg7[%select_n3A_30, %add3A_250, %dma_start3A_251] : memref<2x128x10240xf32, #tpu.memory_space<hbm>> -> memref<1x1x10240xf32, #tpu.memory_space<hbm>>
    %dma_start3A_253 = tpu.memref_squeeze %dma_start3A_252 : memref<1x1x10240xf32, #tpu.memory_space<hbm>> -> memref<10240xf32, #tpu.memory_space<hbm>>
    %dma_start3A_254 = arith.constant 0 : i32
    %dma_start3A_255 = tpu.memref_slice %arg7[%select_n3A_30, %add3A_250, %dma_start3A_254] : memref<2x128x10240xf32, #tpu.memory_space<hbm>> -> memref<1x1x10240xf32, #tpu.memory_space<hbm>>
    %dma_start3A_256 = tpu.memref_squeeze %dma_start3A_255 : memref<1x1x10240xf32, #tpu.memory_space<hbm>> -> memref<10240xf32, #tpu.memory_space<hbm>>
    tpu.enqueue_dma source(%arg13 : memref<10240xf32, #tpu.memory_space<vmem>>) target(%dma_start3A_256 : memref<10240xf32, #tpu.memory_space<hbm>>) target_semaphore(%arg24 : memref<!tpu.dma_semaphore, #tpu.memory_space<semaphore_mem>>)
    %mul3A_257 = arith.constant 2 : i32
    %mul3A_258 = arith.muli %mul3A_257, %select_n3A_54 : i32
    %add3A_259 = arith.constant 0 : i32
    %add3A_260 = arith.addi %mul3A_258, %add3A_259 : i32
    %mul3A_261 = arith.constant 16 : i32
    %mul3A_262 = arith.muli %add3A_260, %mul3A_261 : i32
    %mul3A_263 = arith.constant 4 : i32
    %mul3A_264 = arith.muli %select_n3A_70, %mul3A_263 : i32
    %add3A_265 = arith.addi %mul3A_262, %mul3A_264 : i32
    %add3A_266 = arith.constant 3 : i32
    %add3A_267 = arith.addi %add3A_265, %add3A_266 : i32
    %dma_start3A_268 = arith.constant 0 : i32
    %dma_start3A_269 = tpu.memref_slice %arg7[%select_n3A_30, %add3A_267, %dma_start3A_268] : memref<2x128x10240xf32, #tpu.memory_space<hbm>> -> memref<1x1x10240xf32, #tpu.memory_space<hbm>>
    %dma_start3A_270 = tpu.memref_squeeze %dma_start3A_269 : memref<1x1x10240xf32, #tpu.memory_space<hbm>> -> memref<10240xf32, #tpu.memory_space<hbm>>
    %dma_start3A_271 = arith.constant 0 : i32
    %dma_start3A_272 = tpu.memref_slice %arg7[%select_n3A_30, %add3A_267, %dma_start3A_271] : memref<2x128x10240xf32, #tpu.memory_space<hbm>> -> memref<1x1x10240xf32, #tpu.memory_space<hbm>>
    %dma_start3A_273 = tpu.memref_squeeze %dma_start3A_272 : memref<1x1x10240xf32, #tpu.memory_space<hbm>> -> memref<10240xf32, #tpu.memory_space<hbm>>
    tpu.enqueue_dma source(%arg14 : memref<10240xf32, #tpu.memory_space<vmem>>) target(%dma_start3A_273 : memref<10240xf32, #tpu.memory_space<hbm>>) target_semaphore(%arg24 : memref<!tpu.dma_semaphore, #tpu.memory_space<semaphore_mem>>)
    %mul3A_274 = arith.constant 2 : i32
    %mul3A_275 = arith.muli %mul3A_274, %select_n3A_54 : i32
    %add3A_276 = arith.constant 1 : i32
    %add3A_277 = arith.addi %mul3A_275, %add3A_276 : i32
    %mul3A_278 = arith.constant 16 : i32
    %mul3A_279 = arith.muli %add3A_277, %mul3A_278 : i32
    %mul3A_280 = arith.constant 4 : i32
    %mul3A_281 = arith.muli %select_n3A_70, %mul3A_280 : i32
    %add3A_282 = arith.addi %mul3A_279, %mul3A_281 : i32
    %add3A_283 = arith.constant 0 : i32
    %add3A_284 = arith.addi %add3A_282, %add3A_283 : i32
    %dma_start3A_285 = arith.constant 0 : i32
    %dma_start3A_286 = tpu.memref_slice %arg7[%select_n3A_30, %add3A_284, %dma_start3A_285] : memref<2x128x10240xf32, #tpu.memory_space<hbm>> -> memref<1x1x10240xf32, #tpu.memory_space<hbm>>
    %dma_start3A_287 = tpu.memref_squeeze %dma_start3A_286 : memref<1x1x10240xf32, #tpu.memory_space<hbm>> -> memref<10240xf32, #tpu.memory_space<hbm>>
    %dma_start3A_288 = arith.constant 0 : i32
    %dma_start3A_289 = tpu.memref_slice %arg7[%select_n3A_30, %add3A_284, %dma_start3A_288] : memref<2x128x10240xf32, #tpu.memory_space<hbm>> -> memref<1x1x10240xf32, #tpu.memory_space<hbm>>
    %dma_start3A_290 = tpu.memref_squeeze %dma_start3A_289 : memref<1x1x10240xf32, #tpu.memory_space<hbm>> -> memref<10240xf32, #tpu.memory_space<hbm>>
    tpu.enqueue_dma source(%arg15 : memref<10240xf32, #tpu.memory_space<vmem>>) target(%dma_start3A_290 : memref<10240xf32, #tpu.memory_space<hbm>>) target_semaphore(%arg24 : memref<!tpu.dma_semaphore, #tpu.memory_space<semaphore_mem>>)
    %mul3A_291 = arith.constant 2 : i32
    %mul3A_292 = arith.muli %mul3A_291, %select_n3A_54 : i32
    %add3A_293 = arith.constant 1 : i32
    %add3A_294 = arith.addi %mul3A_292, %add3A_293 : i32
    %mul3A_295 = arith.constant 16 : i32
    %mul3A_296 = arith.muli %add3A_294, %mul3A_295 : i32
    %mul3A_297 = arith.constant 4 : i32
    %mul3A_298 = arith.muli %select_n3A_70, %mul3A_297 : i32
    %add3A_299 = arith.addi %mul3A_296, %mul3A_298 : i32
    %add3A_300 = arith.constant 1 : i32
    %add3A_301 = arith.addi %add3A_299, %add3A_300 : i32
    %dma_start3A_302 = arith.constant 0 : i32
    %dma_start3A_303 = tpu.memref_slice %arg7[%select_n3A_30, %add3A_301, %dma_start3A_302] : memref<2x128x10240xf32, #tpu.memory_space<hbm>> -> memref<1x1x10240xf32, #tpu.memory_space<hbm>>
    %dma_start3A_304 = tpu.memref_squeeze %dma_start3A_303 : memref<1x1x10240xf32, #tpu.memory_space<hbm>> -> memref<10240xf32, #tpu.memory_space<hbm>>
    %dma_start3A_305 = arith.constant 0 : i32
    %dma_start3A_306 = tpu.memref_slice %arg7[%select_n3A_30, %add3A_301, %dma_start3A_305] : memref<2x128x10240xf32, #tpu.memory_space<hbm>> -> memref<1x1x10240xf32, #tpu.memory_space<hbm>>
    %dma_start3A_307 = tpu.memref_squeeze %dma_start3A_306 : memref<1x1x10240xf32, #tpu.memory_space<hbm>> -> memref<10240xf32, #tpu.memory_space<hbm>>
    tpu.enqueue_dma source(%arg16 : memref<10240xf32, #tpu.memory_space<vmem>>) target(%dma_start3A_307 : memref<10240xf32, #tpu.memory_space<hbm>>) target_semaphore(%arg24 : memref<!tpu.dma_semaphore, #tpu.memory_space<semaphore_mem>>)
    %mul3A_308 = arith.constant 2 : i32
    %mul3A_309 = arith.muli %mul3A_308, %select_n3A_54 : i32
    %add3A_310 = arith.constant 1 : i32
    %add3A_311 = arith.addi %mul3A_309, %add3A_310 : i32
    %mul3A_312 = arith.constant 16 : i32
    %mul3A_313 = arith.muli %add3A_311, %mul3A_312 : i32
    %mul3A_314 = arith.constant 4 : i32
    %mul3A_315 = arith.muli %select_n3A_70, %mul3A_314 : i32
    %add3A_316 = arith.addi %mul3A_313, %mul3A_315 : i32
    %add3A_317 = arith.constant 2 : i32
    %add3A_318 = arith.addi %add3A_316, %add3A_317 : i32
    %dma_start3A_319 = arith.constant 0 : i32
    %dma_start3A_320 = tpu.memref_slice %arg7[%select_n3A_30, %add3A_318, %dma_start3A_319] : memref<2x128x10240xf32, #tpu.memory_space<hbm>> -> memref<1x1x10240xf32, #tpu.memory_space<hbm>>
    %dma_start3A_321 = tpu.memref_squeeze %dma_start3A_320 : memref<1x1x10240xf32, #tpu.memory_space<hbm>> -> memref<10240xf32, #tpu.memory_space<hbm>>
    %dma_start3A_322 = arith.constant 0 : i32
    %dma_start3A_323 = tpu.memref_slice %arg7[%select_n3A_30, %add3A_318, %dma_start3A_322] : memref<2x128x10240xf32, #tpu.memory_space<hbm>> -> memref<1x1x10240xf32, #tpu.memory_space<hbm>>
    %dma_start3A_324 = tpu.memref_squeeze %dma_start3A_323 : memref<1x1x10240xf32, #tpu.memory_space<hbm>> -> memref<10240xf32, #tpu.memory_space<hbm>>
    tpu.enqueue_dma source(%arg17 : memref<10240xf32, #tpu.memory_space<vmem>>) target(%dma_start3A_324 : memref<10240xf32, #tpu.memory_space<hbm>>) target_semaphore(%arg24 : memref<!tpu.dma_semaphore, #tpu.memory_space<semaphore_mem>>)
    %mul3A_325 = arith.constant 2 : i32
    %mul3A_326 = arith.muli %mul3A_325, %select_n3A_54 : i32
    %add3A_327 = arith.constant 1 : i32
    %add3A_328 = arith.addi %mul3A_326, %add3A_327 : i32
    %mul3A_329 = arith.constant 16 : i32
    %mul3A_330 = arith.muli %add3A_328, %mul3A_329 : i32
    %mul3A_331 = arith.constant 4 : i32
    %mul3A_332 = arith.muli %select_n3A_70, %mul3A_331 : i32
    %add3A_333 = arith.addi %mul3A_330, %mul3A_332 : i32
    %add3A_334 = arith.constant 3 : i32
    %add3A_335 = arith.addi %add3A_333, %add3A_334 : i32
    %dma_start3A_336 = arith.constant 0 : i32
    %dma_start3A_337 = tpu.memref_slice %arg7[%select_n3A_30, %add3A_335, %dma_start3A_336] : memref<2x128x10240xf32, #tpu.memory_space<hbm>> -> memref<1x1x10240xf32, #tpu.memory_space<hbm>>
    %dma_start3A_338 = tpu.memref_squeeze %dma_start3A_337 : memref<1x1x10240xf32, #tpu.memory_space<hbm>> -> memref<10240xf32, #tpu.memory_space<hbm>>
    %dma_start3A_339 = arith.constant 0 : i32
    %dma_start3A_340 = tpu.memref_slice %arg7[%select_n3A_30, %add3A_335, %dma_start3A_339] : memref<2x128x10240xf32, #tpu.memory_space<hbm>> -> memref<1x1x10240xf32, #tpu.memory_space<hbm>>
    %dma_start3A_341 = tpu.memref_squeeze %dma_start3A_340 : memref<1x1x10240xf32, #tpu.memory_space<hbm>> -> memref<10240xf32, #tpu.memory_space<hbm>>
    tpu.enqueue_dma source(%arg18 : memref<10240xf32, #tpu.memory_space<vmem>>) target(%dma_start3A_341 : memref<10240xf32, #tpu.memory_space<hbm>>) target_semaphore(%arg24 : memref<!tpu.dma_semaphore, #tpu.memory_space<semaphore_mem>>)
    %dma_start3A_342 = arith.constant 0 : i32
    %dma_start3A_343 = tpu.memref_slice %arg8[%add3A, %dma_start3A_342] : memref<32x10240xf32, #tpu.memory_space<hbm>> -> memref<1x10240xf32, #tpu.memory_space<hbm>>
    %dma_start3A_344 = tpu.memref_squeeze %dma_start3A_343 : memref<1x10240xf32, #tpu.memory_space<hbm>> -> memref<10240xf32, #tpu.memory_space<hbm>>
    %dma_start3A_345 = arith.constant 0 : i32
    %dma_start3A_346 = tpu.memref_slice %arg8[%add3A, %dma_start3A_345] : memref<32x10240xf32, #tpu.memory_space<hbm>> -> memref<1x10240xf32, #tpu.memory_space<hbm>>
    %dma_start3A_347 = tpu.memref_squeeze %dma_start3A_346 : memref<1x10240xf32, #tpu.memory_space<hbm>> -> memref<10240xf32, #tpu.memory_space<hbm>>
    tpu.enqueue_dma source(%arg19 : memref<10240xf32, #tpu.memory_space<vmem>>) target(%dma_start3A_347 : memref<10240xf32, #tpu.memory_space<hbm>>) target_semaphore(%arg24 : memref<!tpu.dma_semaphore, #tpu.memory_space<semaphore_mem>>)
    %dma_wait3A_348 = arith.constant 0 : i32
    %dma_wait3A_349 = tpu.memref_slice %arg7[%select_n3A_30, %add3A_216, %dma_wait3A_348] : memref<2x128x10240xf32, #tpu.memory_space<hbm>> -> memref<1x1x10240xf32, #tpu.memory_space<hbm>>
    %dma_wait3A_350 = tpu.memref_squeeze %dma_wait3A_349 : memref<1x1x10240xf32, #tpu.memory_space<hbm>> -> memref<10240xf32, #tpu.memory_space<hbm>>
    %dma_wait3A_351 = arith.constant 0 : i32
    %dma_wait3A_352 = tpu.memref_slice %arg7[%select_n3A_30, %add3A_216, %dma_wait3A_351] : memref<2x128x10240xf32, #tpu.memory_space<hbm>> -> memref<1x1x10240xf32, #tpu.memory_space<hbm>>
    %dma_wait3A_353 = tpu.memref_squeeze %dma_wait3A_352 : memref<1x1x10240xf32, #tpu.memory_space<hbm>> -> memref<10240xf32, #tpu.memory_space<hbm>>
    tpu.wait_dma2 semaphore(%arg24 : memref<!tpu.dma_semaphore, #tpu.memory_space<semaphore_mem>>) src(%arg11 : memref<10240xf32, #tpu.memory_space<vmem>>) dst(%dma_wait3A_353 : memref<10240xf32, #tpu.memory_space<hbm>>)
    %dma_wait3A_354 = arith.constant 0 : i32
    %dma_wait3A_355 = tpu.memref_slice %arg7[%select_n3A_30, %add3A_233, %dma_wait3A_354] : memref<2x128x10240xf32, #tpu.memory_space<hbm>> -> memref<1x1x10240xf32, #tpu.memory_space<hbm>>
    %dma_wait3A_356 = tpu.memref_squeeze %dma_wait3A_355 : memref<1x1x10240xf32, #tpu.memory_space<hbm>> -> memref<10240xf32, #tpu.memory_space<hbm>>
    %dma_wait3A_357 = arith.constant 0 : i32
    %dma_wait3A_358 = tpu.memref_slice %arg7[%select_n3A_30, %add3A_233, %dma_wait3A_357] : memref<2x128x10240xf32, #tpu.memory_space<hbm>> -> memref<1x1x10240xf32, #tpu.memory_space<hbm>>
    %dma_wait3A_359 = tpu.memref_squeeze %dma_wait3A_358 : memref<1x1x10240xf32, #tpu.memory_space<hbm>> -> memref<10240xf32, #tpu.memory_space<hbm>>
    tpu.wait_dma2 semaphore(%arg24 : memref<!tpu.dma_semaphore, #tpu.memory_space<semaphore_mem>>) src(%arg12 : memref<10240xf32, #tpu.memory_space<vmem>>) dst(%dma_wait3A_359 : memref<10240xf32, #tpu.memory_space<hbm>>)
    %dma_wait3A_360 = arith.constant 0 : i32
    %dma_wait3A_361 = tpu.memref_slice %arg7[%select_n3A_30, %add3A_250, %dma_wait3A_360] : memref<2x128x10240xf32, #tpu.memory_space<hbm>> -> memref<1x1x10240xf32, #tpu.memory_space<hbm>>
    %dma_wait3A_362 = tpu.memref_squeeze %dma_wait3A_361 : memref<1x1x10240xf32, #tpu.memory_space<hbm>> -> memref<10240xf32, #tpu.memory_space<hbm>>
    %dma_wait3A_363 = arith.constant 0 : i32
    %dma_wait3A_364 = tpu.memref_slice %arg7[%select_n3A_30, %add3A_250, %dma_wait3A_363] : memref<2x128x10240xf32, #tpu.memory_space<hbm>> -> memref<1x1x10240xf32, #tpu.memory_space<hbm>>
    %dma_wait3A_365 = tpu.memref_squeeze %dma_wait3A_364 : memref<1x1x10240xf32, #tpu.memory_space<hbm>> -> memref<10240xf32, #tpu.memory_space<hbm>>
    tpu.wait_dma2 semaphore(%arg24 : memref<!tpu.dma_semaphore, #tpu.memory_space<semaphore_mem>>) src(%arg13 : memref<10240xf32, #tpu.memory_space<vmem>>) dst(%dma_wait3A_365 : memref<10240xf32, #tpu.memory_space<hbm>>)
    %dma_wait3A_366 = arith.constant 0 : i32
    %dma_wait3A_367 = tpu.memref_slice %arg7[%select_n3A_30, %add3A_267, %dma_wait3A_366] : memref<2x128x10240xf32, #tpu.memory_space<hbm>> -> memref<1x1x10240xf32, #tpu.memory_space<hbm>>
    %dma_wait3A_368 = tpu.memref_squeeze %dma_wait3A_367 : memref<1x1x10240xf32, #tpu.memory_space<hbm>> -> memref<10240xf32, #tpu.memory_space<hbm>>
    %dma_wait3A_369 = arith.constant 0 : i32
    %dma_wait3A_370 = tpu.memref_slice %arg7[%select_n3A_30, %add3A_267, %dma_wait3A_369] : memref<2x128x10240xf32, #tpu.memory_space<hbm>> -> memref<1x1x10240xf32, #tpu.memory_space<hbm>>
    %dma_wait3A_371 = tpu.memref_squeeze %dma_wait3A_370 : memref<1x1x10240xf32, #tpu.memory_space<hbm>> -> memref<10240xf32, #tpu.memory_space<hbm>>
    tpu.wait_dma2 semaphore(%arg24 : memref<!tpu.dma_semaphore, #tpu.memory_space<semaphore_mem>>) src(%arg14 : memref<10240xf32, #tpu.memory_space<vmem>>) dst(%dma_wait3A_371 : memref<10240xf32, #tpu.memory_space<hbm>>)
    %dma_wait3A_372 = arith.constant 0 : i32
    %dma_wait3A_373 = tpu.memref_slice %arg7[%select_n3A_30, %add3A_284, %dma_wait3A_372] : memref<2x128x10240xf32, #tpu.memory_space<hbm>> -> memref<1x1x10240xf32, #tpu.memory_space<hbm>>
    %dma_wait3A_374 = tpu.memref_squeeze %dma_wait3A_373 : memref<1x1x10240xf32, #tpu.memory_space<hbm>> -> memref<10240xf32, #tpu.memory_space<hbm>>
    %dma_wait3A_375 = arith.constant 0 : i32
    %dma_wait3A_376 = tpu.memref_slice %arg7[%select_n3A_30, %add3A_284, %dma_wait3A_375] : memref<2x128x10240xf32, #tpu.memory_space<hbm>> -> memref<1x1x10240xf32, #tpu.memory_space<hbm>>
    %dma_wait3A_377 = tpu.memref_squeeze %dma_wait3A_376 : memref<1x1x10240xf32, #tpu.memory_space<hbm>> -> memref<10240xf32, #tpu.memory_space<hbm>>
    tpu.wait_dma2 semaphore(%arg24 : memref<!tpu.dma_semaphore, #tpu.memory_space<semaphore_mem>>) src(%arg15 : memref<10240xf32, #tpu.memory_space<vmem>>) dst(%dma_wait3A_377 : memref<10240xf32, #tpu.memory_space<hbm>>)
    %dma_wait3A_378 = arith.constant 0 : i32
    %dma_wait3A_379 = tpu.memref_slice %arg7[%select_n3A_30, %add3A_301, %dma_wait3A_378] : memref<2x128x10240xf32, #tpu.memory_space<hbm>> -> memref<1x1x10240xf32, #tpu.memory_space<hbm>>
    %dma_wait3A_380 = tpu.memref_squeeze %dma_wait3A_379 : memref<1x1x10240xf32, #tpu.memory_space<hbm>> -> memref<10240xf32, #tpu.memory_space<hbm>>
    %dma_wait3A_381 = arith.constant 0 : i32
    %dma_wait3A_382 = tpu.memref_slice %arg7[%select_n3A_30, %add3A_301, %dma_wait3A_381] : memref<2x128x10240xf32, #tpu.memory_space<hbm>> -> memref<1x1x10240xf32, #tpu.memory_space<hbm>>
    %dma_wait3A_383 = tpu.memref_squeeze %dma_wait3A_382 : memref<1x1x10240xf32, #tpu.memory_space<hbm>> -> memref<10240xf32, #tpu.memory_space<hbm>>
    tpu.wait_dma2 semaphore(%arg24 : memref<!tpu.dma_semaphore, #tpu.memory_space<semaphore_mem>>) src(%arg16 : memref<10240xf32, #tpu.memory_space<vmem>>) dst(%dma_wait3A_383 : memref<10240xf32, #tpu.memory_space<hbm>>)
    %dma_wait3A_384 = arith.constant 0 : i32
    %dma_wait3A_385 = tpu.memref_slice %arg7[%select_n3A_30, %add3A_318, %dma_wait3A_384] : memref<2x128x10240xf32, #tpu.memory_space<hbm>> -> memref<1x1x10240xf32, #tpu.memory_space<hbm>>
    %dma_wait3A_386 = tpu.memref_squeeze %dma_wait3A_385 : memref<1x1x10240xf32, #tpu.memory_space<hbm>> -> memref<10240xf32, #tpu.memory_space<hbm>>
    %dma_wait3A_387 = arith.constant 0 : i32
    %dma_wait3A_388 = tpu.memref_slice %arg7[%select_n3A_30, %add3A_318, %dma_wait3A_387] : memref<2x128x10240xf32, #tpu.memory_space<hbm>> -> memref<1x1x10240xf32, #tpu.memory_space<hbm>>
    %dma_wait3A_389 = tpu.memref_squeeze %dma_wait3A_388 : memref<1x1x10240xf32, #tpu.memory_space<hbm>> -> memref<10240xf32, #tpu.memory_space<hbm>>
    tpu.wait_dma2 semaphore(%arg24 : memref<!tpu.dma_semaphore, #tpu.memory_space<semaphore_mem>>) src(%arg17 : memref<10240xf32, #tpu.memory_space<vmem>>) dst(%dma_wait3A_389 : memref<10240xf32, #tpu.memory_space<hbm>>)
    %dma_wait3A_390 = arith.constant 0 : i32
    %dma_wait3A_391 = tpu.memref_slice %arg7[%select_n3A_30, %add3A_335, %dma_wait3A_390] : memref<2x128x10240xf32, #tpu.memory_space<hbm>> -> memref<1x1x10240xf32, #tpu.memory_space<hbm>>
    %dma_wait3A_392 = tpu.memref_squeeze %dma_wait3A_391 : memref<1x1x10240xf32, #tpu.memory_space<hbm>> -> memref<10240xf32, #tpu.memory_space<hbm>>
    %dma_wait3A_393 = arith.constant 0 : i32
    %dma_wait3A_394 = tpu.memref_slice %arg7[%select_n3A_30, %add3A_335, %dma_wait3A_393] : memref<2x128x10240xf32, #tpu.memory_space<hbm>> -> memref<1x1x10240xf32, #tpu.memory_space<hbm>>
    %dma_wait3A_395 = tpu.memref_squeeze %dma_wait3A_394 : memref<1x1x10240xf32, #tpu.memory_space<hbm>> -> memref<10240xf32, #tpu.memory_space<hbm>>
    tpu.wait_dma2 semaphore(%arg24 : memref<!tpu.dma_semaphore, #tpu.memory_space<semaphore_mem>>) src(%arg18 : memref<10240xf32, #tpu.memory_space<vmem>>) dst(%dma_wait3A_395 : memref<10240xf32, #tpu.memory_space<hbm>>)
    %dma_wait3A_396 = arith.constant 0 : i32
    %dma_wait3A_397 = tpu.memref_slice %arg8[%add3A, %dma_wait3A_396] : memref<32x10240xf32, #tpu.memory_space<hbm>> -> memref<1x10240xf32, #tpu.memory_space<hbm>>
    %dma_wait3A_398 = tpu.memref_squeeze %dma_wait3A_397 : memref<1x10240xf32, #tpu.memory_space<hbm>> -> memref<10240xf32, #tpu.memory_space<hbm>>
    %dma_wait3A_399 = arith.constant 0 : i32
    %dma_wait3A_400 = tpu.memref_slice %arg8[%add3A, %dma_wait3A_399] : memref<32x10240xf32, #tpu.memory_space<hbm>> -> memref<1x10240xf32, #tpu.memory_space<hbm>>
    %dma_wait3A_401 = tpu.memref_squeeze %dma_wait3A_400 : memref<1x10240xf32, #tpu.memory_space<hbm>> -> memref<10240xf32, #tpu.memory_space<hbm>>
    tpu.wait_dma2 semaphore(%arg24 : memref<!tpu.dma_semaphore, #tpu.memory_space<semaphore_mem>>) src(%arg19 : memref<10240xf32, #tpu.memory_space<vmem>>) dst(%dma_wait3A_401 : memref<10240xf32, #tpu.memory_space<hbm>>)
    return
  }
}

module attributes {stable_mosaic.version = 14 : i64} {
  func.func @_tc1_body(%arg0: i32, %arg1: memref<1000x256xf32, #tpu.memory_space<vmem>>, %arg2: memref<256x256xf32, #tpu.memory_space<vmem>>, %arg3: memref<1x256xf32, #tpu.memory_space<vmem>>, %arg4: memref<256x1xf32, #tpu.memory_space<vmem>>, %arg5: memref<1x1xf32, #tpu.memory_space<vmem>>, %arg6: memref<1000x1xf32, #tpu.memory_space<vmem>>) attributes {dimension_semantics = [#tpu.dimension_semantics<arbitrary>], iteration_bounds = array<i64: 10>, scalar_prefetch = 0 : i64, scratch_operands = 0 : i64, tpu.core_type = #tpu.core_type<tc>, window_params = [{transform_indices = @transform_0, window_bounds = array<i64: 1000, 256>}, {pipeline_mode = #tpu.pipeline_mode<synchronous>, transform_indices = @transform_1, window_bounds = array<i64: 256, 256>}, {pipeline_mode = #tpu.pipeline_mode<synchronous>, transform_indices = @transform_2, window_bounds = array<i64: 1, 256>}, {pipeline_mode = #tpu.pipeline_mode<synchronous>, transform_indices = @transform_3, window_bounds = array<i64: 256, 1>}, {pipeline_mode = #tpu.pipeline_mode<synchronous>, transform_indices = @transform_4, window_bounds = array<i64: 1, 1>}, {transform_indices = @transform_5, window_bounds = array<i64: 1000, 1>}]} {
    %get3A = arith.constant 0 : index
    %get3A_0 = arith.constant 0 : index
    %get3A_1 = vector.load %arg1[%get3A, %get3A_0] : memref<1000x256xf32, #tpu.memory_space<vmem>>, vector<1000x256xf32>
    %get3A_2 = arith.constant 0 : index
    %get3A_3 = arith.constant 0 : index
    %get3A_4 = vector.load %arg2[%get3A_2, %get3A_3] : memref<256x256xf32, #tpu.memory_space<vmem>>, vector<256x256xf32>
    %dot_general3A = arith.constant dense<0.000000e+00> : vector<1000x256xf32>
    %dot_general3A_5 = tpu.matmul %get3A_1, %get3A_4, %dot_general3A {dimension_numbers = #tpu.dot_dimension_numbers<[1], [0], [0], [1], [0, 0, 1, 1], [], []>, transpose_lhs_hint = false} : vector<1000x256xf32>, vector<256x256xf32>, vector<1000x256xf32> -> vector<1000x256xf32>
    %get3A_6 = arith.constant 0 : index
    %get3A_7 = arith.constant 0 : index
    %get3A_8 = vector.load %arg3[%get3A_6, %get3A_7] : memref<1x256xf32, #tpu.memory_space<vmem>>, vector<1x256xf32>
    %add3A = vector.broadcast %get3A_8 : vector<1x256xf32> to vector<1000x256xf32>
    %add3A_9 = arith.addf %dot_general3A_5, %add3A : vector<1000x256xf32>
    %max3A = arith.constant 0.000000e+00 : f32
    %max3A_10 = vector.broadcast %max3A : f32 to vector<1000x256xf32>
    %max3A_11 = arith.maximumf %add3A_9, %max3A_10 : vector<1000x256xf32>
    %get3A_12 = arith.constant 0 : index
    %get3A_13 = arith.constant 0 : index
    %get3A_14 = vector.load %arg4[%get3A_12, %get3A_13] : memref<256x1xf32, #tpu.memory_space<vmem>>, vector<256x1xf32>
    %dot_general3A_15 = arith.constant dense<0.000000e+00> : vector<1000x1xf32>
    %dot_general3A_16 = tpu.matmul %max3A_11, %get3A_14, %dot_general3A_15 {dimension_numbers = #tpu.dot_dimension_numbers<[1], [0], [0], [1], [0, 0, 1, 1], [], []>, transpose_lhs_hint = false} : vector<1000x256xf32>, vector<256x1xf32>, vector<1000x1xf32> -> vector<1000x1xf32>
    %get3A_17 = arith.constant 0 : index
    %get3A_18 = arith.constant 0 : index
    %get3A_19 = vector.load %arg5[%get3A_17, %get3A_18] : memref<1x1xf32, #tpu.memory_space<vmem>>, vector<1x1xf32>
    %add3A_20 = vector.broadcast %get3A_19 : vector<1x1xf32> to vector<1000x1xf32>
    %add3A_21 = arith.addf %dot_general3A_16, %add3A_20 : vector<1000x1xf32>
    %swap3A = arith.constant 0 : index
    %swap3A_22 = arith.constant 0 : index
    %swap3A_23 = vector.load %arg6[%swap3A, %swap3A_22] : memref<1000x1xf32, #tpu.memory_space<vmem>>, vector<1000x1xf32>
    tpu.vector_store %arg6[%swap3A, %swap3A_22], %add3A_21 {strides = array<i32>} : memref<1000x1xf32, #tpu.memory_space<vmem>>, vector<1000x1xf32>,
    return
  }
  func.func @transform_0(%arg0: i32) -> (i32, i32) {
    %c0_i32 = arith.constant 0 : i32
    %c0_i32_0 = arith.constant 0 : i32
    return %arg0, %c0_i32 : i32, i32
  }
  func.func @transform_1(%arg0: i32) -> (i32, i32) {
    %c0_i32 = arith.constant 0 : i32
    %c0_i32_0 = arith.constant 0 : i32
    %c0_i32_1 = arith.constant 0 : i32
    return %c0_i32, %c0_i32_0 : i32, i32
  }
  func.func @transform_2(%arg0: i32) -> (i32, i32) {
    %c0_i32 = arith.constant 0 : i32
    %c0_i32_0 = arith.constant 0 : i32
    %c0_i32_1 = arith.constant 0 : i32
    return %c0_i32, %c0_i32_0 : i32, i32
  }
  func.func @transform_3(%arg0: i32) -> (i32, i32) {
    %c0_i32 = arith.constant 0 : i32
    %c0_i32_0 = arith.constant 0 : i32
    %c0_i32_1 = arith.constant 0 : i32
    return %c0_i32, %c0_i32_0 : i32, i32
  }
  func.func @transform_4(%arg0: i32) -> (i32, i32) {
    %c0_i32 = arith.constant 0 : i32
    %c0_i32_0 = arith.constant 0 : i32
    %c0_i32_1 = arith.constant 0 : i32
    return %c0_i32, %c0_i32_0 : i32, i32
  }
  func.func @transform_5(%arg0: i32) -> (i32, i32) {
    %c0_i32 = arith.constant 0 : i32
    %c0_i32_0 = arith.constant 0 : i32
    return %arg0, %c0_i32 : i32, i32
  }
}

module attributes {stable_mosaic.version = 14 : i64} {
  func.func @_tc2_body(%arg0: i32, %arg1: memref<2x128x1024xf32, #tpu.memory_space<vmem>>, %arg2: memref<32x1024xf32, #tpu.memory_space<vmem>>, %arg3: memref<128x16xf32, #tpu.memory_space<vmem>>, %arg4: memref<2x128xf32, #tpu.memory_space<vmem>>, %arg5: memref<2x1024xf32, #tpu.memory_space<vmem>>) attributes {dimension_semantics = [#tpu.dimension_semantics<arbitrary>], iteration_bounds = array<i64: 10>, scalar_prefetch = 0 : i64, scratch_operands = 0 : i64, tpu.core_type = #tpu.core_type<tc>, window_params = [{transform_indices = @transform_0, window_bounds = array<i64: 2, 128, 1024>}, {transform_indices = @transform_1, window_bounds = array<i64: 32, 1024>}, {pipeline_mode = #tpu.pipeline_mode<synchronous>, transform_indices = @transform_2, window_bounds = array<i64: 128, 16>}, {pipeline_mode = #tpu.pipeline_mode<synchronous>, transform_indices = @transform_3, window_bounds = array<i64: 2, 128>}, {transform_indices = @transform_4, window_bounds = array<i64: 2, 1024>}]} {
    %get3A = arith.constant 0 : index
    %get3A_0 = arith.constant 0 : index
    %get3A_1 = arith.constant 0 : index
    %get3A_2 = vector.load %arg1[%get3A, %get3A_0, %get3A_1] : memref<2x128x1024xf32, #tpu.memory_space<vmem>>, vector<1x128x1024xf32>
    %get3A_3 = vector.shape_cast %get3A_2 : vector<1x128x1024xf32> to vector<128x1024xf32>
    %get3A_4 = arith.constant 1 : index
    %get3A_5 = arith.constant 0 : index
    %get3A_6 = arith.constant 0 : index
    %get3A_7 = vector.load %arg1[%get3A_4, %get3A_5, %get3A_6] : memref<2x128x1024xf32, #tpu.memory_space<vmem>>, vector<1x128x1024xf32>
    %get3A_8 = vector.shape_cast %get3A_7 : vector<1x128x1024xf32> to vector<128x1024xf32>
    %add3A = arith.addf %get3A_3, %get3A_8 : vector<128x1024xf32>
    %get3A_9 = arith.constant 0 : index
    %get3A_10 = arith.constant 0 : index
    %get3A_11 = vector.load %arg2[%get3A_9, %get3A_10] : memref<32x1024xf32, #tpu.memory_space<vmem>>, vector<32x1024xf32>
    %reduce_sum3A = arith.constant dense<0.000000e+00> : vector<1024xf32>
    %reduce_sum3A_12 = vector.multi_reduction <add>, %get3A_11, %reduce_sum3A [0] : vector<32x1024xf32> to vector<1024xf32>
    %max3A = arith.constant 1.000000e+00 : f32
    %max3A_13 = vector.broadcast %max3A : f32 to vector<1024xf32>
    %max3A_14 = arith.maximumf %reduce_sum3A_12, %max3A_13 : vector<1024xf32>
    %div3A = arith.constant 1.000000e+00 : f32
    %div3A_15 = vector.broadcast %div3A : f32 to vector<1024xf32>
    %div3A_16 = arith.divf %div3A_15, %max3A_14 : vector<1024xf32>
    %broadcast_in_dim3A = vector.shape_cast %div3A_16 : vector<1024xf32> to vector<1x1024xf32>
    %mul3A = vector.broadcast %broadcast_in_dim3A : vector<1x1024xf32> to vector<128x1024xf32>
    %mul3A_17 = arith.mulf %add3A, %mul3A : vector<128x1024xf32>
    %broadcast_in_dim3A_18 = arith.constant 0.000000e+00 : f32
    %broadcast_in_dim3A_19 = vector.broadcast %broadcast_in_dim3A_18 : f32 to vector<128x1024xf32>
    %slice3A = vector.extract_strided_slice %mul3A_17 {offsets = [0, 0], sizes = [16, 1024], strides = [1, 1]} : vector<128x1024xf32> to vector<16x1024xf32>
    %get3A_20 = arith.constant 0 : index
    %get3A_21 = arith.constant 0 : index
    %get3A_22 = vector.load %arg3[%get3A_20, %get3A_21] : memref<128x16xf32, #tpu.memory_space<vmem>>, vector<128x16xf32>
    %dot_general3A = arith.constant dense<0.000000e+00> : vector<128x1024xf32>
    %dot_general3A_23 = tpu.matmul %get3A_22, %slice3A, %dot_general3A {dimension_numbers = #tpu.dot_dimension_numbers<[1], [0], [0], [1], [0, 0, 1, 1], [], []>, transpose_lhs_hint = false} : vector<128x16xf32>, vector<16x1024xf32>, vector<128x1024xf32> -> vector<128x1024xf32>
    %max3A_24 = arith.constant 0.000000e+00 : f32
    %max3A_25 = vector.broadcast %max3A_24 : f32 to vector<128x1024xf32>
    %max3A_26 = arith.maximumf %dot_general3A_23, %max3A_25 : vector<128x1024xf32>
    %add3A_27 = arith.addf %broadcast_in_dim3A_19, %max3A_26 : vector<128x1024xf32>
    %slice3A_28 = vector.extract_strided_slice %mul3A_17 {offsets = [16, 0], sizes = [16, 1024], strides = [1, 1]} : vector<128x1024xf32> to vector<16x1024xf32>
    %get3A_29 = arith.constant 0 : index
    %get3A_30 = arith.constant 0 : index
    %get3A_31 = vector.load %arg3[%get3A_29, %get3A_30] : memref<128x16xf32, #tpu.memory_space<vmem>>, vector<128x16xf32>
    %dot_general3A_32 = arith.constant dense<0.000000e+00> : vector<128x1024xf32>
    %dot_general3A_33 = tpu.matmul %get3A_31, %slice3A_28, %dot_general3A_32 {dimension_numbers = #tpu.dot_dimension_numbers<[1], [0], [0], [1], [0, 0, 1, 1], [], []>, transpose_lhs_hint = false} : vector<128x16xf32>, vector<16x1024xf32>, vector<128x1024xf32> -> vector<128x1024xf32>
    %max3A_34 = arith.constant 0.000000e+00 : f32
    %max3A_35 = vector.broadcast %max3A_34 : f32 to vector<128x1024xf32>
    %max3A_36 = arith.maximumf %dot_general3A_33, %max3A_35 : vector<128x1024xf32>
    %add3A_37 = arith.addf %add3A_27, %max3A_36 : vector<128x1024xf32>
    %slice3A_38 = vector.extract_strided_slice %mul3A_17 {offsets = [32, 0], sizes = [16, 1024], strides = [1, 1]} : vector<128x1024xf32> to vector<16x1024xf32>
    %get3A_39 = arith.constant 0 : index
    %get3A_40 = arith.constant 0 : index
    %get3A_41 = vector.load %arg3[%get3A_39, %get3A_40] : memref<128x16xf32, #tpu.memory_space<vmem>>, vector<128x16xf32>
    %dot_general3A_42 = arith.constant dense<0.000000e+00> : vector<128x1024xf32>
    %dot_general3A_43 = tpu.matmul %get3A_41, %slice3A_38, %dot_general3A_42 {dimension_numbers = #tpu.dot_dimension_numbers<[1], [0], [0], [1], [0, 0, 1, 1], [], []>, transpose_lhs_hint = false} : vector<128x16xf32>, vector<16x1024xf32>, vector<128x1024xf32> -> vector<128x1024xf32>
    %max3A_44 = arith.constant 0.000000e+00 : f32
    %max3A_45 = vector.broadcast %max3A_44 : f32 to vector<128x1024xf32>
    %max3A_46 = arith.maximumf %dot_general3A_43, %max3A_45 : vector<128x1024xf32>
    %add3A_47 = arith.addf %add3A_37, %max3A_46 : vector<128x1024xf32>
    %slice3A_48 = vector.extract_strided_slice %mul3A_17 {offsets = [48, 0], sizes = [16, 1024], strides = [1, 1]} : vector<128x1024xf32> to vector<16x1024xf32>
    %get3A_49 = arith.constant 0 : index
    %get3A_50 = arith.constant 0 : index
    %get3A_51 = vector.load %arg3[%get3A_49, %get3A_50] : memref<128x16xf32, #tpu.memory_space<vmem>>, vector<128x16xf32>
    %dot_general3A_52 = arith.constant dense<0.000000e+00> : vector<128x1024xf32>
    %dot_general3A_53 = tpu.matmul %get3A_51, %slice3A_48, %dot_general3A_52 {dimension_numbers = #tpu.dot_dimension_numbers<[1], [0], [0], [1], [0, 0, 1, 1], [], []>, transpose_lhs_hint = false} : vector<128x16xf32>, vector<16x1024xf32>, vector<128x1024xf32> -> vector<128x1024xf32>
    %max3A_54 = arith.constant 0.000000e+00 : f32
    %max3A_55 = vector.broadcast %max3A_54 : f32 to vector<128x1024xf32>
    %max3A_56 = arith.maximumf %dot_general3A_53, %max3A_55 : vector<128x1024xf32>
    %add3A_57 = arith.addf %add3A_47, %max3A_56 : vector<128x1024xf32>
    %slice3A_58 = vector.extract_strided_slice %mul3A_17 {offsets = [64, 0], sizes = [16, 1024], strides = [1, 1]} : vector<128x1024xf32> to vector<16x1024xf32>
    %get3A_59 = arith.constant 0 : index
    %get3A_60 = arith.constant 0 : index
    %get3A_61 = vector.load %arg3[%get3A_59, %get3A_60] : memref<128x16xf32, #tpu.memory_space<vmem>>, vector<128x16xf32>
    %dot_general3A_62 = arith.constant dense<0.000000e+00> : vector<128x1024xf32>
    %dot_general3A_63 = tpu.matmul %get3A_61, %slice3A_58, %dot_general3A_62 {dimension_numbers = #tpu.dot_dimension_numbers<[1], [0], [0], [1], [0, 0, 1, 1], [], []>, transpose_lhs_hint = false} : vector<128x16xf32>, vector<16x1024xf32>, vector<128x1024xf32> -> vector<128x1024xf32>
    %max3A_64 = arith.constant 0.000000e+00 : f32
    %max3A_65 = vector.broadcast %max3A_64 : f32 to vector<128x1024xf32>
    %max3A_66 = arith.maximumf %dot_general3A_63, %max3A_65 : vector<128x1024xf32>
    %add3A_67 = arith.addf %add3A_57, %max3A_66 : vector<128x1024xf32>
    %slice3A_68 = vector.extract_strided_slice %mul3A_17 {offsets = [80, 0], sizes = [16, 1024], strides = [1, 1]} : vector<128x1024xf32> to vector<16x1024xf32>
    %get3A_69 = arith.constant 0 : index
    %get3A_70 = arith.constant 0 : index
    %get3A_71 = vector.load %arg3[%get3A_69, %get3A_70] : memref<128x16xf32, #tpu.memory_space<vmem>>, vector<128x16xf32>
    %dot_general3A_72 = arith.constant dense<0.000000e+00> : vector<128x1024xf32>
    %dot_general3A_73 = tpu.matmul %get3A_71, %slice3A_68, %dot_general3A_72 {dimension_numbers = #tpu.dot_dimension_numbers<[1], [0], [0], [1], [0, 0, 1, 1], [], []>, transpose_lhs_hint = false} : vector<128x16xf32>, vector<16x1024xf32>, vector<128x1024xf32> -> vector<128x1024xf32>
    %max3A_74 = arith.constant 0.000000e+00 : f32
    %max3A_75 = vector.broadcast %max3A_74 : f32 to vector<128x1024xf32>
    %max3A_76 = arith.maximumf %dot_general3A_73, %max3A_75 : vector<128x1024xf32>
    %add3A_77 = arith.addf %add3A_67, %max3A_76 : vector<128x1024xf32>
    %slice3A_78 = vector.extract_strided_slice %mul3A_17 {offsets = [96, 0], sizes = [16, 1024], strides = [1, 1]} : vector<128x1024xf32> to vector<16x1024xf32>
    %get3A_79 = arith.constant 0 : index
    %get3A_80 = arith.constant 0 : index
    %get3A_81 = vector.load %arg3[%get3A_79, %get3A_80] : memref<128x16xf32, #tpu.memory_space<vmem>>, vector<128x16xf32>
    %dot_general3A_82 = arith.constant dense<0.000000e+00> : vector<128x1024xf32>
    %dot_general3A_83 = tpu.matmul %get3A_81, %slice3A_78, %dot_general3A_82 {dimension_numbers = #tpu.dot_dimension_numbers<[1], [0], [0], [1], [0, 0, 1, 1], [], []>, transpose_lhs_hint = false} : vector<128x16xf32>, vector<16x1024xf32>, vector<128x1024xf32> -> vector<128x1024xf32>
    %max3A_84 = arith.constant 0.000000e+00 : f32
    %max3A_85 = vector.broadcast %max3A_84 : f32 to vector<128x1024xf32>
    %max3A_86 = arith.maximumf %dot_general3A_83, %max3A_85 : vector<128x1024xf32>
    %add3A_87 = arith.addf %add3A_77, %max3A_86 : vector<128x1024xf32>
    %slice3A_88 = vector.extract_strided_slice %mul3A_17 {offsets = [112, 0], sizes = [16, 1024], strides = [1, 1]} : vector<128x1024xf32> to vector<16x1024xf32>
    %get3A_89 = arith.constant 0 : index
    %get3A_90 = arith.constant 0 : index
    %get3A_91 = vector.load %arg3[%get3A_89, %get3A_90] : memref<128x16xf32, #tpu.memory_space<vmem>>, vector<128x16xf32>
    %dot_general3A_92 = arith.constant dense<0.000000e+00> : vector<128x1024xf32>
    %dot_general3A_93 = tpu.matmul %get3A_91, %slice3A_88, %dot_general3A_92 {dimension_numbers = #tpu.dot_dimension_numbers<[1], [0], [0], [1], [0, 0, 1, 1], [], []>, transpose_lhs_hint = false} : vector<128x16xf32>, vector<16x1024xf32>, vector<128x1024xf32> -> vector<128x1024xf32>
    %max3A_94 = arith.constant 0.000000e+00 : f32
    %max3A_95 = vector.broadcast %max3A_94 : f32 to vector<128x1024xf32>
    %max3A_96 = arith.maximumf %dot_general3A_93, %max3A_95 : vector<128x1024xf32>
    %add3A_97 = arith.addf %add3A_87, %max3A_96 : vector<128x1024xf32>
    %get3A_98 = arith.constant 0 : index
    %get3A_99 = arith.constant 0 : index
    %get3A_100 = vector.load %arg4[%get3A_98, %get3A_99] : memref<2x128xf32, #tpu.memory_space<vmem>>, vector<2x128xf32>
    %mul3A_101 = arith.constant 1.250000e-01 : f32
    %mul3A_102 = vector.broadcast %mul3A_101 : f32 to vector<128x1024xf32>
    %mul3A_103 = arith.mulf %add3A_97, %mul3A_102 : vector<128x1024xf32>
    %dot_general3A_104 = arith.constant dense<0.000000e+00> : vector<2x1024xf32>
    %dot_general3A_105 = tpu.matmul %get3A_100, %mul3A_103, %dot_general3A_104 {dimension_numbers = #tpu.dot_dimension_numbers<[1], [0], [0], [1], [0, 0, 1, 1], [], []>, transpose_lhs_hint = false} : vector<2x128xf32>, vector<128x1024xf32>, vector<2x1024xf32> -> vector<2x1024xf32>
    %swap3A = arith.constant 0 : index
    %swap3A_106 = arith.constant 0 : index
    %swap3A_107 = vector.load %arg5[%swap3A, %swap3A_106] : memref<2x1024xf32, #tpu.memory_space<vmem>>, vector<2x1024xf32>
    tpu.vector_store %arg5[%swap3A, %swap3A_106], %dot_general3A_105 {strides = array<i32>} : memref<2x1024xf32, #tpu.memory_space<vmem>>, vector<2x1024xf32>,
    return
  }
  func.func @transform_0(%arg0: i32) -> (i32, i32, i32) {
    %c0_i32 = arith.constant 0 : i32
    %c0_i32_0 = arith.constant 0 : i32
    %c0_i32_1 = arith.constant 0 : i32
    return %c0_i32, %c0_i32_0, %arg0 : i32, i32, i32
  }
  func.func @transform_1(%arg0: i32) -> (i32, i32) {
    %c0_i32 = arith.constant 0 : i32
    %c0_i32_0 = arith.constant 0 : i32
    return %c0_i32, %arg0 : i32, i32
  }
  func.func @transform_2(%arg0: i32) -> (i32, i32) {
    %c0_i32 = arith.constant 0 : i32
    %c0_i32_0 = arith.constant 0 : i32
    %c0_i32_1 = arith.constant 0 : i32
    return %c0_i32, %c0_i32_0 : i32, i32
  }
  func.func @transform_3(%arg0: i32) -> (i32, i32) {
    %c0_i32 = arith.constant 0 : i32
    %c0_i32_0 = arith.constant 0 : i32
    %c0_i32_1 = arith.constant 0 : i32
    return %c0_i32, %c0_i32_0 : i32, i32
  }
  func.func @transform_4(%arg0: i32) -> (i32, i32) {
    %c0_i32 = arith.constant 0 : i32
    %c0_i32_0 = arith.constant 0 : i32
    return %c0_i32, %arg0 : i32, i32
  }
}

</mosaic_0001>

<sc_bundles>
// kernel: kernel.10.cloned.1.call-start
scs
__scs_entry_jumppad:
0x0: {  	(pc) =	sbr.rel $0x88, $3  }
0x1: {  	(tag) =	ssettag $0x0;
	lr =	simm.s32 $0x1  }
0x2: {  	[smem:$0x3F98] =	sst lr;
	_ =	strace $0xD0000000  }
0x3: {  	_ = 	snop  }
0x4: {  	_ = 	snop  }
0x5: {  	_ = 	snop  }
0x6: {  	_ = 	snop  }
0x7: {  	_ = 	snop  }
__scs_overlays_trampoline_lowered:
0x8: {  	[smem:$0x3FA7] =	sst s0  }
0x9: {  	[smem:$0x3FA8] =	sst s1  }
0xa: {  	[smem:$0x3FA9] =	sst s2  }
0xb: {  	[smem:$0x3FAA] =	sst s3  }
0xc: {  	[smem:$0x3FAB] =	sst s4  }
0xd: {  	[smem:$0x3FAC] =	sst s5  }
0xe: {  	[smem:$0x3FAD] =	sst s6  }
0xf: {  	[smem:$0x3FAE] =	sst s7  }
0x10: {  	[smem:$0x3FAF] =	sst s8  }
0x11: {  	[smem:$0x3FB0] =	sst s9;
	s0 =	simm.s32 @!p0 $0x0  }
0x12: {  	s1 =	sld [smem:$0x3F96];
	s0 =	simm.s32 @p0 $0x1  }
0x13: {  	[smem:$0x3FB1] =	sst s0;
	s0 =	simm.s32 @!p1 $0x0  }
0x14: {  	s2 =	sld [smem:$0x3F95];
	s0 =	simm.s32 @p1 $0x1  }
0x15: {  	[smem:$0x3FB2] =	sst s0;
	s0 =	simm.s32 @!p2 $0x0  }
0x16: {  	s3 =	sld [smem:$0x3FDB];
	s0 =	simm.s32 @p2 $0x1  }
0x17: {  	s4 =	simm.s32 $0x1BF5;
	[smem:$0x3FB4] =	sst s0  }
0x18: {  	s0 =	sld [smem:$0x3F97];
	_ =	swait.ge [sflag:s4], $0x0  }
0x19: {  	s7 =	sld [smem:$0x3F98]  }
0x1a: {  	s8 =	sadd.s32 $0xFFFFE003, lr  }
0x1b: {  	s9 =	sadd.s32 $0xFFFFFEF7, lr;
	s5 =	simm.s32 $0xFFFFFFFF;
	p2 =	slt.u32 s8, $0xFFFFF086  }
0x1c: {  	p1 =	slt.u32 s9, $0xF7A;
	s5 =	simm.s32 @!p2 $0x0  }
0x1d: {  	s5 =	simm.s32 @p1 $0x1;
	p0 =	seq.s32 s7, s2  }
0x1e: {  	s7 =	smul.u32 @!p0 $0xF7A, s2;
	p2 =	seq.s32 @!p0 s5, $0x0  }
0x1f: {  	s9 =	smul.u32 $0xF7A, s1;
	s8 =	simm.s32 @!p0 $0x1BF5;
	p2 =	por !p2, p0  }
0x20: {  	[sflag:s8] =	ssyncset.s32 @!p0 $0xFFFFF086;
	s6 =	sadd.s32 @!p0 s3, s7;
	s7 =	simm.s32 @!p0 $0x108  }
0x21: {  	s3 =	sadd.s32 s3, s9;
	s6 =	sadd.s32 @!p0 $0x88, s6;
	s7 =	simm.s32 @p2 $0x1082  }
0x22: {  	[simem:s7], [sflag:s8] =	dma.local @!p0 [hbm:s6], $0xF7A  }
0x23: {  	s9 =	sor.u32 $0xD0000000, s2;
	s6 =	simm.s32 $0x108;
	_ =	swait.ge @!p0 [sflag:s8], $0x0  }
0x24: {  	s3 =	sadd.s32 $0x88, s3;
	s6 =	simm.s32 @!p1 $0x1082;
	[sflag:s4] =	ssyncset.s32 $0xFFFFF086  }
0x25: {  	[simem:s6], [sflag:s4] =	dma.local [hbm:s3], $0xF7A  }
0x26: {  	[smem:$0x3F98] =	sst s1;
	(tag) =	ssettag s2;
	_ =	strace s9  }
0x27: {  	s1 =	sld [smem:$0x3FA8]  }
0x28: {  	s2 =	sld [smem:$0x3FA9]  }
0x29: {  	s4 =	sld [smem:$0x3FAB]  }
0x2a: {  	p0 =	seq.s32 s5, $0x0;
	s5 =	sld [smem:$0x3FAC]  }
0x2b: {  	s6 =	sld [smem:$0x3FAD]  }
0x2c: {  	s7 =	sld [smem:$0x3FAE]  }
0x2d: {  	s3 =	simm.s32 $0x108;
	s8 =	sld [smem:$0x3FAF]  }
0x2e: {  	s3 =	simm.s32 @!p0 $0x1082;
	s9 =	sld [smem:$0x3FB0]  }
0x2f: {  	lr =	sadd.s32 s0, s3;
	s0 =	sld [smem:$0x3FA7]  }
0x30: {  	s3 =	sld [smem:$0x3FAA]  }
0x31: {  	[smem:$0x3FB3] =	sst s10  }
0x32: {  	s10 =	sld [smem:$0x3FB1];
	_ =	sdelay $0x3  }
0x33: {  	p0 =	seq.s32 s10, $0x1;
	s10 =	sld [smem:$0x3FB3];
	_ =	sdelay $0x3  }
0x34: {  	[smem:$0x3FB3] =	sst s10  }
0x35: {  	s10 =	sld [smem:$0x3FB2];
	_ =	sdelay $0x3  }
0x36: {  	p1 =	seq.s32 s10, $0x1;
	s10 =	sld [smem:$0x3FB3];
	_ =	sdelay $0x3  }
0x37: {  	[smem:$0x3FB3] =	sst s10  }
0x38: {  	s10 =	sld [smem:$0x3FB4]  }
0x39: {  	_ = 	snop;
	(pc) =	sbr.ind lr, $3  }
0x3a: {  	_ = 	snop  }
0x3b: {  	_ = 	snop  }
0x3c: {  	p2 =	seq.s32 s10, $0x1;
	s10 =	sld [smem:$0x3FB3]  }
0x3d: {  	_ =	shalt  }
0x3e: {  	_ =	shalt  }
0x3f: {  	_ =	shalt  }
0x40: {  	_ =	shalt  }
0x41: {  	_ =	shalt  }
0x42: {  	_ =	shalt  }
0x43: {  	_ =	shalt  }
0x44: {  	_ =	shalt  }
0x45: {  	_ =	shalt  }
0x46: {  	_ =	shalt  }
0x47: {  	_ =	shalt  }
0x48: {  	_ =	shalt  }
0x49: {  	_ =	shalt  }
0x4a: {  	_ =	shalt  }
0x4b: {  	_ =	shalt  }
0x4c: {  	_ =	shalt  }
0x4d: {  	_ =	shalt  }
0x4e: {  	_ =	shalt  }
0x4f: {  	_ =	shalt  }
0x50: {  	_ =	shalt  }
0x51: {  	_ =	shalt  }
0x52: {  	_ =	shalt  }
0x53: {  	_ =	shalt  }
0x54: {  	_ =	shalt  }
0x55: {  	_ =	shalt  }
0x56: {  	_ =	shalt  }
0x57: {  	_ =	shalt  }
0x58: {  	_ =	shalt  }
0x59: {  	_ =	shalt  }
0x5a: {  	_ =	shalt  }
0x5b: {  	_ =	shalt  }
0x5c: {  	_ =	shalt  }
0x5d: {  	_ =	shalt  }
0x5e: {  	_ =	shalt  }
0x5f: {  	_ =	shalt  }
0x60: {  	_ =	shalt  }
0x61: {  	_ =	shalt  }
0x62: {  	_ =	shalt  }
0x63: {  	_ =	shalt  }
0x64: {  	_ =	shalt  }
0x65: {  	_ =	shalt  }
0x66: {  	_ =	shalt  }
0x67: {  	_ =	shalt  }
0x68: {  	_ =	shalt  }
0x69: {  	_ =	shalt  }
0x6a: {  	_ =	shalt  }
0x6b: {  	_ =	shalt  }
0x6c: {  	_ =	shalt  }
0x6d: {  	_ =	shalt  }
0x6e: {  	_ =	shalt  }
0x6f: {  	_ =	shalt  }
0x70: {  	_ =	shalt  }
0x71: {  	_ =	shalt  }
0x72: {  	_ =	shalt  }
0x73: {  	_ =	shalt  }
0x74: {  	_ =	shalt  }
0x75: {  	_ =	shalt  }
0x76: {  	_ =	shalt  }
0x77: {  	_ =	shalt  }
0x78: {  	_ =	shalt  }
0x79: {  	_ =	shalt  }
0x7a: {  	_ =	shalt  }
0x7b: {  	_ =	shalt  }
0x7c: {  	_ =	shalt  }
0x7d: {  	_ =	shalt  }
0x7e: {  	_ =	shalt  }
0x7f: {  	_ =	shalt  }
0x80: {  	_ =	shalt  }
0x81: {  	_ =	shalt  }
0x82: {  	_ =	shalt  }
0x83: {  	_ =	shalt  }
0x84: {  	_ =	shalt  }
0x85: {  	_ =	shalt  }
0x86: {  	_ =	shalt  }
0x87: {  	_ =	shalt  }
.Lfunc_end0:
.L_simem_size_0:
called_computation_lowered:
.L_overlay_start_0:
0x88: {  	s2 =	sld [smem:$0x3FD9]  }
0x89: {  	s3 =	sld [smem:$0x3FFE];
	_ =	sdelay $0x1  }
0x8a: {  	s1 =	srdreg.scid  }
0x8b: {  	s0 =	sand.u32 $0x1, s1  }
0x8c: {  	s17 =	sshll.u32 s0, $0xA;
	s2 =	sadd.s32 s3, s2  }
0x8d: {  	s2 =	sadd.s32 s2, s17  }
0x8e: {  	[smem:$0x3FBF] =	sst s2  }
0x8f: {  	_ = 	snop  }
0x90: {  	s2 =	sld [smem:$0x3FD0];
	(tm) =	ssettm $0x1  }
0x91: {  	s18 =	sld [smem:$0x3FFB];
	_ =	sdelay $0x3  }
0x92: {  	_ =	strace s18  }
0x93: {  	s3 =	sld [smem:$0x3FFC];
	_ =	sdelay $0x3  }
0x94: {  	_ =	strace s3  }
0x95: {  	s3 =	sld [smem:$0x3FFD];
	_ =	sdelay $0x3  }
0x96: {  	_ =	strace s3  }
0x97: {  	_ =	strace $0x8FFFFFFF  }
0x98: {  	s19 =	sld [smem:$0x3FDB];
	_ =	sdelay $0x1  }
0x99: {  	s4 =	simm.s32 $_scs_section_size  }
0x9a: {  	s5 =	simm.s32 $_size__tile_overlayer_lowered;
	s6 =	simm.s32 $_tile_overlayer_lowered  }
0x9b: {  	s22 =	simm.s32 $0x1BFF;
	s21 =	sshll.u32 s6, $0x1;
	s3 =	sadd.s32 s4, s19  }
0x9c: {  	s7 =	simm.s32 $0x0;
	s20 =	sshll.u32 s5, $0x1;
	s5 =	sadd.s32 s21, s3  }
0x9d: {  	[timem:s7], [sflag:s22] =	dma.local [hbm:s5], s20  }
0x9e: {  	_ =	swait.ge [sflag:s22], s20  }
0x9f: {  	s4 =	ssub.s32 $0x0, s20;
	[sflag:s22] =	ssyncset.done $0x0  }
0xa0: {  	[sflag:s22] =	ssyncadd.s32 s4;
	_ =	sdelay $0x1  }
0xa1: {  	s23 =	simm.s32 $0x1B8B  }
0xa2: {  	_ =	swait.ge [sflag:s23], $0x1  }
0xa3: {  	[sflag:s23] =	ssyncset.done $0x0  }
0xa4: {  	s25 =	simm.s32 $0x1B8E;
	s24 =	sld [smem:$0x3FFE];
	[sflag:s23] =	ssyncadd.s32 $0xFFFFFFFF  }
0xa5: {  	s26 =	simm.s32 $execute0_lowered;
	[smem:$0x3FD2] =	sst s25  }
0xa6: {  	s5 =	sshll.u32 s26, $0x1;
	_ =	strace $0x80000046;
	[dreg:$0x1] =	wrdreg $0xFFFFFFFF  }
0xa7: {  	s28 =	simm.s32 $_size_execute0_lowered;
	s3 =	sadd.s32 s3, s5;
	[dreg:$0x0] =	wrdreg $0x0  }
0xa8: {  	s5 =	sshll.u32 s28, $0x1;
	[dreg:$0x2] =	wrdreg s3  }
0xa9: {  	[dreg:$0x3] =	wrdreg s5  }
0xaa: {  	[dreg:$0x4] =	wrdreg $0xC0  }
0xab: {  	_ =	task [dreg:s7], $0x5FFFF  }
0xac: {  	[dreg:$0x1] =	wrdreg $0xFFFFFFFF  }
0xad: {  	[dreg:$0x0] =	wrdreg $0x60  }
0xae: {  	[dreg:$0x2] =	wrdreg s2  }
0xaf: {  	[dreg:$0x3] =	wrdreg s24  }
0xb0: {  	[dreg:$0x4] =	wrdreg $0x9  }
0xb1: {  	_ =	task.clear_ibuf [dreg:s7], $0x5FFFF;
	_ =	strace $0x90000046  }
0xb2: {  	s29 =	simm.s32 $0x9;
	_ =	strace $0x80000048  }
0xb3: {  	_ =	swait.ge [sflag:s29], $0x1  }
0xb4: {  	[sflag:s29] =	ssyncadd.s32 $0xFFFFFFFF  }
0xb5: {  	_ =	strace $0x90000048  }
0xb6: {  	_ =	sfence  }
0xb7: {  	s30 =	sld [smem:$0x0];
	_ =	sdelay $0x2  }
0xb8: {  	s31 =	sshll.u32 s1, $0xD;
	s1 =	sshrl.u32 s1, $0x2  }
0xb9: {  	s3 =	sand.u32 $0x4000, s31;
	s1 =	sadd.s32 s1, s30  }
0xba: {  	s0 =	sor.u32 s3, s0;
	s1 =	sshll.u32 s1, $0x11  }
0xbb: {  	s0 =	sor.u32 s1, s0  }
0xbc: {  	s0 =	sadd.s32 $0x8F2B, s0  }
0xbd: {  	[sflag:s0] =	ssyncadd.remote.s32 $0x1  }
0xbe: {  	_ =	sfence.sel $0xFFFF  }
0xbf: {  	[dreg:$0x0] =	wrdreg $0xFFFFFFFF;
	(pc) =	sbr.abs _section_cstart, $3  }
0xc0: {  	[dreg:$0x1] =	wrdreg $0xFFFFFFFF  }
0xc1: {  	_ =	task.clear_ibuf [dreg:s7], $0x2FFFF;
	_ =	strace $0x9FFFFFFF  }
0xc2: {  	(tm) =	ssettm $0x7FFFFFFF  }
0xc3: {  	_ =	shalt  }
tec
execute0_lowered:
.L_overlay_start_1:
0x0: {  	(tag) =	ssettag $0x1  }
0x1: {  	s0 =	srdreg.scid;
	s6 =	stileid.u32  }
0x2: {  	s2 =	rddreg [dreg:$0x1];
	s3 =	simm.s32 $0x0;
	s1 =	simm.s32 $0x1  }
0x3: {  	s10 =	sand.u32 $0x1, s0;
	s13 =	sshll.u32 s6, $0x1;
	[smem:$0x7FF] =	sst s3  }
0x4: {  	s19 =	sadd.s32 $0xBA00, s2;
	s4 =	sshrl.u32 s6, $0x2;
	s0 =	sor.u32 s10, s13  }
0x5: {  	p1 =	seq.s32 s10, $0x1;
	s14 =	sshll.u32 s4, $0xA;
	s4 =	smul.u32 $0x14000, s4  }
0x6: {  	_ =	strace $0x80000047;
	s15 =	ssub.s32 $0x2, s10;
	s18 =	smul.u32 $0x4E20, s10  }
0x7: {  	[dreg:$0x3] =	wrdreg s19;
	p0 =	seq.s32 s0, $0x0;
	s5 =	sshll.u32 s0, $0x7  }
0x8: {  	s16 =	sshrl.u32 s15, $0x1;
	s0 =	smul.u32 $0x2710, s0;
	p0 =	por !p0, !p1  }
0x9: {  	s8 =	sand.u32 $0x380, s5;
	s5 =	sadd.s32 $0x1C00, s2;
	s21 =	sadd.s32 s19, s18  }
0xa: {  	p0 =	por !p0, !p0;
	s4 =	sor.u32 s4, s8;
	[dreg:$0x8] =	wrdreg s21  }
0xb: {  	s22 =	sadd.s32 s5, s18;
	s0 =	sshrl.u32 s0, $0x3;
	[dreg:$0x4] =	wrdreg s5  }
0xc: {  	s1 =	simm.s32 @!p0 $0x0;
	s4 =	sshrl.u32 s4, $0x3;
	[dreg:$0x9] =	wrdreg s22  }
0xd: {  	s0 =	sadd.s32 s5, s0;
	s7 =	ssub.s32 s6, s1;
	s1 =	sor.u32 s14, s8  }
0xe: {  	s8 =	simm.s32 $0x1;
	[dreg:$0x17] =	wrdreg s0;
	s6 =	sand.u32 $0xC0, s7  }
0xf: {  	s1 =	sshrl.u32 s1, $0x3;
	p5 =	slt.s32 s7, $0x1;
	s6 =	sshrl.u32 s6, $0x6  }
0x10: {  	s11 =	sadd.s32 s1, s2;
	s1 =	sadd.s32 $0xB1E00, s2;
	s9 =	sadd.s32 s6, s7  }
0x11: {  	s6 =	sadd.s32 $0x15800, s2;
	s2 =	sadd.s32 s4, s2;
	s12 =	sand.u32 $0xFFFFFFFC, s9  }
0x12: {  	s4 =	ssub.s32 s15, s16;
	s17 =	sadd.s32 $0xB1C00, s11;
	s12 =	ssub.s32 s7, s12  }
0x13: {  	s15 =	smul.u32 $0x9C400, s10;
	s9 =	sshrl.u32 s9, $0x2;
	p6 =	sne.s32 s12, $0x0  }
0x14: {  	[dreg:$0x6] =	wrdreg s17;
	s14 =	sand.u32 $0x3, s12;
	p0 =	por !p5, !p6  }
0x15: {  	[dreg:$0x5] =	wrdreg s6;
	s20 =	smul.u32 $0x138800, s14;
	p0 =	por !p0, !p0  }
0x16: {  	s12 =	sshll.u32 s12, $0x9;
	s14 =	sshll.u32 s14, $0x2;
	s8 =	simm.s32 @!p0 $0x0  }
0x17: {  	s12 =	sand.u32 $0x200, s12;
	s24 =	sadd.s32 s15, s20;
	s13 =	ssub.s32 s9, s8  }
0x18: {  	[dreg:$0x7] =	wrdreg s20;
	s8 =	smul.u32 $0x27100, s10;
	s13 =	sshll.u32 s13, $0x5  }
0x19: {  	s10 =	smul.u32 $0x140000, s10;
	s13 =	sor.u32 s14, s13;
	s14 =	sshrl.u32 s24, $0x3  }
0x1a: {  	s17 =	sadd.s32 $0x500, s8;
	s21 =	sadd.s32 $0xA00, s8;
	s22 =	sadd.s32 $0xF00, s8  }
0x1b: {  	s24 =	smax.u32 s4, $0x1;
	s4 =	simm.s32 $0x3;
	s8 =	simm.s32 $0x5080  }
0x1c: {  	s23 =	sshrl.u32 s13, $0x3;
	s25 =	sor.u32 $0x11, s13;
	s26 =	sor.u32 $0x12, s13  }
0x1d: {  	s13 =	sor.u32 $0x13, s13;
	s29 =	sadd.s32 s6, s14;
	[dreg:$0x13] =	wrdreg s21  }
0x1e: {  	s30 =	sshll.u32 s17, $0x2;
	s17 =	sshrl.u32 s17, $0x3;
	[dreg:$0x14] =	wrdreg s22  }
0x1f: {  	[dreg:$0x16] =	wrdreg s24;
	s11 =	smul.u32 $0x14000, s23;
	s16 =	sshrl.u32 s25, $0x3  }
0x20: {  	s15 =	sshll.u32 s25, $0x7;
	s18 =	sshrl.u32 s26, $0x3;
	s28 =	sshrl.u32 s13, $0x3  }
0x21: {  	[dreg:$0xa] =	wrdreg s29;
	s14 =	sadd.s32 s30, s20;
	s31 =	sadd.s32 s19, s17  }
0x22: {  	s13 =	sshll.u32 s13, $0x7;
	s9 =	sadd.s32 s5, s17;
	s23 =	sadd.s32 $0x101E00, s2  }
0x23: {  	s29 =	sadd.s32 $0xFA, s0;
	s30 =	sadd.s32 $0x1F4, s0;
	[dreg:$0xb] =	wrdreg s31  }
0x24: {  	s2 =	simm.s32 $0x2880;
	s5 =	simm.s32 $0x0;
	[dreg:$0xc] =	wrdreg s9  }
0x25: {  	s16 =	smul.u32 $0x14000, s16;
	s15 =	sand.u32 $0x280, s15;
	[dreg:$0x15] =	wrdreg s23  }
0x26: {  	s18 =	smul.u32 $0x14000, s18;
	s14 =	sshrl.u32 s14, $0x3;
	[dreg:$0x1b] =	wrdreg s29  }
0x27: {  	s13 =	sand.u32 $0x380, s13;
	[dreg:$0x1c] =	wrdreg s30;
	s31 =	sadd.s32 $0x2EE, s0  }
0x28: {  	s0 =	sadd.s32 $0x3E8, s0;
	s23 =	simm.s32 $0x16880;
	[dreg:$0x1d] =	wrdreg s31  }
0x29: {  	s11 =	sadd.s32 s10, s11;
	s6 =	sadd.s32 s6, s14;
	[dreg:$0x1e] =	wrdreg s0  }
0x2a: {  	s11 =	sor.u32 s12, s11;
	s16 =	sadd.s32 s10, s16;
	s12 =	sshll.u32 s26, $0x7  }
0x2b: {  	s18 =	sadd.s32 s10, s18;
	[dreg:$0xd] =	wrdreg s6;
	s15 =	sor.u32 s15, s16  }
0x2c: {  	s12 =	sand.u32 $0x300, s12;
	s14 =	sshrl.u32 s11, $0x3;
	s11 =	sadd.s32 $0x28000, s11  }
0x2d: {  	s16 =	smul.u32 $0x14000, s28;
	s12 =	sor.u32 s12, s18;
	s11 =	sshrl.u32 s11, $0x3  }
0x2e: {  	s18 =	sshrl.u32 s15, $0x3;
	s15 =	simm.s32 $0x7880;
	s17 =	sadd.s32 s1, s11  }
0x2f: {  	s10 =	sadd.s32 s10, s16;
	s19 =	sadd.s32 s1, s18;
	[dreg:$0xf] =	wrdreg s17  }
0x30: {  	s16 =	sadd.s32 s1, s14;
	s12 =	sshrl.u32 s12, $0x3;
	[dreg:$0x10] =	wrdreg s19  }
0x31: {  	s14 =	simm.s32 $0xC880;
	s20 =	sadd.s32 s1, s12;
	[dreg:$0xe] =	wrdreg s16  }
0x32: {  	s18 =	simm.s32 $0xA080;
	s25 =	sadd.s32 $0x10, s16;
	[dreg:$0x11] =	wrdreg s20  }
0x33: {  	s10 =	sor.u32 s13, s10;
	s26 =	sadd.s32 $0x20, s16;
	[dreg:$0x18] =	wrdreg s25  }
0x34: {  	s28 =	sadd.s32 $0x30, s16;
	s10 =	sshrl.u32 s10, $0x3;
	[dreg:$0x19] =	wrdreg s26  }
0x35: {  	s12 =	simm.s32 $0xF080;
	[dreg:$0x1a] =	wrdreg s28;
	s1 =	sadd.s32 s1, s10  }
0x36: {  	v0 =	vimm.f32 $0.0e+00;
	v1 =	vimm.f32 $1.000000000e+00;
	s17 =	simm.s32 $0x11880;
	s19 =	simm.s32 $0x14080;
	[dreg:$0x12] =	wrdreg s1  }
.LBB2_1:
0x37: {  	[dreg:$0x1f] =	wrdreg s5  }
0x38: {  	s0 =	rddreg [dreg:$0x0]  }
0x39: {  	[tilespmem:s3], [sflag:$0x3] =	stream.linear.gather [hbm4b:s0+s3], $0x2710, $0x38;
	[tilespmem:$0x1D480] =	vst v63  }
0x3a: {  	_ =	swait.ge [sflag:s4], $0x2710  }
0x3b: {  	[sflag:s4] =	ssyncset.done $0x0  }
0x3c: {  	s1 =	simm.s32 $0x2800;
	s31 =	rddreg [dreg:$0x6];
	[sflag:s4] =	ssyncadd.s32 $0xFFFFD8F0  }
0x3d: {  	[tilespmem:s1], [sflag:$0x3] =	stream.linear.gather [hbm4b:s31+s3], $0x80, $0x38;
	[tilespmem:$0x1D480] =	vst v63  }
0x3e: {  	_ =	swait.ge [sflag:s4], $0x80  }
0x3f: {  	[sflag:s4] =	ssyncset.done $0x0  }
0x40: {  	s0 =	simm.s32 $0x0;
	s1 =	simm.s32 $0x40;
	[sflag:s4] =	ssyncadd.s32 $0xFFFFFF80  }
.LBB2_2:
0x41: {  	p0 =	sne.s32 s1, $0x9FC0;
	[tilespmem:s0+$0x16880] =	vst v0  }
0x42: {  	[tilespmem:s0+$0x2880] =	vst v0  }
0x43: {  	[tilespmem:s0+$0x5080] =	vst v0  }
0x44: {  	[tilespmem:s0+$0x7880] =	vst v0  }
.Ltmp0:
0x45: {  	[tilespmem:s0+$0xA080] =	vst v0;
	(pc) =	sbr.rel @p0 .LBB2_2-.Ltmp0, $4  }
0x46: {  	[tilespmem:s0+$0xC880] =	vst v0  }
0x47: {  	[tilespmem:s0+$0xF080] =	vst v0  }
0x48: {  	[tilespmem:s0+$0x11880] =	vst v0  }
0x49: {  	[tilespmem:s0+$0x14080] =	vst v0;
	s0 =	sshra.s32 s1, $0x2;
	s1 =	sadd.s32 $0x40, s1  }
0x4a: {  	[tilespmem:s0+$0x16880] =	vst v0  }
0x4b: {  	[tilespmem:s0+$0x2880] =	vst v0  }
0x4c: {  	[tilespmem:s0+$0x5080] =	vst v0  }
0x4d: {  	[tilespmem:s0+$0x7880] =	vst v0  }
0x4e: {  	[tilespmem:s0+$0xA080] =	vst v0  }
0x4f: {  	[tilespmem:s0+$0xC880] =	vst v0  }
0x50: {  	[tilespmem:s0+$0xF080] =	vst v0  }
0x51: {  	[tilespmem:s0+$0x11880] =	vst v0  }
0x52: {  	[tilespmem:s0+$0x14080] =	vst v0  }
0x53: {  	s5 =	simm.s32 $0x0;
	s1 =	rddreg [dreg:$0x8];
	s20 =	simm.s32 $0x19080;
	v2 =	vld [tilespmem:$0x2800]  }
0x54: {  	v3 =	vld [tilespmem:$0x2810];
	[tilespmem:s20], [sflag:$0x1] =	stream.linear.gather [hbm4b:s1+s5], $0x80, $0x38  }
0x55: {  	s4 =	simm.s32 $0x19180;
	s21 =	sadd.s32 $0x10, s1  }
0x56: {  	[tilespmem:s4], [sflag:$0x1] =	stream.linear.gather [hbm4b:s21+s5], $0x80, $0x38;
	[tilespmem:$0x1D480] =	vst v63  }
0x57: {  	s24 =	simm.s32 $0x19280;
	s22 =	sadd.s32 $0x20, s1  }
0x58: {  	[tilespmem:s24], [sflag:$0x1] =	stream.linear.gather [hbm4b:s22+s5], $0x80, $0x38;
	[tilespmem:$0x1D480] =	vst v63  }
0x59: {  	s26 =	simm.s32 $0x19380;
	s25 =	sadd.s32 $0x30, s1  }
0x5a: {  	[tilespmem:s26], [sflag:$0x1] =	stream.linear.gather [hbm4b:s25+s5], $0x80, $0x38;
	[tilespmem:$0x1D480] =	vst v63  }
0x5b: {  	s29 =	simm.s32 $0x19480;
	s28 =	sadd.s32 $0x40, s1  }
0x5c: {  	[tilespmem:s29], [sflag:$0x1] =	stream.linear.gather [hbm4b:s28+s5], $0x80, $0x38;
	[tilespmem:$0x1D480] =	vst v63  }
0x5d: {  	s31 =	simm.s32 $0x19580;
	s30 =	sadd.s32 $0x50, s1  }
0x5e: {  	[tilespmem:s31], [sflag:$0x1] =	stream.linear.gather [hbm4b:s30+s5], $0x80, $0x38;
	[tilespmem:$0x1D480] =	vst v63  }
0x5f: {  	s6 =	simm.s32 $0x19680;
	s4 =	sadd.s32 $0x60, s1  }
0x60: {  	[tilespmem:s6], [sflag:$0x1] =	stream.linear.gather [hbm4b:s4+s5], $0x80, $0x38;
	[tilespmem:$0x1D480] =	vst v63  }
0x61: {  	s9 =	simm.s32 $0x19780;
	s7 =	sadd.s32 $0x70, s1  }
0x62: {  	[tilespmem:s9], [sflag:$0x1] =	stream.linear.gather [hbm4b:s7+s5], $0x80, $0x38;
	[tilespmem:$0x1D480] =	vst v63  }
0x63: {  	s11 =	simm.s32 $0x19880;
	s10 =	sadd.s32 $0x80, s1  }
0x64: {  	[tilespmem:s11], [sflag:$0x1] =	stream.linear.gather [hbm4b:s10+s5], $0x80, $0x38;
	[tilespmem:$0x1D480] =	vst v63  }
0x65: {  	s16 =	simm.s32 $0x19980;
	s13 =	sadd.s32 $0x90, s1  }
0x66: {  	[tilespmem:s16], [sflag:$0x1] =	stream.linear.gather [hbm4b:s13+s5], $0x80, $0x38;
	[tilespmem:$0x1D480] =	vst v63  }
0x67: {  	s20 =	rddreg [dreg:$0x9];
	s21 =	simm.s32 $0x19A80  }
0x68: {  	[tilespmem:s21], [sflag:$0x1] =	stream.linear.gather [hbm4b:s20+s5], $0x80, $0x38;
	[tilespmem:$0x1D480] =	vst v63  }
0x69: {  	s22 =	sadd.s32 $0x10, s20;
	s24 =	simm.s32 $0x19B80  }
0x6a: {  	[tilespmem:s24], [sflag:$0x1] =	stream.linear.gather [hbm4b:s22+s5], $0x80, $0x38;
	[tilespmem:$0x1D480] =	vst v63  }
0x6b: {  	s25 =	sadd.s32 $0x20, s20;
	s26 =	simm.s32 $0x19C80  }
0x6c: {  	[tilespmem:s26], [sflag:$0x1] =	stream.linear.gather [hbm4b:s25+s5], $0x80, $0x38;
	[tilespmem:$0x1D480] =	vst v63  }
0x6d: {  	s28 =	sadd.s32 $0x30, s20;
	s29 =	simm.s32 $0x19D80  }
0x6e: {  	[tilespmem:s29], [sflag:$0x1] =	stream.linear.gather [hbm4b:s28+s5], $0x80, $0x38;
	[tilespmem:$0x1D480] =	vst v63  }
0x6f: {  	s30 =	sadd.s32 $0x40, s20;
	s31 =	simm.s32 $0x19E80  }
0x70: {  	[tilespmem:s31], [sflag:$0x1] =	stream.linear.gather [hbm4b:s30+s5], $0x80, $0x38;
	[tilespmem:$0x1D480] =	vst v63  }
0x71: {  	s4 =	sadd.s32 $0x50, s20;
	s6 =	simm.s32 $0x19F80  }
0x72: {  	[tilespmem:s6], [sflag:$0x1] =	stream.linear.gather [hbm4b:s4+s5], $0x80, $0x38;
	[tilespmem:$0x1D480] =	vst v63  }
0x73: {  	s7 =	sadd.s32 $0x60, s20;
	s9 =	simm.s32 $0x1A080  }
0x74: {  	[tilespmem:s9], [sflag:$0x1] =	stream.linear.gather [hbm4b:s7+s5], $0x80, $0x38;
	[tilespmem:$0x1D480] =	vst v63  }
0x75: {  	s10 =	sadd.s32 $0x70, s20;
	s11 =	simm.s32 $0x1A180  }
0x76: {  	[tilespmem:s11], [sflag:$0x1] =	stream.linear.gather [hbm4b:s10+s5], $0x80, $0x38;
	[tilespmem:$0x1D480] =	vst v63  }
0x77: {  	s13 =	sadd.s32 $0x80, s20;
	s16 =	simm.s32 $0x1A280  }
0x78: {  	[tilespmem:s16], [sflag:$0x1] =	stream.linear.gather [hbm4b:s13+s5], $0x80, $0x38;
	[tilespmem:$0x1D480] =	vst v63  }
0x79: {  	s20 =	sadd.s32 $0x90, s20;
	s21 =	simm.s32 $0x1A380  }
0x7a: {  	[tilespmem:s21], [sflag:$0x1] =	stream.linear.gather [hbm4b:s20+s5], $0x80, $0x38;
	[tilespmem:$0x1D480] =	vst v63  }
0x7b: {  	s22 =	rddreg [dreg:$0xa];
	s24 =	simm.s32 $0x1A480  }
0x7c: {  	[tilespmem:s24], [sflag:$0x1] =	stream.linear.gather [hbm4b:s22+s5], $0x1400, $0x38;
	[tilespmem:$0x1D480] =	vst v63  }
0x7d: {  	s25 =	rddreg [dreg:$0xb];
	s26 =	simm.s32 $0x19100  }
0x7e: {  	[tilespmem:s26], [sflag:$0x2] =	stream.linear.gather [hbm4b:s25+s5], $0x80, $0x38;
	[tilespmem:$0x1D480] =	vst v63  }
0x7f: {  	s28 =	sadd.s32 $0x10, s25;
	s29 =	simm.s32 $0x19200  }
0x80: {  	[tilespmem:s29], [sflag:$0x2] =	stream.linear.gather [hbm4b:s28+s5], $0x80, $0x38;
	[tilespmem:$0x1D480] =	vst v63  }
0x81: {  	s30 =	sadd.s32 $0x20, s25;
	s31 =	simm.s32 $0x19300  }
0x82: {  	[tilespmem:s31], [sflag:$0x2] =	stream.linear.gather [hbm4b:s30+s5], $0x80, $0x38;
	[tilespmem:$0x1D480] =	vst v63  }
0x83: {  	s4 =	sadd.s32 $0x30, s25;
	s6 =	simm.s32 $0x19400  }
0x84: {  	[tilespmem:s6], [sflag:$0x2] =	stream.linear.gather [hbm4b:s4+s5], $0x80, $0x38;
	[tilespmem:$0x1D480] =	vst v63  }
0x85: {  	s7 =	sadd.s32 $0x40, s25;
	s9 =	simm.s32 $0x19500  }
0x86: {  	[tilespmem:s9], [sflag:$0x2] =	stream.linear.gather [hbm4b:s7+s5], $0x80, $0x38;
	[tilespmem:$0x1D480] =	vst v63  }
0x87: {  	s10 =	sadd.s32 $0x50, s25;
	s11 =	simm.s32 $0x19600  }
0x88: {  	[tilespmem:s11], [sflag:$0x2] =	stream.linear.gather [hbm4b:s10+s5], $0x80, $0x38;
	[tilespmem:$0x1D480] =	vst v63  }
0x89: {  	s13 =	sadd.s32 $0x60, s25;
	s16 =	simm.s32 $0x19700  }
0x8a: {  	[tilespmem:s16], [sflag:$0x2] =	stream.linear.gather [hbm4b:s13+s5], $0x80, $0x38;
	[tilespmem:$0x1D480] =	vst v63  }
0x8b: {  	s20 =	sadd.s32 $0x70, s25;
	s21 =	simm.s32 $0x19800  }
0x8c: {  	[tilespmem:s21], [sflag:$0x2] =	stream.linear.gather [hbm4b:s20+s5], $0x80, $0x38;
	[tilespmem:$0x1D480] =	vst v63  }
0x8d: {  	s22 =	sadd.s32 $0x80, s25;
	s24 =	simm.s32 $0x19900  }
0x8e: {  	[tilespmem:s24], [sflag:$0x2] =	stream.linear.gather [hbm4b:s22+s5], $0x80, $0x38;
	[tilespmem:$0x1D480] =	vst v63  }
0x8f: {  	s25 =	sadd.s32 $0x90, s25;
	s26 =	simm.s32 $0x19A00  }
0x90: {  	[tilespmem:s26], [sflag:$0x2] =	stream.linear.gather [hbm4b:s25+s5], $0x80, $0x38;
	[tilespmem:$0x1D480] =	vst v63  }
0x91: {  	s28 =	rddreg [dreg:$0xc];
	s29 =	simm.s32 $0x19B00  }
0x92: {  	[tilespmem:s29], [sflag:$0x2] =	stream.linear.gather [hbm4b:s28+s5], $0x80, $0x38;
	[tilespmem:$0x1D480] =	vst v63  }
0x93: {  	s30 =	sadd.s32 $0x10, s28;
	s31 =	simm.s32 $0x19C00  }
0x94: {  	[tilespmem:s31], [sflag:$0x2] =	stream.linear.gather [hbm4b:s30+s5], $0x80, $0x38;
	[tilespmem:$0x1D480] =	vst v63  }
0x95: {  	s4 =	sadd.s32 $0x20, s28;
	s6 =	simm.s32 $0x19D00  }
0x96: {  	[tilespmem:s6], [sflag:$0x2] =	stream.linear.gather [hbm4b:s4+s5], $0x80, $0x38;
	[tilespmem:$0x1D480] =	vst v63  }
0x97: {  	s7 =	sadd.s32 $0x30, s28;
	s9 =	simm.s32 $0x19E00  }
0x98: {  	[tilespmem:s9], [sflag:$0x2] =	stream.linear.gather [hbm4b:s7+s5], $0x80, $0x38;
	[tilespmem:$0x1D480] =	vst v63  }
0x99: {  	s10 =	sadd.s32 $0x40, s28;
	s11 =	simm.s32 $0x19F00  }
0x9a: {  	[tilespmem:s11], [sflag:$0x2] =	stream.linear.gather [hbm4b:s10+s5], $0x80, $0x38;
	[tilespmem:$0x1D480] =	vst v63  }
0x9b: {  	s13 =	sadd.s32 $0x50, s28;
	s16 =	simm.s32 $0x1A000  }
0x9c: {  	[tilespmem:s16], [sflag:$0x2] =	stream.linear.gather [hbm4b:s13+s5], $0x80, $0x38;
	[tilespmem:$0x1D480] =	vst v63  }
0x9d: {  	s20 =	sadd.s32 $0x60, s28;
	s21 =	simm.s32 $0x1A100  }
0x9e: {  	[tilespmem:s21], [sflag:$0x2] =	stream.linear.gather [hbm4b:s20+s5], $0x80, $0x38;
	[tilespmem:$0x1D480] =	vst v63  }
0x9f: {  	s22 =	sadd.s32 $0x70, s28;
	s24 =	simm.s32 $0x1A200  }
0xa0: {  	[tilespmem:s24], [sflag:$0x2] =	stream.linear.gather [hbm4b:s22+s5], $0x80, $0x38;
	[tilespmem:$0x1D480] =	vst v63  }
0xa1: {  	s25 =	sadd.s32 $0x80, s28;
	s26 =	simm.s32 $0x1A300  }
0xa2: {  	[tilespmem:s26], [sflag:$0x2] =	stream.linear.gather [hbm4b:s25+s5], $0x80, $0x38;
	[tilespmem:$0x1D480] =	vst v63  }
0xa3: {  	s28 =	sadd.s32 $0x90, s28;
	s29 =	simm.s32 $0x1A400  }
0xa4: {  	[tilespmem:s29], [sflag:$0x2] =	stream.linear.gather [hbm4b:s28+s5], $0x80, $0x38;
	[tilespmem:$0x1D480] =	vst v63  }
0xa5: {  	s30 =	rddreg [dreg:$0xd];
	s31 =	simm.s32 $0x1B880;
	s7 =	simm.s32 $0x0  }
0xa6: {  	[tilespmem:s31], [sflag:$0x2] =	stream.linear.gather [hbm4b:s30+s5], $0x1400, $0x38;
	[tilespmem:$0x1D480] =	vst v63  }
.LBB2_4:
0xa7: {  	s5 =	simm.s32 $0x1  }
0xa8: {  	_ =	swait.ge [sflag:s5], $0x500  }
0xa9: {  	[sflag:s5] =	ssyncset.done $0x0  }
0xaa: {  	[sflag:s5] =	ssyncadd.s32 $0xFFFFFB00  }
0xab: {  	_ =	swait.ge [sflag:s5], $0x500  }
0xac: {  	[sflag:s5] =	ssyncset.done $0x0  }
0xad: {  	s0 =	simm.s32 $0x0;
	[sflag:s5] =	ssyncadd.s32 $0xFFFFFB00  }
0xae: {  	s25 =	simm.s32 $0x0;
	s1 =	sand.u32 $0x40, s0;
	_ =	swait.ge [sflag:s5], $0x1400  }
0xaf: {  	s4 =	sand.u32 $0xFFFFFF00, s25;
	s10 =	sor.u32 $0x30, s1;
	[sflag:s5] =	ssyncset.done $0x0  }
0xb0: {  	s0 =	sor.u32 s4, s10;
	[sflag:s5] =	ssyncadd.s32 $0xFFFFEC00  }
0xb1: {  	v4 =	vld [tilespmem:s0+$0x19080]  }
0xb2: {  	v11 =	vld [tilespmem:s0+$0x19A80];
	_ =	sdelay $0x1  }
0xb3: {  	s26 =	sor.u32 s1, s4  }
0xb4: {  	s11 =	sor.u32 $0x10, s1;
	v5 =	vld [tilespmem:s26+$0x19080]  }
0xb5: {  	s13 =	sor.u32 s4, s11;
	v10 =	vld [tilespmem:s26+$0x19A80]  }
0xb6: {  	v6 =	vld [tilespmem:s13+$0x19080]  }
0xb7: {  	v9 =	vld [tilespmem:s13+$0x19A80]  }
0xb8: {  	v7 =	vld.idx.msk [tilespmem:v4+s3+$0x0], $0xffff  }
0xb9: {  	s30 =	sor.u32 $0x20, s1;
	v8 =	vld.idx.msk [tilespmem:v11+s3+$0x0], $0xffff  }
0xba: {  	s4 =	sor.u32 s4, s30  }
0xbb: {  	v12 =	vld [tilespmem:s4+$0x19080]  }
0xbc: {  	v4 =	vld [tilespmem:s4+$0x19A80]  }
0xbd: {  	v5 =	vld.idx.msk [tilespmem:v5+s3+$0x0], $0xffff  }
0xbe: {  	v13 =	vld.idx.msk [tilespmem:v10+s3+$0x0], $0xffff;
	v7 =	vmax.f32 v7, v8  }
0xbf: {  	v7 =	vsub.f32 $0.0e+00, v7  }
0xc0: {  	v6 =	vld.idx.msk [tilespmem:v6+s3+$0x0], $0xffff  }
0xc1: {  	v8 =	vld.idx.msk [tilespmem:v9+s3+$0x0], $0xffff;
	v7 =	vmul.f32 $1.442695020e+00, v7;
	_ =	sdelay $0x1  }
0xc2: {  	v5 =	vmax.f32 v5, v13;
	(erf) = vpow2.f32 v7;
	v7 =	vld.idx.msk [tilespmem:v12+s3+$0x0], $0xffff  }
0xc3: {  	v5 =	vsub.f32 $0.0e+00, v5;
	v12 =	vld.idx.msk [tilespmem:v4+s3+$0x0], $0xffff;
	_ =	sdelay $0x1  }
0xc4: {  	v5 =	vmul.f32 $1.442695020e+00, v5;
	v6 =	vmax.f32 v6, v8  }
0xc5: {  	v6 =	vsub.f32 $0.0e+00, v6  }
0xc6: {  	(erf) = vpow2.f32 v5  }
0xc7: {  	v5 =	vmul.f32 $1.442695020e+00, v6;
	v6 =	vmax.f32 v7, v12;
	_ =	sdelay $0x1  }
0xc8: {  	(erf) = vpow2.f32 v5  }
0xc9: {  	v5 =	vsub.f32 $0.0e+00, v6;
	v6 =	vpop (erf)  }
0xca: {  	v7 =	vmul.f32 v6, v2;
	v6 =	vmul.f32 v6, v3  }
0xcb: {  	v5 =	vmul.f32 $1.442695020e+00, v5  }
0xcc: {  	v7 =	vadd.f32 $1.000000000e+00, v7  }
0xcd: {  	(erf) = vpow2.f32 v5;
	v5 =	vadd.f32 $1.000000000e+00, v6  }
0xce: {  	v6 =	vpop (erf);
	(erf) = vrcp.f32 v7  }
0xcf: {  	s31 =	simm.s32 $0x0;
	v7 =	vmul.f32 v6, v2;
	(erf) = vrcp.f32 v5  }
0xd0: {  	s4 =	sand.u32 $0x3FFFFE00, s31;
	v5 =	vmul.f32 v6, v3  }
0xd1: {  	s0 =	simm.s32 $0x40;
	s5 =	sadd.s32 $0x1A480, s4;
	v6 =	vpop (erf);
	v7 =	vadd.f32 $1.000000000e+00, v7  }
0xd2: {  	s22 =	simm.s32 $0x80;
	s20 =	sand.u32 $0x40, s0;
	s16 =	sor.u32 s10, s5;
	v8 =	vmul.f32 v6, v2;
	v5 =	vadd.f32 $1.000000000e+00, v5  }
0xd3: {  	s25 =	sand.u32 $0xFFFFFF00, s22;
	s26 =	sor.u32 $0x10, s20;
	v12 =	vld [tilespmem:s16+$0x0];
	(erf) = vrcp.f32 v7  }
0xd4: {  	s28 =	sor.u32 s25, s26;
	v7 =	vadd.f32 $1.000000000e+00, v8;
	(erf) = vrcp.f32 v5  }
0xd5: {  	v23 =	vld [tilespmem:s28+$0x19080]  }
0xd6: {  	s24 =	sor.u32 $0x30, s20;
	s6 =	sor.u32 s11, s5;
	v5 =	vmul.f32 v6, v3;
	v6 =	vpop (erf);
	(erf) = vrcp.f32 v7  }
0xd7: {  	s4 =	sor.u32 s1, s5;
	s9 =	sor.u32 s30, s5;
	s30 =	sor.u32 $0x20, s20;
	v20 =	vld [tilespmem:s6+$0x0];
	v18 =	vpop (erf)  }
0xd8: {  	s22 =	sor.u32 s20, s25;
	s21 =	sor.u32 s25, s24;
	s25 =	sor.u32 s25, s30;
	v8 =	vld [tilespmem:s4+$0x0];
	v7 =	vmul.f32 v6, v2;
	v13 =	vmul.f32 v18, v12;
	v19 =	vpop (erf)  }
0xd9: {  	v26 =	vld [tilespmem:s25+$0x19080];
	v6 =	vmul.f32 v6, v3;
	v5 =	vadd.f32 $1.000000000e+00, v5;
	v12 =	vmul.f32 v19, v12  }
0xda: {  	v7 =	vadd.f32 $1.000000000e+00, v7;
	[tilespmem:v11+s2+$0x0] =	vst.idx.add.f32.msk $0xffff, v13  }
0xdb: {  	v6 =	vadd.f32 $1.000000000e+00, v6;
	(erf) = vrcp.f32 v5;
	[tilespmem:v11+s14+$0x0] =	vst.idx.add.f32.msk $0xffff, v12  }
0xdc: {  	(erf) = vrcp.f32 v7;
	v5 =	vld [tilespmem:s16+$0x80];
	v17 =	vpop (erf)  }
0xdd: {  	v23 =	vld.idx.msk [tilespmem:v23+s3+$0x0], $0xffff;
	(erf) = vrcp.f32 v6;
	v6 =	vmul.f32 v17, v8;
	v16 =	vpop (erf)  }
0xde: {  	v7 =	vld [tilespmem:s9+$0x0];
	v8 =	vmul.f32 v16, v8  }
0xdf: {  	v14 =	vpop (erf);
	[tilespmem:v10+s2+$0x0] =	vst.idx.add.f32.msk $0xffff, v6  }
0xe0: {  	v6 =	vmul.f32 v14, v20;
	[tilespmem:v10+s14+$0x0] =	vst.idx.add.f32.msk $0xffff, v8  }
0xe1: {  	v21 =	vld [tilespmem:s4+$0x80];
	v8 =	vmul.f32 v18, v5  }
0xe2: {  	[tilespmem:v9+s2+$0x0] =	vst.idx.add.f32.msk $0xffff, v6  }
0xe3: {  	v5 =	vmul.f32 v19, v5;
	[tilespmem:v11+s8+$0x0] =	vst.idx.add.f32.msk $0xffff, v8  }
0xe4: {  	v15 =	vpop (erf);
	v8 =	vld [tilespmem:s21+$0x19A80]  }
0xe5: {  	v6 =	vmul.f32 v15, v20;
	[tilespmem:v11+s12+$0x0] =	vst.idx.add.f32.msk $0xffff, v5  }
0xe6: {  	v20 =	vld [tilespmem:s16+$0x100]  }
0xe7: {  	v12 =	vpop (erf);
	[tilespmem:v9+s14+$0x0] =	vst.idx.add.f32.msk $0xffff, v6  }
0xe8: {  	v13 =	vpop (erf);
	v5 =	vmul.f32 v12, v7;
	v6 =	vld [tilespmem:s21+$0x19080]  }
0xe9: {  	v7 =	vmul.f32 v13, v7;
	v22 =	vld [tilespmem:s6+$0x80]  }
0xea: {  	[tilespmem:v4+s2+$0x0] =	vst.idx.add.f32.msk $0xffff, v5  }
0xeb: {  	[tilespmem:v4+s14+$0x0] =	vst.idx.add.f32.msk $0xffff, v7;
	v5 =	vmul.f32 v20, v18  }
0xec: {  	v7 =	vmul.f32 v20, v19;
	v20 =	vld [tilespmem:s22+$0x19080]  }
0xed: {  	[tilespmem:v11+s15+$0x0] =	vst.idx.add.f32.msk $0xffff, v5  }
0xee: {  	[tilespmem:v11+s17+$0x0] =	vst.idx.add.f32.msk $0xffff, v7  }
0xef: {  	v7 =	vld [tilespmem:s22+$0x19A80]  }
0xf0: {  	v29 =	vld [tilespmem:s9+$0x80]  }
0xf1: {  	v25 =	vld.idx.msk [tilespmem:v8+s3+$0x0], $0xffff  }
0xf2: {  	v5 =	vld [tilespmem:s28+$0x19A80]  }
0xf3: {  	v28 =	vmul.f32 v17, v21;
	v24 =	vld.idx.msk [tilespmem:v6+s3+$0x0], $0xffff  }
0xf4: {  	v6 =	vld [tilespmem:s25+$0x19A80]  }
0xf5: {  	[tilespmem:v10+s8+$0x0] =	vst.idx.add.f32.msk $0xffff, v28  }
0xf6: {  	v21 =	vmul.f32 v16, v21;
	v20 =	vld.idx.msk [tilespmem:v20+s3+$0x0], $0xffff  }
0xf7: {  	v27 =	vld.idx.msk [tilespmem:v7+s3+$0x0], $0xffff  }
0xf8: {  	[tilespmem:v10+s12+$0x0] =	vst.idx.add.f32.msk $0xffff, v21;
	v21 =	vmul.f32 v14, v22;
	v24 =	vmax.f32 v24, v25  }
0xf9: {  	v62 =	vld [tilespmem:s16+$0x180];
	v24 =	vsub.f32 $0.0e+00, v24  }
0xfa: {  	[tilespmem:v9+s8+$0x0] =	vst.idx.add.f32.msk $0xffff, v21  }
0xfb: {  	v25 =	vld.idx.msk [tilespmem:v5+s3+$0x0], $0xffff;
	v24 =	vmul.f32 $1.442695020e+00, v24  }
0xfc: {  	v22 =	vmul.f32 v15, v22;
	v21 =	vld.idx.msk [tilespmem:v6+s3+$0x0], $0xffff;
	v20 =	vmax.f32 v20, v27  }
0xfd: {  	(erf) = vpow2.f32 v24;
	v24 =	vld.idx.msk [tilespmem:v26+s3+$0x0], $0xffff;
	v20 =	vsub.f32 $0.0e+00, v20  }
0xfe: {  	[tilespmem:v9+s12+$0x0] =	vst.idx.add.f32.msk $0xffff, v22;
	v18 =	vmul.f32 v62, v18  }
0xff: {  	v22 =	vld [tilespmem:s4+$0x100];
	v19 =	vmul.f32 v62, v19;
	v20 =	vmul.f32 $1.442695020e+00, v20  }
0x100: {  	[tilespmem:v11+s18+$0x0] =	vst.idx.add.f32.msk $0xffff, v18;
	v23 =	vmax.f32 v23, v25;
	v25 =	vmul.f32 v12, v29  }
0x101: {  	v26 =	vmul.f32 v13, v29;
	[tilespmem:v11+s19+$0x0] =	vst.idx.add.f32.msk $0xffff, v19;
	v23 =	vsub.f32 $0.0e+00, v23;
	(erf) = vpow2.f32 v20  }
0x102: {  	[tilespmem:v4+s8+$0x0] =	vst.idx.add.f32.msk $0xffff, v25;
	v21 =	vmax.f32 v24, v21  }
0x103: {  	[tilespmem:v4+s12+$0x0] =	vst.idx.add.f32.msk $0xffff, v26;
	v21 =	vsub.f32 $0.0e+00, v21;
	v20 =	vmul.f32 $1.442695020e+00, v23  }
0x104: {  	v23 =	vld [tilespmem:s6+$0x100]  }
0x105: {  	v11 =	vmul.f32 $1.442695020e+00, v21;
	(erf) = vpow2.f32 v20;
	v20 =	vld [tilespmem:s9+$0x100]  }
0x106: {  	v18 =	vmul.f32 v22, v17;
	v24 =	vpop (erf)  }
0x107: {  	v19 =	vmul.f32 v24, v2;
	(erf) = vpow2.f32 v11  }
0x108: {  	v22 =	vmul.f32 v22, v16;
	[tilespmem:v10+s15+$0x0] =	vst.idx.add.f32.msk $0xffff, v18;
	v18 =	vmul.f32 v24, v3  }
0x109: {  	v11 =	vadd.f32 $1.000000000e+00, v19;
	v19 =	vmul.f32 v23, v14  }
0x10a: {  	[tilespmem:v10+s17+$0x0] =	vst.idx.add.f32.msk $0xffff, v22;
	v18 =	vadd.f32 $1.000000000e+00, v18;
	v22 =	vmul.f32 v23, v15;
	v23 =	vmul.f32 v20, v12;
	v24 =	vpop (erf)  }
0x10b: {  	v21 =	vld [tilespmem:s4+$0x180];
	(erf) = vrcp.f32 v11;
	v11 =	vmul.f32 v24, v2  }
0x10c: {  	[tilespmem:v9+s15+$0x0] =	vst.idx.add.f32.msk $0xffff, v19;
	(erf) = vrcp.f32 v18;
	v18 =	vmul.f32 v24, v3  }
0x10d: {  	s31 =	simm.s32 $0x100;
	v20 =	vmul.f32 v20, v13;
	[tilespmem:v9+s17+$0x0] =	vst.idx.add.f32.msk $0xffff, v22;
	v11 =	vadd.f32 $1.000000000e+00, v11  }
0x10e: {  	s4 =	sand.u32 $0x3FFFFE00, s31;
	[tilespmem:v4+s15+$0x0] =	vst.idx.add.f32.msk $0xffff, v23;
	v19 =	vpop (erf);
	v18 =	vadd.f32 $1.000000000e+00, v18  }
0x10f: {  	s4 =	sadd.s32 $0x1A480, s4;
	[tilespmem:v4+s17+$0x0] =	vst.idx.add.f32.msk $0xffff, v20;
	v20 =	vmul.f32 v19, v2;
	(erf) = vrcp.f32 v11  }
0x110: {  	s10 =	sor.u32 s24, s4;
	v22 =	vld [tilespmem:s6+$0x180];
	(erf) = vrcp.f32 v18;
	v18 =	vmul.f32 v19, v3;
	v19 =	vpop (erf)  }
0x111: {  	s1 =	sor.u32 s26, s4;
	v23 =	vld [tilespmem:s10+$0x0];
	v11 =	vadd.f32 $1.000000000e+00, v20;
	v20 =	vmul.f32 v19, v2  }
0x112: {  	s28 =	sor.u32 s30, s4;
	v25 =	vld [tilespmem:s1+$0x0];
	v17 =	vmul.f32 v21, v17  }
0x113: {  	v26 =	vld [tilespmem:s28+$0x0];
	(erf) = vrcp.f32 v11;
	v11 =	vmul.f32 v21, v16  }
0x114: {  	[tilespmem:v10+s18+$0x0] =	vst.idx.add.f32.msk $0xffff, v17;
	v16 =	vadd.f32 $1.000000000e+00, v18;
	v21 =	vpop (erf)  }
0x115: {  	s29 =	sor.u32 s20, s4;
	v18 =	vmul.f32 v19, v3;
	v27 =	vadd.f32 $1.000000000e+00, v20;
	[tilespmem:v10+s19+$0x0] =	vst.idx.add.f32.msk $0xffff, v11;
	v10 =	vmul.f32 v22, v14;
	v20 =	vpop (erf)  }
0x116: {  	v24 =	vld [tilespmem:s29+$0x0];
	(erf) = vrcp.f32 v16;
	v16 =	vmul.f32 v20, v23  }
0x117: {  	v19 =	vld [tilespmem:s9+$0x180];
	v63 =	vmul.f32 v21, v23  }
0x118: {  	v17 =	vadd.f32 $1.000000000e+00, v18;
	[tilespmem:v9+s18+$0x0] =	vst.idx.add.f32.msk $0xffff, v10  }
0x119: {  	(erf) = vrcp.f32 v27;
	[tilespmem:v8+s2+$0x0] =	vst.idx.add.f32.msk $0xffff, v63  }
0x11a: {  	v11 =	vmul.f32 v22, v15;
	(erf) = vrcp.f32 v17;
	[tilespmem:v8+s14+$0x0] =	vst.idx.add.f32.msk $0xffff, v16;
	v16 =	vpop (erf)  }
0x11b: {  	v14 =	vld [tilespmem:s10+$0x80];
	v17 =	vmul.f32 v16, v24;
	v15 =	vpop (erf)  }
0x11c: {  	[tilespmem:v9+s19+$0x0] =	vst.idx.add.f32.msk $0xffff, v11;
	v18 =	vmul.f32 v15, v24  }
0x11d: {  	v10 =	vpop (erf);
	[tilespmem:v7+s2+$0x0] =	vst.idx.add.f32.msk $0xffff, v17  }
0x11e: {  	v11 =	vmul.f32 v10, v25;
	[tilespmem:v7+s14+$0x0] =	vst.idx.add.f32.msk $0xffff, v18  }
0x11f: {  	v22 =	vld [tilespmem:s29+$0x80]  }
0x120: {  	v17 =	vmul.f32 v21, v14;
	[tilespmem:v5+s2+$0x0] =	vst.idx.add.f32.msk $0xffff, v11;
	v11 =	vmul.f32 v20, v14  }
0x121: {  	v9 =	vpop (erf)  }
0x122: {  	v18 =	vmul.f32 v19, v12;
	v12 =	vpop (erf);
	[tilespmem:v8+s8+$0x0] =	vst.idx.add.f32.msk $0xffff, v17  }
0x123: {  	v23 =	vmul.f32 v9, v25;
	v17 =	vmul.f32 v19, v13;
	v13 =	vpop (erf);
	[tilespmem:v8+s12+$0x0] =	vst.idx.add.f32.msk $0xffff, v11  }
0x124: {  	s16 =	simm.s32 $0x4;
	v25 =	vmul.f32 v12, v26;
	v14 =	vmovc v6;
	v24 =	vmul.f32 v13, v26;
	v19 =	vld [tilespmem:s10+$0x100];
	v11 =	vmov v6  }
.LBB2_5:
0x125: {  	s16 =	sadd.s32 $0x4, s16;
	v26 =	vmul.f32 v16, v22;
	v27 =	vmul.f32 v15, v22;
	[tilespmem:v5+s14+$0x0] =	vst.idx.add.f32.msk $0xffff, v23;
	s0 =	sadd.s32 $0x40, s0  }
0x126: {  	s11 =	sand.u32 $0x40, s0;
	s4 =	sshll.u32 s16, $0x5;
	p0 =	slt.u32 s16, $0x4C;
	[tilespmem:v6+s2+$0x0] =	vst.idx.add.f32.msk $0xffff, v25  }
0x127: {  	s4 =	sand.u32 $0xFFFFFF00, s4;
	s13 =	sor.u32 $0x10, s11;
	s25 =	sor.u32 $0x30, s11;
	[tilespmem:v6+s14+$0x0] =	vst.idx.add.f32.msk $0xffff, v24  }
0x128: {  	s22 =	sor.u32 $0x20, s11;
	s21 =	sor.u32 s11, s4;
	s30 =	sor.u32 s4, s25;
	v22 =	vld [tilespmem:s1+$0x80]  }
0x129: {  	s31 =	sor.u32 s4, s13;
	s4 =	sor.u32 s4, s22;
	v23 =	vld [tilespmem:s30+$0x19080];
	v24 =	vmul.f32 v19, v21  }
0x12a: {  	v19 =	vmul.f32 v19, v20;
	v25 =	vld [tilespmem:s30+$0x19A80]  }
0x12b: {  	[tilespmem:v8+s15+$0x0] =	vst.idx.add.f32.msk $0xffff, v24  }
0x12c: {  	[tilespmem:v8+s17+$0x0] =	vst.idx.add.f32.msk $0xffff, v19  }
0x12d: {  	v24 =	vmul.f32 v10, v22;
	v28 =	vmul.f32 v9, v22;
	v29 =	vld [tilespmem:s10+$0x180]  }
0x12e: {  	v30 =	vld [tilespmem:s21+$0x19080]  }
0x12f: {  	v22 =	vld [tilespmem:s21+$0x19A80]  }
0x130: {  	v31 =	vld [tilespmem:s31+$0x19080]  }
0x131: {  	v19 =	vld [tilespmem:s31+$0x19A80]  }
0x132: {  	v23 =	vld.idx.msk [tilespmem:v23+s3+$0x0], $0xffff;
	v21 =	vmul.f32 v29, v21  }
0x133: {  	v20 =	vmul.f32 v29, v20;
	v32 =	vld.idx.msk [tilespmem:v25+s3+$0x0], $0xffff  }
0x134: {  	[tilespmem:v8+s18+$0x0] =	vst.idx.add.f32.msk $0xffff, v21  }
0x135: {  	[tilespmem:v8+s19+$0x0] =	vst.idx.add.f32.msk $0xffff, v20;
	v8 =	vmov v25  }
0x136: {  	v20 =	vld [tilespmem:s4+$0x19080]  }
0x137: {  	v21 =	vld [tilespmem:s4+$0x19A80]  }
0x138: {  	v25 =	vld.idx.msk [tilespmem:v30+s3+$0x0], $0xffff  }
0x139: {  	v29 =	vld.idx.msk [tilespmem:v22+s3+$0x0], $0xffff  }
0x13a: {  	v23 =	vmax.f32 v23, v32;
	v30 =	vld.idx.msk [tilespmem:v31+s3+$0x0], $0xffff  }
0x13b: {  	v23 =	vsub.f32 $0.0e+00, v23;
	v31 =	vld.idx.msk [tilespmem:v19+s3+$0x0], $0xffff  }
0x13c: {  	v32 =	vld [tilespmem:s28+$0x80]  }
0x13d: {  	v23 =	vmul.f32 $1.442695020e+00, v23;
	[tilespmem:v7+s8+$0x0] =	vst.idx.add.f32.msk $0xffff, v26  }
0x13e: {  	v20 =	vld.idx.msk [tilespmem:v20+s3+$0x0], $0xffff  }
0x13f: {  	v25 =	vmax.f32 v25, v29;
	v26 =	vld.idx.msk [tilespmem:v21+s3+$0x0], $0xffff;
	(erf) = vpow2.f32 v23  }
0x140: {  	v23 =	vsub.f32 $0.0e+00, v25;
	[tilespmem:v7+s12+$0x0] =	vst.idx.add.f32.msk $0xffff, v27  }
0x141: {  	v25 =	vmax.f32 v30, v31;
	v27 =	vld [tilespmem:s29+$0x100];
	v29 =	vmul.f32 v12, v32;
	v30 =	vmul.f32 v13, v32  }
0x142: {  	v23 =	vmul.f32 $1.442695020e+00, v23;
	v25 =	vsub.f32 $0.0e+00, v25;
	[tilespmem:v5+s8+$0x0] =	vst.idx.add.f32.msk $0xffff, v24  }
0x143: {  	[tilespmem:v5+s12+$0x0] =	vst.idx.add.f32.msk $0xffff, v28  }
0x144: {  	v24 =	vmul.f32 $1.442695020e+00, v25;
	(erf) = vpow2.f32 v23;
	[tilespmem:v6+s8+$0x0] =	vst.idx.add.f32.msk $0xffff, v29  }
0x145: {  	v20 =	vmax.f32 v20, v26;
	[tilespmem:v6+s12+$0x0] =	vst.idx.add.f32.msk $0xffff, v30  }
0x146: {  	v20 =	vsub.f32 $0.0e+00, v20;
	(erf) = vpow2.f32 v24;
	v23 =	vmul.f32 v27, v16;
	v24 =	vld [tilespmem:s1+$0x100]  }
0x147: {  	v25 =	vmul.f32 v27, v15;
	v26 =	vld [tilespmem:s28+$0x100]  }
0x148: {  	v20 =	vmul.f32 $1.442695020e+00, v20;
	v27 =	vpop (erf);
	[tilespmem:v7+s15+$0x0] =	vst.idx.add.f32.msk $0xffff, v23  }
0x149: {  	v23 =	vmul.f32 v27, v2;
	[tilespmem:v7+s17+$0x0] =	vst.idx.add.f32.msk $0xffff, v25  }
0x14a: {  	v25 =	vmul.f32 v27, v3;
	(erf) = vpow2.f32 v20;
	v20 =	vld [tilespmem:s29+$0x180]  }
0x14b: {  	v23 =	vadd.f32 $1.000000000e+00, v23;
	v27 =	vmul.f32 v24, v10;
	v24 =	vmul.f32 v24, v9;
	[tilespmem:v4+s18+$0x0] =	vst.idx.add.f32.msk $0xffff, v18  }
0x14c: {  	v28 =	vadd.f32 $1.000000000e+00, v25;
	v25 =	vmul.f32 v26, v12;
	v26 =	vmul.f32 v26, v13;
	[tilespmem:v4+s19+$0x0] =	vst.idx.add.f32.msk $0xffff, v17  }
0x14d: {  	v4 =	vmov v6;
	v6 =	vmov v21;
	v17 =	vpop (erf);
	(erf) = vrcp.f32 v23;
	[tilespmem:v5+s15+$0x0] =	vst.idx.add.f32.msk $0xffff, v27  }
0x14e: {  	s4 =	sshll.u32 s16, $0x6;
	v23 =	vmul.f32 v17, v2;
	(erf) = vrcp.f32 v28;
	[tilespmem:v5+s17+$0x0] =	vst.idx.add.f32.msk $0xffff, v24  }
0x14f: {  	s4 =	sand.u32 $0x3FFFFE00, s4;
	v17 =	vmul.f32 v17, v3;
	v18 =	vpop (erf);
	v16 =	vmul.f32 v20, v16;
	[tilespmem:v11+s15+$0x0] =	vst.idx.add.f32.msk $0xffff, v25;
	v11 =	vmov v21  }
0x150: {  	s4 =	sadd.s32 $0x1A480, s4;
	v23 =	vadd.f32 $1.000000000e+00, v23;
	v24 =	vmul.f32 v18, v2;
	v18 =	vmul.f32 v18, v3;
	[tilespmem:v14+s17+$0x0] =	vst.idx.add.f32.msk $0xffff, v26  }
0x151: {  	s10 =	sor.u32 s25, s4;
	s29 =	sor.u32 s11, s4;
	v15 =	vmul.f32 v20, v15;
	v26 =	vadd.f32 $1.000000000e+00, v17;
	v14 =	vmov v21;
	v25 =	vld [tilespmem:s1+$0x180];
	s1 =	sor.u32 s13, s4  }
0x152: {  	s4 =	sor.u32 s22, s4;
	v20 =	vadd.f32 $1.000000000e+00, v24;
	v18 =	vadd.f32 $1.000000000e+00, v18;
	v24 =	vld [tilespmem:s10+$0x0];
	(erf) = vrcp.f32 v23  }
0x153: {  	v23 =	vld [tilespmem:s29+$0x0];
	(erf) = vrcp.f32 v26;
	v17 =	vpop (erf)  }
0x154: {  	v26 =	vld [tilespmem:s1+$0x0];
	v29 =	vmul.f32 v17, v2;
	v17 =	vmul.f32 v17, v3  }
0x155: {  	v27 =	vld [tilespmem:s4+$0x0];
	(erf) = vrcp.f32 v20  }
0x156: {  	v28 =	vadd.f32 $1.000000000e+00, v29;
	v17 =	vadd.f32 $1.000000000e+00, v17;
	(erf) = vrcp.f32 v18;
	v21 =	vpop (erf);
	v29 =	vld [tilespmem:s28+$0x180];
	s28 =	smov.u32 s4  }
0x157: {  	v10 =	vmul.f32 v25, v10;
	v18 =	vmul.f32 v21, v24;
	v20 =	vpop (erf);
	[tilespmem:v7+s18+$0x0] =	vst.idx.add.f32.msk $0xffff, v16  }
0x158: {  	v30 =	vmul.f32 v20, v24;
	(erf) = vrcp.f32 v28;
	[tilespmem:v7+s19+$0x0] =	vst.idx.add.f32.msk $0xffff, v15;
	v7 =	vmov v22  }
0x159: {  	v9 =	vmul.f32 v25, v9;
	[tilespmem:v8+s2+$0x0] =	vst.idx.add.f32.msk $0xffff, v18;
	(erf) = vrcp.f32 v17  }
0x15a: {  	[tilespmem:v8+s14+$0x0] =	vst.idx.add.f32.msk $0xffff, v30  }
0x15b: {  	v24 =	vld [tilespmem:s10+$0x80];
	v16 =	vpop (erf);
	v18 =	vmul.f32 v29, v12;
	v17 =	vmul.f32 v29, v13  }
0x15c: {  	v12 =	vmul.f32 v16, v23;
	v15 =	vpop (erf);
	[tilespmem:v5+s18+$0x0] =	vst.idx.add.f32.msk $0xffff, v10  }
0x15d: {  	v13 =	vmul.f32 v15, v23;
	[tilespmem:v5+s19+$0x0] =	vst.idx.add.f32.msk $0xffff, v9;
	v5 =	vmov v19  }
0x15e: {  	[tilespmem:v22+s2+$0x0] =	vst.idx.add.f32.msk $0xffff, v12;
	v10 =	vpop (erf)  }
0x15f: {  	[tilespmem:v22+s14+$0x0] =	vst.idx.add.f32.msk $0xffff, v13;
	v25 =	vmul.f32 v10, v26;
	v9 =	vpop (erf)  }
.Ltmp1:
0x160: {  	v22 =	vld [tilespmem:s29+$0x80];
	v23 =	vmul.f32 v9, v26;
	v26 =	vmul.f32 v21, v24;
	(pc) =	sbr.rel @p0 .LBB2_5-.Ltmp1, $4  }
0x161: {  	[tilespmem:v19+s2+$0x0] =	vst.idx.add.f32.msk $0xffff, v25;
	v19 =	vmul.f32 v20, v24;
	v12 =	vpop (erf)  }
0x162: {  	v25 =	vmul.f32 v12, v27;
	[tilespmem:v8+s8+$0x0] =	vst.idx.add.f32.msk $0xffff, v26;
	v13 =	vpop (erf)  }
0x163: {  	v24 =	vmul.f32 v13, v27;
	[tilespmem:v8+s12+$0x0] =	vst.idx.add.f32.msk $0xffff, v19  }
0x164: {  	v19 =	vld [tilespmem:s10+$0x100]  }
0x165: {  	_ =	sdelay $0x3  }
0x166: {  	[tilespmem:v6+s2+$0x0] =	vst.idx.add.f32.msk $0xffff, v25  }
0x167: {  	[tilespmem:v6+s14+$0x0] =	vst.idx.add.f32.msk $0xffff, v24;
	v26 =	vmul.f32 v19, v21  }
0x168: {  	v25 =	vld [tilespmem:s28+$0x80];
	v19 =	vmul.f32 v19, v20  }
0x169: {  	[tilespmem:v8+s15+$0x0] =	vst.idx.add.f32.msk $0xffff, v26  }
0x16a: {  	[tilespmem:v8+s17+$0x0] =	vst.idx.add.f32.msk $0xffff, v19  }
0x16b: {  	v19 =	vld [tilespmem:s10+$0x180]  }
0x16c: {  	[tilespmem:v5+s14+$0x0] =	vst.idx.add.f32.msk $0xffff, v23  }
0x16d: {  	v23 =	vld [tilespmem:s1+$0x80];
	v24 =	vmul.f32 v16, v22  }
0x16e: {  	[tilespmem:v4+s18+$0x0] =	vst.idx.add.f32.msk $0xffff, v18;
	v22 =	vmul.f32 v15, v22  }
0x16f: {  	[tilespmem:v7+s8+$0x0] =	vst.idx.add.f32.msk $0xffff, v24;
	v24 =	vmul.f32 v12, v25  }
0x170: {  	[tilespmem:v7+s12+$0x0] =	vst.idx.add.f32.msk $0xffff, v22;
	v21 =	vmul.f32 v19, v21  }
0x171: {  	[tilespmem:v6+s8+$0x0] =	vst.idx.add.f32.msk $0xffff, v24  }
0x172: {  	[tilespmem:v8+s18+$0x0] =	vst.idx.add.f32.msk $0xffff, v21;
	v21 =	vmul.f32 v10, v23  }
0x173: {  	v22 =	vmul.f32 v9, v23;
	v23 =	vld [tilespmem:s29+$0x100]  }
0x174: {  	[tilespmem:v5+s8+$0x0] =	vst.idx.add.f32.msk $0xffff, v21  }
0x175: {  	v21 =	vmul.f32 v13, v25;
	[tilespmem:v5+s12+$0x0] =	vst.idx.add.f32.msk $0xffff, v22  }
0x176: {  	v22 =	vld [tilespmem:s1+$0x100]  }
0x177: {  	v19 =	vmul.f32 v19, v20;
	[tilespmem:v6+s12+$0x0] =	vst.idx.add.f32.msk $0xffff, v21  }
0x178: {  	v20 =	vmul.f32 v23, v16;
	v21 =	vld [tilespmem:s28+$0x100]  }
0x179: {  	[tilespmem:v8+s19+$0x0] =	vst.idx.add.f32.msk $0xffff, v19;
	v8 =	vmul.f32 v23, v15  }
0x17a: {  	[tilespmem:v7+s15+$0x0] =	vst.idx.add.f32.msk $0xffff, v20  }
0x17b: {  	[tilespmem:v7+s17+$0x0] =	vst.idx.add.f32.msk $0xffff, v8;
	v8 =	vmul.f32 v22, v10  }
0x17c: {  	v19 =	vld [tilespmem:s29+$0x180];
	v20 =	vmul.f32 v22, v9  }
0x17d: {  	v22 =	vmul.f32 v21, v12;
	[tilespmem:v5+s15+$0x0] =	vst.idx.add.f32.msk $0xffff, v8  }
0x17e: {  	[tilespmem:v5+s17+$0x0] =	vst.idx.add.f32.msk $0xffff, v20  }
0x17f: {  	v8 =	vmul.f32 v21, v13;
	[tilespmem:v11+s15+$0x0] =	vst.idx.add.f32.msk $0xffff, v22  }
0x180: {  	v11 =	vld [tilespmem:s1+$0x180]  }
0x181: {  	[tilespmem:v14+s17+$0x0] =	vst.idx.add.f32.msk $0xffff, v8  }
0x182: {  	v8 =	vld [tilespmem:s28+$0x180];
	v14 =	vmul.f32 v19, v16  }
0x183: {  	[tilespmem:v4+s19+$0x0] =	vst.idx.add.f32.msk $0xffff, v17;
	v4 =	vmul.f32 v19, v15  }
0x184: {  	[tilespmem:v7+s18+$0x0] =	vst.idx.add.f32.msk $0xffff, v14  }
0x185: {  	[tilespmem:v7+s19+$0x0] =	vst.idx.add.f32.msk $0xffff, v4;
	v10 =	vmul.f32 v11, v10  }
0x186: {  	v4 =	vmul.f32 v11, v9;
	[smem:$0x7FD] =	sst s7  }
0x187: {  	v7 =	vmul.f32 v8, v12;
	[tilespmem:v5+s18+$0x0] =	vst.idx.add.f32.msk $0xffff, v10  }
0x188: {  	s28 =	smul.u32 $0xA00, s7;
	v8 =	vmul.f32 v8, v13;
	[tilespmem:v5+s19+$0x0] =	vst.idx.add.f32.msk $0xffff, v4  }
0x189: {  	s0 =	rddreg [dreg:$0x13];
	[tilespmem:v6+s18+$0x0] =	vst.idx.add.f32.msk $0xffff, v7  }
0x18a: {  	s0 =	sadd.s32 s28, s0;
	[tilespmem:v6+s19+$0x0] =	vst.idx.add.f32.msk $0xffff, v8  }
0x18b: {  	s1 =	sshrl.u32 s0, $0x3;
	s4 =	rddreg [dreg:$0x3]  }
0x18c: {  	s5 =	simm.s32 $0x19080;
	s10 =	simm.s32 $0x0;
	s4 =	sadd.s32 s4, s1  }
0x18d: {  	[tilespmem:s5], [sflag:$0x1] =	stream.linear.gather [hbm4b:s4+s10], $0x80, $0x38;
	[tilespmem:$0x1D480] =	vst v63  }
0x18e: {  	s6 =	simm.s32 $0x19180;
	s11 =	sadd.s32 $0x10, s4  }
0x18f: {  	[tilespmem:s6], [sflag:$0x1] =	stream.linear.gather [hbm4b:s11+s10], $0x80, $0x38;
	[tilespmem:$0x1D480] =	vst v63  }
0x190: {  	s9 =	simm.s32 $0x19280;
	s7 =	sadd.s32 $0x20, s4  }
0x191: {  	[tilespmem:s9], [sflag:$0x1] =	stream.linear.gather [hbm4b:s7+s10], $0x80, $0x38;
	[tilespmem:$0x1D480] =	vst v63  }
0x192: {  	s16 =	simm.s32 $0x19380;
	s13 =	sadd.s32 $0x30, s4  }
0x193: {  	[tilespmem:s16], [sflag:$0x1] =	stream.linear.gather [hbm4b:s13+s10], $0x80, $0x38;
	[tilespmem:$0x1D480] =	vst v63  }
0x194: {  	s21 =	simm.s32 $0x19480;
	s20 =	sadd.s32 $0x40, s4  }
0x195: {  	[tilespmem:s21], [sflag:$0x1] =	stream.linear.gather [hbm4b:s20+s10], $0x80, $0x38;
	[tilespmem:$0x1D480] =	vst v63  }
0x196: {  	s24 =	simm.s32 $0x19580;
	s22 =	sadd.s32 $0x50, s4  }
0x197: {  	[tilespmem:s24], [sflag:$0x1] =	stream.linear.gather [hbm4b:s22+s10], $0x80, $0x38;
	[tilespmem:$0x1D480] =	vst v63  }
0x198: {  	s26 =	simm.s32 $0x19680;
	s25 =	sadd.s32 $0x60, s4  }
0x199: {  	[tilespmem:s26], [sflag:$0x1] =	stream.linear.gather [hbm4b:s25+s10], $0x80, $0x38;
	[tilespmem:$0x1D480] =	vst v63  }
0x19a: {  	s6 =	sadd.s32 $0x70, s4;
	s7 =	simm.s32 $0x19780  }
0x19b: {  	[tilespmem:s7], [sflag:$0x1] =	stream.linear.gather [hbm4b:s6+s10], $0x80, $0x38;
	[tilespmem:$0x1D480] =	vst v63  }
0x19c: {  	s9 =	sadd.s32 $0x80, s4;
	s13 =	simm.s32 $0x19880  }
0x19d: {  	[tilespmem:s13], [sflag:$0x1] =	stream.linear.gather [hbm4b:s9+s10], $0x80, $0x38;
	[tilespmem:$0x1D480] =	vst v63  }
0x19e: {  	s4 =	sadd.s32 $0x90, s4;
	s16 =	simm.s32 $0x19980;
	s20 =	rddreg [dreg:$0x4]  }
0x19f: {  	[tilespmem:s16], [sflag:$0x1] =	stream.linear.gather [hbm4b:s4+s10], $0x80, $0x38;
	[tilespmem:$0x1D480] =	vst v63  }
0x1a0: {  	s21 =	simm.s32 $0x19A80;
	s1 =	sadd.s32 s20, s1  }
0x1a1: {  	[tilespmem:s21], [sflag:$0x1] =	stream.linear.gather [hbm4b:s1+s10], $0x80, $0x38;
	[tilespmem:$0x1D480] =	vst v63  }
0x1a2: {  	s22 =	sadd.s32 $0x10, s1;
	s24 =	simm.s32 $0x19B80  }
0x1a3: {  	[tilespmem:s24], [sflag:$0x1] =	stream.linear.gather [hbm4b:s22+s10], $0x80, $0x38;
	[tilespmem:$0x1D480] =	vst v63  }
0x1a4: {  	s25 =	sadd.s32 $0x20, s1;
	s26 =	simm.s32 $0x19C80  }
0x1a5: {  	[tilespmem:s26], [sflag:$0x1] =	stream.linear.gather [hbm4b:s25+s10], $0x80, $0x38;
	[tilespmem:$0x1D480] =	vst v63  }
0x1a6: {  	s6 =	sadd.s32 $0x30, s1;
	s7 =	simm.s32 $0x19D80  }
0x1a7: {  	[tilespmem:s7], [sflag:$0x1] =	stream.linear.gather [hbm4b:s6+s10], $0x80, $0x38;
	[tilespmem:$0x1D480] =	vst v63  }
0x1a8: {  	s11 =	simm.s32 $0x19E80;
	s9 =	sadd.s32 $0x40, s1  }
0x1a9: {  	[tilespmem:s11], [sflag:$0x1] =	stream.linear.gather [hbm4b:s9+s10], $0x80, $0x38;
	[tilespmem:$0x1D480] =	vst v63  }
0x1aa: {  	s0 =	sshll.u32 s0, $0x2;
	s13 =	sadd.s32 $0x50, s1;
	s16 =	simm.s32 $0x19F80  }
0x1ab: {  	[tilespmem:s16], [sflag:$0x1] =	stream.linear.gather [hbm4b:s13+s10], $0x80, $0x38;
	[tilespmem:$0x1D480] =	vst v63  }
0x1ac: {  	s20 =	sadd.s32 $0x60, s1;
	s21 =	simm.s32 $0x1A080;
	s22 =	sadd.s32 $0x70, s1  }
0x1ad: {  	[tilespmem:s21], [sflag:$0x1] =	stream.linear.gather [hbm4b:s20+s10], $0x80, $0x38;
	[tilespmem:$0x1D480] =	vst v63  }
0x1ae: {  	s24 =	simm.s32 $0x1A180;
	s25 =	sadd.s32 $0x80, s1;
	s7 =	rddreg [dreg:$0x7]  }
0x1af: {  	[tilespmem:s24], [sflag:$0x1] =	stream.linear.gather [hbm4b:s22+s10], $0x80, $0x38;
	[tilespmem:$0x1D480] =	vst v63  }
0x1b0: {  	s26 =	simm.s32 $0x1A280;
	s1 =	sadd.s32 $0x90, s1;
	s0 =	sadd.s32 s7, s0  }
0x1b1: {  	[tilespmem:s26], [sflag:$0x1] =	stream.linear.gather [hbm4b:s25+s10], $0x80, $0x38;
	[tilespmem:$0x1D480] =	vst v63  }
0x1b2: {  	s6 =	simm.s32 $0x1A380;
	s0 =	sshrl.u32 s0, $0x3;
	s9 =	rddreg [dreg:$0x5]  }
0x1b3: {  	[tilespmem:s6], [sflag:$0x1] =	stream.linear.gather [hbm4b:s1+s10], $0x80, $0x38;
	[tilespmem:$0x1D480] =	vst v63  }
0x1b4: {  	s11 =	simm.s32 $0x1A480;
	s0 =	sadd.s32 s9, s0;
	s13 =	simm.s32 $0x2  }
0x1b5: {  	[tilespmem:s11], [sflag:$0x1] =	stream.linear.gather [hbm4b:s0+s10], $0x1400, $0x38;
	[tilespmem:$0x1D480] =	vst v63  }
0x1b6: {  	_ =	swait.ge [sflag:s13], $0x500  }
0x1b7: {  	[sflag:s13] =	ssyncset.done $0x0  }
0x1b8: {  	[sflag:s13] =	ssyncadd.s32 $0xFFFFFB00  }
0x1b9: {  	_ =	swait.ge [sflag:s13], $0x500  }
0x1ba: {  	[sflag:s13] =	ssyncset.done $0x0  }
0x1bb: {  	[sflag:s13] =	ssyncadd.s32 $0xFFFFFB00  }
0x1bc: {  	s16 =	simm.s32 $0x0;
	s25 =	sand.u32 $0x40, s10;
	_ =	swait.ge [sflag:s13], $0x1400  }
0x1bd: {  	s0 =	sand.u32 $0xFFFFFF00, s16;
	s11 =	sor.u32 $0x30, s25;
	[sflag:s13] =	ssyncset.done $0x0  }
0x1be: {  	s20 =	sor.u32 s11, s0;
	[sflag:s13] =	ssyncadd.s32 $0xFFFFEC00  }
0x1bf: {  	v4 =	vld [tilespmem:s20+$0x19100]  }
0x1c0: {  	v11 =	vld [tilespmem:s20+$0x19B00];
	_ =	sdelay $0x1  }
0x1c1: {  	s21 =	sor.u32 s25, s0  }
0x1c2: {  	s10 =	sor.u32 $0x10, s25;
	v5 =	vld [tilespmem:s21+$0x19100]  }
0x1c3: {  	s22 =	sor.u32 s10, s0;
	v10 =	vld [tilespmem:s21+$0x19B00]  }
0x1c4: {  	v6 =	vld [tilespmem:s22+$0x19100]  }
0x1c5: {  	v9 =	vld [tilespmem:s22+$0x19B00]  }
0x1c6: {  	v7 =	vld.idx.msk [tilespmem:v4+s3+$0x0], $0xffff  }
0x1c7: {  	s16 =	sor.u32 $0x20, s25;
	v8 =	vld.idx.msk [tilespmem:v11+s3+$0x0], $0xffff  }
0x1c8: {  	s0 =	sor.u32 s16, s0  }
0x1c9: {  	v12 =	vld [tilespmem:s0+$0x19100]  }
0x1ca: {  	v4 =	vld [tilespmem:s0+$0x19B00]  }
0x1cb: {  	v5 =	vld.idx.msk [tilespmem:v5+s3+$0x0], $0xffff  }
0x1cc: {  	v13 =	vld.idx.msk [tilespmem:v10+s3+$0x0], $0xffff;
	v7 =	vmax.f32 v7, v8  }
0x1cd: {  	v7 =	vsub.f32 $0.0e+00, v7  }
0x1ce: {  	v6 =	vld.idx.msk [tilespmem:v6+s3+$0x0], $0xffff  }
0x1cf: {  	v8 =	vld.idx.msk [tilespmem:v9+s3+$0x0], $0xffff;
	v7 =	vmul.f32 $1.442695020e+00, v7;
	_ =	sdelay $0x1  }
0x1d0: {  	v5 =	vmax.f32 v5, v13;
	(erf) = vpow2.f32 v7;
	v7 =	vld.idx.msk [tilespmem:v12+s3+$0x0], $0xffff  }
0x1d1: {  	v5 =	vsub.f32 $0.0e+00, v5;
	v12 =	vld.idx.msk [tilespmem:v4+s3+$0x0], $0xffff;
	_ =	sdelay $0x1  }
0x1d2: {  	v5 =	vmul.f32 $1.442695020e+00, v5;
	v6 =	vmax.f32 v6, v8  }
0x1d3: {  	v6 =	vsub.f32 $0.0e+00, v6  }
0x1d4: {  	(erf) = vpow2.f32 v5  }
0x1d5: {  	v5 =	vmul.f32 $1.442695020e+00, v6;
	v6 =	vmax.f32 v7, v12;
	_ =	sdelay $0x2  }
0x1d6: {  	(erf) = vpow2.f32 v5;
	v5 =	vsub.f32 $0.0e+00, v6;
	v6 =	vpop (erf)  }
0x1d7: {  	v7 =	vmul.f32 v6, v2;
	v6 =	vmul.f32 v6, v3;
	_ =	sdelay $0x1  }
0x1d8: {  	v5 =	vmul.f32 $1.442695020e+00, v5  }
0x1d9: {  	v7 =	vadd.f32 $1.000000000e+00, v7  }
0x1da: {  	(erf) = vpow2.f32 v5;
	v5 =	vadd.f32 $1.000000000e+00, v6;
	v6 =	vpop (erf)  }
0x1db: {  	(erf) = vrcp.f32 v7;
	v7 =	vmul.f32 v6, v2  }
0x1dc: {  	s24 =	simm.s32 $0x0;
	(erf) = vrcp.f32 v5  }
0x1dd: {  	s4 =	sand.u32 $0x3FFFFE00, s24;
	v5 =	vmul.f32 v6, v3;
	v7 =	vadd.f32 $1.000000000e+00, v7  }
0x1de: {  	s0 =	sadd.s32 $0x1B880, s4;
	v6 =	vpop (erf)  }
0x1df: {  	s26 =	sor.u32 s11, s0;
	v8 =	vmul.f32 v6, v2;
	v5 =	vadd.f32 $1.000000000e+00, v5;
	(erf) = vrcp.f32 v7  }
0x1e0: {  	v12 =	vld [tilespmem:s26+$0x0]  }
0x1e1: {  	s1 =	simm.s32 $0x40;
	v7 =	vadd.f32 $1.000000000e+00, v8;
	(erf) = vrcp.f32 v5  }
0x1e2: {  	s5 =	sor.u32 s25, s0;
	s13 =	sor.u32 s10, s0;
	s0 =	sor.u32 s16, s0  }
0x1e3: {  	s29 =	sand.u32 $0x40, s1;
	s20 =	simm.s32 $0x80;
	v20 =	vld [tilespmem:s0+$0x0];
	v5 =	vmul.f32 v6, v3;
	v6 =	vpop (erf);
	(erf) = vrcp.f32 v7  }
0x1e4: {  	s24 =	sand.u32 $0xFFFFFF00, s20;
	s0 =	sor.u32 $0x30, s29;
	v7 =	vld [tilespmem:s5+$0x0];
	v16 =	vpop (erf)  }
0x1e5: {  	v17 =	vld [tilespmem:s13+$0x0];
	s30 =	sor.u32 s0, s24;
	v5 =	vadd.f32 $1.000000000e+00, v5;
	v8 =	vmul.f32 v16, v12;
	v19 =	vpop (erf)  }
0x1e6: {  	v24 =	vld [tilespmem:s30+$0x19100];
	v12 =	vmul.f32 v19, v12  }
0x1e7: {  	s21 =	sadd.s32 $0x1B900, s4;
	(erf) = vrcp.f32 v5;
	[tilespmem:v11+s2+$0x0] =	vst.idx.add.f32.msk $0xffff, v8  }
0x1e8: {  	s6 =	sor.u32 s11, s21;
	[tilespmem:v11+s14+$0x0] =	vst.idx.add.f32.msk $0xffff, v12;
	v15 =	vpop (erf)  }
0x1e9: {  	s26 =	sor.u32 s29, s24;
	v5 =	vld [tilespmem:s6+$0x0];
	v8 =	vmul.f32 v15, v7  }
0x1ea: {  	s31 =	sor.u32 $0x10, s29;
	v25 =	vld [tilespmem:s26+$0x19100];
	v14 =	vpop (erf)  }
0x1eb: {  	s6 =	sor.u32 s31, s24;
	v7 =	vmul.f32 v14, v7;
	[tilespmem:v10+s2+$0x0] =	vst.idx.add.f32.msk $0xffff, v8;
	v8 =	vmul.f32 v6, v2  }
0x1ec: {  	v26 =	vld [tilespmem:s6+$0x19100];
	v12 =	vpop (erf);
	v6 =	vmul.f32 v6, v3  }
0x1ed: {  	s7 =	sor.u32 s25, s21;
	[tilespmem:v10+s14+$0x0] =	vst.idx.add.f32.msk $0xffff, v7;
	v7 =	vmul.f32 v12, v17;
	v8 =	vadd.f32 $1.000000000e+00, v8  }
0x1ee: {  	v21 =	vld [tilespmem:s7+$0x0];
	v18 =	vmul.f32 v16, v5;
	v6 =	vadd.f32 $1.000000000e+00, v6  }
0x1ef: {  	[tilespmem:v9+s2+$0x0] =	vst.idx.add.f32.msk $0xffff, v7;
	(erf) = vrcp.f32 v8  }
0x1f0: {  	v5 =	vmul.f32 v19, v5;
	v13 =	vpop (erf);
	[tilespmem:v11+s8+$0x0] =	vst.idx.add.f32.msk $0xffff, v18;
	(erf) = vrcp.f32 v6  }
0x1f1: {  	v7 =	vmul.f32 v13, v17;
	v8 =	vld [tilespmem:s30+$0x19B00]  }
0x1f2: {  	[tilespmem:v11+s12+$0x0] =	vst.idx.add.f32.msk $0xffff, v5  }
0x1f3: {  	[tilespmem:v9+s14+$0x0] =	vst.idx.add.f32.msk $0xffff, v7  }
0x1f4: {  	s13 =	sadd.s32 $0x1B980, s4;
	v6 =	vld [tilespmem:s26+$0x19B00]  }
0x1f5: {  	s9 =	sor.u32 s11, s13;
	v5 =	vld [tilespmem:s6+$0x19B00]  }
0x1f6: {  	s22 =	sor.u32 s10, s21;
	s30 =	sor.u32 $0x20, s29;
	v22 =	vld [tilespmem:s9+$0x0]  }
0x1f7: {  	s5 =	sor.u32 s30, s24;
	v23 =	vld [tilespmem:s22+$0x0]  }
0x1f8: {  	v28 =	vld [tilespmem:s5+$0x19100];
	v17 =	vpop (erf)  }
0x1f9: {  	v7 =	vld [tilespmem:s5+$0x19B00];
	v27 =	vmul.f32 v17, v20;
	v18 =	vpop (erf)  }
0x1fa: {  	v26 =	vld.idx.msk [tilespmem:v26+s3+$0x0], $0xffff;
	v20 =	vmul.f32 v18, v20  }
0x1fb: {  	[tilespmem:v4+s2+$0x0] =	vst.idx.add.f32.msk $0xffff, v27  }
0x1fc: {  	[tilespmem:v4+s14+$0x0] =	vst.idx.add.f32.msk $0xffff, v20  }
0x1fd: {  	v27 =	vmul.f32 v22, v16;
	v20 =	vmul.f32 v22, v19;
	v22 =	vld.idx.msk [tilespmem:v24+s3+$0x0], $0xffff  }
0x1fe: {  	v24 =	vld.idx.msk [tilespmem:v8+s3+$0x0], $0xffff  }
0x1ff: {  	s6 =	sor.u32 s16, s21;
	[tilespmem:v11+s15+$0x0] =	vst.idx.add.f32.msk $0xffff, v27  }
0x200: {  	v29 =	vld [tilespmem:s6+$0x0]  }
0x201: {  	[tilespmem:v11+s17+$0x0] =	vst.idx.add.f32.msk $0xffff, v20  }
0x202: {  	v27 =	vmul.f32 v15, v21;
	v20 =	vld.idx.msk [tilespmem:v25+s3+$0x0], $0xffff  }
0x203: {  	v21 =	vmul.f32 v14, v21;
	v25 =	vld.idx.msk [tilespmem:v6+s3+$0x0], $0xffff;
	v22 =	vmax.f32 v22, v24  }
0x204: {  	[tilespmem:v10+s8+$0x0] =	vst.idx.add.f32.msk $0xffff, v27;
	v22 =	vsub.f32 $0.0e+00, v22  }
0x205: {  	s4 =	sadd.s32 $0x1BA00, s4;
	[tilespmem:v10+s12+$0x0] =	vst.idx.add.f32.msk $0xffff, v21  }
0x206: {  	s7 =	sor.u32 s11, s4;
	v21 =	vmul.f32 v12, v23;
	v24 =	vld.idx.msk [tilespmem:v5+s3+$0x0], $0xffff;
	v22 =	vmul.f32 $1.442695020e+00, v22  }
0x207: {  	v27 =	vld [tilespmem:s7+$0x0]  }
0x208: {  	[tilespmem:v9+s8+$0x0] =	vst.idx.add.f32.msk $0xffff, v21;
	v20 =	vmax.f32 v20, v25;
	(erf) = vpow2.f32 v22  }
0x209: {  	v23 =	vmul.f32 v13, v23;
	v21 =	vld.idx.msk [tilespmem:v7+s3+$0x0], $0xffff;
	v20 =	vsub.f32 $0.0e+00, v20  }
0x20a: {  	v22 =	vld.idx.msk [tilespmem:v28+s3+$0x0], $0xffff  }
0x20b: {  	s9 =	sor.u32 s25, s13;
	v25 =	vmul.f32 v17, v29;
	[tilespmem:v9+s12+$0x0] =	vst.idx.add.f32.msk $0xffff, v23;
	v24 =	vmax.f32 v26, v24;
	v20 =	vmul.f32 $1.442695020e+00, v20  }
0x20c: {  	v23 =	vld [tilespmem:s9+$0x0];
	v16 =	vmul.f32 v27, v16;
	v24 =	vsub.f32 $0.0e+00, v24  }
0x20d: {  	[tilespmem:v4+s8+$0x0] =	vst.idx.add.f32.msk $0xffff, v25;
	v26 =	vmul.f32 v18, v29;
	(erf) = vpow2.f32 v20  }
0x20e: {  	[tilespmem:v11+s18+$0x0] =	vst.idx.add.f32.msk $0xffff, v16;
	v20 =	vmul.f32 $1.442695020e+00, v24  }
0x20f: {  	s11 =	sor.u32 s10, s13;
	[tilespmem:v4+s12+$0x0] =	vst.idx.add.f32.msk $0xffff, v26;
	v21 =	vmax.f32 v22, v21  }
0x210: {  	s20 =	sor.u32 s16, s13;
	v19 =	vmul.f32 v27, v19;
	v22 =	vld [tilespmem:s11+$0x0];
	(erf) = vpow2.f32 v20;
	v21 =	vsub.f32 $0.0e+00, v21  }
0x211: {  	s22 =	simm.s32 $0x100;
	v16 =	vmul.f32 v23, v15;
	v20 =	vld [tilespmem:s20+$0x0];
	v24 =	vpop (erf)  }
0x212: {  	s21 =	sor.u32 s25, s4;
	s25 =	sand.u32 $0x3FFFFE00, s22;
	[tilespmem:v11+s19+$0x0] =	vst.idx.add.f32.msk $0xffff, v19;
	v11 =	vmul.f32 $1.442695020e+00, v21;
	v19 =	vmul.f32 v24, v2  }
0x213: {  	s26 =	sadd.s32 $0x1B880, s25;
	[tilespmem:v10+s15+$0x0] =	vst.idx.add.f32.msk $0xffff, v16;
	v16 =	vmul.f32 v24, v3  }
0x214: {  	s13 =	sor.u32 s30, s26;
	v23 =	vmul.f32 v23, v14;
	(erf) = vpow2.f32 v11;
	v11 =	vadd.f32 $1.000000000e+00, v19  }
0x215: {  	v27 =	vld [tilespmem:s13+$0x0];
	v19 =	vmul.f32 v22, v12;
	v16 =	vadd.f32 $1.000000000e+00, v16  }
0x216: {  	[tilespmem:v10+s17+$0x0] =	vst.idx.add.f32.msk $0xffff, v23;
	v23 =	vmul.f32 v20, v17;
	v24 =	vpop (erf);
	(erf) = vrcp.f32 v11  }
0x217: {  	v21 =	vld [tilespmem:s21+$0x0];
	(erf) = vrcp.f32 v16  }
0x218: {  	v20 =	vmul.f32 v20, v18;
	[tilespmem:v4+s15+$0x0] =	vst.idx.add.f32.msk $0xffff, v23;
	v11 =	vmul.f32 v24, v2  }
0x219: {  	[tilespmem:v9+s15+$0x0] =	vst.idx.add.f32.msk $0xffff, v19;
	v16 =	vmul.f32 v24, v3;
	v19 =	vpop (erf)  }
0x21a: {  	s7 =	sor.u32 s0, s26;
	[tilespmem:v4+s17+$0x0] =	vst.idx.add.f32.msk $0xffff, v20;
	v11 =	vadd.f32 $1.000000000e+00, v11;
	v20 =	vmul.f32 v19, v2  }
0x21b: {  	s11 =	sor.u32 s31, s26;
	v22 =	vmul.f32 v22, v13;
	v23 =	vld [tilespmem:s7+$0x0];
	v16 =	vadd.f32 $1.000000000e+00, v16  }
0x21c: {  	v25 =	vld [tilespmem:s11+$0x0];
	(erf) = vrcp.f32 v11;
	v11 =	vadd.f32 $1.000000000e+00, v20  }
0x21d: {  	s24 =	sor.u32 s10, s4;
	[tilespmem:v9+s17+$0x0] =	vst.idx.add.f32.msk $0xffff, v22;
	(erf) = vrcp.f32 v16;
	v16 =	vmul.f32 v19, v3  }
0x21e: {  	s9 =	sor.u32 s29, s26;
	v15 =	vmul.f32 v21, v15;
	v22 =	vld [tilespmem:s24+$0x0];
	v19 =	vpop (erf);
	(erf) = vrcp.f32 v11  }
0x21f: {  	v24 =	vld [tilespmem:s9+$0x0];
	v26 =	vmul.f32 v19, v2;
	v11 =	vmul.f32 v21, v14;
	v14 =	vadd.f32 $1.000000000e+00, v16;
	v20 =	vpop (erf)  }
0x220: {  	[tilespmem:v10+s18+$0x0] =	vst.idx.add.f32.msk $0xffff, v15;
	v16 =	vmul.f32 v19, v3;
	v63 =	vmul.f32 v20, v23;
	v19 =	vpop (erf)  }
0x221: {  	v26 =	vadd.f32 $1.000000000e+00, v26;
	(erf) = vrcp.f32 v14;
	[tilespmem:v10+s19+$0x0] =	vst.idx.add.f32.msk $0xffff, v11;
	v14 =	vmul.f32 v19, v23  }
0x222: {  	s20 =	sadd.s32 $0x1B900, s25;
	v15 =	vadd.f32 $1.000000000e+00, v16;
	[tilespmem:v8+s2+$0x0] =	vst.idx.add.f32.msk $0xffff, v63  }
0x223: {  	s21 =	sor.u32 s0, s20;
	v10 =	vmul.f32 v22, v12;
	(erf) = vrcp.f32 v26;
	[tilespmem:v8+s14+$0x0] =	vst.idx.add.f32.msk $0xffff, v14  }
0x224: {  	s4 =	sor.u32 s16, s4;
	(erf) = vrcp.f32 v15;
	v12 =	vld [tilespmem:s21+$0x0]  }
0x225: {  	v21 =	vld [tilespmem:s4+$0x0];
	v11 =	vmul.f32 v22, v13;
	v16 =	vpop (erf)  }
0x226: {  	[tilespmem:v9+s18+$0x0] =	vst.idx.add.f32.msk $0xffff, v10;
	v13 =	vmul.f32 v16, v24;
	v15 =	vpop (erf)  }
0x227: {  	[tilespmem:v9+s19+$0x0] =	vst.idx.add.f32.msk $0xffff, v11;
	v14 =	vmul.f32 v15, v24;
	v10 =	vpop (erf)  }
0x228: {  	[tilespmem:v6+s2+$0x0] =	vst.idx.add.f32.msk $0xffff, v13;
	v11 =	vmul.f32 v10, v25  }
0x229: {  	s22 =	sor.u32 s29, s20;
	[tilespmem:v6+s14+$0x0] =	vst.idx.add.f32.msk $0xffff, v14;
	v13 =	vmul.f32 v20, v12  }
0x22a: {  	v22 =	vld [tilespmem:s22+$0x0];
	v12 =	vmul.f32 v19, v12  }
0x22b: {  	v9 =	vpop (erf);
	[tilespmem:v5+s2+$0x0] =	vst.idx.add.f32.msk $0xffff, v11  }
0x22c: {  	s16 =	simm.s32 $0x4;
	s24 =	sadd.s32 $0x1B980, s25;
	v17 =	vmul.f32 v21, v17;
	v11 =	vpop (erf);
	[tilespmem:v8+s8+$0x0] =	vst.idx.add.f32.msk $0xffff, v13  }
0x22d: {  	s13 =	sor.u32 s31, s20;
	s26 =	sor.u32 s0, s24;
	s10 =	sor.u32 s31, s24;
	v18 =	vmul.f32 v21, v18;
	v23 =	vmul.f32 v9, v25;
	[tilespmem:v8+s12+$0x0] =	vst.idx.add.f32.msk $0xffff, v12;
	v13 =	vpop (erf)  }
0x22e: {  	s11 =	sor.u32 s30, s24;
	s4 =	sor.u32 s29, s24;
	s22 =	sor.u32 s30, s20;
	v14 =	vmovc v7;
	v21 =	vmul.f32 v11, v27;
	v24 =	vld [tilespmem:s26+$0x0];
	v12 =	vmov v7;
	v25 =	vmul.f32 v13, v27  }
.LBB2_7:
0x22f: {  	s16 =	sadd.s32 $0x4, s16;
	v26 =	vmul.f32 v16, v22;
	v27 =	vmul.f32 v15, v22;
	[tilespmem:v5+s14+$0x0] =	vst.idx.add.f32.msk $0xffff, v23;
	s1 =	sadd.s32 $0x40, s1  }
0x230: {  	s5 =	sand.u32 $0x40, s1;
	s6 =	sshll.u32 s16, $0x5;
	p0 =	slt.u32 s16, $0x4C;
	[tilespmem:v7+s2+$0x0] =	vst.idx.add.f32.msk $0xffff, v21  }
0x231: {  	s6 =	sand.u32 $0xFFFFFF00, s6;
	s9 =	sor.u32 $0x10, s5;
	s24 =	sor.u32 $0x30, s5;
	[tilespmem:v7+s14+$0x0] =	vst.idx.add.f32.msk $0xffff, v25  }
0x232: {  	s7 =	sor.u32 $0x20, s5;
	s20 =	sor.u32 s5, s6;
	s21 =	sor.u32 s24, s6;
	v21 =	vld [tilespmem:s13+$0x0]  }
0x233: {  	s26 =	sor.u32 s9, s6;
	s6 =	sor.u32 s7, s6;
	v23 =	vld [tilespmem:s21+$0x19100];
	v22 =	vmul.f32 v24, v20  }
0x234: {  	v24 =	vmul.f32 v24, v19;
	v25 =	vld [tilespmem:s21+$0x19B00]  }
0x235: {  	s13 =	sadd.s32 $0x1BA00, s25;
	[tilespmem:v8+s15+$0x0] =	vst.idx.add.f32.msk $0xffff, v22  }
0x236: {  	s25 =	sor.u32 s29, s13;
	s0 =	sor.u32 s0, s13;
	s21 =	sor.u32 s31, s13;
	[tilespmem:v8+s17+$0x0] =	vst.idx.add.f32.msk $0xffff, v24  }
0x237: {  	s29 =	smov.u32 s5;
	s13 =	sor.u32 s30, s13;
	s31 =	smov.u32 s9;
	v24 =	vmul.f32 v10, v21;
	v28 =	vmul.f32 v9, v21;
	v29 =	vld [tilespmem:s0+$0x0]  }
0x238: {  	s30 =	smov.u32 s7;
	s0 =	smov.u32 s24;
	v30 =	vld [tilespmem:s20+$0x19100]  }
0x239: {  	v22 =	vld [tilespmem:s20+$0x19B00]  }
0x23a: {  	v31 =	vld [tilespmem:s26+$0x19100]  }
0x23b: {  	v21 =	vld [tilespmem:s26+$0x19B00]  }
0x23c: {  	v23 =	vld.idx.msk [tilespmem:v23+s3+$0x0], $0xffff;
	v20 =	vmul.f32 v29, v20  }
0x23d: {  	v19 =	vmul.f32 v29, v19;
	v32 =	vld.idx.msk [tilespmem:v25+s3+$0x0], $0xffff  }
0x23e: {  	[tilespmem:v8+s18+$0x0] =	vst.idx.add.f32.msk $0xffff, v20  }
0x23f: {  	[tilespmem:v8+s19+$0x0] =	vst.idx.add.f32.msk $0xffff, v19;
	v8 =	vmov v25  }
0x240: {  	v19 =	vld [tilespmem:s6+$0x19100]  }
0x241: {  	v20 =	vld [tilespmem:s6+$0x19B00]  }
0x242: {  	v25 =	vld.idx.msk [tilespmem:v30+s3+$0x0], $0xffff  }
0x243: {  	v29 =	vld.idx.msk [tilespmem:v22+s3+$0x0], $0xffff  }
0x244: {  	v23 =	vmax.f32 v23, v32;
	v30 =	vld.idx.msk [tilespmem:v31+s3+$0x0], $0xffff  }
0x245: {  	v23 =	vsub.f32 $0.0e+00, v23;
	v31 =	vld.idx.msk [tilespmem:v21+s3+$0x0], $0xffff  }
0x246: {  	v32 =	vld [tilespmem:s22+$0x0]  }
0x247: {  	v23 =	vmul.f32 $1.442695020e+00, v23;
	[tilespmem:v6+s8+$0x0] =	vst.idx.add.f32.msk $0xffff, v26  }
0x248: {  	v19 =	vld.idx.msk [tilespmem:v19+s3+$0x0], $0xffff  }
0x249: {  	v25 =	vmax.f32 v25, v29;
	v26 =	vld.idx.msk [tilespmem:v20+s3+$0x0], $0xffff;
	(erf) = vpow2.f32 v23  }
0x24a: {  	v23 =	vsub.f32 $0.0e+00, v25;
	[tilespmem:v6+s12+$0x0] =	vst.idx.add.f32.msk $0xffff, v27  }
0x24b: {  	v25 =	vmax.f32 v30, v31;
	v27 =	vld [tilespmem:s4+$0x0];
	v29 =	vmul.f32 v11, v32;
	v30 =	vmul.f32 v13, v32  }
0x24c: {  	v23 =	vmul.f32 $1.442695020e+00, v23;
	v25 =	vsub.f32 $0.0e+00, v25;
	[tilespmem:v5+s8+$0x0] =	vst.idx.add.f32.msk $0xffff, v24  }
0x24d: {  	[tilespmem:v5+s12+$0x0] =	vst.idx.add.f32.msk $0xffff, v28  }
0x24e: {  	v24 =	vmul.f32 $1.442695020e+00, v25;
	(erf) = vpow2.f32 v23;
	[tilespmem:v7+s8+$0x0] =	vst.idx.add.f32.msk $0xffff, v29  }
0x24f: {  	v19 =	vmax.f32 v19, v26;
	[tilespmem:v7+s12+$0x0] =	vst.idx.add.f32.msk $0xffff, v30  }
0x250: {  	v19 =	vsub.f32 $0.0e+00, v19;
	(erf) = vpow2.f32 v24;
	v23 =	vmul.f32 v27, v16;
	v24 =	vld [tilespmem:s10+$0x0]  }
0x251: {  	v25 =	vmul.f32 v27, v15;
	v26 =	vld [tilespmem:s11+$0x0]  }
0x252: {  	v19 =	vmul.f32 $1.442695020e+00, v19;
	v27 =	vpop (erf);
	[tilespmem:v6+s15+$0x0] =	vst.idx.add.f32.msk $0xffff, v23  }
0x253: {  	v23 =	vmul.f32 v27, v2;
	[tilespmem:v6+s17+$0x0] =	vst.idx.add.f32.msk $0xffff, v25  }
0x254: {  	v25 =	vmul.f32 v27, v3;
	(erf) = vpow2.f32 v19;
	v19 =	vld [tilespmem:s25+$0x0]  }
0x255: {  	v23 =	vadd.f32 $1.000000000e+00, v23;
	v27 =	vmul.f32 v24, v10;
	v24 =	vmul.f32 v24, v9;
	[tilespmem:v4+s18+$0x0] =	vst.idx.add.f32.msk $0xffff, v17  }
0x256: {  	v17 =	vadd.f32 $1.000000000e+00, v25;
	v25 =	vmul.f32 v26, v11;
	v26 =	vmul.f32 v26, v13;
	[tilespmem:v4+s19+$0x0] =	vst.idx.add.f32.msk $0xffff, v18  }
0x257: {  	v4 =	vmov v7;
	v7 =	vmov v20;
	v18 =	vpop (erf);
	(erf) = vrcp.f32 v23;
	[tilespmem:v5+s15+$0x0] =	vst.idx.add.f32.msk $0xffff, v27  }
0x258: {  	s4 =	sshll.u32 s16, $0x6;
	v23 =	vmul.f32 v18, v2;
	(erf) = vrcp.f32 v17;
	[tilespmem:v5+s17+$0x0] =	vst.idx.add.f32.msk $0xffff, v24  }
0x259: {  	s25 =	sand.u32 $0x3FFFFE00, s4;
	v17 =	vmul.f32 v18, v3;
	v18 =	vpop (erf);
	v16 =	vmul.f32 v19, v16;
	[tilespmem:v12+s15+$0x0] =	vst.idx.add.f32.msk $0xffff, v25;
	v12 =	vmov v20  }
0x25a: {  	s4 =	sadd.s32 $0x1B880, s25;
	v23 =	vadd.f32 $1.000000000e+00, v23;
	v24 =	vmul.f32 v18, v2;
	v18 =	vmul.f32 v18, v3;
	[tilespmem:v14+s17+$0x0] =	vst.idx.add.f32.msk $0xffff, v26  }
0x25b: {  	s5 =	sor.u32 s29, s4;
	s6 =	sor.u32 s31, s4;
	s7 =	sor.u32 s0, s4;
	v15 =	vmul.f32 v19, v15;
	v26 =	vadd.f32 $1.000000000e+00, v17;
	v14 =	vmov v20;
	v25 =	vld [tilespmem:s21+$0x0]  }
0x25c: {  	s4 =	sor.u32 s30, s4;
	v19 =	vadd.f32 $1.000000000e+00, v24;
	v18 =	vadd.f32 $1.000000000e+00, v18;
	v24 =	vld [tilespmem:s7+$0x0];
	(erf) = vrcp.f32 v23  }
0x25d: {  	v23 =	vld [tilespmem:s5+$0x0];
	(erf) = vrcp.f32 v26;
	v17 =	vpop (erf)  }
0x25e: {  	v26 =	vld [tilespmem:s6+$0x0];
	v29 =	vmul.f32 v17, v2;
	v17 =	vmul.f32 v17, v3  }
0x25f: {  	v27 =	vld [tilespmem:s4+$0x0];
	(erf) = vrcp.f32 v19  }
0x260: {  	v28 =	vadd.f32 $1.000000000e+00, v29;
	v17 =	vadd.f32 $1.000000000e+00, v17;
	(erf) = vrcp.f32 v18;
	v20 =	vpop (erf);
	v18 =	vld [tilespmem:s13+$0x0]  }
0x261: {  	v10 =	vmul.f32 v25, v10;
	v29 =	vmul.f32 v20, v24;
	v19 =	vpop (erf);
	[tilespmem:v6+s18+$0x0] =	vst.idx.add.f32.msk $0xffff, v16  }
0x262: {  	v30 =	vmul.f32 v19, v24;
	(erf) = vrcp.f32 v28;
	[tilespmem:v6+s19+$0x0] =	vst.idx.add.f32.msk $0xffff, v15;
	v6 =	vmov v22  }
0x263: {  	s4 =	sadd.s32 $0x1B900, s25;
	v9 =	vmul.f32 v25, v9;
	[tilespmem:v8+s2+$0x0] =	vst.idx.add.f32.msk $0xffff, v29;
	(erf) = vrcp.f32 v17  }
0x264: {  	s5 =	sor.u32 s29, s4;
	s13 =	sor.u32 s31, s4;
	s6 =	sor.u32 s0, s4;
	[tilespmem:v8+s14+$0x0] =	vst.idx.add.f32.msk $0xffff, v30  }
0x265: {  	s22 =	sor.u32 s30, s4;
	v24 =	vld [tilespmem:s6+$0x0];
	v16 =	vpop (erf);
	v17 =	vmul.f32 v18, v11;
	v18 =	vmul.f32 v18, v13  }
0x266: {  	v11 =	vmul.f32 v16, v23;
	v15 =	vpop (erf);
	[tilespmem:v5+s18+$0x0] =	vst.idx.add.f32.msk $0xffff, v10  }
0x267: {  	v13 =	vmul.f32 v15, v23;
	[tilespmem:v5+s19+$0x0] =	vst.idx.add.f32.msk $0xffff, v9;
	v5 =	vmov v21  }
0x268: {  	[tilespmem:v22+s2+$0x0] =	vst.idx.add.f32.msk $0xffff, v11;
	v10 =	vpop (erf)  }
0x269: {  	[tilespmem:v22+s14+$0x0] =	vst.idx.add.f32.msk $0xffff, v13;
	v25 =	vmul.f32 v10, v26;
	v9 =	vpop (erf)  }
.Ltmp2:
0x26a: {  	v22 =	vld [tilespmem:s5+$0x0];
	v23 =	vmul.f32 v9, v26;
	v26 =	vmul.f32 v20, v24;
	(pc) =	sbr.rel @p0 .LBB2_7-.Ltmp2, $4  }
0x26b: {  	v24 =	vmul.f32 v19, v24;
	[tilespmem:v21+s2+$0x0] =	vst.idx.add.f32.msk $0xffff, v25;
	v11 =	vpop (erf)  }
0x26c: {  	s5 =	sadd.s32 $0x1B980, s25;
	v21 =	vmul.f32 v11, v27;
	[tilespmem:v8+s8+$0x0] =	vst.idx.add.f32.msk $0xffff, v26;
	v13 =	vpop (erf)  }
0x26d: {  	s4 =	sor.u32 s29, s5;
	s10 =	sor.u32 s31, s5;
	s6 =	sor.u32 s0, s5;
	v25 =	vmul.f32 v13, v27;
	[tilespmem:v8+s12+$0x0] =	vst.idx.add.f32.msk $0xffff, v24  }
0x26e: {  	s11 =	sor.u32 s30, s5;
	v24 =	vld [tilespmem:s6+$0x0]  }
0x26f: {  	_ =	sdelay $0x3  }
0x270: {  	[tilespmem:v5+s14+$0x0] =	vst.idx.add.f32.msk $0xffff, v23  }
0x271: {  	[tilespmem:v7+s2+$0x0] =	vst.idx.add.f32.msk $0xffff, v21  }
0x272: {  	v45 =	vld [tilespmem:s13+$0x0]  }
0x273: {  	v47 =	vmul.f32 v16, v22;
	[tilespmem:v7+s14+$0x0] =	vst.idx.add.f32.msk $0xffff, v25  }
0x274: {  	v48 =	vmul.f32 v15, v22;
	v25 =	vld [tilespmem:s22+$0x0]  }
0x275: {  	[tilespmem:v6+s8+$0x0] =	vst.idx.add.f32.msk $0xffff, v47  }
0x276: {  	[tilespmem:v6+s12+$0x0] =	vst.idx.add.f32.msk $0xffff, v48;
	v26 =	vmul.f32 v24, v20  }
0x277: {  	v44 =	vmul.f32 v24, v19;
	v22 =	vld [tilespmem:s4+$0x0]  }
0x278: {  	s1 =	sadd.s32 $0x1BA00, s25;
	[tilespmem:v8+s15+$0x0] =	vst.idx.add.f32.msk $0xffff, v26  }
0x279: {  	s0 =	sor.u32 s0, s1;
	v49 =	vmul.f32 v10, v45;
	[tilespmem:v8+s17+$0x0] =	vst.idx.add.f32.msk $0xffff, v44  }
0x27a: {  	v21 =	vmul.f32 v9, v45;
	v24 =	vld [tilespmem:s0+$0x0]  }
0x27b: {  	v50 =	vmul.f32 v11, v25;
	[tilespmem:v5+s8+$0x0] =	vst.idx.add.f32.msk $0xffff, v49  }
0x27c: {  	[tilespmem:v5+s12+$0x0] =	vst.idx.add.f32.msk $0xffff, v21  }
0x27d: {  	v51 =	vmul.f32 v13, v25;
	[tilespmem:v7+s8+$0x0] =	vst.idx.add.f32.msk $0xffff, v50  }
0x27e: {  	v21 =	vld [tilespmem:s10+$0x0]  }
0x27f: {  	v53 =	vmul.f32 v22, v16;
	[tilespmem:v7+s12+$0x0] =	vst.idx.add.f32.msk $0xffff, v51  }
0x280: {  	v54 =	vmul.f32 v22, v15;
	v23 =	vld [tilespmem:s11+$0x0]  }
0x281: {  	[tilespmem:v6+s15+$0x0] =	vst.idx.add.f32.msk $0xffff, v53  }
0x282: {  	s26 =	sor.u32 s29, s1;
	[tilespmem:v6+s17+$0x0] =	vst.idx.add.f32.msk $0xffff, v54;
	v46 =	vmul.f32 v24, v20  }
0x283: {  	v52 =	vmul.f32 v24, v19;
	v56 =	vld [tilespmem:s26+$0x0]  }
0x284: {  	[tilespmem:v8+s18+$0x0] =	vst.idx.add.f32.msk $0xffff, v46;
	v55 =	vmul.f32 v21, v10  }
0x285: {  	v57 =	vmul.f32 v21, v9;
	[tilespmem:v8+s19+$0x0] =	vst.idx.add.f32.msk $0xffff, v52  }
0x286: {  	v58 =	vmul.f32 v23, v11;
	[tilespmem:v5+s15+$0x0] =	vst.idx.add.f32.msk $0xffff, v55  }
0x287: {  	[tilespmem:v5+s17+$0x0] =	vst.idx.add.f32.msk $0xffff, v57  }
0x288: {  	s29 =	sor.u32 s31, s1;
	v59 =	vmul.f32 v23, v13;
	[tilespmem:v12+s15+$0x0] =	vst.idx.add.f32.msk $0xffff, v58  }
0x289: {  	v60 =	vld [tilespmem:s29+$0x0]  }
0x28a: {  	s31 =	sor.u32 s30, s1;
	[tilespmem:v14+s17+$0x0] =	vst.idx.add.f32.msk $0xffff, v59  }
0x28b: {  	v8 =	vld [tilespmem:s31+$0x0]  }
0x28c: {  	[tilespmem:v4+s18+$0x0] =	vst.idx.add.f32.msk $0xffff, v17;
	v61 =	vmul.f32 v56, v16  }
0x28d: {  	[tilespmem:v4+s19+$0x0] =	vst.idx.add.f32.msk $0xffff, v18;
	v4 =	vmul.f32 v56, v15  }
0x28e: {  	[tilespmem:v6+s18+$0x0] =	vst.idx.add.f32.msk $0xffff, v61;
	v62 =	vmul.f32 v60, v10  }
0x28f: {  	[tilespmem:v6+s19+$0x0] =	vst.idx.add.f32.msk $0xffff, v4;
	v4 =	vmul.f32 v60, v9  }
0x290: {  	v63 =	vmul.f32 v8, v11;
	[tilespmem:v5+s18+$0x0] =	vst.idx.add.f32.msk $0xffff, v62  }
0x291: {  	[tilespmem:v5+s19+$0x0] =	vst.idx.add.f32.msk $0xffff, v4  }
0x292: {  	[tilespmem:v7+s18+$0x0] =	vst.idx.add.f32.msk $0xffff, v63  }
0x293: {  	s7 =	sld [smem:$0x7FD];
	_ =	sdelay $0x2  }
0x294: {  	p0 =	seq.s32 s7, $0x3D  }
.Ltmp3:
0x295: {  	_ = 	snop;
	(pc) =	sbr.rel @p0 .LBB2_10-.Ltmp3, $3  }
0x296: {  	_ = 	snop  }
0x297: {  	v8 =	vmul.f32 v8, v13;
	_ =	sdelay $0x1  }
0x298: {  	[tilespmem:v7+s19+$0x0] =	vst.idx.add.f32.msk $0xffff, v8  }
0x299: {  	s0 =	rddreg [dreg:$0x14]  }
0x29a: {  	s0 =	sadd.s32 s28, s0  }
0x29b: {  	s4 =	rddreg [dreg:$0x3];
	s1 =	sshrl.u32 s0, $0x3  }
0x29c: {  	s5 =	simm.s32 $0x19100;
	s4 =	sadd.s32 s4, s1  }
0x29d: {  	[tilespmem:s5], [sflag:$0x2] =	stream.linear.gather [hbm4b:s4+s3], $0x80, $0x38;
	[tilespmem:$0x1D480] =	vst v63  }
0x29e: {  	s6 =	simm.s32 $0x19200;
	s24 =	sadd.s32 $0x10, s4  }
0x29f: {  	[tilespmem:s6], [sflag:$0x2] =	stream.linear.gather [hbm4b:s24+s3], $0x80, $0x38;
	[tilespmem:$0x1D480] =	vst v63  }
0x2a0: {  	s26 =	simm.s32 $0x19300;
	s25 =	sadd.s32 $0x20, s4  }
0x2a1: {  	[tilespmem:s26], [sflag:$0x2] =	stream.linear.gather [hbm4b:s25+s3], $0x80, $0x38;
	[tilespmem:$0x1D480] =	vst v63  }
0x2a2: {  	s29 =	simm.s32 $0x19400;
	s28 =	sadd.s32 $0x30, s4  }
0x2a3: {  	[tilespmem:s29], [sflag:$0x2] =	stream.linear.gather [hbm4b:s28+s3], $0x80, $0x38;
	[tilespmem:$0x1D480] =	vst v63  }
0x2a4: {  	s31 =	simm.s32 $0x19500;
	s30 =	sadd.s32 $0x40, s4  }
0x2a5: {  	[tilespmem:s31], [sflag:$0x2] =	stream.linear.gather [hbm4b:s30+s3], $0x80, $0x38;
	[tilespmem:$0x1D480] =	vst v63  }
0x2a6: {  	s10 =	simm.s32 $0x19600;
	s9 =	sadd.s32 $0x50, s4  }
0x2a7: {  	[tilespmem:s10], [sflag:$0x2] =	stream.linear.gather [hbm4b:s9+s3], $0x80, $0x38;
	[tilespmem:$0x1D480] =	vst v63  }
0x2a8: {  	s13 =	simm.s32 $0x19700;
	s11 =	sadd.s32 $0x60, s4  }
0x2a9: {  	[tilespmem:s13], [sflag:$0x2] =	stream.linear.gather [hbm4b:s11+s3], $0x80, $0x38;
	[tilespmem:$0x1D480] =	vst v63  }
0x2aa: {  	s20 =	simm.s32 $0x19800;
	s16 =	sadd.s32 $0x70, s4  }
0x2ab: {  	[tilespmem:s20], [sflag:$0x2] =	stream.linear.gather [hbm4b:s16+s3], $0x80, $0x38;
	[tilespmem:$0x1D480] =	vst v63  }
0x2ac: {  	s22 =	simm.s32 $0x19900;
	s21 =	sadd.s32 $0x80, s4  }
0x2ad: {  	[tilespmem:s22], [sflag:$0x2] =	stream.linear.gather [hbm4b:s21+s3], $0x80, $0x38;
	[tilespmem:$0x1D480] =	vst v63  }
0x2ae: {  	s4 =	sadd.s32 $0x90, s4;
	s24 =	simm.s32 $0x19A00;
	s25 =	rddreg [dreg:$0x4]  }
0x2af: {  	[tilespmem:s24], [sflag:$0x2] =	stream.linear.gather [hbm4b:s4+s3], $0x80, $0x38;
	[tilespmem:$0x1D480] =	vst v63  }
0x2b0: {  	s26 =	simm.s32 $0x19B00;
	s1 =	sadd.s32 s25, s1  }
0x2b1: {  	[tilespmem:s26], [sflag:$0x2] =	stream.linear.gather [hbm4b:s1+s3], $0x80, $0x38;
	[tilespmem:$0x1D480] =	vst v63  }
0x2b2: {  	s28 =	sadd.s32 $0x10, s1;
	s29 =	simm.s32 $0x19C00  }
0x2b3: {  	[tilespmem:s29], [sflag:$0x2] =	stream.linear.gather [hbm4b:s28+s3], $0x80, $0x38;
	[tilespmem:$0x1D480] =	vst v63  }
0x2b4: {  	s30 =	sadd.s32 $0x20, s1;
	s31 =	simm.s32 $0x19D00  }
0x2b5: {  	[tilespmem:s31], [sflag:$0x2] =	stream.linear.gather [hbm4b:s30+s3], $0x80, $0x38;
	[tilespmem:$0x1D480] =	vst v63  }
0x2b6: {  	s6 =	sadd.s32 $0x30, s1;
	s9 =	simm.s32 $0x19E00  }
0x2b7: {  	[tilespmem:s9], [sflag:$0x2] =	stream.linear.gather [hbm4b:s6+s3], $0x80, $0x38;
	[tilespmem:$0x1D480] =	vst v63  }
0x2b8: {  	s10 =	sadd.s32 $0x40, s1;
	s11 =	simm.s32 $0x19F00  }
0x2b9: {  	[tilespmem:s11], [sflag:$0x2] =	stream.linear.gather [hbm4b:s10+s3], $0x80, $0x38;
	[tilespmem:$0x1D480] =	vst v63  }
0x2ba: {  	s13 =	sadd.s32 $0x50, s1;
	s16 =	simm.s32 $0x1A000  }
0x2bb: {  	[tilespmem:s16], [sflag:$0x2] =	stream.linear.gather [hbm4b:s13+s3], $0x80, $0x38;
	[tilespmem:$0x1D480] =	vst v63  }
0x2bc: {  	s20 =	sadd.s32 $0x60, s1;
	s21 =	simm.s32 $0x1A100  }
0x2bd: {  	[tilespmem:s21], [sflag:$0x2] =	stream.linear.gather [hbm4b:s20+s3], $0x80, $0x38;
	[tilespmem:$0x1D480] =	vst v63  }
0x2be: {  	s0 =	sshll.u32 s0, $0x2;
	s22 =	sadd.s32 $0x70, s1;
	s24 =	simm.s32 $0x1A200  }
0x2bf: {  	[tilespmem:s24], [sflag:$0x2] =	stream.linear.gather [hbm4b:s22+s3], $0x80, $0x38;
	[tilespmem:$0x1D480] =	vst v63  }
0x2c0: {  	s25 =	sadd.s32 $0x80, s1;
	s26 =	simm.s32 $0x1A300;
	s29 =	rddreg [dreg:$0x7]  }
0x2c1: {  	[tilespmem:s26], [sflag:$0x2] =	stream.linear.gather [hbm4b:s25+s3], $0x80, $0x38;
	[tilespmem:$0x1D480] =	vst v63  }
.Ltmp4:
0x2c2: {  	s1 =	sadd.s32 $0x90, s1;
	s0 =	sadd.s32 s29, s0;
	(pc) =	sbr.rel .LBB2_4-.Ltmp4, $4  }
0x2c3: {  	s28 =	simm.s32 $0x1A400;
	s0 =	sshrl.u32 s0, $0x3;
	s30 =	rddreg [dreg:$0x5]  }
0x2c4: {  	[tilespmem:s28], [sflag:$0x2] =	stream.linear.gather [hbm4b:s1+s3], $0x80, $0x38;
	[tilespmem:$0x1D480] =	vst v63  }
0x2c5: {  	s7 =	sadd.s32 $0x1, s7;
	s31 =	simm.s32 $0x1B880;
	s0 =	sadd.s32 s30, s0  }
0x2c6: {  	[tilespmem:s31], [sflag:$0x2] =	stream.linear.gather [hbm4b:s0+s3], $0x1400, $0x38;
	[tilespmem:$0x1D480] =	vst v63  }
.LBB2_10:
0x2c7: {  	s6 =	simm.s32 $0x1  }
0x2c8: {  	_ =	swait.ge [sflag:s6], $0x500  }
0x2c9: {  	[sflag:s6] =	ssyncset.done $0x0  }
0x2ca: {  	[sflag:s6] =	ssyncadd.s32 $0xFFFFFB00  }
0x2cb: {  	_ =	swait.ge [sflag:s6], $0x500  }
0x2cc: {  	[sflag:s6] =	ssyncset.done $0x0  }
0x2cd: {  	s0 =	simm.s32 $0x0;
	[sflag:s6] =	ssyncadd.s32 $0xFFFFFB00  }
0x2ce: {  	s13 =	simm.s32 $0x0;
	s1 =	sand.u32 $0x40, s0;
	_ =	swait.ge [sflag:s6], $0x1400  }
0x2cf: {  	s4 =	sand.u32 $0xFFFFFF00, s13;
	s5 =	sor.u32 $0x30, s1;
	[sflag:s6] =	ssyncset.done $0x0  }
0x2d0: {  	s0 =	sor.u32 s4, s5;
	[sflag:s6] =	ssyncadd.s32 $0xFFFFEC00  }
0x2d1: {  	v4 =	vld [tilespmem:s0+$0x19080]  }
0x2d2: {  	v11 =	vld [tilespmem:s0+$0x19A80];
	_ =	sdelay $0x1  }
0x2d3: {  	s16 =	sor.u32 s1, s4  }
0x2d4: {  	s20 =	sor.u32 $0x10, s1;
	v5 =	vld [tilespmem:s16+$0x19080]  }
0x2d5: {  	s7 =	sor.u32 s4, s20;
	v10 =	vld [tilespmem:s16+$0x19A80]  }
0x2d6: {  	v6 =	vld [tilespmem:s7+$0x19080]  }
0x2d7: {  	v9 =	vld [tilespmem:s7+$0x19A80]  }
0x2d8: {  	v7 =	vld.idx.msk [tilespmem:v4+s3+$0x0], $0xffff  }
0x2d9: {  	s21 =	sor.u32 $0x20, s1;
	v8 =	vld.idx.msk [tilespmem:v11+s3+$0x0], $0xffff  }
0x2da: {  	s4 =	sor.u32 s4, s21  }
0x2db: {  	v12 =	vld [tilespmem:s4+$0x19080]  }
0x2dc: {  	v4 =	vld [tilespmem:s4+$0x19A80]  }
0x2dd: {  	v5 =	vld.idx.msk [tilespmem:v5+s3+$0x0], $0xffff  }
0x2de: {  	v13 =	vld.idx.msk [tilespmem:v10+s3+$0x0], $0xffff;
	v7 =	vmax.f32 v7, v8  }
0x2df: {  	v7 =	vsub.f32 $0.0e+00, v7  }
0x2e0: {  	v6 =	vld.idx.msk [tilespmem:v6+s3+$0x0], $0xffff  }
0x2e1: {  	v8 =	vld.idx.msk [tilespmem:v9+s3+$0x0], $0xffff;
	v7 =	vmul.f32 $1.442695020e+00, v7;
	_ =	sdelay $0x1  }
0x2e2: {  	v5 =	vmax.f32 v5, v13;
	(erf) = vpow2.f32 v7;
	v7 =	vld.idx.msk [tilespmem:v12+s3+$0x0], $0xffff  }
0x2e3: {  	v5 =	vsub.f32 $0.0e+00, v5;
	v12 =	vld.idx.msk [tilespmem:v4+s3+$0x0], $0xffff;
	_ =	sdelay $0x1  }
0x2e4: {  	v5 =	vmul.f32 $1.442695020e+00, v5;
	v6 =	vmax.f32 v6, v8  }
0x2e5: {  	v6 =	vsub.f32 $0.0e+00, v6  }
0x2e6: {  	(erf) = vpow2.f32 v5  }
0x2e7: {  	v5 =	vmul.f32 $1.442695020e+00, v6;
	v6 =	vmax.f32 v7, v12;
	_ =	sdelay $0x1  }
0x2e8: {  	(erf) = vpow2.f32 v5  }
0x2e9: {  	v5 =	vsub.f32 $0.0e+00, v6;
	v6 =	vpop (erf)  }
0x2ea: {  	v7 =	vmul.f32 v6, v2;
	v6 =	vmul.f32 v6, v3  }
0x2eb: {  	v5 =	vmul.f32 $1.442695020e+00, v5  }
0x2ec: {  	v7 =	vadd.f32 $1.000000000e+00, v7  }
0x2ed: {  	(erf) = vpow2.f32 v5;
	v5 =	vadd.f32 $1.000000000e+00, v6  }
0x2ee: {  	v6 =	vpop (erf);
	(erf) = vrcp.f32 v7  }
0x2ef: {  	s22 =	simm.s32 $0x0;
	v7 =	vmul.f32 v6, v2;
	(erf) = vrcp.f32 v5  }
0x2f0: {  	s4 =	sand.u32 $0x3FFFFE00, s22;
	v5 =	vmul.f32 v6, v3  }
0x2f1: {  	s0 =	simm.s32 $0x40;
	s24 =	sadd.s32 $0x1A480, s4;
	v6 =	vpop (erf);
	v7 =	vadd.f32 $1.000000000e+00, v7  }
0x2f2: {  	s26 =	simm.s32 $0x80;
	s13 =	sand.u32 $0x40, s0;
	s16 =	sor.u32 s5, s24;
	v8 =	vmul.f32 v6, v2;
	v5 =	vadd.f32 $1.000000000e+00, v5  }
0x2f3: {  	s11 =	sor.u32 s21, s24;
	s5 =	sand.u32 $0xFFFFFF00, s26;
	s21 =	sor.u32 $0x10, s13;
	v12 =	vld [tilespmem:s16+$0x0];
	(erf) = vrcp.f32 v7  }
0x2f4: {  	s30 =	sor.u32 s5, s21;
	v7 =	vadd.f32 $1.000000000e+00, v8;
	(erf) = vrcp.f32 v5  }
0x2f5: {  	v23 =	vld [tilespmem:s30+$0x19080]  }
0x2f6: {  	s25 =	sor.u32 s20, s24;
	v5 =	vmul.f32 v6, v3;
	v6 =	vpop (erf);
	(erf) = vrcp.f32 v7  }
0x2f7: {  	s10 =	sor.u32 $0x30, s13;
	s22 =	sor.u32 $0x20, s13;
	s4 =	sor.u32 s1, s24;
	v20 =	vld [tilespmem:s25+$0x0];
	v18 =	vpop (erf)  }
0x2f8: {  	s28 =	sor.u32 s5, s10;
	s29 =	sor.u32 s13, s5;
	s5 =	sor.u32 s5, s22;
	v8 =	vld [tilespmem:s4+$0x0];
	v7 =	vmul.f32 v6, v2;
	v13 =	vmul.f32 v18, v12;
	v19 =	vpop (erf)  }
0x2f9: {  	v26 =	vld [tilespmem:s5+$0x19080];
	v6 =	vmul.f32 v6, v3;
	v5 =	vadd.f32 $1.000000000e+00, v5;
	v12 =	vmul.f32 v19, v12  }
0x2fa: {  	v7 =	vadd.f32 $1.000000000e+00, v7;
	[tilespmem:v11+s2+$0x0] =	vst.idx.add.f32.msk $0xffff, v13  }
0x2fb: {  	v6 =	vadd.f32 $1.000000000e+00, v6;
	(erf) = vrcp.f32 v5;
	[tilespmem:v11+s14+$0x0] =	vst.idx.add.f32.msk $0xffff, v12  }
0x2fc: {  	(erf) = vrcp.f32 v7;
	v5 =	vld [tilespmem:s16+$0x80];
	v17 =	vpop (erf)  }
0x2fd: {  	v23 =	vld.idx.msk [tilespmem:v23+s3+$0x0], $0xffff;
	(erf) = vrcp.f32 v6;
	v6 =	vmul.f32 v17, v8;
	v16 =	vpop (erf)  }
0x2fe: {  	v7 =	vld [tilespmem:s11+$0x0];
	v8 =	vmul.f32 v16, v8  }
0x2ff: {  	v14 =	vpop (erf);
	[tilespmem:v10+s2+$0x0] =	vst.idx.add.f32.msk $0xffff, v6  }
0x300: {  	v6 =	vmul.f32 v14, v20;
	[tilespmem:v10+s14+$0x0] =	vst.idx.add.f32.msk $0xffff, v8  }
0x301: {  	v21 =	vld [tilespmem:s4+$0x80];
	v8 =	vmul.f32 v18, v5  }
0x302: {  	[tilespmem:v9+s2+$0x0] =	vst.idx.add.f32.msk $0xffff, v6  }
0x303: {  	v5 =	vmul.f32 v19, v5;
	[tilespmem:v11+s8+$0x0] =	vst.idx.add.f32.msk $0xffff, v8  }
0x304: {  	v15 =	vpop (erf);
	v8 =	vld [tilespmem:s28+$0x19A80]  }
0x305: {  	v6 =	vmul.f32 v15, v20;
	[tilespmem:v11+s12+$0x0] =	vst.idx.add.f32.msk $0xffff, v5  }
0x306: {  	v12 =	vpop (erf);
	v20 =	vld [tilespmem:s16+$0x100]  }
0x307: {  	v13 =	vpop (erf);
	v5 =	vmul.f32 v12, v7;
	[tilespmem:v9+s14+$0x0] =	vst.idx.add.f32.msk $0xffff, v6  }
0x308: {  	v7 =	vmul.f32 v13, v7;
	v22 =	vld [tilespmem:s25+$0x80]  }
0x309: {  	[tilespmem:v4+s2+$0x0] =	vst.idx.add.f32.msk $0xffff, v5  }
0x30a: {  	[tilespmem:v4+s14+$0x0] =	vst.idx.add.f32.msk $0xffff, v7  }
0x30b: {  	v7 =	vld [tilespmem:s28+$0x19080];
	v5 =	vmul.f32 v20, v18  }
0x30c: {  	v6 =	vmul.f32 v20, v19;
	v20 =	vld [tilespmem:s29+$0x19080]  }
0x30d: {  	[tilespmem:v11+s15+$0x0] =	vst.idx.add.f32.msk $0xffff, v5  }
0x30e: {  	[tilespmem:v11+s17+$0x0] =	vst.idx.add.f32.msk $0xffff, v6  }
0x30f: {  	v6 =	vld [tilespmem:s29+$0x19A80]  }
0x310: {  	v29 =	vld [tilespmem:s11+$0x80]  }
0x311: {  	v25 =	vld.idx.msk [tilespmem:v8+s3+$0x0], $0xffff  }
0x312: {  	v5 =	vld [tilespmem:s30+$0x19A80]  }
0x313: {  	v28 =	vmul.f32 v17, v21;
	v24 =	vld.idx.msk [tilespmem:v7+s3+$0x0], $0xffff  }
0x314: {  	v7 =	vld [tilespmem:s5+$0x19A80]  }
0x315: {  	[tilespmem:v10+s8+$0x0] =	vst.idx.add.f32.msk $0xffff, v28  }
0x316: {  	v21 =	vmul.f32 v16, v21;
	v20 =	vld.idx.msk [tilespmem:v20+s3+$0x0], $0xffff  }
0x317: {  	v27 =	vld.idx.msk [tilespmem:v6+s3+$0x0], $0xffff  }
0x318: {  	[tilespmem:v10+s12+$0x0] =	vst.idx.add.f32.msk $0xffff, v21;
	v21 =	vmul.f32 v14, v22;
	v24 =	vmax.f32 v24, v25  }
0x319: {  	v62 =	vld [tilespmem:s16+$0x180];
	v24 =	vsub.f32 $0.0e+00, v24  }
0x31a: {  	[tilespmem:v9+s8+$0x0] =	vst.idx.add.f32.msk $0xffff, v21  }
0x31b: {  	v25 =	vld.idx.msk [tilespmem:v5+s3+$0x0], $0xffff;
	v24 =	vmul.f32 $1.442695020e+00, v24  }
0x31c: {  	v22 =	vmul.f32 v15, v22;
	v21 =	vld.idx.msk [tilespmem:v7+s3+$0x0], $0xffff;
	v20 =	vmax.f32 v20, v27  }
0x31d: {  	(erf) = vpow2.f32 v24;
	v24 =	vld.idx.msk [tilespmem:v26+s3+$0x0], $0xffff;
	v20 =	vsub.f32 $0.0e+00, v20  }
0x31e: {  	[tilespmem:v9+s12+$0x0] =	vst.idx.add.f32.msk $0xffff, v22;
	v18 =	vmul.f32 v62, v18  }
0x31f: {  	v22 =	vld [tilespmem:s4+$0x100];
	v19 =	vmul.f32 v62, v19;
	v20 =	vmul.f32 $1.442695020e+00, v20  }
0x320: {  	[tilespmem:v11+s18+$0x0] =	vst.idx.add.f32.msk $0xffff, v18;
	v23 =	vmax.f32 v23, v25;
	v25 =	vmul.f32 v12, v29  }
0x321: {  	[tilespmem:v11+s19+$0x0] =	vst.idx.add.f32.msk $0xffff, v19;
	v26 =	vmul.f32 v13, v29;
	v23 =	vsub.f32 $0.0e+00, v23;
	(erf) = vpow2.f32 v20  }
0x322: {  	[tilespmem:v4+s8+$0x0] =	vst.idx.add.f32.msk $0xffff, v25;
	v21 =	vmax.f32 v24, v21  }
0x323: {  	[tilespmem:v4+s12+$0x0] =	vst.idx.add.f32.msk $0xffff, v26;
	v20 =	vmul.f32 $1.442695020e+00, v23;
	v21 =	vsub.f32 $0.0e+00, v21  }
0x324: {  	v23 =	vld [tilespmem:s25+$0x100]  }
0x325: {  	(erf) = vpow2.f32 v20;
	v20 =	vld [tilespmem:s11+$0x100];
	v11 =	vmul.f32 $1.442695020e+00, v21  }
0x326: {  	v18 =	vmul.f32 v22, v17;
	v22 =	vmul.f32 v22, v16;
	v24 =	vpop (erf)  }
0x327: {  	v19 =	vmul.f32 v24, v2;
	(erf) = vpow2.f32 v11  }
0x328: {  	[tilespmem:v10+s15+$0x0] =	vst.idx.add.f32.msk $0xffff, v18;
	v18 =	vmul.f32 v24, v3  }
0x329: {  	[tilespmem:v10+s17+$0x0] =	vst.idx.add.f32.msk $0xffff, v22;
	v22 =	vmul.f32 v23, v15;
	v11 =	vadd.f32 $1.000000000e+00, v19  }
0x32a: {  	v19 =	vmul.f32 v23, v14;
	v18 =	vadd.f32 $1.000000000e+00, v18;
	v23 =	vmul.f32 v20, v12;
	v24 =	vpop (erf)  }
0x32b: {  	v21 =	vld [tilespmem:s4+$0x180];
	(erf) = vrcp.f32 v11;
	v11 =	vmul.f32 v24, v2  }
0x32c: {  	[tilespmem:v9+s15+$0x0] =	vst.idx.add.f32.msk $0xffff, v19;
	(erf) = vrcp.f32 v18;
	v18 =	vmul.f32 v24, v3  }
0x32d: {  	s31 =	simm.s32 $0x100;
	v20 =	vmul.f32 v20, v13;
	[tilespmem:v9+s17+$0x0] =	vst.idx.add.f32.msk $0xffff, v22;
	v11 =	vadd.f32 $1.000000000e+00, v11  }
0x32e: {  	s4 =	sand.u32 $0x3FFFFE00, s31;
	[tilespmem:v4+s15+$0x0] =	vst.idx.add.f32.msk $0xffff, v23;
	v19 =	vpop (erf);
	v18 =	vadd.f32 $1.000000000e+00, v18  }
0x32f: {  	s4 =	sadd.s32 $0x1A480, s4;
	[tilespmem:v4+s17+$0x0] =	vst.idx.add.f32.msk $0xffff, v20;
	v20 =	vmul.f32 v19, v2;
	(erf) = vrcp.f32 v11  }
0x330: {  	s10 =	sor.u32 s10, s4;
	v22 =	vld [tilespmem:s25+$0x180];
	(erf) = vrcp.f32 v18;
	v18 =	vmul.f32 v19, v3;
	v19 =	vpop (erf)  }
0x331: {  	s1 =	sor.u32 s21, s4;
	v23 =	vld [tilespmem:s10+$0x0];
	v11 =	vadd.f32 $1.000000000e+00, v20;
	v20 =	vmul.f32 v19, v2  }
0x332: {  	s24 =	sor.u32 s22, s4;
	v25 =	vld [tilespmem:s1+$0x0];
	v17 =	vmul.f32 v21, v17  }
0x333: {  	v26 =	vld [tilespmem:s24+$0x0];
	(erf) = vrcp.f32 v11;
	v11 =	vmul.f32 v21, v16  }
0x334: {  	[tilespmem:v10+s18+$0x0] =	vst.idx.add.f32.msk $0xffff, v17;
	v16 =	vadd.f32 $1.000000000e+00, v18;
	v21 =	vpop (erf)  }
0x335: {  	s26 =	sor.u32 s13, s4;
	v18 =	vmul.f32 v19, v3;
	v27 =	vadd.f32 $1.000000000e+00, v20;
	[tilespmem:v10+s19+$0x0] =	vst.idx.add.f32.msk $0xffff, v11;
	v10 =	vmul.f32 v22, v14;
	v20 =	vpop (erf)  }
0x336: {  	v24 =	vld [tilespmem:s26+$0x0];
	(erf) = vrcp.f32 v16;
	v16 =	vmul.f32 v20, v23  }
0x337: {  	v19 =	vld [tilespmem:s11+$0x180];
	v63 =	vmul.f32 v21, v23  }
0x338: {  	v17 =	vadd.f32 $1.000000000e+00, v18;
	[tilespmem:v9+s18+$0x0] =	vst.idx.add.f32.msk $0xffff, v10  }
0x339: {  	(erf) = vrcp.f32 v27;
	[tilespmem:v8+s2+$0x0] =	vst.idx.add.f32.msk $0xffff, v63  }
0x33a: {  	v11 =	vmul.f32 v22, v15;
	(erf) = vrcp.f32 v17;
	[tilespmem:v8+s14+$0x0] =	vst.idx.add.f32.msk $0xffff, v16;
	v16 =	vpop (erf)  }
0x33b: {  	v14 =	vld [tilespmem:s10+$0x80];
	v17 =	vmul.f32 v16, v24;
	v15 =	vpop (erf)  }
0x33c: {  	[tilespmem:v9+s19+$0x0] =	vst.idx.add.f32.msk $0xffff, v11;
	v18 =	vmul.f32 v15, v24  }
0x33d: {  	v10 =	vpop (erf);
	[tilespmem:v6+s2+$0x0] =	vst.idx.add.f32.msk $0xffff, v17  }
0x33e: {  	v11 =	vmul.f32 v10, v25;
	[tilespmem:v6+s14+$0x0] =	vst.idx.add.f32.msk $0xffff, v18  }
0x33f: {  	v22 =	vld [tilespmem:s26+$0x80]  }
0x340: {  	v17 =	vmul.f32 v21, v14;
	[tilespmem:v5+s2+$0x0] =	vst.idx.add.f32.msk $0xffff, v11;
	v11 =	vmul.f32 v20, v14  }
0x341: {  	v9 =	vpop (erf)  }
0x342: {  	v18 =	vmul.f32 v19, v12;
	v12 =	vpop (erf);
	[tilespmem:v8+s8+$0x0] =	vst.idx.add.f32.msk $0xffff, v17  }
0x343: {  	v23 =	vmul.f32 v9, v25;
	v14 =	vpop (erf);
	v25 =	vmul.f32 v12, v26;
	[tilespmem:v8+s12+$0x0] =	vst.idx.add.f32.msk $0xffff, v11  }
0x344: {  	s16 =	simm.s32 $0x4;
	v17 =	vmul.f32 v19, v13;
	v24 =	vmul.f32 v14, v26;
	v13 =	vmovc v7;
	v19 =	vld [tilespmem:s10+$0x100];
	v11 =	vmov v7  }
.LBB2_11:
0x345: {  	s16 =	sadd.s32 $0x4, s16;
	v26 =	vmul.f32 v16, v22;
	v27 =	vmul.f32 v15, v22;
	[tilespmem:v5+s14+$0x0] =	vst.idx.add.f32.msk $0xffff, v23;
	s0 =	sadd.s32 $0x40, s0  }
0x346: {  	s11 =	sand.u32 $0x40, s0;
	s4 =	sshll.u32 s16, $0x5;
	p0 =	slt.u32 s16, $0x4C;
	[tilespmem:v7+s2+$0x0] =	vst.idx.add.f32.msk $0xffff, v25  }
0x347: {  	s4 =	sand.u32 $0xFFFFFF00, s4;
	s13 =	sor.u32 $0x10, s11;
	s25 =	sor.u32 $0x30, s11;
	[tilespmem:v7+s14+$0x0] =	vst.idx.add.f32.msk $0xffff, v24  }
0x348: {  	s22 =	sor.u32 $0x20, s11;
	s5 =	sor.u32 s11, s4;
	s6 =	sor.u32 s4, s25;
	v22 =	vld [tilespmem:s1+$0x80]  }
0x349: {  	s7 =	sor.u32 s4, s13;
	s4 =	sor.u32 s4, s22;
	v23 =	vld [tilespmem:s6+$0x19080];
	v24 =	vmul.f32 v19, v21  }
0x34a: {  	v19 =	vmul.f32 v19, v20;
	v25 =	vld [tilespmem:s6+$0x19A80]  }
0x34b: {  	[tilespmem:v8+s15+$0x0] =	vst.idx.add.f32.msk $0xffff, v24  }
0x34c: {  	[tilespmem:v8+s17+$0x0] =	vst.idx.add.f32.msk $0xffff, v19  }
0x34d: {  	v24 =	vmul.f32 v10, v22;
	v28 =	vmul.f32 v9, v22;
	v29 =	vld [tilespmem:s10+$0x180]  }
0x34e: {  	v30 =	vld [tilespmem:s5+$0x19080]  }
0x34f: {  	v22 =	vld [tilespmem:s5+$0x19A80]  }
0x350: {  	v31 =	vld [tilespmem:s7+$0x19080]  }
0x351: {  	v19 =	vld [tilespmem:s7+$0x19A80]  }
0x352: {  	v23 =	vld.idx.msk [tilespmem:v23+s3+$0x0], $0xffff;
	v21 =	vmul.f32 v29, v21  }
0x353: {  	v20 =	vmul.f32 v29, v20;
	v32 =	vld.idx.msk [tilespmem:v25+s3+$0x0], $0xffff  }
0x354: {  	[tilespmem:v8+s18+$0x0] =	vst.idx.add.f32.msk $0xffff, v21  }
0x355: {  	[tilespmem:v8+s19+$0x0] =	vst.idx.add.f32.msk $0xffff, v20;
	v8 =	vmov v25  }
0x356: {  	v20 =	vld [tilespmem:s4+$0x19080]  }
0x357: {  	v21 =	vld [tilespmem:s4+$0x19A80]  }
0x358: {  	v25 =	vld.idx.msk [tilespmem:v30+s3+$0x0], $0xffff  }
0x359: {  	v29 =	vld.idx.msk [tilespmem:v22+s3+$0x0], $0xffff  }
0x35a: {  	v23 =	vmax.f32 v23, v32;
	v30 =	vld.idx.msk [tilespmem:v31+s3+$0x0], $0xffff  }
0x35b: {  	v23 =	vsub.f32 $0.0e+00, v23;
	v31 =	vld.idx.msk [tilespmem:v19+s3+$0x0], $0xffff  }
0x35c: {  	v32 =	vld [tilespmem:s24+$0x80]  }
0x35d: {  	v23 =	vmul.f32 $1.442695020e+00, v23;
	[tilespmem:v6+s8+$0x0] =	vst.idx.add.f32.msk $0xffff, v26  }
0x35e: {  	v20 =	vld.idx.msk [tilespmem:v20+s3+$0x0], $0xffff  }
0x35f: {  	v25 =	vmax.f32 v25, v29;
	v26 =	vld.idx.msk [tilespmem:v21+s3+$0x0], $0xffff;
	(erf) = vpow2.f32 v23  }
0x360: {  	v23 =	vsub.f32 $0.0e+00, v25;
	[tilespmem:v6+s12+$0x0] =	vst.idx.add.f32.msk $0xffff, v27  }
0x361: {  	v25 =	vmax.f32 v30, v31;
	v27 =	vld [tilespmem:s26+$0x100];
	v29 =	vmul.f32 v12, v32;
	v30 =	vmul.f32 v14, v32  }
0x362: {  	v23 =	vmul.f32 $1.442695020e+00, v23;
	v25 =	vsub.f32 $0.0e+00, v25;
	[tilespmem:v5+s8+$0x0] =	vst.idx.add.f32.msk $0xffff, v24  }
0x363: {  	[tilespmem:v5+s12+$0x0] =	vst.idx.add.f32.msk $0xffff, v28  }
0x364: {  	v24 =	vmul.f32 $1.442695020e+00, v25;
	(erf) = vpow2.f32 v23;
	[tilespmem:v7+s8+$0x0] =	vst.idx.add.f32.msk $0xffff, v29  }
0x365: {  	v20 =	vmax.f32 v20, v26;
	[tilespmem:v7+s12+$0x0] =	vst.idx.add.f32.msk $0xffff, v30  }
0x366: {  	v20 =	vsub.f32 $0.0e+00, v20;
	(erf) = vpow2.f32 v24;
	v23 =	vmul.f32 v27, v16;
	v24 =	vld [tilespmem:s1+$0x100]  }
0x367: {  	v25 =	vmul.f32 v27, v15;
	v26 =	vld [tilespmem:s24+$0x100]  }
0x368: {  	v20 =	vmul.f32 $1.442695020e+00, v20;
	v27 =	vpop (erf);
	[tilespmem:v6+s15+$0x0] =	vst.idx.add.f32.msk $0xffff, v23  }
0x369: {  	v23 =	vmul.f32 v27, v2;
	[tilespmem:v6+s17+$0x0] =	vst.idx.add.f32.msk $0xffff, v25  }
0x36a: {  	v25 =	vmul.f32 v27, v3;
	(erf) = vpow2.f32 v20;
	v20 =	vld [tilespmem:s26+$0x180]  }
0x36b: {  	v23 =	vadd.f32 $1.000000000e+00, v23;
	v27 =	vmul.f32 v24, v10;
	v24 =	vmul.f32 v24, v9;
	[tilespmem:v4+s18+$0x0] =	vst.idx.add.f32.msk $0xffff, v18  }
0x36c: {  	v28 =	vadd.f32 $1.000000000e+00, v25;
	v25 =	vmul.f32 v26, v12;
	v26 =	vmul.f32 v26, v14;
	[tilespmem:v4+s19+$0x0] =	vst.idx.add.f32.msk $0xffff, v17  }
0x36d: {  	v4 =	vmov v7;
	v7 =	vmov v21;
	v17 =	vpop (erf);
	(erf) = vrcp.f32 v23;
	[tilespmem:v5+s15+$0x0] =	vst.idx.add.f32.msk $0xffff, v27  }
0x36e: {  	s4 =	sshll.u32 s16, $0x6;
	v23 =	vmul.f32 v17, v2;
	(erf) = vrcp.f32 v28;
	[tilespmem:v5+s17+$0x0] =	vst.idx.add.f32.msk $0xffff, v24  }
0x36f: {  	s4 =	sand.u32 $0x3FFFFE00, s4;
	v17 =	vmul.f32 v17, v3;
	v18 =	vpop (erf);
	v16 =	vmul.f32 v20, v16;
	[tilespmem:v11+s15+$0x0] =	vst.idx.add.f32.msk $0xffff, v25;
	v11 =	vmov v21  }
0x370: {  	s4 =	sadd.s32 $0x1A480, s4;
	v23 =	vadd.f32 $1.000000000e+00, v23;
	v24 =	vmul.f32 v18, v2;
	v18 =	vmul.f32 v18, v3;
	[tilespmem:v13+s17+$0x0] =	vst.idx.add.f32.msk $0xffff, v26  }
0x371: {  	s10 =	sor.u32 s25, s4;
	s26 =	sor.u32 s11, s4;
	v15 =	vmul.f32 v20, v15;
	v26 =	vadd.f32 $1.000000000e+00, v17;
	v13 =	vmov v21;
	v25 =	vld [tilespmem:s1+$0x180];
	s1 =	sor.u32 s13, s4  }
0x372: {  	s4 =	sor.u32 s22, s4;
	v20 =	vadd.f32 $1.000000000e+00, v24;
	v18 =	vadd.f32 $1.000000000e+00, v18;
	v24 =	vld [tilespmem:s10+$0x0];
	(erf) = vrcp.f32 v23  }
0x373: {  	v23 =	vld [tilespmem:s26+$0x0];
	(erf) = vrcp.f32 v26;
	v17 =	vpop (erf)  }
0x374: {  	v26 =	vld [tilespmem:s1+$0x0];
	v29 =	vmul.f32 v17, v2;
	v17 =	vmul.f32 v17, v3  }
0x375: {  	v27 =	vld [tilespmem:s4+$0x0];
	(erf) = vrcp.f32 v20  }
0x376: {  	v28 =	vadd.f32 $1.000000000e+00, v29;
	v17 =	vadd.f32 $1.000000000e+00, v17;
	(erf) = vrcp.f32 v18;
	v21 =	vpop (erf);
	v29 =	vld [tilespmem:s24+$0x180];
	s24 =	smov.u32 s4  }
0x377: {  	v10 =	vmul.f32 v25, v10;
	v18 =	vmul.f32 v21, v24;
	v20 =	vpop (erf);
	[tilespmem:v6+s18+$0x0] =	vst.idx.add.f32.msk $0xffff, v16  }
0x378: {  	v30 =	vmul.f32 v20, v24;
	(erf) = vrcp.f32 v28;
	[tilespmem:v6+s19+$0x0] =	vst.idx.add.f32.msk $0xffff, v15;
	v6 =	vmov v22  }
0x379: {  	v9 =	vmul.f32 v25, v9;
	[tilespmem:v8+s2+$0x0] =	vst.idx.add.f32.msk $0xffff, v18;
	(erf) = vrcp.f32 v17  }
0x37a: {  	[tilespmem:v8+s14+$0x0] =	vst.idx.add.f32.msk $0xffff, v30  }
0x37b: {  	v24 =	vld [tilespmem:s10+$0x80];
	v16 =	vpop (erf);
	v18 =	vmul.f32 v29, v12;
	v17 =	vmul.f32 v29, v14  }
0x37c: {  	v12 =	vmul.f32 v16, v23;
	v15 =	vpop (erf);
	[tilespmem:v5+s18+$0x0] =	vst.idx.add.f32.msk $0xffff, v10  }
0x37d: {  	v14 =	vmul.f32 v15, v23;
	[tilespmem:v5+s19+$0x0] =	vst.idx.add.f32.msk $0xffff, v9;
	v5 =	vmov v19  }
0x37e: {  	[tilespmem:v22+s2+$0x0] =	vst.idx.add.f32.msk $0xffff, v12;
	v10 =	vpop (erf)  }
0x37f: {  	[tilespmem:v22+s14+$0x0] =	vst.idx.add.f32.msk $0xffff, v14;
	v25 =	vmul.f32 v10, v26;
	v9 =	vpop (erf)  }
.Ltmp5:
0x380: {  	v22 =	vld [tilespmem:s26+$0x80];
	v23 =	vmul.f32 v9, v26;
	v26 =	vmul.f32 v21, v24;
	(pc) =	sbr.rel @p0 .LBB2_11-.Ltmp5, $4  }
0x381: {  	[tilespmem:v19+s2+$0x0] =	vst.idx.add.f32.msk $0xffff, v25;
	v19 =	vmul.f32 v20, v24;
	v12 =	vpop (erf)  }
0x382: {  	v25 =	vmul.f32 v12, v27;
	[tilespmem:v8+s8+$0x0] =	vst.idx.add.f32.msk $0xffff, v26;
	v14 =	vpop (erf)  }
0x383: {  	v24 =	vmul.f32 v14, v27;
	[tilespmem:v8+s12+$0x0] =	vst.idx.add.f32.msk $0xffff, v19  }
0x384: {  	v19 =	vld [tilespmem:s10+$0x100]  }
0x385: {  	_ =	sdelay $0x3  }
0x386: {  	[tilespmem:v5+s14+$0x0] =	vst.idx.add.f32.msk $0xffff, v23  }
0x387: {  	[tilespmem:v7+s2+$0x0] =	vst.idx.add.f32.msk $0xffff, v25  }
0x388: {  	[tilespmem:v7+s14+$0x0] =	vst.idx.add.f32.msk $0xffff, v24;
	v2 =	vmul.f32 v19, v21  }
0x389: {  	v56 =	vld [tilespmem:s24+$0x80];
	v3 =	vmul.f32 v19, v20  }
0x38a: {  	[tilespmem:v8+s15+$0x0] =	vst.idx.add.f32.msk $0xffff, v2  }
0x38b: {  	[tilespmem:v8+s17+$0x0] =	vst.idx.add.f32.msk $0xffff, v3  }
0x38c: {  	v3 =	vld [tilespmem:s1+$0x80]  }
0x38d: {  	v55 =	vmul.f32 v16, v22;
	v2 =	vld [tilespmem:s10+$0x180]  }
0x38e: {  	v57 =	vmul.f32 v15, v22  }
0x38f: {  	[tilespmem:v6+s8+$0x0] =	vst.idx.add.f32.msk $0xffff, v55;
	v59 =	vmul.f32 v12, v56  }
0x390: {  	[tilespmem:v6+s12+$0x0] =	vst.idx.add.f32.msk $0xffff, v57  }
0x391: {  	[tilespmem:v7+s8+$0x0] =	vst.idx.add.f32.msk $0xffff, v59;
	v58 =	vmul.f32 v10, v3  }
0x392: {  	v54 =	vmul.f32 v2, v21;
	v21 =	vld [tilespmem:s26+$0x100]  }
0x393: {  	v3 =	vmul.f32 v9, v3;
	[tilespmem:v5+s8+$0x0] =	vst.idx.add.f32.msk $0xffff, v58  }
0x394: {  	[tilespmem:v8+s18+$0x0] =	vst.idx.add.f32.msk $0xffff, v54  }
0x395: {  	[tilespmem:v5+s12+$0x0] =	vst.idx.add.f32.msk $0xffff, v3;
	v3 =	vmul.f32 v14, v56  }
0x396: {  	v19 =	vld [tilespmem:s1+$0x100]  }
0x397: {  	v2 =	vmul.f32 v2, v20;
	[tilespmem:v7+s12+$0x0] =	vst.idx.add.f32.msk $0xffff, v3  }
0x398: {  	v3 =	vmul.f32 v21, v16;
	v60 =	vld [tilespmem:s24+$0x100]  }
0x399: {  	[tilespmem:v8+s19+$0x0] =	vst.idx.add.f32.msk $0xffff, v2;
	v2 =	vmul.f32 v21, v15  }
0x39a: {  	[tilespmem:v6+s15+$0x0] =	vst.idx.add.f32.msk $0xffff, v3  }
0x39b: {  	[tilespmem:v6+s17+$0x0] =	vst.idx.add.f32.msk $0xffff, v2;
	v2 =	vmul.f32 v19, v10  }
0x39c: {  	v61 =	vmul.f32 v19, v9;
	v3 =	vld [tilespmem:s26+$0x180]  }
0x39d: {  	v62 =	vmul.f32 v60, v12;
	[tilespmem:v5+s15+$0x0] =	vst.idx.add.f32.msk $0xffff, v2  }
0x39e: {  	[tilespmem:v5+s17+$0x0] =	vst.idx.add.f32.msk $0xffff, v61  }
0x39f: {  	v2 =	vmul.f32 v60, v14;
	[tilespmem:v11+s15+$0x0] =	vst.idx.add.f32.msk $0xffff, v62  }
0x3a0: {  	v8 =	vld [tilespmem:s1+$0x180]  }
0x3a1: {  	[tilespmem:v13+s17+$0x0] =	vst.idx.add.f32.msk $0xffff, v2  }
0x3a2: {  	v2 =	vld [tilespmem:s24+$0x180]  }
0x3a3: {  	[tilespmem:v4+s18+$0x0] =	vst.idx.add.f32.msk $0xffff, v18;
	v63 =	vmul.f32 v3, v16  }
0x3a4: {  	[tilespmem:v4+s19+$0x0] =	vst.idx.add.f32.msk $0xffff, v17;
	v3 =	vmul.f32 v3, v15  }
0x3a5: {  	[tilespmem:v6+s18+$0x0] =	vst.idx.add.f32.msk $0xffff, v63;
	v4 =	vmul.f32 v8, v10  }
0x3a6: {  	[tilespmem:v6+s19+$0x0] =	vst.idx.add.f32.msk $0xffff, v3;
	v3 =	vmul.f32 v8, v9  }
0x3a7: {  	v6 =	vmul.f32 v2, v12;
	[tilespmem:v5+s18+$0x0] =	vst.idx.add.f32.msk $0xffff, v4  }
0x3a8: {  	v2 =	vmul.f32 v2, v14;
	[tilespmem:v5+s19+$0x0] =	vst.idx.add.f32.msk $0xffff, v3  }
0x3a9: {  	[tilespmem:v7+s18+$0x0] =	vst.idx.add.f32.msk $0xffff, v6  }
0x3aa: {  	[tilespmem:v7+s19+$0x0] =	vst.idx.add.f32.msk $0xffff, v2  }
0x3ab: {  	s5 =	simm.s32 $0x1CC80;
	s4 =	simm.s32 $0x3;
	s0 =	rddreg [dreg:$0x17]  }
0x3ac: {  	[tilespmem:s5], [sflag:$0x3] =	stream.linear.gather [hbm4b:s0+s3], $0x7D0, $0x38;
	[tilespmem:$0x1D480] =	vst v63  }
0x3ad: {  	_ =	swait.ge [sflag:s4], $0x7D0  }
0x3ae: {  	[sflag:s4] =	ssyncset.done $0x0  }
0x3af: {  	s31 =	simm.s32 $0x1CCA0;
	[sflag:s4] =	ssyncadd.s32 $0xFFFFF830  }
0x3b0: {  	v5 =	vld [tilespmem:s31+$0x10];
	_ =	sdelay $0x4  }
0x3b1: {  	v4 =	vld [tilespmem:s31+$0xFFFFFFE0]  }
0x3b2: {  	v2 =	vld [tilespmem:s31+$0xFFFFFFF0]  }
0x3b3: {  	v3 =	vld [tilespmem:s31+$0x0]  }
0x3b4: {  	s1 =	simm.s32 $0x1CCE0;
	s0 =	simm.s32 $0x0;
	[tilespmem:v5+s23+$0x0] =	vst.idx.add.f32.msk $0xffff, v1  }
.LBB2_13:
0x3b5: {  	v5 =	vld [tilespmem:s1+$0x10];
	s0 =	sadd.s32 $0x4, s0  }
0x3b6: {  	v6 =	vld [tilespmem:s1+$0xFFFFFFF0];
	p0 =	slt.u32 s0, $0x78  }
0x3b7: {  	v7 =	vld [tilespmem:s1+$0x0]  }
0x3b8: {  	v8 =	vld [tilespmem:s1+$0xFFFFFFE0]  }
.Ltmp6:
0x3b9: {  	[tilespmem:v4+s23+$0x0] =	vst.idx.add.f32.msk $0xffff, v1;
	(pc) =	sbr.rel @p0 .LBB2_13-.Ltmp6, $4  }
0x3ba: {  	[tilespmem:v2+s23+$0x0] =	vst.idx.add.f32.msk $0xffff, v1  }
0x3bb: {  	[tilespmem:v3+s23+$0x0] =	vst.idx.add.f32.msk $0xffff, v1;
	v2 =	vmov v6  }
0x3bc: {  	v3 =	vmov v7  }
0x3bd: {  	s1 =	sadd.s32 $0x40, s1;
	[tilespmem:v5+s23+$0x0] =	vst.idx.add.f32.msk $0xffff, v1;
	v4 =	vmov v8  }
0x3be: {  	_ =	sdelay $0x3  }
0x3bf: {  	[tilespmem:v4+s23+$0x0] =	vst.idx.add.f32.msk $0xffff, v1  }
0x3c0: {  	[tilespmem:v2+s23+$0x0] =	vst.idx.add.f32.msk $0xffff, v1  }
0x3c1: {  	[tilespmem:v3+s23+$0x0] =	vst.idx.add.f32.msk $0xffff, v1  }
0x3c2: {  	v2 =	vld [tilespmem:$0x1D440];
	_ =	sdelay $0x7  }
0x3c3: {  	s0 =	rddreg [dreg:$0x1b];
	[tilespmem:v2+s23+$0x0] =	vst.idx.add.f32.msk $0xffff, v1  }
0x3c4: {  	[tilespmem:s5], [sflag:$0x3] =	stream.linear.gather [hbm4b:s0+s3], $0x7D0, $0x38;
	[tilespmem:$0x1D480] =	vst v63  }
0x3c5: {  	_ =	swait.ge [sflag:s4], $0x7D0  }
0x3c6: {  	[sflag:s4] =	ssyncset.done $0x0  }
0x3c7: {  	s31 =	simm.s32 $0x1CCA0;
	[sflag:s4] =	ssyncadd.s32 $0xFFFFF830  }
0x3c8: {  	v5 =	vld [tilespmem:s31+$0x10];
	_ =	sdelay $0x4  }
0x3c9: {  	v4 =	vld [tilespmem:s31+$0xFFFFFFE0]  }
0x3ca: {  	v2 =	vld [tilespmem:s31+$0xFFFFFFF0]  }
0x3cb: {  	v3 =	vld [tilespmem:s31+$0x0]  }
0x3cc: {  	s1 =	simm.s32 $0x1CCE0;
	s0 =	simm.s32 $0x0;
	[tilespmem:v5+s23+$0x0] =	vst.idx.add.f32.msk $0xffff, v1  }
.LBB2_15:
0x3cd: {  	v5 =	vld [tilespmem:s1+$0x10];
	s0 =	sadd.s32 $0x4, s0  }
0x3ce: {  	v6 =	vld [tilespmem:s1+$0xFFFFFFF0];
	p0 =	slt.u32 s0, $0x78  }
0x3cf: {  	v7 =	vld [tilespmem:s1+$0x0]  }
0x3d0: {  	v8 =	vld [tilespmem:s1+$0xFFFFFFE0]  }
.Ltmp7:
0x3d1: {  	[tilespmem:v4+s23+$0x0] =	vst.idx.add.f32.msk $0xffff, v1;
	(pc) =	sbr.rel @p0 .LBB2_15-.Ltmp7, $4  }
0x3d2: {  	[tilespmem:v2+s23+$0x0] =	vst.idx.add.f32.msk $0xffff, v1  }
0x3d3: {  	[tilespmem:v3+s23+$0x0] =	vst.idx.add.f32.msk $0xffff, v1;
	v2 =	vmov v6  }
0x3d4: {  	v3 =	vmov v7  }
0x3d5: {  	s1 =	sadd.s32 $0x40, s1;
	[tilespmem:v5+s23+$0x0] =	vst.idx.add.f32.msk $0xffff, v1;
	v4 =	vmov v8  }
0x3d6: {  	_ =	sdelay $0x3  }
0x3d7: {  	[tilespmem:v4+s23+$0x0] =	vst.idx.add.f32.msk $0xffff, v1  }
0x3d8: {  	[tilespmem:v2+s23+$0x0] =	vst.idx.add.f32.msk $0xffff, v1  }
0x3d9: {  	[tilespmem:v3+s23+$0x0] =	vst.idx.add.f32.msk $0xffff, v1  }
0x3da: {  	v2 =	vld [tilespmem:$0x1D440];
	_ =	sdelay $0x7  }
0x3db: {  	s0 =	rddreg [dreg:$0x1c];
	[tilespmem:v2+s23+$0x0] =	vst.idx.add.f32.msk $0xffff, v1  }
0x3dc: {  	[tilespmem:s5], [sflag:$0x3] =	stream.linear.gather [hbm4b:s0+s3], $0x7D0, $0x38;
	[tilespmem:$0x1D480] =	vst v63  }
0x3dd: {  	_ =	swait.ge [sflag:s4], $0x7D0  }
0x3de: {  	[sflag:s4] =	ssyncset.done $0x0  }
0x3df: {  	s31 =	simm.s32 $0x1CCA0;
	[sflag:s4] =	ssyncadd.s32 $0xFFFFF830  }
0x3e0: {  	v5 =	vld [tilespmem:s31+$0x10];
	_ =	sdelay $0x4  }
0x3e1: {  	v4 =	vld [tilespmem:s31+$0xFFFFFFE0]  }
0x3e2: {  	v2 =	vld [tilespmem:s31+$0xFFFFFFF0]  }
0x3e3: {  	v3 =	vld [tilespmem:s31+$0x0]  }
0x3e4: {  	s1 =	simm.s32 $0x1CCE0;
	s0 =	simm.s32 $0x0;
	[tilespmem:v5+s23+$0x0] =	vst.idx.add.f32.msk $0xffff, v1  }
.LBB2_17:
0x3e5: {  	v5 =	vld [tilespmem:s1+$0x10];
	s0 =	sadd.s32 $0x4, s0  }
0x3e6: {  	v6 =	vld [tilespmem:s1+$0xFFFFFFF0];
	p0 =	slt.u32 s0, $0x78  }
0x3e7: {  	v7 =	vld [tilespmem:s1+$0x0]  }
0x3e8: {  	v8 =	vld [tilespmem:s1+$0xFFFFFFE0]  }
.Ltmp8:
0x3e9: {  	[tilespmem:v4+s23+$0x0] =	vst.idx.add.f32.msk $0xffff, v1;
	(pc) =	sbr.rel @p0 .LBB2_17-.Ltmp8, $4  }
0x3ea: {  	[tilespmem:v2+s23+$0x0] =	vst.idx.add.f32.msk $0xffff, v1  }
0x3eb: {  	[tilespmem:v3+s23+$0x0] =	vst.idx.add.f32.msk $0xffff, v1;
	v2 =	vmov v6  }
0x3ec: {  	v3 =	vmov v7  }
0x3ed: {  	s1 =	sadd.s32 $0x40, s1;
	[tilespmem:v5+s23+$0x0] =	vst.idx.add.f32.msk $0xffff, v1;
	v4 =	vmov v8  }
0x3ee: {  	_ =	sdelay $0x3  }
0x3ef: {  	[tilespmem:v4+s23+$0x0] =	vst.idx.add.f32.msk $0xffff, v1  }
0x3f0: {  	[tilespmem:v2+s23+$0x0] =	vst.idx.add.f32.msk $0xffff, v1  }
0x3f1: {  	[tilespmem:v3+s23+$0x0] =	vst.idx.add.f32.msk $0xffff, v1  }
0x3f2: {  	v2 =	vld [tilespmem:$0x1D440];
	_ =	sdelay $0x7  }
0x3f3: {  	s0 =	rddreg [dreg:$0x1d];
	[tilespmem:v2+s23+$0x0] =	vst.idx.add.f32.msk $0xffff, v1  }
0x3f4: {  	[tilespmem:s5], [sflag:$0x3] =	stream.linear.gather [hbm4b:s0+s3], $0x7D0, $0x38;
	[tilespmem:$0x1D480] =	vst v63  }
0x3f5: {  	_ =	swait.ge [sflag:s4], $0x7D0  }
0x3f6: {  	[sflag:s4] =	ssyncset.done $0x0  }
0x3f7: {  	s31 =	simm.s32 $0x1CCA0;
	[sflag:s4] =	ssyncadd.s32 $0xFFFFF830  }
0x3f8: {  	v5 =	vld [tilespmem:s31+$0x10];
	_ =	sdelay $0x4  }
0x3f9: {  	v4 =	vld [tilespmem:s31+$0xFFFFFFE0]  }
0x3fa: {  	v2 =	vld [tilespmem:s31+$0xFFFFFFF0]  }
0x3fb: {  	v3 =	vld [tilespmem:s31+$0x0]  }
0x3fc: {  	s1 =	simm.s32 $0x1CCE0;
	s0 =	simm.s32 $0x0;
	[tilespmem:v5+s23+$0x0] =	vst.idx.add.f32.msk $0xffff, v1  }
.LBB2_19:
0x3fd: {  	v5 =	vld [tilespmem:s1+$0x10];
	s0 =	sadd.s32 $0x4, s0  }
0x3fe: {  	v6 =	vld [tilespmem:s1+$0xFFFFFFF0];
	p0 =	slt.u32 s0, $0x78  }
0x3ff: {  	v7 =	vld [tilespmem:s1+$0x0]  }
0x400: {  	v8 =	vld [tilespmem:s1+$0xFFFFFFE0]  }
.Ltmp9:
0x401: {  	[tilespmem:v4+s23+$0x0] =	vst.idx.add.f32.msk $0xffff, v1;
	(pc) =	sbr.rel @p0 .LBB2_19-.Ltmp9, $4  }
0x402: {  	[tilespmem:v2+s23+$0x0] =	vst.idx.add.f32.msk $0xffff, v1  }
0x403: {  	[tilespmem:v3+s23+$0x0] =	vst.idx.add.f32.msk $0xffff, v1;
	v2 =	vmov v6  }
0x404: {  	v3 =	vmov v7  }
0x405: {  	s1 =	sadd.s32 $0x40, s1;
	[tilespmem:v5+s23+$0x0] =	vst.idx.add.f32.msk $0xffff, v1;
	v4 =	vmov v8  }
0x406: {  	_ =	sdelay $0x3  }
0x407: {  	[tilespmem:v4+s23+$0x0] =	vst.idx.add.f32.msk $0xffff, v1  }
0x408: {  	[tilespmem:v2+s23+$0x0] =	vst.idx.add.f32.msk $0xffff, v1  }
0x409: {  	[tilespmem:v3+s23+$0x0] =	vst.idx.add.f32.msk $0xffff, v1  }
0x40a: {  	v2 =	vld [tilespmem:$0x1D440];
	_ =	sdelay $0x7  }
0x40b: {  	s0 =	rddreg [dreg:$0x1e];
	[tilespmem:v2+s23+$0x0] =	vst.idx.add.f32.msk $0xffff, v1  }
0x40c: {  	[tilespmem:s5], [sflag:$0x3] =	stream.linear.gather [hbm4b:s0+s3], $0x7D0, $0x38;
	[tilespmem:$0x1D480] =	vst v63  }
0x40d: {  	_ =	swait.ge [sflag:s4], $0x7D0  }
0x40e: {  	[sflag:s4] =	ssyncset.done $0x0  }
0x40f: {  	s31 =	simm.s32 $0x1CCA0;
	[sflag:s4] =	ssyncadd.s32 $0xFFFFF830  }
0x410: {  	v5 =	vld [tilespmem:s31+$0x10];
	_ =	sdelay $0x4  }
0x411: {  	v4 =	vld [tilespmem:s31+$0xFFFFFFE0]  }
0x412: {  	v2 =	vld [tilespmem:s31+$0xFFFFFFF0]  }
0x413: {  	v3 =	vld [tilespmem:s31+$0x0]  }
0x414: {  	s1 =	simm.s32 $0x1CCE0;
	s0 =	simm.s32 $0x0;
	[tilespmem:v5+s23+$0x0] =	vst.idx.add.f32.msk $0xffff, v1  }
.LBB2_21:
0x415: {  	v5 =	vld [tilespmem:s1+$0x10];
	s0 =	sadd.s32 $0x4, s0  }
0x416: {  	v6 =	vld [tilespmem:s1+$0xFFFFFFF0];
	p0 =	slt.u32 s0, $0x78  }
0x417: {  	v7 =	vld [tilespmem:s1+$0x0]  }
0x418: {  	v8 =	vld [tilespmem:s1+$0xFFFFFFE0]  }
.Ltmp10:
0x419: {  	[tilespmem:v4+s23+$0x0] =	vst.idx.add.f32.msk $0xffff, v1;
	(pc) =	sbr.rel @p0 .LBB2_21-.Ltmp10, $4  }
0x41a: {  	[tilespmem:v2+s23+$0x0] =	vst.idx.add.f32.msk $0xffff, v1  }
0x41b: {  	[tilespmem:v3+s23+$0x0] =	vst.idx.add.f32.msk $0xffff, v1;
	v2 =	vmov v6  }
0x41c: {  	v3 =	vmov v7  }
0x41d: {  	s1 =	sadd.s32 $0x40, s1;
	[tilespmem:v5+s23+$0x0] =	vst.idx.add.f32.msk $0xffff, v1;
	v4 =	vmov v8  }
0x41e: {  	_ =	sdelay $0x3  }
0x41f: {  	[tilespmem:v4+s23+$0x0] =	vst.idx.add.f32.msk $0xffff, v1  }
0x420: {  	[tilespmem:v2+s23+$0x0] =	vst.idx.add.f32.msk $0xffff, v1  }
0x421: {  	[tilespmem:v3+s23+$0x0] =	vst.idx.add.f32.msk $0xffff, v1  }
0x422: {  	v2 =	vld [tilespmem:$0x1D440];
	_ =	sdelay $0x7  }
0x423: {  	s1 =	simm.s32 $0x80;
	s5 =	simm.s32 $0x400;
	s0 =	rddreg [dreg:$0xe];
	[tilespmem:v2+s23+$0x0] =	vst.idx.add.f32.msk $0xffff, v1  }
0x424: {  	[hbm4b:s0+s1] =	stream.strided.scatter [tilespmem:s2], [sflag:$0x1], $0x2800, s5, s1, $0x38;
	[tilespmem:$0x1D480] =	vst v63  }
0x425: {  	s16 =	rddreg [dreg:$0x18]  }
0x426: {  	[hbm4b:s16+s1] =	stream.strided.scatter [tilespmem:s8], [sflag:$0x1], $0x2800, s5, s1, $0x38;
	[tilespmem:$0x1D480] =	vst v63  }
0x427: {  	s20 =	rddreg [dreg:$0x19]  }
0x428: {  	[hbm4b:s20+s1] =	stream.strided.scatter [tilespmem:s15], [sflag:$0x1], $0x2800, s5, s1, $0x38;
	[tilespmem:$0x1D480] =	vst v63  }
0x429: {  	s21 =	rddreg [dreg:$0x1a]  }
0x42a: {  	[hbm4b:s21+s1] =	stream.strided.scatter [tilespmem:s18], [sflag:$0x1], $0x2800, s5, s1, $0x38;
	[tilespmem:$0x1D480] =	vst v63  }
0x42b: {  	s22 =	rddreg [dreg:$0xf]  }
0x42c: {  	[hbm4b:s22+s1] =	stream.strided.scatter [tilespmem:s14], [sflag:$0x1], $0x2800, s5, s1, $0x38;
	[tilespmem:$0x1D480] =	vst v63  }
0x42d: {  	s24 =	rddreg [dreg:$0x10]  }
0x42e: {  	[hbm4b:s24+s1] =	stream.strided.scatter [tilespmem:s12], [sflag:$0x1], $0x2800, s5, s1, $0x38;
	[tilespmem:$0x1D480] =	vst v63  }
0x42f: {  	s25 =	rddreg [dreg:$0x11]  }
0x430: {  	[hbm4b:s25+s1] =	stream.strided.scatter [tilespmem:s17], [sflag:$0x1], $0x2800, s5, s1, $0x38;
	[tilespmem:$0x1D480] =	vst v63  }
0x431: {  	s26 =	rddreg [dreg:$0x12]  }
0x432: {  	[hbm4b:s26+s1] =	stream.strided.scatter [tilespmem:s19], [sflag:$0x1], $0x2800, s5, s1, $0x38;
	[tilespmem:$0x1D480] =	vst v63  }
0x433: {  	s29 =	simm.s32 $0x1;
	s28 =	rddreg [dreg:$0x15]  }
0x434: {  	[hbm4b:s28+s1] =	stream.strided.scatter [tilespmem:s23], [sflag:$0x1], $0x2800, s5, s1, $0x38;
	[tilespmem:$0x1D480] =	vst v63  }
0x435: {  	_ =	swait.ge [sflag:s29], $0x2800  }
0x436: {  	[sflag:s29] =	ssyncset.done $0x0  }
0x437: {  	[sflag:s29] =	ssyncadd.s32 $0xFFFFD800  }
0x438: {  	_ =	swait.ge [sflag:s29], $0x2800  }
0x439: {  	[sflag:s29] =	ssyncset.done $0x0  }
0x43a: {  	[sflag:s29] =	ssyncadd.s32 $0xFFFFD800  }
0x43b: {  	_ =	swait.ge [sflag:s29], $0x2800  }
0x43c: {  	[sflag:s29] =	ssyncset.done $0x0  }
0x43d: {  	[sflag:s29] =	ssyncadd.s32 $0xFFFFD800  }
0x43e: {  	_ =	swait.ge [sflag:s29], $0x2800  }
0x43f: {  	[sflag:s29] =	ssyncset.done $0x0  }
0x440: {  	[sflag:s29] =	ssyncadd.s32 $0xFFFFD800  }
0x441: {  	_ =	swait.ge [sflag:s29], $0x2800  }
0x442: {  	[sflag:s29] =	ssyncset.done $0x0  }
0x443: {  	[sflag:s29] =	ssyncadd.s32 $0xFFFFD800  }
0x444: {  	_ =	swait.ge [sflag:s29], $0x2800  }
0x445: {  	[sflag:s29] =	ssyncset.done $0x0  }
0x446: {  	[sflag:s29] =	ssyncadd.s32 $0xFFFFD800  }
0x447: {  	_ =	swait.ge [sflag:s29], $0x2800  }
0x448: {  	[sflag:s29] =	ssyncset.done $0x0  }
0x449: {  	[sflag:s29] =	ssyncadd.s32 $0xFFFFD800  }
0x44a: {  	_ =	swait.ge [sflag:s29], $0x2800  }
0x44b: {  	[sflag:s29] =	ssyncset.done $0x0  }
0x44c: {  	[sflag:s29] =	ssyncadd.s32 $0xFFFFD800  }
0x44d: {  	_ =	swait.ge [sflag:s29], $0x2800  }
0x44e: {  	s30 =	rddreg [dreg:$0x1f]  }
0x44f: {  	s31 =	rddreg [dreg:$0x16];
	s5 =	sadd.s32 $0x1, s30  }
0x450: {  	p0 =	sne.s32 s5, s31  }
.Ltmp11:
0x451: {  	_ = 	snop;
	(pc) =	sbr.rel @p0 .LBB2_1-.Ltmp11, $3  }
0x452: {  	_ =	sdelay $0x1  }
0x453: {  	[sflag:s29] =	ssyncset.done $0x0  }
0x454: {  	[sflag:s29] =	ssyncadd.s32 $0xFFFFD800  }
0x455: {  	_ =	sfence.sel $0x180000  }
0x456: {  	[bflag:$0x0] =	sbarrier.arrive $0xFFFF  }
0x457: {  	_ =	strace $0x90000047  }
0x458: {  	s0 =	stileid.u32;
	[bflag:$0x2] =	sbarrier.arrive $0xFFFF  }
0x459: {  	p0 =	sne.s32 s0, $0x0;
	s0 =	rddreg [dreg:$0x2]  }
0x45a: {  	s0 =	sadd.s32 @!p0 $0x100000, s0  }
0x45b: {  	[sflag:s0] =	ssyncadd.tile.s32 @!p0 $0x1;
	_ =	shalt  }
.Lfunc_end2:
_tile_overlayer_lowered:
.L_overlay_start_2:
0x45c: {  	(tag) =	ssettag $0x2  }
0x45d: {  	s0 =	rddreg [dreg:$0x0];
	s2 =	stileid.u32  }
0x45e: {  	s1 =	rddreg [dreg:$0x1];
	p0 =	sne.s32 s2, $0x0  }
0x45f: {  	s3 =	rddreg [dreg:$0x2];
	[bflag:$0x3] =	sbarrier.arrive $0xFFFF;
	s2 =	simm.s32 @!p0 $0x1C03  }
0x460: {  	[timem:s3], [sflag:s2] =	dma.local @!p0 [hbm:s0], s1  }
0x461: {  	s0 =	simm.s32 @!p0 $0x3  }
0x462: {  	_ =	swait.ge @!p0 [sflag:s0], s1  }
0x463: {  	s1 =	ssub.s32 @!p0 $0x0, s1;
	[sflag:s0] =	ssyncset.done @!p0 $0x0  }
0x464: {  	[sflag:s0] =	ssyncadd.s32 @!p0 s1  }
0x465: {  	[bflag:$0x3] =	sbarrier.arrive $0xFFFF  }
0x466: {  	_ =	shalt  }

// kernel: kernel.16.cloned.1.call-start
scs
__scs_entry_jumppad:
0x0: {  	(pc) =	sbr.rel $0x88, $3  }
0x1: {  	(tag) =	ssettag $0x0;
	lr =	simm.s32 $0x1  }
0x2: {  	[smem:$0x3F98] =	sst lr;
	_ =	strace $0xD0000000  }
0x3: {  	_ = 	snop  }
0x4: {  	_ = 	snop  }
0x5: {  	_ = 	snop  }
0x6: {  	_ = 	snop  }
0x7: {  	_ = 	snop  }
__scs_overlays_trampoline_lowered:
0x8: {  	[smem:$0x3FA7] =	sst s0  }
0x9: {  	[smem:$0x3FA8] =	sst s1  }
0xa: {  	[smem:$0x3FA9] =	sst s2  }
0xb: {  	[smem:$0x3FAA] =	sst s3  }
0xc: {  	[smem:$0x3FAB] =	sst s4  }
0xd: {  	[smem:$0x3FAC] =	sst s5  }
0xe: {  	[smem:$0x3FAD] =	sst s6  }
0xf: {  	[smem:$0x3FAE] =	sst s7  }
0x10: {  	[smem:$0x3FAF] =	sst s8  }
0x11: {  	[smem:$0x3FB0] =	sst s9;
	s0 =	simm.s32 @!p0 $0x0  }
0x12: {  	s1 =	sld [smem:$0x3F96];
	s0 =	simm.s32 @p0 $0x1  }
0x13: {  	[smem:$0x3FB1] =	sst s0;
	s0 =	simm.s32 @!p1 $0x0  }
0x14: {  	s2 =	sld [smem:$0x3F95];
	s0 =	simm.s32 @p1 $0x1  }
0x15: {  	[smem:$0x3FB2] =	sst s0;
	s0 =	simm.s32 @!p2 $0x0  }
0x16: {  	s3 =	sld [smem:$0x3FDB];
	s0 =	simm.s32 @p2 $0x1  }
0x17: {  	s4 =	simm.s32 $0x1BF5;
	[smem:$0x3FB4] =	sst s0  }
0x18: {  	s0 =	sld [smem:$0x3F97];
	_ =	swait.ge [sflag:s4], $0x0  }
0x19: {  	s7 =	sld [smem:$0x3F98]  }
0x1a: {  	s8 =	sadd.s32 $0xFFFFE003, lr  }
0x1b: {  	s9 =	sadd.s32 $0xFFFFFEF7, lr;
	s5 =	simm.s32 $0xFFFFFFFF;
	p2 =	slt.u32 s8, $0xFFFFF086  }
0x1c: {  	p1 =	slt.u32 s9, $0xF7A;
	s5 =	simm.s32 @!p2 $0x0  }
0x1d: {  	s5 =	simm.s32 @p1 $0x1;
	p0 =	seq.s32 s7, s2  }
0x1e: {  	s7 =	smul.u32 @!p0 $0xF7A, s2;
	p2 =	seq.s32 @!p0 s5, $0x0  }
0x1f: {  	s9 =	smul.u32 $0xF7A, s1;
	s8 =	simm.s32 @!p0 $0x1BF5;
	p2 =	por !p2, p0  }
0x20: {  	[sflag:s8] =	ssyncset.s32 @!p0 $0xFFFFF086;
	s6 =	sadd.s32 @!p0 s3, s7;
	s7 =	simm.s32 @!p0 $0x108  }
0x21: {  	s3 =	sadd.s32 s3, s9;
	s6 =	sadd.s32 @!p0 $0x88, s6;
	s7 =	simm.s32 @p2 $0x1082  }
0x22: {  	[simem:s7], [sflag:s8] =	dma.local @!p0 [hbm:s6], $0xF7A  }
0x23: {  	s9 =	sor.u32 $0xD0000000, s2;
	s6 =	simm.s32 $0x108;
	_ =	swait.ge @!p0 [sflag:s8], $0x0  }
0x24: {  	s3 =	sadd.s32 $0x88, s3;
	s6 =	simm.s32 @!p1 $0x1082;
	[sflag:s4] =	ssyncset.s32 $0xFFFFF086  }
0x25: {  	[simem:s6], [sflag:s4] =	dma.local [hbm:s3], $0xF7A  }
0x26: {  	[smem:$0x3F98] =	sst s1;
	(tag) =	ssettag s2;
	_ =	strace s9  }
0x27: {  	s1 =	sld [smem:$0x3FA8]  }
0x28: {  	s2 =	sld [smem:$0x3FA9]  }
0x29: {  	s4 =	sld [smem:$0x3FAB]  }
0x2a: {  	p0 =	seq.s32 s5, $0x0;
	s5 =	sld [smem:$0x3FAC]  }
0x2b: {  	s6 =	sld [smem:$0x3FAD]  }
0x2c: {  	s7 =	sld [smem:$0x3FAE]  }
0x2d: {  	s3 =	simm.s32 $0x108;
	s8 =	sld [smem:$0x3FAF]  }
0x2e: {  	s3 =	simm.s32 @!p0 $0x1082;
	s9 =	sld [smem:$0x3FB0]  }
0x2f: {  	lr =	sadd.s32 s0, s3;
	s0 =	sld [smem:$0x3FA7]  }
0x30: {  	s3 =	sld [smem:$0x3FAA]  }
0x31: {  	[smem:$0x3FB3] =	sst s10  }
0x32: {  	s10 =	sld [smem:$0x3FB1];
	_ =	sdelay $0x3  }
0x33: {  	p0 =	seq.s32 s10, $0x1;
	s10 =	sld [smem:$0x3FB3];
	_ =	sdelay $0x3  }
0x34: {  	[smem:$0x3FB3] =	sst s10  }
0x35: {  	s10 =	sld [smem:$0x3FB2];
	_ =	sdelay $0x3  }
0x36: {  	p1 =	seq.s32 s10, $0x1;
	s10 =	sld [smem:$0x3FB3];
	_ =	sdelay $0x3  }
0x37: {  	[smem:$0x3FB3] =	sst s10  }
0x38: {  	s10 =	sld [smem:$0x3FB4]  }
0x39: {  	_ = 	snop;
	(pc) =	sbr.ind lr, $3  }
0x3a: {  	_ = 	snop  }
0x3b: {  	_ = 	snop  }
0x3c: {  	p2 =	seq.s32 s10, $0x1;
	s10 =	sld [smem:$0x3FB3]  }
0x3d: {  	_ =	shalt  }
0x3e: {  	_ =	shalt  }
0x3f: {  	_ =	shalt  }
0x40: {  	_ =	shalt  }
0x41: {  	_ =	shalt  }
0x42: {  	_ =	shalt  }
0x43: {  	_ =	shalt  }
0x44: {  	_ =	shalt  }
0x45: {  	_ =	shalt  }
0x46: {  	_ =	shalt  }
0x47: {  	_ =	shalt  }
0x48: {  	_ =	shalt  }
0x49: {  	_ =	shalt  }
0x4a: {  	_ =	shalt  }
0x4b: {  	_ =	shalt  }
0x4c: {  	_ =	shalt  }
0x4d: {  	_ =	shalt  }
0x4e: {  	_ =	shalt  }
0x4f: {  	_ =	shalt  }
0x50: {  	_ =	shalt  }
0x51: {  	_ =	shalt  }
0x52: {  	_ =	shalt  }
0x53: {  	_ =	shalt  }
0x54: {  	_ =	shalt  }
0x55: {  	_ =	shalt  }
0x56: {  	_ =	shalt  }
0x57: {  	_ =	shalt  }
0x58: {  	_ =	shalt  }
0x59: {  	_ =	shalt  }
0x5a: {  	_ =	shalt  }
0x5b: {  	_ =	shalt  }
0x5c: {  	_ =	shalt  }
0x5d: {  	_ =	shalt  }
0x5e: {  	_ =	shalt  }
0x5f: {  	_ =	shalt  }
0x60: {  	_ =	shalt  }
0x61: {  	_ =	shalt  }
0x62: {  	_ =	shalt  }
0x63: {  	_ =	shalt  }
0x64: {  	_ =	shalt  }
0x65: {  	_ =	shalt  }
0x66: {  	_ =	shalt  }
0x67: {  	_ =	shalt  }
0x68: {  	_ =	shalt  }
0x69: {  	_ =	shalt  }
0x6a: {  	_ =	shalt  }
0x6b: {  	_ =	shalt  }
0x6c: {  	_ =	shalt  }
0x6d: {  	_ =	shalt  }
0x6e: {  	_ =	shalt  }
0x6f: {  	_ =	shalt  }
0x70: {  	_ =	shalt  }
0x71: {  	_ =	shalt  }
0x72: {  	_ =	shalt  }
0x73: {  	_ =	shalt  }
0x74: {  	_ =	shalt  }
0x75: {  	_ =	shalt  }
0x76: {  	_ =	shalt  }
0x77: {  	_ =	shalt  }
0x78: {  	_ =	shalt  }
0x79: {  	_ =	shalt  }
0x7a: {  	_ =	shalt  }
0x7b: {  	_ =	shalt  }
0x7c: {  	_ =	shalt  }
0x7d: {  	_ =	shalt  }
0x7e: {  	_ =	shalt  }
0x7f: {  	_ =	shalt  }
0x80: {  	_ =	shalt  }
0x81: {  	_ =	shalt  }
0x82: {  	_ =	shalt  }
0x83: {  	_ =	shalt  }
0x84: {  	_ =	shalt  }
0x85: {  	_ =	shalt  }
0x86: {  	_ =	shalt  }
0x87: {  	_ =	shalt  }
.Lfunc_end0:
.L_simem_size_0:
called_computation.1_lowered:
.L_overlay_start_0:
0x88: {  	s2 =	sld [smem:$0x3FD9]  }
0x89: {  	s3 =	sld [smem:$0x3FFE];
	_ =	sdelay $0x1  }
0x8a: {  	s1 =	srdreg.scid  }
0x8b: {  	s0 =	sand.u32 $0x1, s1  }
0x8c: {  	s17 =	sshll.u32 s0, $0xA;
	s2 =	sadd.s32 s3, s2  }
0x8d: {  	s2 =	sadd.s32 s2, s17  }
0x8e: {  	[smem:$0x3FBF] =	sst s2  }
0x8f: {  	_ = 	snop  }
0x90: {  	s2 =	sld [smem:$0x3FD0];
	(tm) =	ssettm $0x1  }
0x91: {  	s18 =	sld [smem:$0x3FFB];
	_ =	sdelay $0x3  }
0x92: {  	_ =	strace s18  }
0x93: {  	s3 =	sld [smem:$0x3FFC];
	_ =	sdelay $0x3  }
0x94: {  	_ =	strace s3  }
0x95: {  	s3 =	sld [smem:$0x3FFD];
	_ =	sdelay $0x3  }
0x96: {  	_ =	strace s3  }
0x97: {  	_ =	strace $0x8FFFFFFF  }
0x98: {  	s19 =	sld [smem:$0x3FDB];
	_ =	sdelay $0x1  }
0x99: {  	s4 =	simm.s32 $_scs_section_size  }
0x9a: {  	s5 =	simm.s32 $_size__tile_overlayer_lowered;
	s6 =	simm.s32 $_tile_overlayer_lowered  }
0x9b: {  	s22 =	simm.s32 $0x1BFF;
	s21 =	sshll.u32 s6, $0x1;
	s3 =	sadd.s32 s4, s19  }
0x9c: {  	s7 =	simm.s32 $0x0;
	s20 =	sshll.u32 s5, $0x1;
	s5 =	sadd.s32 s21, s3  }
0x9d: {  	[timem:s7], [sflag:s22] =	dma.local [hbm:s5], s20  }
0x9e: {  	_ =	swait.ge [sflag:s22], s20  }
0x9f: {  	s4 =	ssub.s32 $0x0, s20;
	[sflag:s22] =	ssyncset.done $0x0  }
0xa0: {  	[sflag:s22] =	ssyncadd.s32 s4;
	_ =	sdelay $0x1  }
0xa1: {  	s23 =	simm.s32 $0x1B8B  }
0xa2: {  	_ =	swait.ge [sflag:s23], $0x1  }
0xa3: {  	[sflag:s23] =	ssyncset.done $0x0  }
0xa4: {  	s25 =	simm.s32 $0x1B8E;
	s24 =	sld [smem:$0x3FFE];
	[sflag:s23] =	ssyncadd.s32 $0xFFFFFFFF  }
0xa5: {  	s26 =	simm.s32 $execute0_lowered;
	[smem:$0x3FD2] =	sst s25  }
0xa6: {  	s5 =	sshll.u32 s26, $0x1;
	_ =	strace $0x80000049;
	[dreg:$0x1] =	wrdreg $0xFFFFFFFF  }
0xa7: {  	s28 =	simm.s32 $_size_execute0_lowered;
	s3 =	sadd.s32 s3, s5;
	[dreg:$0x0] =	wrdreg $0x0  }
0xa8: {  	s5 =	sshll.u32 s28, $0x1;
	[dreg:$0x2] =	wrdreg s3  }
0xa9: {  	[dreg:$0x3] =	wrdreg s5  }
0xaa: {  	[dreg:$0x4] =	wrdreg $0xC0  }
0xab: {  	_ =	task [dreg:s7], $0x5FFFF  }
0xac: {  	[dreg:$0x1] =	wrdreg $0xFFFFFFFF  }
0xad: {  	[dreg:$0x0] =	wrdreg $0x60  }
0xae: {  	[dreg:$0x2] =	wrdreg s24  }
0xaf: {  	[dreg:$0x3] =	wrdreg s2  }
0xb0: {  	[dreg:$0x4] =	wrdreg $0x9  }
0xb1: {  	_ =	task.clear_ibuf [dreg:s7], $0x5FFFF;
	_ =	strace $0x90000049  }
0xb2: {  	s29 =	simm.s32 $0x9;
	_ =	strace $0x8000004B  }
0xb3: {  	_ =	swait.ge [sflag:s29], $0x1  }
0xb4: {  	[sflag:s29] =	ssyncadd.s32 $0xFFFFFFFF  }
0xb5: {  	_ =	strace $0x9000004B  }
0xb6: {  	_ =	sfence  }
0xb7: {  	s30 =	sld [smem:$0x0];
	_ =	sdelay $0x2  }
0xb8: {  	s31 =	sshll.u32 s1, $0xD;
	s1 =	sshrl.u32 s1, $0x2  }
0xb9: {  	s3 =	sand.u32 $0x4000, s31;
	s1 =	sadd.s32 s1, s30  }
0xba: {  	s0 =	sor.u32 s3, s0;
	s1 =	sshll.u32 s1, $0x11  }
0xbb: {  	s0 =	sor.u32 s1, s0  }
0xbc: {  	s0 =	sadd.s32 $0x8F2B, s0  }
0xbd: {  	[sflag:s0] =	ssyncadd.remote.s32 $0x1  }
0xbe: {  	_ =	sfence.sel $0xFFFF  }
0xbf: {  	[dreg:$0x0] =	wrdreg $0xFFFFFFFF;
	(pc) =	sbr.abs _section_cstart, $3  }
0xc0: {  	[dreg:$0x1] =	wrdreg $0xFFFFFFFF  }
0xc1: {  	_ =	task.clear_ibuf [dreg:s7], $0x2FFFF;
	_ =	strace $0x9FFFFFFF  }
0xc2: {  	(tm) =	ssettm $0x7FFFFFFF  }
0xc3: {  	_ =	shalt  }
tec
execute0_lowered:
.L_overlay_start_1:
0x0: {  	(tag) =	ssettag $0x1  }
0x1: {  	s0 =	rddreg [dreg:$0x0]  }
0x2: {  	s1 =	rddreg [dreg:$0x1]  }
0x3: {  	s3 =	srdreg.scid;
	s4 =	stileid.u32;
	s2 =	simm.s32 $0x0  }
0x4: {  	s28 =	simm.s32 $0x6800;
	s29 =	simm.s32 $0x3;
	s30 =	simm.s32 $0x4  }
0x5: {  	s3 =	sand.u32 $0x1, s3;
	s4 =	sshll.u32 s4, $0x1;
	[smem:$0x7FF] =	sst s2  }
0x6: {  	s5 =	sadd.s32 $0x15800, s0;
	s19 =	sadd.s32 $0xBA00, s0;
	s6 =	sadd.s32 $0x1C00, s0  }
0x7: {  	s0 =	sadd.s32 $0x15810, s0;
	s4 =	sor.u32 s3, s4;
	_ =	strace $0x8000004A  }
0x8: {  	[dreg:$0x3] =	wrdreg s5;
	s3 =	ssub.s32 $0x2, s3;
	s4 =	smul.u32 $0x2710, s4  }
0x9: {  	s31 =	simm.s32 $0x1;
	[dreg:$0x4] =	wrdreg s0;
	s7 =	sshrl.u32 s3, $0x1  }
0xa: {  	s0 =	simm.s32 $0x7000;
	s3 =	ssub.s32 s3, s7;
	s4 =	sshrl.u32 s4, $0x3  }
0xb: {  	s20 =	sadd.s32 $0xFA, s4;
	s21 =	sadd.s32 s19, s4;
	s22 =	sadd.s32 s6, s4  }
0xc: {  	s9 =	sadd.s32 s1, s4;
	s25 =	sadd.s32 $0x1F4, s4;
	s8 =	sadd.s32 $0x2EE, s4  }
0xd: {  	s26 =	sadd.s32 $0x3E8, s4;
	s4 =	simm.s32 $0x0;
	[dreg:$0x5] =	wrdreg s21  }
0xe: {  	[dreg:$0x6] =	wrdreg s22;
	s23 =	sadd.s32 s19, s20;
	s24 =	sadd.s32 s6, s20  }
0xf: {  	s10 =	sadd.s32 s19, s25;
	s11 =	sadd.s32 s6, s25;
	s12 =	sadd.s32 s1, s20  }
0x10: {  	s13 =	sadd.s32 s19, s8;
	s14 =	sadd.s32 s6, s8;
	s15 =	sadd.s32 s1, s25  }
0x11: {  	s16 =	sadd.s32 s19, s26;
	s17 =	sadd.s32 s6, s26;
	s18 =	sadd.s32 s1, s8  }
0x12: {  	s19 =	sadd.s32 s1, s26;
	s20 =	smax.u32 s3, $0x1;
	s21 =	simm.s32 $0x80  }
0x13: {  	s22 =	simm.s32 $0x100;
	s25 =	simm.s32 $0x6000;
	s26 =	simm.s32 $0x5800  }
0x14: {  	s1 =	simm.s32 $0x2;
	s3 =	simm.s32 $0x7800;
	[dreg:$0x7] =	wrdreg s23  }
0x15: {  	[dreg:$0x8] =	wrdreg s24;
	s23 =	simm.s32 $0x2800;
	s24 =	simm.s32 $0x5000  }
.LBB2_1:
0x16: {  	s5 =	rddreg [dreg:$0x3]  }
0x17: {  	[tilespmem:s2], [sflag:$0x3] =	stream.strided.gather [hbm4b:s5+s21], $0x2800, s22, s21, $0x38;
	[tilespmem:$0x8000] =	vst v63  }
0x18: {  	s8 =	rddreg [dreg:$0x4]  }
0x19: {  	[tilespmem:s23], [sflag:$0x4] =	stream.strided.gather [hbm4b:s8+s21], $0x2800, s22, s21, $0x38;
	[tilespmem:$0x8000] =	vst v63  }
0x1a: {  	s6 =	rddreg [dreg:$0x5]  }
0x1b: {  	[tilespmem:s24], [sflag:$0x1] =	stream.linear.gather [hbm4b:s6+s2], $0x7D0, $0x38;
	[tilespmem:$0x8000] =	vst v63  }
0x1c: {  	s7 =	rddreg [dreg:$0x6]  }
0x1d: {  	[tilespmem:s25], [sflag:$0x1] =	stream.linear.gather [hbm4b:s7+s2], $0x7D0, $0x38;
	[tilespmem:$0x8000] =	vst v63  }
0x1e: {  	s8 =	rddreg [dreg:$0x7]  }
0x1f: {  	[tilespmem:s26], [sflag:$0x2] =	stream.linear.gather [hbm4b:s8+s2], $0x7D0, $0x38;
	[tilespmem:$0x8000] =	vst v63  }
0x20: {  	s6 =	rddreg [dreg:$0x8]  }
0x21: {  	[tilespmem:s28], [sflag:$0x2] =	stream.linear.gather [hbm4b:s6+s2], $0x7D0, $0x38;
	[tilespmem:$0x8000] =	vst v63  }
0x22: {  	_ =	swait.ge [sflag:s29], $0x2800  }
0x23: {  	[sflag:s29] =	ssyncset.done $0x0  }
0x24: {  	[sflag:s29] =	ssyncadd.s32 $0xFFFFD800  }
0x25: {  	_ =	swait.ge [sflag:s30], $0x2800  }
0x26: {  	[sflag:s30] =	ssyncset.done $0x0  }
0x27: {  	[sflag:s30] =	ssyncadd.s32 $0xFFFFD800  }
0x28: {  	_ =	swait.ge [sflag:s31], $0x7D0  }
0x29: {  	[sflag:s31] =	ssyncset.done $0x0  }
0x2a: {  	[sflag:s31] =	ssyncadd.s32 $0xFFFFF830  }
0x2b: {  	_ =	swait.ge [sflag:s31], $0x7D0  }
0x2c: {  	[sflag:s31] =	ssyncset.done $0x0  }
0x2d: {  	s7 =	simm.s32 $0x5020;
	[sflag:s31] =	ssyncadd.s32 $0xFFFFF830  }
0x2e: {  	s6 =	simm.s32 $0x6020;
	v0 =	vld [tilespmem:s7+$0x10]  }
0x2f: {  	v1 =	vld [tilespmem:s6+$0x10]  }
0x30: {  	v2 =	vld [tilespmem:s6+$0xFFFFFFE0]  }
0x31: {  	v3 =	vld [tilespmem:s7+$0xFFFFFFF0]  }
0x32: {  	v4 =	vld [tilespmem:s6+$0xFFFFFFF0]  }
0x33: {  	v5 =	vld [tilespmem:s7+$0x0]  }
0x34: {  	v6 =	vld [tilespmem:s6+$0x0]  }
0x35: {  	s8 =	simm.s32 $0x5060;
	v7 =	vld [tilespmem:s7+$0xFFFFFFE0]  }
0x36: {  	s5 =	simm.s32 $0x6060;
	v8 =	vld [tilespmem:s8+$0x10]  }
0x37: {  	v9 =	vld [tilespmem:s5+$0x10]  }
0x38: {  	v10 =	vld [tilespmem:s5+$0xFFFFFFE0]  }
0x39: {  	v11 =	vld [tilespmem:s8+$0xFFFFFFF0]  }
0x3a: {  	v12 =	vld [tilespmem:s5+$0xFFFFFFF0]  }
0x3b: {  	v13 =	vld [tilespmem:s8+$0x0]  }
0x3c: {  	v14 =	vld [tilespmem:s5+$0x0]  }
0x3d: {  	v15 =	vld [tilespmem:s8+$0xFFFFFFE0]  }
0x3e: {  	v0 =	vld.idx.msk [tilespmem:v0+s2+$0x0], $0xffff  }
0x3f: {  	v1 =	vld.idx.msk [tilespmem:v1+s23+$0x0], $0xffff  }
0x40: {  	v2 =	vld.idx.msk [tilespmem:v2+s23+$0x0], $0xffff  }
0x41: {  	v3 =	vld.idx.msk [tilespmem:v3+s2+$0x0], $0xffff  }
0x42: {  	v4 =	vld.idx.msk [tilespmem:v4+s23+$0x0], $0xffff  }
0x43: {  	v5 =	vld.idx.msk [tilespmem:v5+s2+$0x0], $0xffff  }
0x44: {  	v6 =	vld.idx.msk [tilespmem:v6+s23+$0x0], $0xffff  }
0x45: {  	v7 =	vld.idx.msk [tilespmem:v7+s2+$0x0], $0xffff  }
0x46: {  	v8 =	vld.idx.msk [tilespmem:v8+s2+$0x0], $0xffff  }
0x47: {  	v9 =	vld.idx.msk [tilespmem:v9+s23+$0x0], $0xffff  }
0x48: {  	v16 =	vadd.f32 v1, v0;
	v0 =	vld.idx.msk [tilespmem:v10+s23+$0x0], $0xffff  }
0x49: {  	s6 =	simm.s32 $0x7020;
	v4 =	vadd.f32 v4, v3;
	v1 =	vld.idx.msk [tilespmem:v11+s2+$0x0], $0xffff  }
0x4a: {  	v5 =	vadd.f32 v6, v5;
	v3 =	vld.idx.msk [tilespmem:v12+s23+$0x0], $0xffff;
	[tilespmem:s6+$0x10] =	vst v16  }
0x4b: {  	v6 =	vadd.f32 v2, v7;
	v2 =	vld.idx.msk [tilespmem:v13+s2+$0x0], $0xffff;
	[tilespmem:s6+$0xFFFFFFF0] =	vst v4  }
0x4c: {  	[tilespmem:s6+$0x0] =	vst v5;
	v4 =	vld.idx.msk [tilespmem:v14+s23+$0x0], $0xffff  }
0x4d: {  	s7 =	simm.s32 $0x4;
	s8 =	simm.s32 $0x50A0;
	[tilespmem:s6+$0xFFFFFFE0] =	vst v6;
	v5 =	vld.idx.msk [tilespmem:v15+s2+$0x0], $0xffff;
	v6 =	vadd.f32 v9, v8  }
.LBB2_2:
0x4e: {  	v7 =	vld [tilespmem:s8+$0x10];
	s5 =	sadd.s32 $0x40, s5;
	s6 =	sadd.s32 $0x40, s6  }
0x4f: {  	s7 =	sadd.s32 $0x4, s7;
	v8 =	vld [tilespmem:s5+$0x10];
	[tilespmem:s6+$0x10] =	vst v6  }
0x50: {  	p0 =	slt.u32 s7, $0x78;
	v1 =	vadd.f32 v3, v1;
	v6 =	vld [tilespmem:s5+$0xFFFFFFE0]  }
0x51: {  	v3 =	vld [tilespmem:s8+$0xFFFFFFF0]  }
0x52: {  	v9 =	vld [tilespmem:s5+$0xFFFFFFF0];
	[tilespmem:s6+$0xFFFFFFF0] =	vst v1;
	v1 =	vadd.f32 v4, v2  }
0x53: {  	v0 =	vadd.f32 v0, v5;
	v2 =	vld [tilespmem:s8+$0x0]  }
0x54: {  	v4 =	vld [tilespmem:s5+$0x0];
	[tilespmem:s6+$0x0] =	vst v1  }
0x55: {  	v5 =	vld [tilespmem:s8+$0xFFFFFFE0];
	[tilespmem:s6+$0xFFFFFFE0] =	vst v0  }
0x56: {  	v7 =	vld.idx.msk [tilespmem:v7+s2+$0x0], $0xffff  }
0x57: {  	v8 =	vld.idx.msk [tilespmem:v8+s23+$0x0], $0xffff  }
0x58: {  	v0 =	vld.idx.msk [tilespmem:v6+s23+$0x0], $0xffff  }
.Ltmp0:
0x59: {  	v1 =	vld.idx.msk [tilespmem:v3+s2+$0x0], $0xffff;
	(pc) =	sbr.rel @p0 .LBB2_2-.Ltmp0, $4  }
0x5a: {  	v3 =	vld.idx.msk [tilespmem:v9+s23+$0x0], $0xffff  }
0x5b: {  	v2 =	vld.idx.msk [tilespmem:v2+s2+$0x0], $0xffff  }
0x5c: {  	v4 =	vld.idx.msk [tilespmem:v4+s23+$0x0], $0xffff  }
0x5d: {  	s8 =	sadd.s32 $0x40, s8;
	v6 =	vadd.f32 v8, v7;
	v5 =	vld.idx.msk [tilespmem:v5+s2+$0x0], $0xffff  }
0x5e: {  	_ =	sdelay $0x1  }
0x5f: {  	s5 =	sadd.s32 $0x40, s6;
	v1 =	vadd.f32 v3, v1  }
0x60: {  	[tilespmem:s5+$0x10] =	vst v6;
	v2 =	vadd.f32 v4, v2  }
0x61: {  	[tilespmem:s5+$0xFFFFFFF0] =	vst v1;
	v0 =	vadd.f32 v0, v5  }
0x62: {  	[tilespmem:s5+$0x0] =	vst v2  }
0x63: {  	[tilespmem:s5+$0xFFFFFFE0] =	vst v0  }
0x64: {  	v0 =	vld [tilespmem:$0x57C0]  }
0x65: {  	v1 =	vld [tilespmem:$0x67C0];
	_ =	sdelay $0x6  }
0x66: {  	v0 =	vld.idx.msk [tilespmem:v0+s2+$0x0], $0xffff  }
0x67: {  	v1 =	vld.idx.msk [tilespmem:v1+s23+$0x0], $0xffff;
	_ =	sdelay $0x4  }
0x68: {  	v0 =	vadd.f32 v1, v0;
	_ =	sdelay $0x1  }
0x69: {  	[tilespmem:$0x77C0] =	vst v0  }
0x6a: {  	[hbm4b:s9+s2] =	stream.linear.scatter [tilespmem:s0], [sflag:$0x3], $0x7D0, $0x38;
	[tilespmem:$0x8000] =	vst v63  }
0x6b: {  	_ = 	snop  }
0x6c: {  	[tilespmem:s24], [sflag:$0x1] =	stream.linear.gather [hbm4b:s10+s2], $0x7D0, $0x38;
	[tilespmem:$0x8000] =	vst v63  }
0x6d: {  	_ = 	snop  }
0x6e: {  	[tilespmem:s25], [sflag:$0x1] =	stream.linear.gather [hbm4b:s11+s2], $0x7D0, $0x38;
	[tilespmem:$0x8000] =	vst v63  }
0x6f: {  	_ =	swait.ge [sflag:s1], $0x7D0  }
0x70: {  	[sflag:s1] =	ssyncset.done $0x0  }
0x71: {  	[sflag:s1] =	ssyncadd.s32 $0xFFFFF830  }
0x72: {  	_ =	swait.ge [sflag:s1], $0x7D0  }
0x73: {  	[sflag:s1] =	ssyncset.done $0x0  }
0x74: {  	s8 =	simm.s32 $0x5820;
	[sflag:s1] =	ssyncadd.s32 $0xFFFFF830  }
0x75: {  	s7 =	simm.s32 $0x6820;
	v0 =	vld [tilespmem:s8+$0x10]  }
0x76: {  	v1 =	vld [tilespmem:s7+$0x10]  }
0x77: {  	v2 =	vld [tilespmem:s7+$0xFFFFFFE0]  }
0x78: {  	v3 =	vld [tilespmem:s8+$0xFFFFFFF0]  }
0x79: {  	v4 =	vld [tilespmem:s7+$0xFFFFFFF0]  }
0x7a: {  	v5 =	vld [tilespmem:s8+$0x0]  }
0x7b: {  	v6 =	vld [tilespmem:s7+$0x0]  }
0x7c: {  	s5 =	simm.s32 $0x6860;
	v7 =	vld [tilespmem:s8+$0xFFFFFFE0]  }
0x7d: {  	v9 =	vld [tilespmem:s5+$0x10]  }
0x7e: {  	v10 =	vld [tilespmem:s5+$0xFFFFFFE0]  }
0x7f: {  	v12 =	vld [tilespmem:s5+$0xFFFFFFF0]  }
0x80: {  	s8 =	simm.s32 $0x5860;
	v14 =	vld [tilespmem:s5+$0x0]  }
0x81: {  	v8 =	vld [tilespmem:s8+$0x10]  }
0x82: {  	v11 =	vld [tilespmem:s8+$0xFFFFFFF0]  }
0x83: {  	v13 =	vld [tilespmem:s8+$0x0]  }
0x84: {  	v15 =	vld [tilespmem:s8+$0xFFFFFFE0]  }
0x85: {  	v0 =	vld.idx.msk [tilespmem:v0+s2+$0x0], $0xffff  }
0x86: {  	v1 =	vld.idx.msk [tilespmem:v1+s23+$0x0], $0xffff  }
0x87: {  	v2 =	vld.idx.msk [tilespmem:v2+s23+$0x0], $0xffff  }
0x88: {  	v3 =	vld.idx.msk [tilespmem:v3+s2+$0x0], $0xffff  }
0x89: {  	v4 =	vld.idx.msk [tilespmem:v4+s23+$0x0], $0xffff  }
0x8a: {  	v5 =	vld.idx.msk [tilespmem:v5+s2+$0x0], $0xffff  }
0x8b: {  	v6 =	vld.idx.msk [tilespmem:v6+s23+$0x0], $0xffff  }
0x8c: {  	v7 =	vld.idx.msk [tilespmem:v7+s2+$0x0], $0xffff  }
0x8d: {  	v9 =	vld.idx.msk [tilespmem:v9+s23+$0x0], $0xffff  }
0x8e: {  	v8 =	vld.idx.msk [tilespmem:v8+s2+$0x0], $0xffff  }
0x8f: {  	v16 =	vadd.f32 v1, v0;
	v0 =	vld.idx.msk [tilespmem:v10+s23+$0x0], $0xffff  }
0x90: {  	s6 =	simm.s32 $0x7820;
	v4 =	vadd.f32 v4, v3;
	v1 =	vld.idx.msk [tilespmem:v11+s2+$0x0], $0xffff  }
0x91: {  	v5 =	vadd.f32 v6, v5;
	v3 =	vld.idx.msk [tilespmem:v12+s23+$0x0], $0xffff;
	[tilespmem:s6+$0x10] =	vst v16  }
0x92: {  	v6 =	vadd.f32 v2, v7;
	v2 =	vld.idx.msk [tilespmem:v13+s2+$0x0], $0xffff;
	[tilespmem:s6+$0xFFFFFFF0] =	vst v4  }
0x93: {  	[tilespmem:s6+$0x0] =	vst v5;
	v4 =	vld.idx.msk [tilespmem:v14+s23+$0x0], $0xffff  }
0x94: {  	s7 =	simm.s32 $0x4;
	s8 =	simm.s32 $0x58A0;
	[tilespmem:s6+$0xFFFFFFE0] =	vst v6;
	v5 =	vld.idx.msk [tilespmem:v15+s2+$0x0], $0xffff;
	v6 =	vadd.f32 v9, v8  }
.LBB2_4:
0x95: {  	v7 =	vld [tilespmem:s8+$0x10];
	s5 =	sadd.s32 $0x40, s5;
	s6 =	sadd.s32 $0x40, s6  }
0x96: {  	s7 =	sadd.s32 $0x4, s7;
	v8 =	vld [tilespmem:s5+$0x10];
	[tilespmem:s6+$0x10] =	vst v6  }
0x97: {  	p0 =	slt.u32 s7, $0x78;
	v1 =	vadd.f32 v3, v1;
	v6 =	vld [tilespmem:s5+$0xFFFFFFE0]  }
0x98: {  	v3 =	vld [tilespmem:s8+$0xFFFFFFF0]  }
0x99: {  	v9 =	vld [tilespmem:s5+$0xFFFFFFF0];
	[tilespmem:s6+$0xFFFFFFF0] =	vst v1;
	v1 =	vadd.f32 v4, v2  }
0x9a: {  	v0 =	vadd.f32 v0, v5;
	v2 =	vld [tilespmem:s8+$0x0]  }
0x9b: {  	v4 =	vld [tilespmem:s5+$0x0];
	[tilespmem:s6+$0x0] =	vst v1  }
0x9c: {  	v5 =	vld [tilespmem:s8+$0xFFFFFFE0];
	[tilespmem:s6+$0xFFFFFFE0] =	vst v0  }
0x9d: {  	v7 =	vld.idx.msk [tilespmem:v7+s2+$0x0], $0xffff  }
0x9e: {  	v8 =	vld.idx.msk [tilespmem:v8+s23+$0x0], $0xffff  }
0x9f: {  	v0 =	vld.idx.msk [tilespmem:v6+s23+$0x0], $0xffff  }
.Ltmp1:
0xa0: {  	v1 =	vld.idx.msk [tilespmem:v3+s2+$0x0], $0xffff;
	(pc) =	sbr.rel @p0 .LBB2_4-.Ltmp1, $4  }
0xa1: {  	v3 =	vld.idx.msk [tilespmem:v9+s23+$0x0], $0xffff  }
0xa2: {  	v2 =	vld.idx.msk [tilespmem:v2+s2+$0x0], $0xffff  }
0xa3: {  	v4 =	vld.idx.msk [tilespmem:v4+s23+$0x0], $0xffff  }
0xa4: {  	s8 =	sadd.s32 $0x40, s8;
	v6 =	vadd.f32 v8, v7;
	v5 =	vld.idx.msk [tilespmem:v5+s2+$0x0], $0xffff  }
0xa5: {  	_ =	sdelay $0x1  }
0xa6: {  	s5 =	sadd.s32 $0x40, s6;
	v1 =	vadd.f32 v3, v1  }
0xa7: {  	[tilespmem:s5+$0x10] =	vst v6;
	v2 =	vadd.f32 v4, v2  }
0xa8: {  	[tilespmem:s5+$0xFFFFFFF0] =	vst v1;
	v0 =	vadd.f32 v0, v5  }
0xa9: {  	[tilespmem:s5+$0x0] =	vst v2  }
0xaa: {  	[tilespmem:s5+$0xFFFFFFE0] =	vst v0  }
0xab: {  	v0 =	vld [tilespmem:$0x5FC0]  }
0xac: {  	v1 =	vld [tilespmem:$0x6FC0];
	_ =	sdelay $0x6  }
0xad: {  	v0 =	vld.idx.msk [tilespmem:v0+s2+$0x0], $0xffff  }
0xae: {  	v1 =	vld.idx.msk [tilespmem:v1+s23+$0x0], $0xffff;
	_ =	sdelay $0x4  }
0xaf: {  	v0 =	vadd.f32 v1, v0;
	_ =	sdelay $0x1  }
0xb0: {  	[tilespmem:$0x7FC0] =	vst v0  }
0xb1: {  	[hbm4b:s12+s2] =	stream.linear.scatter [tilespmem:s3], [sflag:$0x4], $0x7D0, $0x38;
	[tilespmem:$0x8000] =	vst v63  }
0xb2: {  	_ = 	snop  }
0xb3: {  	[tilespmem:s26], [sflag:$0x2] =	stream.linear.gather [hbm4b:s13+s2], $0x7D0, $0x38;
	[tilespmem:$0x8000] =	vst v63  }
0xb4: {  	_ = 	snop  }
0xb5: {  	[tilespmem:s28], [sflag:$0x2] =	stream.linear.gather [hbm4b:s14+s2], $0x7D0, $0x38;
	[tilespmem:$0x8000] =	vst v63  }
0xb6: {  	_ =	swait.ge [sflag:s31], $0x7D0  }
0xb7: {  	[sflag:s31] =	ssyncset.done $0x0  }
0xb8: {  	[sflag:s31] =	ssyncadd.s32 $0xFFFFF830  }
0xb9: {  	_ =	swait.ge [sflag:s31], $0x7D0  }
0xba: {  	[sflag:s31] =	ssyncset.done $0x0  }
0xbb: {  	[sflag:s31] =	ssyncadd.s32 $0xFFFFF830  }
0xbc: {  	_ =	swait.ge [sflag:s29], $0x7D0  }
0xbd: {  	[sflag:s29] =	ssyncset.done $0x0  }
0xbe: {  	s8 =	simm.s32 $0x5020;
	[sflag:s29] =	ssyncadd.s32 $0xFFFFF830  }
0xbf: {  	s7 =	simm.s32 $0x6020;
	v0 =	vld [tilespmem:s8+$0x10]  }
0xc0: {  	v1 =	vld [tilespmem:s7+$0x10]  }
0xc1: {  	v2 =	vld [tilespmem:s7+$0xFFFFFFE0]  }
0xc2: {  	v3 =	vld [tilespmem:s8+$0xFFFFFFF0]  }
0xc3: {  	v4 =	vld [tilespmem:s7+$0xFFFFFFF0]  }
0xc4: {  	v5 =	vld [tilespmem:s8+$0x0]  }
0xc5: {  	v6 =	vld [tilespmem:s7+$0x0]  }
0xc6: {  	s5 =	simm.s32 $0x6060;
	v7 =	vld [tilespmem:s8+$0xFFFFFFE0]  }
0xc7: {  	v9 =	vld [tilespmem:s5+$0x10]  }
0xc8: {  	v10 =	vld [tilespmem:s5+$0xFFFFFFE0]  }
0xc9: {  	v12 =	vld [tilespmem:s5+$0xFFFFFFF0]  }
0xca: {  	s8 =	simm.s32 $0x5060;
	v14 =	vld [tilespmem:s5+$0x0]  }
0xcb: {  	v8 =	vld [tilespmem:s8+$0x10]  }
0xcc: {  	v11 =	vld [tilespmem:s8+$0xFFFFFFF0]  }
0xcd: {  	v13 =	vld [tilespmem:s8+$0x0]  }
0xce: {  	v15 =	vld [tilespmem:s8+$0xFFFFFFE0]  }
0xcf: {  	v0 =	vld.idx.msk [tilespmem:v0+s2+$0x0], $0xffff  }
0xd0: {  	v1 =	vld.idx.msk [tilespmem:v1+s23+$0x0], $0xffff  }
0xd1: {  	v2 =	vld.idx.msk [tilespmem:v2+s23+$0x0], $0xffff  }
0xd2: {  	v3 =	vld.idx.msk [tilespmem:v3+s2+$0x0], $0xffff  }
0xd3: {  	v4 =	vld.idx.msk [tilespmem:v4+s23+$0x0], $0xffff  }
0xd4: {  	v5 =	vld.idx.msk [tilespmem:v5+s2+$0x0], $0xffff  }
0xd5: {  	v6 =	vld.idx.msk [tilespmem:v6+s23+$0x0], $0xffff  }
0xd6: {  	v7 =	vld.idx.msk [tilespmem:v7+s2+$0x0], $0xffff  }
0xd7: {  	v9 =	vld.idx.msk [tilespmem:v9+s23+$0x0], $0xffff  }
0xd8: {  	v8 =	vld.idx.msk [tilespmem:v8+s2+$0x0], $0xffff  }
0xd9: {  	v16 =	vadd.f32 v1, v0;
	v0 =	vld.idx.msk [tilespmem:v10+s23+$0x0], $0xffff  }
0xda: {  	s6 =	simm.s32 $0x7020;
	v4 =	vadd.f32 v4, v3;
	v1 =	vld.idx.msk [tilespmem:v11+s2+$0x0], $0xffff  }
0xdb: {  	v5 =	vadd.f32 v6, v5;
	v3 =	vld.idx.msk [tilespmem:v12+s23+$0x0], $0xffff;
	[tilespmem:s6+$0x10] =	vst v16  }
0xdc: {  	v6 =	vadd.f32 v2, v7;
	v2 =	vld.idx.msk [tilespmem:v13+s2+$0x0], $0xffff;
	[tilespmem:s6+$0xFFFFFFF0] =	vst v4  }
0xdd: {  	[tilespmem:s6+$0x0] =	vst v5;
	v4 =	vld.idx.msk [tilespmem:v14+s23+$0x0], $0xffff  }
0xde: {  	s7 =	simm.s32 $0x4;
	s8 =	simm.s32 $0x50A0;
	[tilespmem:s6+$0xFFFFFFE0] =	vst v6;
	v5 =	vld.idx.msk [tilespmem:v15+s2+$0x0], $0xffff;
	v6 =	vadd.f32 v9, v8  }
.LBB2_6:
0xdf: {  	v7 =	vld [tilespmem:s8+$0x10];
	s5 =	sadd.s32 $0x40, s5;
	s6 =	sadd.s32 $0x40, s6  }
0xe0: {  	s7 =	sadd.s32 $0x4, s7;
	v8 =	vld [tilespmem:s5+$0x10];
	[tilespmem:s6+$0x10] =	vst v6  }
0xe1: {  	p0 =	slt.u32 s7, $0x78;
	v1 =	vadd.f32 v3, v1;
	v6 =	vld [tilespmem:s5+$0xFFFFFFE0]  }
0xe2: {  	v3 =	vld [tilespmem:s8+$0xFFFFFFF0]  }
0xe3: {  	v9 =	vld [tilespmem:s5+$0xFFFFFFF0];
	[tilespmem:s6+$0xFFFFFFF0] =	vst v1;
	v1 =	vadd.f32 v4, v2  }
0xe4: {  	v0 =	vadd.f32 v0, v5;
	v2 =	vld [tilespmem:s8+$0x0]  }
0xe5: {  	v4 =	vld [tilespmem:s5+$0x0];
	[tilespmem:s6+$0x0] =	vst v1  }
0xe6: {  	v5 =	vld [tilespmem:s8+$0xFFFFFFE0];
	[tilespmem:s6+$0xFFFFFFE0] =	vst v0  }
0xe7: {  	v7 =	vld.idx.msk [tilespmem:v7+s2+$0x0], $0xffff  }
0xe8: {  	v8 =	vld.idx.msk [tilespmem:v8+s23+$0x0], $0xffff  }
0xe9: {  	v0 =	vld.idx.msk [tilespmem:v6+s23+$0x0], $0xffff  }
.Ltmp2:
0xea: {  	v1 =	vld.idx.msk [tilespmem:v3+s2+$0x0], $0xffff;
	(pc) =	sbr.rel @p0 .LBB2_6-.Ltmp2, $4  }
0xeb: {  	v3 =	vld.idx.msk [tilespmem:v9+s23+$0x0], $0xffff  }
0xec: {  	v2 =	vld.idx.msk [tilespmem:v2+s2+$0x0], $0xffff  }
0xed: {  	v4 =	vld.idx.msk [tilespmem:v4+s23+$0x0], $0xffff  }
0xee: {  	s8 =	sadd.s32 $0x40, s8;
	v6 =	vadd.f32 v8, v7;
	v5 =	vld.idx.msk [tilespmem:v5+s2+$0x0], $0xffff  }
0xef: {  	_ =	sdelay $0x1  }
0xf0: {  	s5 =	sadd.s32 $0x40, s6;
	v1 =	vadd.f32 v3, v1  }
0xf1: {  	[tilespmem:s5+$0x10] =	vst v6;
	v2 =	vadd.f32 v4, v2  }
0xf2: {  	[tilespmem:s5+$0xFFFFFFF0] =	vst v1;
	v0 =	vadd.f32 v0, v5  }
0xf3: {  	[tilespmem:s5+$0x0] =	vst v2  }
0xf4: {  	[tilespmem:s5+$0xFFFFFFE0] =	vst v0  }
0xf5: {  	v0 =	vld [tilespmem:$0x57C0]  }
0xf6: {  	v1 =	vld [tilespmem:$0x67C0];
	_ =	sdelay $0x6  }
0xf7: {  	v0 =	vld.idx.msk [tilespmem:v0+s2+$0x0], $0xffff  }
0xf8: {  	v1 =	vld.idx.msk [tilespmem:v1+s23+$0x0], $0xffff;
	_ =	sdelay $0x4  }
0xf9: {  	v0 =	vadd.f32 v1, v0;
	_ =	sdelay $0x1  }
0xfa: {  	[tilespmem:$0x77C0] =	vst v0  }
0xfb: {  	[hbm4b:s15+s2] =	stream.linear.scatter [tilespmem:s0], [sflag:$0x3], $0x7D0, $0x38;
	[tilespmem:$0x8000] =	vst v63  }
0xfc: {  	_ = 	snop  }
0xfd: {  	[tilespmem:s24], [sflag:$0x1] =	stream.linear.gather [hbm4b:s16+s2], $0x7D0, $0x38;
	[tilespmem:$0x8000] =	vst v63  }
0xfe: {  	_ = 	snop  }
0xff: {  	[tilespmem:s25], [sflag:$0x1] =	stream.linear.gather [hbm4b:s17+s2], $0x7D0, $0x38;
	[tilespmem:$0x8000] =	vst v63  }
0x100: {  	_ =	swait.ge [sflag:s1], $0x7D0  }
0x101: {  	[sflag:s1] =	ssyncset.done $0x0  }
0x102: {  	[sflag:s1] =	ssyncadd.s32 $0xFFFFF830  }
0x103: {  	_ =	swait.ge [sflag:s1], $0x7D0  }
0x104: {  	[sflag:s1] =	ssyncset.done $0x0  }
0x105: {  	[sflag:s1] =	ssyncadd.s32 $0xFFFFF830  }
0x106: {  	_ =	swait.ge [sflag:s30], $0x7D0  }
0x107: {  	[sflag:s30] =	ssyncset.done $0x0  }
0x108: {  	s8 =	simm.s32 $0x5820;
	[sflag:s30] =	ssyncadd.s32 $0xFFFFF830  }
0x109: {  	s7 =	simm.s32 $0x6820;
	v0 =	vld [tilespmem:s8+$0x10]  }
0x10a: {  	v1 =	vld [tilespmem:s7+$0x10]  }
0x10b: {  	v2 =	vld [tilespmem:s7+$0xFFFFFFE0]  }
0x10c: {  	v3 =	vld [tilespmem:s8+$0xFFFFFFF0]  }
0x10d: {  	v4 =	vld [tilespmem:s7+$0xFFFFFFF0]  }
0x10e: {  	v5 =	vld [tilespmem:s8+$0x0]  }
0x10f: {  	v6 =	vld [tilespmem:s7+$0x0]  }
0x110: {  	s5 =	simm.s32 $0x6860;
	v7 =	vld [tilespmem:s8+$0xFFFFFFE0]  }
0x111: {  	v9 =	vld [tilespmem:s5+$0x10]  }
0x112: {  	v10 =	vld [tilespmem:s5+$0xFFFFFFE0]  }
0x113: {  	v12 =	vld [tilespmem:s5+$0xFFFFFFF0]  }
0x114: {  	s8 =	simm.s32 $0x5860;
	v14 =	vld [tilespmem:s5+$0x0]  }
0x115: {  	v8 =	vld [tilespmem:s8+$0x10]  }
0x116: {  	v11 =	vld [tilespmem:s8+$0xFFFFFFF0]  }
0x117: {  	v13 =	vld [tilespmem:s8+$0x0]  }
0x118: {  	v15 =	vld [tilespmem:s8+$0xFFFFFFE0]  }
0x119: {  	v0 =	vld.idx.msk [tilespmem:v0+s2+$0x0], $0xffff  }
0x11a: {  	v1 =	vld.idx.msk [tilespmem:v1+s23+$0x0], $0xffff  }
0x11b: {  	v2 =	vld.idx.msk [tilespmem:v2+s23+$0x0], $0xffff  }
0x11c: {  	v3 =	vld.idx.msk [tilespmem:v3+s2+$0x0], $0xffff  }
0x11d: {  	v4 =	vld.idx.msk [tilespmem:v4+s23+$0x0], $0xffff  }
0x11e: {  	v5 =	vld.idx.msk [tilespmem:v5+s2+$0x0], $0xffff  }
0x11f: {  	v6 =	vld.idx.msk [tilespmem:v6+s23+$0x0], $0xffff  }
0x120: {  	v7 =	vld.idx.msk [tilespmem:v7+s2+$0x0], $0xffff  }
0x121: {  	v9 =	vld.idx.msk [tilespmem:v9+s23+$0x0], $0xffff  }
0x122: {  	v8 =	vld.idx.msk [tilespmem:v8+s2+$0x0], $0xffff  }
0x123: {  	v16 =	vadd.f32 v1, v0;
	v0 =	vld.idx.msk [tilespmem:v10+s23+$0x0], $0xffff  }
0x124: {  	s6 =	simm.s32 $0x7820;
	v4 =	vadd.f32 v4, v3;
	v1 =	vld.idx.msk [tilespmem:v11+s2+$0x0], $0xffff  }
0x125: {  	v5 =	vadd.f32 v6, v5;
	v3 =	vld.idx.msk [tilespmem:v12+s23+$0x0], $0xffff;
	[tilespmem:s6+$0x10] =	vst v16  }
0x126: {  	v6 =	vadd.f32 v2, v7;
	v2 =	vld.idx.msk [tilespmem:v13+s2+$0x0], $0xffff;
	[tilespmem:s6+$0xFFFFFFF0] =	vst v4  }
0x127: {  	[tilespmem:s6+$0x0] =	vst v5;
	v4 =	vld.idx.msk [tilespmem:v14+s23+$0x0], $0xffff  }
0x128: {  	s7 =	simm.s32 $0x4;
	s8 =	simm.s32 $0x58A0;
	[tilespmem:s6+$0xFFFFFFE0] =	vst v6;
	v5 =	vld.idx.msk [tilespmem:v15+s2+$0x0], $0xffff;
	v6 =	vadd.f32 v9, v8  }
.LBB2_8:
0x129: {  	v7 =	vld [tilespmem:s8+$0x10];
	s5 =	sadd.s32 $0x40, s5;
	s6 =	sadd.s32 $0x40, s6  }
0x12a: {  	s7 =	sadd.s32 $0x4, s7;
	v8 =	vld [tilespmem:s5+$0x10];
	[tilespmem:s6+$0x10] =	vst v6  }
0x12b: {  	p0 =	slt.u32 s7, $0x78;
	v1 =	vadd.f32 v3, v1;
	v6 =	vld [tilespmem:s5+$0xFFFFFFE0]  }
0x12c: {  	v3 =	vld [tilespmem:s8+$0xFFFFFFF0]  }
0x12d: {  	v9 =	vld [tilespmem:s5+$0xFFFFFFF0];
	[tilespmem:s6+$0xFFFFFFF0] =	vst v1;
	v1 =	vadd.f32 v4, v2  }
0x12e: {  	v0 =	vadd.f32 v0, v5;
	v2 =	vld [tilespmem:s8+$0x0]  }
0x12f: {  	v4 =	vld [tilespmem:s5+$0x0];
	[tilespmem:s6+$0x0] =	vst v1  }
0x130: {  	v5 =	vld [tilespmem:s8+$0xFFFFFFE0];
	[tilespmem:s6+$0xFFFFFFE0] =	vst v0  }
0x131: {  	v7 =	vld.idx.msk [tilespmem:v7+s2+$0x0], $0xffff  }
0x132: {  	v8 =	vld.idx.msk [tilespmem:v8+s23+$0x0], $0xffff  }
0x133: {  	v0 =	vld.idx.msk [tilespmem:v6+s23+$0x0], $0xffff  }
.Ltmp3:
0x134: {  	v1 =	vld.idx.msk [tilespmem:v3+s2+$0x0], $0xffff;
	(pc) =	sbr.rel @p0 .LBB2_8-.Ltmp3, $4  }
0x135: {  	v3 =	vld.idx.msk [tilespmem:v9+s23+$0x0], $0xffff  }
0x136: {  	v2 =	vld.idx.msk [tilespmem:v2+s2+$0x0], $0xffff  }
0x137: {  	v4 =	vld.idx.msk [tilespmem:v4+s23+$0x0], $0xffff  }
0x138: {  	s8 =	sadd.s32 $0x40, s8;
	v6 =	vadd.f32 v8, v7;
	v5 =	vld.idx.msk [tilespmem:v5+s2+$0x0], $0xffff  }
0x139: {  	_ =	sdelay $0x1  }
0x13a: {  	s5 =	sadd.s32 $0x40, s6;
	v1 =	vadd.f32 v3, v1  }
0x13b: {  	[tilespmem:s5+$0x10] =	vst v6;
	v2 =	vadd.f32 v4, v2  }
0x13c: {  	[tilespmem:s5+$0xFFFFFFF0] =	vst v1;
	v0 =	vadd.f32 v0, v5  }
0x13d: {  	[tilespmem:s5+$0x0] =	vst v2  }
0x13e: {  	[tilespmem:s5+$0xFFFFFFE0] =	vst v0  }
0x13f: {  	v0 =	vld [tilespmem:$0x5FC0]  }
0x140: {  	v1 =	vld [tilespmem:$0x6FC0];
	_ =	sdelay $0x6  }
0x141: {  	v0 =	vld.idx.msk [tilespmem:v0+s2+$0x0], $0xffff  }
0x142: {  	v1 =	vld.idx.msk [tilespmem:v1+s23+$0x0], $0xffff;
	_ =	sdelay $0x4  }
0x143: {  	v0 =	vadd.f32 v1, v0;
	_ =	sdelay $0x1  }
0x144: {  	[tilespmem:$0x7FC0] =	vst v0  }
0x145: {  	[hbm4b:s18+s2] =	stream.linear.scatter [tilespmem:s3], [sflag:$0x4], $0x7D0, $0x38;
	[tilespmem:$0x8000] =	vst v63  }
0x146: {  	_ =	swait.ge [sflag:s31], $0x7D0  }
0x147: {  	[sflag:s31] =	ssyncset.done $0x0  }
0x148: {  	[sflag:s31] =	ssyncadd.s32 $0xFFFFF830  }
0x149: {  	_ =	swait.ge [sflag:s31], $0x7D0  }
0x14a: {  	[sflag:s31] =	ssyncset.done $0x0  }
0x14b: {  	[sflag:s31] =	ssyncadd.s32 $0xFFFFF830  }
0x14c: {  	_ =	swait.ge [sflag:s29], $0x7D0  }
0x14d: {  	[sflag:s29] =	ssyncset.done $0x0  }
0x14e: {  	s8 =	simm.s32 $0x5020;
	[sflag:s29] =	ssyncadd.s32 $0xFFFFF830  }
0x14f: {  	s7 =	simm.s32 $0x6020;
	v0 =	vld [tilespmem:s8+$0x10]  }
0x150: {  	v1 =	vld [tilespmem:s7+$0x10]  }
0x151: {  	v2 =	vld [tilespmem:s7+$0xFFFFFFE0]  }
0x152: {  	v3 =	vld [tilespmem:s8+$0xFFFFFFF0]  }
0x153: {  	v4 =	vld [tilespmem:s7+$0xFFFFFFF0]  }
0x154: {  	v5 =	vld [tilespmem:s8+$0x0]  }
0x155: {  	v6 =	vld [tilespmem:s7+$0x0]  }
0x156: {  	s5 =	simm.s32 $0x6060;
	v7 =	vld [tilespmem:s8+$0xFFFFFFE0]  }
0x157: {  	v9 =	vld [tilespmem:s5+$0x10]  }
0x158: {  	v10 =	vld [tilespmem:s5+$0xFFFFFFE0]  }
0x159: {  	v12 =	vld [tilespmem:s5+$0xFFFFFFF0]  }
0x15a: {  	s8 =	simm.s32 $0x5060;
	v14 =	vld [tilespmem:s5+$0x0]  }
0x15b: {  	v8 =	vld [tilespmem:s8+$0x10]  }
0x15c: {  	v11 =	vld [tilespmem:s8+$0xFFFFFFF0]  }
0x15d: {  	v13 =	vld [tilespmem:s8+$0x0]  }
0x15e: {  	v15 =	vld [tilespmem:s8+$0xFFFFFFE0]  }
0x15f: {  	v0 =	vld.idx.msk [tilespmem:v0+s2+$0x0], $0xffff  }
0x160: {  	v1 =	vld.idx.msk [tilespmem:v1+s23+$0x0], $0xffff  }
0x161: {  	v2 =	vld.idx.msk [tilespmem:v2+s23+$0x0], $0xffff  }
0x162: {  	v3 =	vld.idx.msk [tilespmem:v3+s2+$0x0], $0xffff  }
0x163: {  	v4 =	vld.idx.msk [tilespmem:v4+s23+$0x0], $0xffff  }
0x164: {  	v5 =	vld.idx.msk [tilespmem:v5+s2+$0x0], $0xffff  }
0x165: {  	v6 =	vld.idx.msk [tilespmem:v6+s23+$0x0], $0xffff  }
0x166: {  	v7 =	vld.idx.msk [tilespmem:v7+s2+$0x0], $0xffff  }
0x167: {  	v9 =	vld.idx.msk [tilespmem:v9+s23+$0x0], $0xffff  }
0x168: {  	v8 =	vld.idx.msk [tilespmem:v8+s2+$0x0], $0xffff  }
0x169: {  	v16 =	vadd.f32 v1, v0;
	v0 =	vld.idx.msk [tilespmem:v10+s23+$0x0], $0xffff  }
0x16a: {  	s6 =	simm.s32 $0x7020;
	v4 =	vadd.f32 v4, v3;
	v1 =	vld.idx.msk [tilespmem:v11+s2+$0x0], $0xffff  }
0x16b: {  	v5 =	vadd.f32 v6, v5;
	v3 =	vld.idx.msk [tilespmem:v12+s23+$0x0], $0xffff;
	[tilespmem:s6+$0x10] =	vst v16  }
0x16c: {  	v6 =	vadd.f32 v2, v7;
	v2 =	vld.idx.msk [tilespmem:v13+s2+$0x0], $0xffff;
	[tilespmem:s6+$0xFFFFFFF0] =	vst v4  }
0x16d: {  	[tilespmem:s6+$0x0] =	vst v5;
	v4 =	vld.idx.msk [tilespmem:v14+s23+$0x0], $0xffff  }
0x16e: {  	s7 =	simm.s32 $0x4;
	s8 =	simm.s32 $0x50A0;
	[tilespmem:s6+$0xFFFFFFE0] =	vst v6;
	v5 =	vld.idx.msk [tilespmem:v15+s2+$0x0], $0xffff;
	v6 =	vadd.f32 v9, v8  }
.LBB2_10:
0x16f: {  	v7 =	vld [tilespmem:s8+$0x10];
	s5 =	sadd.s32 $0x40, s5;
	s6 =	sadd.s32 $0x40, s6  }
0x170: {  	s7 =	sadd.s32 $0x4, s7;
	v8 =	vld [tilespmem:s5+$0x10];
	[tilespmem:s6+$0x10] =	vst v6  }
0x171: {  	p0 =	slt.u32 s7, $0x78;
	v1 =	vadd.f32 v3, v1;
	v6 =	vld [tilespmem:s5+$0xFFFFFFE0]  }
0x172: {  	v3 =	vld [tilespmem:s8+$0xFFFFFFF0]  }
0x173: {  	v9 =	vld [tilespmem:s5+$0xFFFFFFF0];
	[tilespmem:s6+$0xFFFFFFF0] =	vst v1;
	v1 =	vadd.f32 v4, v2  }
0x174: {  	v0 =	vadd.f32 v0, v5;
	v2 =	vld [tilespmem:s8+$0x0]  }
0x175: {  	v4 =	vld [tilespmem:s5+$0x0];
	[tilespmem:s6+$0x0] =	vst v1  }
0x176: {  	v5 =	vld [tilespmem:s8+$0xFFFFFFE0];
	[tilespmem:s6+$0xFFFFFFE0] =	vst v0  }
0x177: {  	v7 =	vld.idx.msk [tilespmem:v7+s2+$0x0], $0xffff  }
0x178: {  	v8 =	vld.idx.msk [tilespmem:v8+s23+$0x0], $0xffff  }
0x179: {  	v0 =	vld.idx.msk [tilespmem:v6+s23+$0x0], $0xffff  }
.Ltmp4:
0x17a: {  	v1 =	vld.idx.msk [tilespmem:v3+s2+$0x0], $0xffff;
	(pc) =	sbr.rel @p0 .LBB2_10-.Ltmp4, $4  }
0x17b: {  	v3 =	vld.idx.msk [tilespmem:v9+s23+$0x0], $0xffff  }
0x17c: {  	v2 =	vld.idx.msk [tilespmem:v2+s2+$0x0], $0xffff  }
0x17d: {  	v4 =	vld.idx.msk [tilespmem:v4+s23+$0x0], $0xffff  }
0x17e: {  	s8 =	sadd.s32 $0x40, s8;
	v6 =	vadd.f32 v8, v7;
	v5 =	vld.idx.msk [tilespmem:v5+s2+$0x0], $0xffff  }
0x17f: {  	_ =	sdelay $0x1  }
0x180: {  	s5 =	sadd.s32 $0x40, s6;
	v1 =	vadd.f32 v3, v1  }
0x181: {  	[tilespmem:s5+$0x10] =	vst v6;
	v2 =	vadd.f32 v4, v2  }
0x182: {  	[tilespmem:s5+$0xFFFFFFF0] =	vst v1;
	v0 =	vadd.f32 v0, v5  }
0x183: {  	[tilespmem:s5+$0x0] =	vst v2  }
0x184: {  	[tilespmem:s5+$0xFFFFFFE0] =	vst v0  }
0x185: {  	v0 =	vld [tilespmem:$0x57C0]  }
0x186: {  	v1 =	vld [tilespmem:$0x67C0];
	_ =	sdelay $0x6  }
0x187: {  	v0 =	vld.idx.msk [tilespmem:v0+s2+$0x0], $0xffff  }
0x188: {  	v1 =	vld.idx.msk [tilespmem:v1+s23+$0x0], $0xffff;
	_ =	sdelay $0x4  }
0x189: {  	v0 =	vadd.f32 v1, v0;
	_ =	sdelay $0x1  }
0x18a: {  	s4 =	sadd.s32 $0x1, s4;
	[tilespmem:$0x77C0] =	vst v0  }
0x18b: {  	[hbm4b:s19+s2] =	stream.linear.scatter [tilespmem:s0], [sflag:$0x3], $0x7D0, $0x38;
	[tilespmem:$0x8000] =	vst v63  }
0x18c: {  	p0 =	sne.s32 s4, s20;
	_ =	swait.ge [sflag:s29], $0x7D0  }
.Ltmp5:
0x18d: {  	[sflag:s29] =	ssyncset.done $0x0;
	(pc) =	sbr.rel @p0 .LBB2_1-.Ltmp5, $4  }
0x18e: {  	[sflag:s29] =	ssyncadd.s32 $0xFFFFF830  }
0x18f: {  	_ =	swait.ge [sflag:s30], $0x7D0  }
0x190: {  	[sflag:s30] =	ssyncset.done $0x0  }
0x191: {  	[sflag:s30] =	ssyncadd.s32 $0xFFFFF830  }
0x192: {  	_ =	sfence.sel $0x180000  }
0x193: {  	[bflag:$0x0] =	sbarrier.arrive $0xFFFF  }
0x194: {  	_ =	strace $0x9000004A  }
0x195: {  	s0 =	stileid.u32;
	[bflag:$0x2] =	sbarrier.arrive $0xFFFF  }
0x196: {  	p0 =	sne.s32 s0, $0x0;
	s0 =	rddreg [dreg:$0x2]  }
0x197: {  	s0 =	sadd.s32 @!p0 $0x100000, s0  }
0x198: {  	[sflag:s0] =	ssyncadd.tile.s32 @!p0 $0x1;
	_ =	shalt  }
.Lfunc_end2:
_tile_overlayer_lowered:
.L_overlay_start_2:
0x199: {  	(tag) =	ssettag $0x2  }
0x19a: {  	s0 =	rddreg [dreg:$0x0];
	s2 =	stileid.u32  }
0x19b: {  	s1 =	rddreg [dreg:$0x1];
	p0 =	sne.s32 s2, $0x0  }
0x19c: {  	s3 =	rddreg [dreg:$0x2];
	[bflag:$0x3] =	sbarrier.arrive $0xFFFF;
	s2 =	simm.s32 @!p0 $0x1C05  }
0x19d: {  	[timem:s3], [sflag:s2] =	dma.local @!p0 [hbm:s0], s1  }
0x19e: {  	s0 =	simm.s32 @!p0 $0x5  }
0x19f: {  	_ =	swait.ge @!p0 [sflag:s0], s1  }
0x1a0: {  	s1 =	ssub.s32 @!p0 $0x0, s1;
	[sflag:s0] =	ssyncset.done @!p0 $0x0  }
0x1a1: {  	[sflag:s0] =	ssyncadd.s32 @!p0 s1  }
0x1a2: {  	[bflag:$0x3] =	sbarrier.arrive $0xFFFF  }
0x1a3: {  	_ =	shalt  }

</sc_bundles>
